<compile_context>
chip_gen: v7x
topology: tpu7x:2x2x1
jax: 0.10.2.dev20260603
libtpu: 0.0.44.dev20260713+nightly
codegen_flags: <defaults>
</compile_context>

<pallas_src>
import jax
import jax.numpy as jnp
from jax import lax
from jax.experimental import pallas as pl
from jax.experimental.pallas import tpu as pltpu
from jax.experimental.pallas import tpu_sc as plsc

N = 10000
E = 320000
D = 128
NC = 2
NS = 16
NW = NC * NS
EPW = E // NW
CH = 80
NFULL = EPW // CH
NZCH = N // CH

def _sc_helpers(idx_z, rows):
  iota16 = lax.iota(jnp.int32, 16)

  def fill_rows(val16):
    def fr(i, _):
      def fc(j, _):
        rows[i, pl.ds(j * 16, 16)] = val16
        return 0
      lax.fori_loop(0, D // 16, fc, 0)
      return 0
    lax.fori_loop(0, CH, fr, 0)

  def fill_idx_z(row0):
    for v in range(CH // 16):
      idx_z[pl.ds(v * 16, 16)] = row0 + v * 16 + iota16

  return fill_rows, fill_idx_z


def _zero_table(tid, fill_idx_z, rows, acc, idx_z):
  def zchunk(j, _):
    c = tid + j * NS

    @pl.when(c < NZCH)
    def _():
      fill_idx_z(c * CH)
      pltpu.sync_copy(rows, acc.at[idx_z])
    return 0
  lax.fori_loop(0, (NZCH + NS - 1) // NS, zchunk, 0)


def _write_table(cid, tid, fill_idx_z, rows, acc, idx_z, outp, sem):
  def wchunk(j, _):
    c = tid + j * NS

    @pl.when(c < NZCH)
    def _():
      fill_idx_z(c * CH)
      pltpu.async_copy(acc.at[idx_z], rows, sem).wait()
      pltpu.sync_copy(rows, outp.at[cid, pl.ds(c * CH, CH)])
    return 0
  lax.fori_loop(0, (NZCH + NS - 1) // NS, wchunk, 0)


_MESH = plsc.VectorSubcoreMesh(core_axis_name="c", subcore_axis_name="s")

_EP_SCRATCH = (
    pltpu.VMEM((CH,), jnp.int32),
    pltpu.VMEM((CH,), jnp.int32),
    pltpu.VMEM((CH,), jnp.int32),
    pltpu.VMEM((CH,), jnp.int32),
    pltpu.VMEM((CH,), jnp.int32),
    pltpu.VMEM((CH,), jnp.int32),
    pltpu.VMEM((CH,), jnp.int32),
    pltpu.VMEM((CH, D), jnp.float32),
    pltpu.VMEM((CH, D), jnp.float32),
    pltpu.VMEM_SHARED((N, D), jnp.float32),
    pltpu.SemaphoreType.DMA,
    pltpu.SemaphoreType.DMA,
    pltpu.SemaphoreType.DMA,
    pltpu.SemaphoreType.DMA,
    pltpu.SemaphoreType.DMA,
    pltpu.SemaphoreType.DMA,
    pltpu.SemaphoreType.DMA,
    pltpu.SemaphoreType.DMA,
)

_UNROLL = 6
_NMAIN = (NFULL // _UNROLL) * _UNROLL


def _edge_body(h, ei, outp, ixs0, ixs1, ixs2, ixd0, ixd1, ixd2, idx_z,
               rows0, rows1, acc,
               semg0, semg1, sis0, sis1, sis2, sid0, sid1, sid2):
  cid = lax.axis_index("c")
  tid = lax.axis_index("s")
  fill_rows, fill_idx_z = _sc_helpers(idx_z, rows0)

  fill_rows(jnp.zeros((16,), jnp.float32))
  _zero_table(tid, fill_idx_z, rows0, acc, idx_z)
  plsc.subcore_barrier()

  ebase = (cid * NS + tid) * EPW
  rows = (rows0, rows1)
  semg = (semg0, semg1)
  sis = (sis0, sis1, sis2)
  sid = (sid0, sid1, sid2)
  ixs = (ixs0, ixs1, ixs2)
  ixd = (ixd0, ixd1, ixd2)

  def issue_idx(c, s):
    base = pl.multiple_of(ebase + c * CH, 8)
    pltpu.async_copy(ei.at[pl.ds(base, CH)], ixs[s], sis[s])
    pltpu.async_copy(ei.at[pl.ds(E + base, CH)], ixd[s], sid[s])

  def wait_is(s):
    pltpu.make_async_copy(ei.at[pl.ds(0, CH)], ixs[s], sis[s]).wait()

  def wait_id(s):
    pltpu.make_async_copy(ei.at[pl.ds(0, CH)], ixd[s], sid[s]).wait()

  def issue_gather(s, b):
    pltpu.async_copy(h.at[ixs[s]], rows[b], semg[b])

  for k in range(3):
    issue_idx(k, k)
  for k in range(2):
    wait_is(k)
    issue_gather(k, k)

  def six(j, _):
    c0 = _UNROLL * j
    for k in range(_UNROLL):
      b, s = k % 2, k % 3
      wait_id(s)
      pltpu.make_async_copy(h.at[ixs[s]], rows[b], semg[b]).wait()
      pltpu.sync_copy(rows[b], acc.at[ixd[s]], add=True)
      wait_is((k + 2) % 3)
      issue_gather((k + 2) % 3, b)
      issue_idx(c0 + k + 3, s)
    return 0
  lax.fori_loop(0, _NMAIN // _UNROLL, six, 0)

  for c in range(_NMAIN, NFULL):
    k = c - _NMAIN
    b, s = c % 2, c % 3
    wait_id(s)
    pltpu.make_async_copy(h.at[ixs[s]], rows[b], semg[b]).wait()
    pltpu.sync_copy(rows[b], acc.at[ixd[s]], add=True)
    if c + 2 < NFULL:
      wait_is((c + 2) % 3)
      issue_gather((c + 2) % 3, b)
    if c + 3 < NFULL:
      issue_idx(c + 3, s)
  plsc.subcore_barrier()

  _write_table(cid, tid, fill_idx_z, rows0, acc, idx_z, outp, semg0)


_CNT_SCRATCH = (
    pltpu.VMEM((CH,), jnp.int32),
    pltpu.VMEM((CH,), jnp.int32),
    pltpu.VMEM((CH,), jnp.int32),
    pltpu.VMEM((CH, D), jnp.float32),
    pltpu.VMEM_SHARED((N, D), jnp.float32),
    pltpu.SemaphoreType.DMA,
    pltpu.SemaphoreType.DMA,
)


def _count_body(ei, outc, idx_d0, idx_d1, idx_z, rows0, acc, sem0, sem1):
  cid = lax.axis_index("c")
  tid = lax.axis_index("s")
  fill_rows, fill_idx_z = _sc_helpers(idx_z, rows0)

  fill_rows(jnp.zeros((16,), jnp.float32))
  _zero_table(tid, fill_idx_z, rows0, acc, idx_z)
  plsc.subcore_barrier()

  fill_rows(jnp.ones((16,), jnp.float32))
  ebase = (cid * NS + tid) * EPW
  bufs = ((idx_d0, sem0), (idx_d1, sem1))

  def issue(c, b):
    idx_d, sem = bufs[b]
    base = pl.multiple_of(ebase + c * CH, 8)
    pltpu.async_copy(ei.at[pl.ds(E + base, CH)], idx_d, sem)

  def complete(b):
    idx_d, sem = bufs[b]
    pltpu.make_async_copy(ei.at[pl.ds(0, CH)], idx_d, sem).wait()
    pltpu.sync_copy(rows0, acc.at[idx_d], add=True)

  issue(0, 0)
  issue(1, 1)

  def pair(j, _):
    c = 2 * j
    complete(0)

    @pl.when(c + 2 < NFULL)
    def _():
      issue(c + 2, 0)
    complete(1)

    @pl.when(c + 3 < NFULL)
    def _():
      issue(c + 3, 1)
    return 0
  lax.fori_loop(0, NFULL // 2, pair, 0)
  if NFULL % 2:
    complete(0)
  plsc.subcore_barrier()

  _write_table(cid, tid, fill_idx_z, rows0, acc, idx_z, outc, sem0)


_edge_pass = pl.kernel(
    _edge_body,
    out_type=(jax.ShapeDtypeStruct((NC, N, D), jnp.float32),),
    mesh=_MESH, scratch_types=_EP_SCRATCH)

_count_pass = pl.kernel(
    _count_body,
    out_type=(jax.ShapeDtypeStruct((NC, N, D), jnp.float32),),
    mesh=_MESH, scratch_types=_CNT_SCRATCH)

RB = 1000


def _mm0_body(p_ref, c_ref, x_ref, wl_ref, wr_ref, b_ref, o_ref):
  p = p_ref[...]
  c = c_ref[...]
  cnt = c[0, :, :1] + c[1, :, :1]
  agg = (p[0] + p[1]) / jnp.maximum(cnt, 1.0)
  o_ref[...] = (
      jnp.dot(agg, wl_ref[...], preferred_element_type=jnp.float32)
      + jnp.dot(x_ref[...], wr_ref[...], preferred_element_type=jnp.float32)
      + b_ref[...])


def _mm1_body(p_ref, c_ref, h1_ref, wl_ref, wr_ref, b_ref, wa_ref, wb_ref,
              bl_ref, o_ref):
  p = p_ref[...]
  c = c_ref[...]
  cnt = c[0, :, :1] + c[1, :, :1]
  agg = (p[0] + p[1]) / jnp.maximum(cnt, 1.0)
  h1 = h1_ref[...]
  h2 = (jnp.dot(agg, wl_ref[...], preferred_element_type=jnp.float32)
        + jnp.dot(h1, wr_ref[...], preferred_element_type=jnp.float32)
        + b_ref[...])
  o_ref[...] = (
      jnp.dot(h1, wa_ref[...], preferred_element_type=jnp.float32)
      + jnp.dot(h2, wb_ref[...], preferred_element_type=jnp.float32)
      + bl_ref[...])


def _full(shape):
  return pl.BlockSpec(shape, lambda i: tuple(0 for _ in shape))


_mm0 = pl.pallas_call(
    _mm0_body,
    grid=(N // RB,),
    in_specs=[
        pl.BlockSpec((NC, RB, D), lambda i: (0, i, 0)),
        pl.BlockSpec((NC, RB, D), lambda i: (0, i, 0)),
        pl.BlockSpec((RB, D), lambda i: (i, 0)),
        _full((D, D)),
        _full((D, D)),
        _full((1, D)),
    ],
    out_specs=pl.BlockSpec((RB, D), lambda i: (i, 0)),
    out_shape=jax.ShapeDtypeStruct((N, D), jnp.float32),
)

_mm1 = pl.pallas_call(
    _mm1_body,
    grid=(N // RB,),
    in_specs=[
        pl.BlockSpec((NC, RB, D), lambda i: (0, i, 0)),
        pl.BlockSpec((NC, RB, D), lambda i: (0, i, 0)),
        pl.BlockSpec((RB, D), lambda i: (i, 0)),
        _full((D, D)),
        _full((D, D)),
        _full((1, D)),
        _full((D, D)),
        _full((D, D)),
        _full((1, D)),
    ],
    out_specs=pl.BlockSpec((RB, D), lambda i: (i, 0)),
    out_shape=jax.ShapeDtypeStruct((N, D), jnp.float32),
)


@jax.jit
def kernel(x, edge_index, W_l0, W_r0, b0, W_l1, W_r1, b1, W_lin, b_lin):
  ei_flat = edge_index.reshape(2 * E)
  (cnt,) = _count_pass(ei_flat)
  (p0,) = _edge_pass(x, ei_flat)
  h1 = _mm0(p0, cnt, x, W_l0, W_r0, b0.reshape(1, D))
  (p1,) = _edge_pass(h1, ei_flat)
  out = _mm1(p1, cnt, h1, W_l1, W_r1, b1.reshape(1, D),
             W_lin[:D], W_lin[D:], b_lin.reshape(1, D))
  return out

# --- scband reference (transcript-rebuilt; emitter-appended) ---
"""Pipeline reference for scband-gnn-5145370820834 (READ-ONLY COPY).

The authoritative reference and input builder live on the scoring server;
editing this copy changes nothing except your own understanding.
"""

import jax, jax.numpy as jnp
import numpy as np

N, E, D, H, OUT = 10000, 320000, 128, 128, 128


def setup_inputs(seed: int = 0) -> dict:
    key = jax.random.key(seed)
    ks = jax.random.split(key, 10)
    x = jax.random.normal(ks[0], (N, D), dtype=jnp.float32)
    edge_index = jax.random.randint(ks[1], (2, E), 0, N, dtype=jnp.int32)

    def lin(k, fi, fo):
        return jax.random.normal(k, (fi, fo), dtype=jnp.float32) * (1.0 / np.sqrt(fi))

    W_l0 = lin(ks[2], D, H)
    W_r0 = lin(ks[3], D, H)
    b0 = jnp.zeros((H,), dtype=jnp.float32)
    W_l1 = lin(ks[4], H, H)
    W_r1 = lin(ks[5], H, H)
    b1 = jnp.zeros((H,), dtype=jnp.float32)
    W_lin = lin(ks[6], 2 * H, OUT)
    b_lin = jnp.zeros((OUT,), dtype=jnp.float32)
    return {"x": x, "edge_index": edge_index, "W_l0": W_l0, "W_r0": W_r0, "b0": b0,
            "W_l1": W_l1, "W_r1": W_r1, "b1": b1, "W_lin": W_lin, "b_lin": b_lin}


def _sage_conv(h, src, dst, n, Wl, Wr, b):
    # PyG SAGEConv with mean aggregation: lin_l(mean_{j in N(i)} x_j) + lin_r(x_i)
    msg = jnp.take(h, src, axis=0)                                   # gather [E, d]
    summed = jax.ops.segment_sum(msg, dst, num_segments=n)           # scatter-add [N, d]
    cnt = jax.ops.segment_sum(jnp.ones((src.shape[0],), dtype=h.dtype), dst, num_segments=n)
    agg = summed / jnp.clip(cnt, 1.0)[:, None]                       # mean aggregation
    return agg @ Wl + h @ Wr + b


def reference(x, edge_index, W_l0, W_r0, b0, W_l1, W_r1, b1, W_lin, b_lin):
    src = edge_index[0]
    dst = edge_index[1]
    n = x.shape[0]
    # layer 0 (HeteroConv with single edge type; aggr='mean' over one entry is identity)
    h1 = _sage_conv(x, src, dst, n, W_l0, W_r0, b0)
    # layer 1
    h2 = _sage_conv(h1, src, dst, n, W_l1, W_r1, b1)
    # JumpingKnowledge mode='cat'
    jk = jnp.concatenate([h1, h2], axis=-1)                          # [N, 2H]
    # per-node-type output linear
    out = jk @ W_lin + b_lin                                         # [N, OUT]
    return out

if __name__ == "__main__":
    import jax
    _d = setup_inputs()
    print(jax.jit(kernel)(*tuple(_d.values())))

</pallas_src>

<mosaic_0001>
#map = affine_map<(d0, d1) -> (0)>
#map1 = affine_map<(d0, d1) -> (0, 0, 0)>
module attributes {stable_mosaic.version = 14 : i64} {
  func.func @_count_body(%arg0: i32, %arg1: i32, %arg2: memref<640000xi32, #tpu.memory_space<hbm>>, %arg3: memref<2x10000x128xf32, #tpu.memory_space<hbm>>, %arg4: memref<80xi32, #tpu.memory_space<vmem>>, %arg5: memref<80xi32, #tpu.memory_space<vmem>>, %arg6: memref<80xi32, #tpu.memory_space<vmem>>, %arg7: memref<80x128xf32, #tpu.memory_space<vmem>>, %arg8: memref<10000x128xf32, #tpu.memory_space<vmem_shared>>, %arg9: memref<!tpu.dma_semaphore, #tpu.memory_space<semaphore_mem>>, %arg10: memref<!tpu.dma_semaphore, #tpu.memory_space<semaphore_mem>>) attributes {dimension_semantics = [#tpu.dimension_semantics<core_parallel>, #tpu.dimension_semantics<subcore_parallel>], iteration_bounds = array<i64: 2, 16>, scalar_prefetch = 0 : i64, scratch_operands = 7 : i64, tpu.core_type = #tpu.core_type<sc_vector_subcore>, window_params = [{transform_indices = #map}, {transform_indices = #map1}]} {
    %iota3A = tpu.iota {dimensions = array<i32: 0>} : vector<16xi32>
    %broadcast_in_dim3A = arith.constant 0.000000e+00 : f32
    %broadcast_in_dim3A_0 = vector.broadcast %broadcast_in_dim3A : f32 to vector<16xf32>
    %scan3A = arith.constant 0 : i32
    %scan3A_1 = arith.constant 0 : i32
    %scan3A_2 = arith.constant 80 : i32
    %scan3A_3 = arith.addi %scan3A_1, %scan3A_2 : i32
    %scan3A_4 = arith.constant 1 : i32
    %scan3A_5 = scf.for %scan3A_56 = %scan3A_1 to %scan3A_3 step %scan3A_4 iter_args(%scan3A_57 = %scan3A) -> (i32)  : i32 {
      %scan3A_58 = arith.constant 0 : i32
      %scan3A_59 = arith.constant 0 : i32
      %scan3A_60 = arith.constant 8 : i32
      %scan3A_61 = arith.addi %scan3A_59, %scan3A_60 : i32
      %scan3A_62 = arith.constant 1 : i32
      %scan3A_63 = scf.for %scan3A_66 = %scan3A_59 to %scan3A_61 step %scan3A_62 iter_args(%scan3A_67 = %scan3A_58) -> (i32)  : i32 {
        %mul3A_68 = arith.constant 16 : i32
        %mul3A_69 = arith.muli %scan3A_66, %mul3A_68 : i32
        %swap3A = arith.index_cast %scan3A_56 : i32 to index
        %swap3A_70 = arith.index_cast %mul3A_69 : i32 to index
        %swap3A_71 = tpu.vector_load %arg7[%swap3A, %swap3A_70] {strides = array<i32>} : memref<80x128xf32, #tpu.memory_space<vmem>>, vector<1x16xf32>,
        %swap3A_72 = vector.shape_cast %swap3A_71 : vector<1x16xf32> to vector<16xf32>
        %swap3A_73 = vector.shape_cast %broadcast_in_dim3A_0 : vector<16xf32> to vector<1x16xf32>
        tpu.vector_store %arg7[%swap3A, %swap3A_70], %swap3A_73 {strides = array<i32>} : memref<80x128xf32, #tpu.memory_space<vmem>>, vector<1x16xf32>,
        %scan3A_74 = arith.constant 0 : i32
        scf.yield %scan3A_74 : i32
      }
      %scan3A_64 = arith.constant 8 : i32
      %scan3A_65 = arith.constant 0 : i32
      scf.yield %scan3A_65 : i32
    }
    %scan3A_6 = arith.constant 80 : i32
    %scan3A_7 = arith.constant 0 : i32
    %scan3A_8 = arith.constant 0 : i32
    %scan3A_9 = arith.constant 8 : i32
    %scan3A_10 = arith.addi %scan3A_8, %scan3A_9 : i32
    %scan3A_11 = arith.constant 1 : i32
    %scan3A_12 = scf.for %scan3A_56 = %scan3A_8 to %scan3A_10 step %scan3A_11 iter_args(%scan3A_57 = %scan3A_7) -> (i32)  : i32 {
      %mul3A_58 = arith.constant 16 : i32
      %mul3A_59 = arith.muli %scan3A_56, %mul3A_58 : i32
      %add3A_60 = arith.addi %arg1, %mul3A_59 : i32
      %lt3A = arith.constant 125 : i32
      %lt3A_61 = arith.cmpi slt, %add3A_60, %lt3A : i32
      %convert_element_type3A = arith.extui %lt3A_61 : i1 to i32
      %cond3A = arith.constant 0 : i32
      %cond3A_62 = arith.cmpi ne, %convert_element_type3A, %cond3A : i32
      scf.if %cond3A_62 {
        %mul3A_64 = arith.constant 80 : i32
        %mul3A_65 = arith.muli %add3A_60, %mul3A_64 : i32
        %add3A_66 = arith.constant 0 : i32
        %add3A_67 = arith.addi %mul3A_65, %add3A_66 : i32
        %add3A_68 = vector.broadcast %add3A_67 : i32 to vector<16xi32>
        %add3A_69 = arith.addi %add3A_68, %iota3A : vector<16xi32>
        %swap3A = arith.constant 0 : index
        %swap3A_70 = tpu.vector_load %arg6[%swap3A] {strides = array<i32>} : memref<80xi32, #tpu.memory_space<vmem>>, vector<16xi32>,
        %swap3A_71 = vector.shape_cast %swap3A_70 : vector<16xi32> to vector<16xi32>
        %swap3A_72 = vector.shape_cast %add3A_69 : vector<16xi32> to vector<16xi32>
        tpu.vector_store %arg6[%swap3A], %swap3A_72 {strides = array<i32>} : memref<80xi32, #tpu.memory_space<vmem>>, vector<16xi32>,
        %add3A_73 = arith.constant 16 : i32
        %add3A_74 = arith.addi %mul3A_65, %add3A_73 : i32
        %add3A_75 = vector.broadcast %add3A_74 : i32 to vector<16xi32>
        %add3A_76 = arith.addi %add3A_75, %iota3A : vector<16xi32>
        %swap3A_77 = arith.constant 16 : index
        %swap3A_78 = tpu.vector_load %arg6[%swap3A_77] {strides = array<i32>} : memref<80xi32, #tpu.memory_space<vmem>>, vector<16xi32>,
        %swap3A_79 = vector.shape_cast %swap3A_78 : vector<16xi32> to vector<16xi32>
        %swap3A_80 = vector.shape_cast %add3A_76 : vector<16xi32> to vector<16xi32>
        tpu.vector_store %arg6[%swap3A_77], %swap3A_80 {strides = array<i32>} : memref<80xi32, #tpu.memory_space<vmem>>, vector<16xi32>,
        %add3A_81 = arith.constant 32 : i32
        %add3A_82 = arith.addi %mul3A_65, %add3A_81 : i32
        %add3A_83 = vector.broadcast %add3A_82 : i32 to vector<16xi32>
        %add3A_84 = arith.addi %add3A_83, %iota3A : vector<16xi32>
        %swap3A_85 = arith.constant 32 : index
        %swap3A_86 = tpu.vector_load %arg6[%swap3A_85] {strides = array<i32>} : memref<80xi32, #tpu.memory_space<vmem>>, vector<16xi32>,
        %swap3A_87 = vector.shape_cast %swap3A_86 : vector<16xi32> to vector<16xi32>
        %swap3A_88 = vector.shape_cast %add3A_84 : vector<16xi32> to vector<16xi32>
        tpu.vector_store %arg6[%swap3A_85], %swap3A_88 {strides = array<i32>} : memref<80xi32, #tpu.memory_space<vmem>>, vector<16xi32>,
        %add3A_89 = arith.constant 48 : i32
        %add3A_90 = arith.addi %mul3A_65, %add3A_89 : i32
        %add3A_91 = vector.broadcast %add3A_90 : i32 to vector<16xi32>
        %add3A_92 = arith.addi %add3A_91, %iota3A : vector<16xi32>
        %swap3A_93 = arith.constant 48 : index
        %swap3A_94 = tpu.vector_load %arg6[%swap3A_93] {strides = array<i32>} : memref<80xi32, #tpu.memory_space<vmem>>, vector<16xi32>,
        %swap3A_95 = vector.shape_cast %swap3A_94 : vector<16xi32> to vector<16xi32>
        %swap3A_96 = vector.shape_cast %add3A_92 : vector<16xi32> to vector<16xi32>
        tpu.vector_store %arg6[%swap3A_93], %swap3A_96 {strides = array<i32>} : memref<80xi32, #tpu.memory_space<vmem>>, vector<16xi32>,
        %add3A_97 = arith.constant 64 : i32
        %add3A_98 = arith.addi %mul3A_65, %add3A_97 : i32
        %add3A_99 = vector.broadcast %add3A_98 : i32 to vector<16xi32>
        %add3A_100 = arith.addi %add3A_99, %iota3A : vector<16xi32>
        %swap3A_101 = arith.constant 64 : index
        %swap3A_102 = tpu.vector_load %arg6[%swap3A_101] {strides = array<i32>} : memref<80xi32, #tpu.memory_space<vmem>>, vector<16xi32>,
        %swap3A_103 = vector.shape_cast %swap3A_102 : vector<16xi32> to vector<16xi32>
        %swap3A_104 = vector.shape_cast %add3A_100 : vector<16xi32> to vector<16xi32>
        tpu.vector_store %arg6[%swap3A_101], %swap3A_104 {strides = array<i32>} : memref<80xi32, #tpu.memory_space<vmem>>, vector<16xi32>,
        "tpu.region"() ({
          %run_scoped3A = tpu.sem_alloc : memref<!tpu.dma_semaphore, #tpu.memory_space<semaphore_mem>>
          %dma_start3A_105 = arith.constant 0 : i32
          %dma_start3A_106 = arith.constant 0 : i32
          %dma_start3A_107 = tpu.memref_slice %arg8[%dma_start3A_105, %dma_start3A_106] : memref<10000x128xf32, #tpu.memory_space<vmem_shared>> -> memref<10000x128xf32, #tpu.memory_space<vmem_shared>>
          tpu.enqueue_indirect_dma source(%arg7 : memref<80x128xf32, #tpu.memory_space<vmem>>) target(%dma_start3A_107 : memref<10000x128xf32, #tpu.memory_space<vmem_shared>>) offsets(%arg6 : memref<80xi32, #tpu.memory_space<vmem>>) semaphore(%run_scoped3A : memref<!tpu.dma_semaphore, #tpu.memory_space<semaphore_mem>>)
          %dma_wait3A_108 = arith.constant 0 : i32
          %dma_wait3A_109 = arith.constant 0 : i32
          %dma_wait3A_110 = tpu.memref_slice %arg8[%dma_wait3A_108, %dma_wait3A_109] : memref<10000x128xf32, #tpu.memory_space<vmem_shared>> -> memref<10000x128xf32, #tpu.memory_space<vmem_shared>>
          tpu.wait_indirect_dma semaphore(%run_scoped3A : memref<!tpu.dma_semaphore, #tpu.memory_space<semaphore_mem>>) src(%arg7 : memref<80x128xf32, #tpu.memory_space<vmem>>) dst(%dma_wait3A_110 : memref<10000x128xf32, #tpu.memory_space<vmem_shared>>)
          tpu.yield
        }) : () -> ()
      } else {
      }
      %scan3A_63 = arith.constant 0 : i32
      scf.yield %scan3A_63 : i32
    }
    %scan3A_13 = arith.constant 8 : i32
    %barrier3A = arith.constant 0 : index
    tpu.barrier barrier_id(%barrier3A)
    %broadcast_in_dim3A_14 = arith.constant 1.000000e+00 : f32
    %broadcast_in_dim3A_15 = vector.broadcast %broadcast_in_dim3A_14 : f32 to vector<16xf32>
    %scan3A_16 = arith.constant 0 : i32
    %scan3A_17 = arith.constant 0 : i32
    %scan3A_18 = arith.constant 80 : i32
    %scan3A_19 = arith.addi %scan3A_17, %scan3A_18 : i32
    %scan3A_20 = arith.constant 1 : i32
    %scan3A_21 = scf.for %scan3A_56 = %scan3A_17 to %scan3A_19 step %scan3A_20 iter_args(%scan3A_57 = %scan3A_16) -> (i32)  : i32 {
      %scan3A_58 = arith.constant 0 : i32
      %scan3A_59 = arith.constant 0 : i32
      %scan3A_60 = arith.constant 8 : i32
      %scan3A_61 = arith.addi %scan3A_59, %scan3A_60 : i32
      %scan3A_62 = arith.constant 1 : i32
      %scan3A_63 = scf.for %scan3A_66 = %scan3A_59 to %scan3A_61 step %scan3A_62 iter_args(%scan3A_67 = %scan3A_58) -> (i32)  : i32 {
        %mul3A_68 = arith.constant 16 : i32
        %mul3A_69 = arith.muli %scan3A_66, %mul3A_68 : i32
        %swap3A = arith.index_cast %scan3A_56 : i32 to index
        %swap3A_70 = arith.index_cast %mul3A_69 : i32 to index
        %swap3A_71 = tpu.vector_load %arg7[%swap3A, %swap3A_70] {strides = array<i32>} : memref<80x128xf32, #tpu.memory_space<vmem>>, vector<1x16xf32>,
        %swap3A_72 = vector.shape_cast %swap3A_71 : vector<1x16xf32> to vector<16xf32>
        %swap3A_73 = vector.shape_cast %broadcast_in_dim3A_15 : vector<16xf32> to vector<1x16xf32>
        tpu.vector_store %arg7[%swap3A, %swap3A_70], %swap3A_73 {strides = array<i32>} : memref<80x128xf32, #tpu.memory_space<vmem>>, vector<1x16xf32>,
        %scan3A_74 = arith.constant 0 : i32
        scf.yield %scan3A_74 : i32
      }
      %scan3A_64 = arith.constant 8 : i32
      %scan3A_65 = arith.constant 0 : i32
      scf.yield %scan3A_65 : i32
    }
    %scan3A_22 = arith.constant 80 : i32
    %mul3A = arith.constant 16 : i32
    %mul3A_23 = arith.muli %arg0, %mul3A : i32
    %add3A = arith.addi %mul3A_23, %arg1 : i32
    %mul3A_24 = arith.constant 10000 : i32
    %mul3A_25 = arith.muli %add3A, %mul3A_24 : i32
    %add3A_26 = arith.constant 0 : i32
    %add3A_27 = arith.addi %mul3A_25, %add3A_26 : i32
    %multiple_of3A = tpu.assume_multiple %add3A_27, 8 : i32
    %add3A_28 = arith.constant 320000 : i32
    %add3A_29 = arith.addi %add3A_28, %multiple_of3A : i32
    %dma_start3A = tpu.memref_slice %arg2[%add3A_29] : memref<640000xi32, #tpu.memory_space<hbm>> -> memref<80xi32, #tpu.memory_space<hbm>>
    %dma_start3A_30 = tpu.memref_slice %arg2[%add3A_29] : memref<640000xi32, #tpu.memory_space<hbm>> -> memref<80xi32, #tpu.memory_space<hbm>>
    tpu.enqueue_dma source(%dma_start3A_30 : memref<80xi32, #tpu.memory_space<hbm>>) target(%arg4 : memref<80xi32, #tpu.memory_space<vmem>>) target_semaphore(%arg9 : memref<!tpu.dma_semaphore, #tpu.memory_space<semaphore_mem>>)
    %add3A_31 = arith.constant 80 : i32
    %add3A_32 = arith.addi %mul3A_25, %add3A_31 : i32
    %multiple_of3A_33 = tpu.assume_multiple %add3A_32, 8 : i32
    %add3A_34 = arith.constant 320000 : i32
    %add3A_35 = arith.addi %add3A_34, %multiple_of3A_33 : i32
    %dma_start3A_36 = tpu.memref_slice %arg2[%add3A_35] : memref<640000xi32, #tpu.memory_space<hbm>> -> memref<80xi32, #tpu.memory_space<hbm>>
    %dma_start3A_37 = tpu.memref_slice %arg2[%add3A_35] : memref<640000xi32, #tpu.memory_space<hbm>> -> memref<80xi32, #tpu.memory_space<hbm>>
    tpu.enqueue_dma source(%dma_start3A_37 : memref<80xi32, #tpu.memory_space<hbm>>) target(%arg5 : memref<80xi32, #tpu.memory_space<vmem>>) target_semaphore(%arg10 : memref<!tpu.dma_semaphore, #tpu.memory_space<semaphore_mem>>)
    %scan3A_38 = arith.constant 0 : i32
    %scan3A_39 = arith.constant 0 : i32
    %scan3A_40 = arith.constant 62 : i32
    %scan3A_41 = arith.addi %scan3A_39, %scan3A_40 : i32
    %scan3A_42 = arith.constant 1 : i32
    %scan3A_43 = scf.for %scan3A_56 = %scan3A_39 to %scan3A_41 step %scan3A_42 iter_args(%scan3A_57 = %scan3A_38) -> (i32)  : i32 {
      %mul3A_58 = arith.constant 2 : i32
      %mul3A_59 = arith.muli %mul3A_58, %scan3A_56 : i32
      %dma_wait3A_60 = arith.constant 0 : i32
      %dma_wait3A_61 = tpu.memref_slice %arg2[%dma_wait3A_60] : memref<640000xi32, #tpu.memory_space<hbm>> -> memref<80xi32, #tpu.memory_space<hbm>>
      %dma_wait3A_62 = arith.constant 0 : i32
      %dma_wait3A_63 = tpu.memref_slice %arg2[%dma_wait3A_62] : memref<640000xi32, #tpu.memory_space<hbm>> -> memref<80xi32, #tpu.memory_space<hbm>>
      tpu.wait_dma2 semaphore(%arg9 : memref<!tpu.dma_semaphore, #tpu.memory_space<semaphore_mem>>) src(%dma_wait3A_63 : memref<80xi32, #tpu.memory_space<hbm>>) dst(%arg4 : memref<80xi32, #tpu.memory_space<vmem>>)
      "tpu.region"() ({
        %run_scoped3A = tpu.sem_alloc : memref<!tpu.dma_semaphore, #tpu.memory_space<semaphore_mem>>
        %dma_start3A_80 = arith.constant 0 : i32
        %dma_start3A_81 = arith.constant 0 : i32
        %dma_start3A_82 = tpu.memref_slice %arg8[%dma_start3A_80, %dma_start3A_81] : memref<10000x128xf32, #tpu.memory_space<vmem_shared>> -> memref<10000x128xf32, #tpu.memory_space<vmem_shared>>
        tpu.enqueue_indirect_dma source(%arg7 : memref<80x128xf32, #tpu.memory_space<vmem>>) target(%dma_start3A_82 : memref<10000x128xf32, #tpu.memory_space<vmem_shared>>) offsets(%arg4 : memref<80xi32, #tpu.memory_space<vmem>>) semaphore(%run_scoped3A : memref<!tpu.dma_semaphore, #tpu.memory_space<semaphore_mem>>) {add = true}
        %dma_wait3A_83 = arith.constant 0 : i32
        %dma_wait3A_84 = arith.constant 0 : i32
        %dma_wait3A_85 = tpu.memref_slice %arg8[%dma_wait3A_83, %dma_wait3A_84] : memref<10000x128xf32, #tpu.memory_space<vmem_shared>> -> memref<10000x128xf32, #tpu.memory_space<vmem_shared>>
        tpu.wait_indirect_dma semaphore(%run_scoped3A : memref<!tpu.dma_semaphore, #tpu.memory_space<semaphore_mem>>) src(%arg7 : memref<80x128xf32, #tpu.memory_space<vmem>>) dst(%dma_wait3A_85 : memref<10000x128xf32, #tpu.memory_space<vmem_shared>>)
        tpu.yield
      }) : () -> ()
      %add3A_64 = arith.constant 2 : i32
      %add3A_65 = arith.addi %mul3A_59, %add3A_64 : i32
      %lt3A = arith.constant 125 : i32
      %lt3A_66 = arith.cmpi slt, %add3A_65, %lt3A : i32
      %convert_element_type3A = arith.extui %lt3A_66 : i1 to i32
      %cond3A = arith.constant 0 : i32
      %cond3A_67 = arith.cmpi ne, %convert_element_type3A, %cond3A : i32
      scf.if %cond3A_67 {
        %add3A_80 = arith.constant 2 : i32
        %add3A_81 = arith.addi %mul3A_59, %add3A_80 : i32
        %mul3A_82 = arith.constant 80 : i32
        %mul3A_83 = arith.muli %add3A_81, %mul3A_82 : i32
        %add3A_84 = arith.addi %mul3A_25, %mul3A_83 : i32
        %multiple_of3A_85 = tpu.assume_multiple %add3A_84, 8 : i32
        %add3A_86 = arith.constant 320000 : i32
        %add3A_87 = arith.addi %add3A_86, %multiple_of3A_85 : i32
        %dma_start3A_88 = tpu.memref_slice %arg2[%add3A_87] : memref<640000xi32, #tpu.memory_space<hbm>> -> memref<80xi32, #tpu.memory_space<hbm>>
        %dma_start3A_89 = tpu.memref_slice %arg2[%add3A_87] : memref<640000xi32, #tpu.memory_space<hbm>> -> memref<80xi32, #tpu.memory_space<hbm>>
        tpu.enqueue_dma source(%dma_start3A_89 : memref<80xi32, #tpu.memory_space<hbm>>) target(%arg4 : memref<80xi32, #tpu.memory_space<vmem>>) target_semaphore(%arg9 : memref<!tpu.dma_semaphore, #tpu.memory_space<semaphore_mem>>)
      } else {
      }
      %dma_wait3A_68 = arith.constant 0 : i32
      %dma_wait3A_69 = tpu.memref_slice %arg2[%dma_wait3A_68] : memref<640000xi32, #tpu.memory_space<hbm>> -> memref<80xi32, #tpu.memory_space<hbm>>
      %dma_wait3A_70 = arith.constant 0 : i32
      %dma_wait3A_71 = tpu.memref_slice %arg2[%dma_wait3A_70] : memref<640000xi32, #tpu.memory_space<hbm>> -> memref<80xi32, #tpu.memory_space<hbm>>
      tpu.wait_dma2 semaphore(%arg10 : memref<!tpu.dma_semaphore, #tpu.memory_space<semaphore_mem>>) src(%dma_wait3A_71 : memref<80xi32, #tpu.memory_space<hbm>>) dst(%arg5 : memref<80xi32, #tpu.memory_space<vmem>>)
      "tpu.region"() ({
        %run_scoped3A = tpu.sem_alloc : memref<!tpu.dma_semaphore, #tpu.memory_space<semaphore_mem>>
        %dma_start3A_80 = arith.constant 0 : i32
        %dma_start3A_81 = arith.constant 0 : i32
        %dma_start3A_82 = tpu.memref_slice %arg8[%dma_start3A_80, %dma_start3A_81] : memref<10000x128xf32, #tpu.memory_space<vmem_shared>> -> memref<10000x128xf32, #tpu.memory_space<vmem_shared>>
        tpu.enqueue_indirect_dma source(%arg7 : memref<80x128xf32, #tpu.memory_space<vmem>>) target(%dma_start3A_82 : memref<10000x128xf32, #tpu.memory_space<vmem_shared>>) offsets(%arg5 : memref<80xi32, #tpu.memory_space<vmem>>) semaphore(%run_scoped3A : memref<!tpu.dma_semaphore, #tpu.memory_space<semaphore_mem>>) {add = true}
        %dma_wait3A_83 = arith.constant 0 : i32
        %dma_wait3A_84 = arith.constant 0 : i32
        %dma_wait3A_85 = tpu.memref_slice %arg8[%dma_wait3A_83, %dma_wait3A_84] : memref<10000x128xf32, #tpu.memory_space<vmem_shared>> -> memref<10000x128xf32, #tpu.memory_space<vmem_shared>>
        tpu.wait_indirect_dma semaphore(%run_scoped3A : memref<!tpu.dma_semaphore, #tpu.memory_space<semaphore_mem>>) src(%arg7 : memref<80x128xf32, #tpu.memory_space<vmem>>) dst(%dma_wait3A_85 : memref<10000x128xf32, #tpu.memory_space<vmem_shared>>)
        tpu.yield
      }) : () -> ()
      %add3A_72 = arith.constant 3 : i32
      %add3A_73 = arith.addi %mul3A_59, %add3A_72 : i32
      %lt3A_74 = arith.constant 125 : i32
      %lt3A_75 = arith.cmpi slt, %add3A_73, %lt3A_74 : i32
      %convert_element_type3A_76 = arith.extui %lt3A_75 : i1 to i32
      %cond3A_77 = arith.constant 0 : i32
      %cond3A_78 = arith.cmpi ne, %convert_element_type3A_76, %cond3A_77 : i32
      scf.if %cond3A_78 {
        %add3A_80 = arith.constant 3 : i32
        %add3A_81 = arith.addi %mul3A_59, %add3A_80 : i32
        %mul3A_82 = arith.constant 80 : i32
        %mul3A_83 = arith.muli %add3A_81, %mul3A_82 : i32
        %add3A_84 = arith.addi %mul3A_25, %mul3A_83 : i32
        %multiple_of3A_85 = tpu.assume_multiple %add3A_84, 8 : i32
        %add3A_86 = arith.constant 320000 : i32
        %add3A_87 = arith.addi %add3A_86, %multiple_of3A_85 : i32
        %dma_start3A_88 = tpu.memref_slice %arg2[%add3A_87] : memref<640000xi32, #tpu.memory_space<hbm>> -> memref<80xi32, #tpu.memory_space<hbm>>
        %dma_start3A_89 = tpu.memref_slice %arg2[%add3A_87] : memref<640000xi32, #tpu.memory_space<hbm>> -> memref<80xi32, #tpu.memory_space<hbm>>
        tpu.enqueue_dma source(%dma_start3A_89 : memref<80xi32, #tpu.memory_space<hbm>>) target(%arg5 : memref<80xi32, #tpu.memory_space<vmem>>) target_semaphore(%arg10 : memref<!tpu.dma_semaphore, #tpu.memory_space<semaphore_mem>>)
      } else {
      }
      %scan3A_79 = arith.constant 0 : i32
      scf.yield %scan3A_79 : i32
    }
    %scan3A_44 = arith.constant 62 : i32
    %dma_wait3A = arith.constant 0 : i32
    %dma_wait3A_45 = tpu.memref_slice %arg2[%dma_wait3A] : memref<640000xi32, #tpu.memory_space<hbm>> -> memref<80xi32, #tpu.memory_space<hbm>>
    %dma_wait3A_46 = arith.constant 0 : i32
    %dma_wait3A_47 = tpu.memref_slice %arg2[%dma_wait3A_46] : memref<640000xi32, #tpu.memory_space<hbm>> -> memref<80xi32, #tpu.memory_space<hbm>>
    tpu.wait_dma2 semaphore(%arg9 : memref<!tpu.dma_semaphore, #tpu.memory_space<semaphore_mem>>) src(%dma_wait3A_47 : memref<80xi32, #tpu.memory_space<hbm>>) dst(%arg4 : memref<80xi32, #tpu.memory_space<vmem>>)
    "tpu.region"() ({
      %run_scoped3A = tpu.sem_alloc : memref<!tpu.dma_semaphore, #tpu.memory_space<semaphore_mem>>
      %dma_start3A_56 = arith.constant 0 : i32
      %dma_start3A_57 = arith.constant 0 : i32
      %dma_start3A_58 = tpu.memref_slice %arg8[%dma_start3A_56, %dma_start3A_57] : memref<10000x128xf32, #tpu.memory_space<vmem_shared>> -> memref<10000x128xf32, #tpu.memory_space<vmem_shared>>
      tpu.enqueue_indirect_dma source(%arg7 : memref<80x128xf32, #tpu.memory_space<vmem>>) target(%dma_start3A_58 : memref<10000x128xf32, #tpu.memory_space<vmem_shared>>) offsets(%arg4 : memref<80xi32, #tpu.memory_space<vmem>>) semaphore(%run_scoped3A : memref<!tpu.dma_semaphore, #tpu.memory_space<semaphore_mem>>) {add = true}
      %dma_wait3A_59 = arith.constant 0 : i32
      %dma_wait3A_60 = arith.constant 0 : i32
      %dma_wait3A_61 = tpu.memref_slice %arg8[%dma_wait3A_59, %dma_wait3A_60] : memref<10000x128xf32, #tpu.memory_space<vmem_shared>> -> memref<10000x128xf32, #tpu.memory_space<vmem_shared>>
      tpu.wait_indirect_dma semaphore(%run_scoped3A : memref<!tpu.dma_semaphore, #tpu.memory_space<semaphore_mem>>) src(%arg7 : memref<80x128xf32, #tpu.memory_space<vmem>>) dst(%dma_wait3A_61 : memref<10000x128xf32, #tpu.memory_space<vmem_shared>>)
      tpu.yield
    }) : () -> ()
    %barrier3A_48 = arith.constant 0 : index
    tpu.barrier barrier_id(%barrier3A_48)
    %scan3A_49 = arith.constant 0 : i32
    %scan3A_50 = arith.constant 0 : i32
    %scan3A_51 = arith.constant 8 : i32
    %scan3A_52 = arith.addi %scan3A_50, %scan3A_51 : i32
    %scan3A_53 = arith.constant 1 : i32
    %scan3A_54 = scf.for %scan3A_56 = %scan3A_50 to %scan3A_52 step %scan3A_53 iter_args(%scan3A_57 = %scan3A_49) -> (i32)  : i32 {
      %mul3A_58 = arith.constant 16 : i32
      %mul3A_59 = arith.muli %scan3A_56, %mul3A_58 : i32
      %add3A_60 = arith.addi %arg1, %mul3A_59 : i32
      %lt3A = arith.constant 125 : i32
      %lt3A_61 = arith.cmpi slt, %add3A_60, %lt3A : i32
      %convert_element_type3A = arith.extui %lt3A_61 : i1 to i32
      %cond3A = arith.constant 0 : i32
      %cond3A_62 = arith.cmpi ne, %convert_element_type3A, %cond3A : i32
      scf.if %cond3A_62 {
        %mul3A_64 = arith.constant 80 : i32
        %mul3A_65 = arith.muli %add3A_60, %mul3A_64 : i32
        %add3A_66 = arith.constant 0 : i32
        %add3A_67 = arith.addi %mul3A_65, %add3A_66 : i32
        %add3A_68 = vector.broadcast %add3A_67 : i32 to vector<16xi32>
        %add3A_69 = arith.addi %add3A_68, %iota3A : vector<16xi32>
        %swap3A = arith.constant 0 : index
        %swap3A_70 = tpu.vector_load %arg6[%swap3A] {strides = array<i32>} : memref<80xi32, #tpu.memory_space<vmem>>, vector<16xi32>,
        %swap3A_71 = vector.shape_cast %swap3A_70 : vector<16xi32> to vector<16xi32>
        %swap3A_72 = vector.shape_cast %add3A_69 : vector<16xi32> to vector<16xi32>
        tpu.vector_store %arg6[%swap3A], %swap3A_72 {strides = array<i32>} : memref<80xi32, #tpu.memory_space<vmem>>, vector<16xi32>,
        %add3A_73 = arith.constant 16 : i32
        %add3A_74 = arith.addi %mul3A_65, %add3A_73 : i32
        %add3A_75 = vector.broadcast %add3A_74 : i32 to vector<16xi32>
        %add3A_76 = arith.addi %add3A_75, %iota3A : vector<16xi32>
        %swap3A_77 = arith.constant 16 : index
        %swap3A_78 = tpu.vector_load %arg6[%swap3A_77] {strides = array<i32>} : memref<80xi32, #tpu.memory_space<vmem>>, vector<16xi32>,
        %swap3A_79 = vector.shape_cast %swap3A_78 : vector<16xi32> to vector<16xi32>
        %swap3A_80 = vector.shape_cast %add3A_76 : vector<16xi32> to vector<16xi32>
        tpu.vector_store %arg6[%swap3A_77], %swap3A_80 {strides = array<i32>} : memref<80xi32, #tpu.memory_space<vmem>>, vector<16xi32>,
        %add3A_81 = arith.constant 32 : i32
        %add3A_82 = arith.addi %mul3A_65, %add3A_81 : i32
        %add3A_83 = vector.broadcast %add3A_82 : i32 to vector<16xi32>
        %add3A_84 = arith.addi %add3A_83, %iota3A : vector<16xi32>
        %swap3A_85 = arith.constant 32 : index
        %swap3A_86 = tpu.vector_load %arg6[%swap3A_85] {strides = array<i32>} : memref<80xi32, #tpu.memory_space<vmem>>, vector<16xi32>,
        %swap3A_87 = vector.shape_cast %swap3A_86 : vector<16xi32> to vector<16xi32>
        %swap3A_88 = vector.shape_cast %add3A_84 : vector<16xi32> to vector<16xi32>
        tpu.vector_store %arg6[%swap3A_85], %swap3A_88 {strides = array<i32>} : memref<80xi32, #tpu.memory_space<vmem>>, vector<16xi32>,
        %add3A_89 = arith.constant 48 : i32
        %add3A_90 = arith.addi %mul3A_65, %add3A_89 : i32
        %add3A_91 = vector.broadcast %add3A_90 : i32 to vector<16xi32>
        %add3A_92 = arith.addi %add3A_91, %iota3A : vector<16xi32>
        %swap3A_93 = arith.constant 48 : index
        %swap3A_94 = tpu.vector_load %arg6[%swap3A_93] {strides = array<i32>} : memref<80xi32, #tpu.memory_space<vmem>>, vector<16xi32>,
        %swap3A_95 = vector.shape_cast %swap3A_94 : vector<16xi32> to vector<16xi32>
        %swap3A_96 = vector.shape_cast %add3A_92 : vector<16xi32> to vector<16xi32>
        tpu.vector_store %arg6[%swap3A_93], %swap3A_96 {strides = array<i32>} : memref<80xi32, #tpu.memory_space<vmem>>, vector<16xi32>,
        %add3A_97 = arith.constant 64 : i32
        %add3A_98 = arith.addi %mul3A_65, %add3A_97 : i32
        %add3A_99 = vector.broadcast %add3A_98 : i32 to vector<16xi32>
        %add3A_100 = arith.addi %add3A_99, %iota3A : vector<16xi32>
        %swap3A_101 = arith.constant 64 : index
        %swap3A_102 = tpu.vector_load %arg6[%swap3A_101] {strides = array<i32>} : memref<80xi32, #tpu.memory_space<vmem>>, vector<16xi32>,
        %swap3A_103 = vector.shape_cast %swap3A_102 : vector<16xi32> to vector<16xi32>
        %swap3A_104 = vector.shape_cast %add3A_100 : vector<16xi32> to vector<16xi32>
        tpu.vector_store %arg6[%swap3A_101], %swap3A_104 {strides = array<i32>} : memref<80xi32, #tpu.memory_space<vmem>>, vector<16xi32>,
        %dma_start3A_105 = arith.constant 0 : i32
        %dma_start3A_106 = arith.constant 0 : i32
        %dma_start3A_107 = tpu.memref_slice %arg8[%dma_start3A_105, %dma_start3A_106] : memref<10000x128xf32, #tpu.memory_space<vmem_shared>> -> memref<10000x128xf32, #tpu.memory_space<vmem_shared>>
        tpu.enqueue_indirect_dma source(%dma_start3A_107 : memref<10000x128xf32, #tpu.memory_space<vmem_shared>>) target(%arg7 : memref<80x128xf32, #tpu.memory_space<vmem>>) offsets(%arg6 : memref<80xi32, #tpu.memory_space<vmem>>) semaphore(%arg9 : memref<!tpu.dma_semaphore, #tpu.memory_space<semaphore_mem>>)
        %dma_wait3A_108 = arith.constant 0 : i32
        %dma_wait3A_109 = arith.constant 0 : i32
        %dma_wait3A_110 = tpu.memref_slice %arg8[%dma_wait3A_108, %dma_wait3A_109] : memref<10000x128xf32, #tpu.memory_space<vmem_shared>> -> memref<10000x128xf32, #tpu.memory_space<vmem_shared>>
        tpu.wait_indirect_dma semaphore(%arg9 : memref<!tpu.dma_semaphore, #tpu.memory_space<semaphore_mem>>) src(%dma_wait3A_110 : memref<10000x128xf32, #tpu.memory_space<vmem_shared>>) dst(%arg7 : memref<80x128xf32, #tpu.memory_space<vmem>>)
        %mul3A_111 = arith.constant 80 : i32
        %mul3A_112 = arith.muli %add3A_60, %mul3A_111 : i32
        "tpu.region"() ({
          %run_scoped3A = tpu.sem_alloc : memref<!tpu.dma_semaphore, #tpu.memory_space<semaphore_mem>>
          %dma_start3A_113 = arith.constant 0 : i32
          %dma_start3A_114 = tpu.memref_slice %arg3[%arg0, %mul3A_112, %dma_start3A_113] : memref<2x10000x128xf32, #tpu.memory_space<hbm>> -> memref<1x80x128xf32, #tpu.memory_space<hbm>>
          %dma_start3A_115 = tpu.memref_squeeze %dma_start3A_114 : memref<1x80x128xf32, #tpu.memory_space<hbm>> -> memref<80x128xf32, #tpu.memory_space<hbm>>
          %dma_start3A_116 = arith.constant 0 : i32
          %dma_start3A_117 = tpu.memref_slice %arg3[%arg0, %mul3A_112, %dma_start3A_116] : memref<2x10000x128xf32, #tpu.memory_space<hbm>> -> memref<1x80x128xf32, #tpu.memory_space<hbm>>
          %dma_start3A_118 = tpu.memref_squeeze %dma_start3A_117 : memref<1x80x128xf32, #tpu.memory_space<hbm>> -> memref<80x128xf32, #tpu.memory_space<hbm>>
          tpu.enqueue_dma source(%arg7 : memref<80x128xf32, #tpu.memory_space<vmem>>) target(%dma_start3A_118 : memref<80x128xf32, #tpu.memory_space<hbm>>) target_semaphore(%run_scoped3A : memref<!tpu.dma_semaphore, #tpu.memory_space<semaphore_mem>>)
          %dma_wait3A_119 = arith.constant 0 : i32
          %dma_wait3A_120 = tpu.memref_slice %arg3[%arg0, %mul3A_112, %dma_wait3A_119] : memref<2x10000x128xf32, #tpu.memory_space<hbm>> -> memref<1x80x128xf32, #tpu.memory_space<hbm>>
          %dma_wait3A_121 = tpu.memref_squeeze %dma_wait3A_120 : memref<1x80x128xf32, #tpu.memory_space<hbm>> -> memref<80x128xf32, #tpu.memory_space<hbm>>
          %dma_wait3A_122 = arith.constant 0 : i32
          %dma_wait3A_123 = tpu.memref_slice %arg3[%arg0, %mul3A_112, %dma_wait3A_122] : memref<2x10000x128xf32, #tpu.memory_space<hbm>> -> memref<1x80x128xf32, #tpu.memory_space<hbm>>
          %dma_wait3A_124 = tpu.memref_squeeze %dma_wait3A_123 : memref<1x80x128xf32, #tpu.memory_space<hbm>> -> memref<80x128xf32, #tpu.memory_space<hbm>>
          tpu.wait_dma2 semaphore(%run_scoped3A : memref<!tpu.dma_semaphore, #tpu.memory_space<semaphore_mem>>) src(%arg7 : memref<80x128xf32, #tpu.memory_space<vmem>>) dst(%dma_wait3A_124 : memref<80x128xf32, #tpu.memory_space<hbm>>)
          tpu.yield
        }) : () -> ()
      } else {
      }
      %scan3A_63 = arith.constant 0 : i32
      scf.yield %scan3A_63 : i32
    }
    %scan3A_55 = arith.constant 8 : i32
    return
  }
}

#map = affine_map<(d0, d1) -> (0, 0)>
#map1 = affine_map<(d0, d1) -> (0)>
#map2 = affine_map<(d0, d1) -> (0, 0, 0)>
module attributes {stable_mosaic.version = 14 : i64} {
  func.func @_edge_body(%arg0: i32, %arg1: i32, %arg2: memref<10000x128xf32, #tpu.memory_space<hbm>>, %arg3: memref<640000xi32, #tpu.memory_space<hbm>>, %arg4: memref<2x10000x128xf32, #tpu.memory_space<hbm>>, %arg5: memref<80xi32, #tpu.memory_space<vmem>>, %arg6: memref<80xi32, #tpu.memory_space<vmem>>, %arg7: memref<80xi32, #tpu.memory_space<vmem>>, %arg8: memref<80xi32, #tpu.memory_space<vmem>>, %arg9: memref<80xi32, #tpu.memory_space<vmem>>, %arg10: memref<80xi32, #tpu.memory_space<vmem>>, %arg11: memref<80xi32, #tpu.memory_space<vmem>>, %arg12: memref<80x128xf32, #tpu.memory_space<vmem>>, %arg13: memref<80x128xf32, #tpu.memory_space<vmem>>, %arg14: memref<10000x128xf32, #tpu.memory_space<vmem_shared>>, %arg15: memref<!tpu.dma_semaphore, #tpu.memory_space<semaphore_mem>>, %arg16: memref<!tpu.dma_semaphore, #tpu.memory_space<semaphore_mem>>, %arg17: memref<!tpu.dma_semaphore, #tpu.memory_space<semaphore_mem>>, %arg18: memref<!tpu.dma_semaphore, #tpu.memory_space<semaphore_mem>>, %arg19: memref<!tpu.dma_semaphore, #tpu.memory_space<semaphore_mem>>, %arg20: memref<!tpu.dma_semaphore, #tpu.memory_space<semaphore_mem>>, %arg21: memref<!tpu.dma_semaphore, #tpu.memory_space<semaphore_mem>>, %arg22: memref<!tpu.dma_semaphore, #tpu.memory_space<semaphore_mem>>) attributes {dimension_semantics = [#tpu.dimension_semantics<core_parallel>, #tpu.dimension_semantics<subcore_parallel>], iteration_bounds = array<i64: 2, 16>, scalar_prefetch = 0 : i64, scratch_operands = 18 : i64, tpu.core_type = #tpu.core_type<sc_vector_subcore>, window_params = [{transform_indices = #map}, {transform_indices = #map1}, {transform_indices = #map2}]} {
    %iota3A = tpu.iota {dimensions = array<i32: 0>} : vector<16xi32>
    %broadcast_in_dim3A = arith.constant 0.000000e+00 : f32
    %broadcast_in_dim3A_0 = vector.broadcast %broadcast_in_dim3A : f32 to vector<16xf32>
    %scan3A = arith.constant 0 : i32
    %scan3A_1 = arith.constant 0 : i32
    %scan3A_2 = arith.constant 80 : i32
    %scan3A_3 = arith.addi %scan3A_1, %scan3A_2 : i32
    %scan3A_4 = arith.constant 1 : i32
    %scan3A_5 = scf.for %scan3A_144 = %scan3A_1 to %scan3A_3 step %scan3A_4 iter_args(%scan3A_145 = %scan3A) -> (i32)  : i32 {
      %scan3A_146 = arith.constant 0 : i32
      %scan3A_147 = arith.constant 0 : i32
      %scan3A_148 = arith.constant 8 : i32
      %scan3A_149 = arith.addi %scan3A_147, %scan3A_148 : i32
      %scan3A_150 = arith.constant 1 : i32
      %scan3A_151 = scf.for %scan3A_154 = %scan3A_147 to %scan3A_149 step %scan3A_150 iter_args(%scan3A_155 = %scan3A_146) -> (i32)  : i32 {
        %mul3A_156 = arith.constant 16 : i32
        %mul3A_157 = arith.muli %scan3A_154, %mul3A_156 : i32
        %swap3A = arith.index_cast %scan3A_144 : i32 to index
        %swap3A_158 = arith.index_cast %mul3A_157 : i32 to index
        %swap3A_159 = tpu.vector_load %arg12[%swap3A, %swap3A_158] {strides = array<i32>} : memref<80x128xf32, #tpu.memory_space<vmem>>, vector<1x16xf32>,
        %swap3A_160 = vector.shape_cast %swap3A_159 : vector<1x16xf32> to vector<16xf32>
        %swap3A_161 = vector.shape_cast %broadcast_in_dim3A_0 : vector<16xf32> to vector<1x16xf32>
        tpu.vector_store %arg12[%swap3A, %swap3A_158], %swap3A_161 {strides = array<i32>} : memref<80x128xf32, #tpu.memory_space<vmem>>, vector<1x16xf32>,
        %scan3A_162 = arith.constant 0 : i32
        scf.yield %scan3A_162 : i32
      }
      %scan3A_152 = arith.constant 8 : i32
      %scan3A_153 = arith.constant 0 : i32
      scf.yield %scan3A_153 : i32
    }
    %scan3A_6 = arith.constant 80 : i32
    %scan3A_7 = arith.constant 0 : i32
    %scan3A_8 = arith.constant 0 : i32
    %scan3A_9 = arith.constant 8 : i32
    %scan3A_10 = arith.addi %scan3A_8, %scan3A_9 : i32
    %scan3A_11 = arith.constant 1 : i32
    %scan3A_12 = scf.for %scan3A_144 = %scan3A_8 to %scan3A_10 step %scan3A_11 iter_args(%scan3A_145 = %scan3A_7) -> (i32)  : i32 {
      %mul3A_146 = arith.constant 16 : i32
      %mul3A_147 = arith.muli %scan3A_144, %mul3A_146 : i32
      %add3A_148 = arith.addi %arg1, %mul3A_147 : i32
      %lt3A = arith.constant 125 : i32
      %lt3A_149 = arith.cmpi slt, %add3A_148, %lt3A : i32
      %convert_element_type3A = arith.extui %lt3A_149 : i1 to i32
      %cond3A = arith.constant 0 : i32
      %cond3A_150 = arith.cmpi ne, %convert_element_type3A, %cond3A : i32
      scf.if %cond3A_150 {
        %mul3A_152 = arith.constant 80 : i32
        %mul3A_153 = arith.muli %add3A_148, %mul3A_152 : i32
        %add3A_154 = arith.constant 0 : i32
        %add3A_155 = arith.addi %mul3A_153, %add3A_154 : i32
        %add3A_156 = vector.broadcast %add3A_155 : i32 to vector<16xi32>
        %add3A_157 = arith.addi %add3A_156, %iota3A : vector<16xi32>
        %swap3A = arith.constant 0 : index
        %swap3A_158 = tpu.vector_load %arg11[%swap3A] {strides = array<i32>} : memref<80xi32, #tpu.memory_space<vmem>>, vector<16xi32>,
        %swap3A_159 = vector.shape_cast %swap3A_158 : vector<16xi32> to vector<16xi32>
        %swap3A_160 = vector.shape_cast %add3A_157 : vector<16xi32> to vector<16xi32>
        tpu.vector_store %arg11[%swap3A], %swap3A_160 {strides = array<i32>} : memref<80xi32, #tpu.memory_space<vmem>>, vector<16xi32>,
        %add3A_161 = arith.constant 16 : i32
        %add3A_162 = arith.addi %mul3A_153, %add3A_161 : i32
        %add3A_163 = vector.broadcast %add3A_162 : i32 to vector<16xi32>
        %add3A_164 = arith.addi %add3A_163, %iota3A : vector<16xi32>
        %swap3A_165 = arith.constant 16 : index
        %swap3A_166 = tpu.vector_load %arg11[%swap3A_165] {strides = array<i32>} : memref<80xi32, #tpu.memory_space<vmem>>, vector<16xi32>,
        %swap3A_167 = vector.shape_cast %swap3A_166 : vector<16xi32> to vector<16xi32>
        %swap3A_168 = vector.shape_cast %add3A_164 : vector<16xi32> to vector<16xi32>
        tpu.vector_store %arg11[%swap3A_165], %swap3A_168 {strides = array<i32>} : memref<80xi32, #tpu.memory_space<vmem>>, vector<16xi32>,
        %add3A_169 = arith.constant 32 : i32
        %add3A_170 = arith.addi %mul3A_153, %add3A_169 : i32
        %add3A_171 = vector.broadcast %add3A_170 : i32 to vector<16xi32>
        %add3A_172 = arith.addi %add3A_171, %iota3A : vector<16xi32>
        %swap3A_173 = arith.constant 32 : index
        %swap3A_174 = tpu.vector_load %arg11[%swap3A_173] {strides = array<i32>} : memref<80xi32, #tpu.memory_space<vmem>>, vector<16xi32>,
        %swap3A_175 = vector.shape_cast %swap3A_174 : vector<16xi32> to vector<16xi32>
        %swap3A_176 = vector.shape_cast %add3A_172 : vector<16xi32> to vector<16xi32>
        tpu.vector_store %arg11[%swap3A_173], %swap3A_176 {strides = array<i32>} : memref<80xi32, #tpu.memory_space<vmem>>, vector<16xi32>,
        %add3A_177 = arith.constant 48 : i32
        %add3A_178 = arith.addi %mul3A_153, %add3A_177 : i32
        %add3A_179 = vector.broadcast %add3A_178 : i32 to vector<16xi32>
        %add3A_180 = arith.addi %add3A_179, %iota3A : vector<16xi32>
        %swap3A_181 = arith.constant 48 : index
        %swap3A_182 = tpu.vector_load %arg11[%swap3A_181] {strides = array<i32>} : memref<80xi32, #tpu.memory_space<vmem>>, vector<16xi32>,
        %swap3A_183 = vector.shape_cast %swap3A_182 : vector<16xi32> to vector<16xi32>
        %swap3A_184 = vector.shape_cast %add3A_180 : vector<16xi32> to vector<16xi32>
        tpu.vector_store %arg11[%swap3A_181], %swap3A_184 {strides = array<i32>} : memref<80xi32, #tpu.memory_space<vmem>>, vector<16xi32>,
        %add3A_185 = arith.constant 64 : i32
        %add3A_186 = arith.addi %mul3A_153, %add3A_185 : i32
        %add3A_187 = vector.broadcast %add3A_186 : i32 to vector<16xi32>
        %add3A_188 = arith.addi %add3A_187, %iota3A : vector<16xi32>
        %swap3A_189 = arith.constant 64 : index
        %swap3A_190 = tpu.vector_load %arg11[%swap3A_189] {strides = array<i32>} : memref<80xi32, #tpu.memory_space<vmem>>, vector<16xi32>,
        %swap3A_191 = vector.shape_cast %swap3A_190 : vector<16xi32> to vector<16xi32>
        %swap3A_192 = vector.shape_cast %add3A_188 : vector<16xi32> to vector<16xi32>
        tpu.vector_store %arg11[%swap3A_189], %swap3A_192 {strides = array<i32>} : memref<80xi32, #tpu.memory_space<vmem>>, vector<16xi32>,
        "tpu.region"() ({
          %run_scoped3A = tpu.sem_alloc : memref<!tpu.dma_semaphore, #tpu.memory_space<semaphore_mem>>
          %dma_start3A_193 = arith.constant 0 : i32
          %dma_start3A_194 = arith.constant 0 : i32
          %dma_start3A_195 = tpu.memref_slice %arg14[%dma_start3A_193, %dma_start3A_194] : memref<10000x128xf32, #tpu.memory_space<vmem_shared>> -> memref<10000x128xf32, #tpu.memory_space<vmem_shared>>
          tpu.enqueue_indirect_dma source(%arg12 : memref<80x128xf32, #tpu.memory_space<vmem>>) target(%dma_start3A_195 : memref<10000x128xf32, #tpu.memory_space<vmem_shared>>) offsets(%arg11 : memref<80xi32, #tpu.memory_space<vmem>>) semaphore(%run_scoped3A : memref<!tpu.dma_semaphore, #tpu.memory_space<semaphore_mem>>)
          %dma_wait3A_196 = arith.constant 0 : i32
          %dma_wait3A_197 = arith.constant 0 : i32
          %dma_wait3A_198 = tpu.memref_slice %arg14[%dma_wait3A_196, %dma_wait3A_197] : memref<10000x128xf32, #tpu.memory_space<vmem_shared>> -> memref<10000x128xf32, #tpu.memory_space<vmem_shared>>
          tpu.wait_indirect_dma semaphore(%run_scoped3A : memref<!tpu.dma_semaphore, #tpu.memory_space<semaphore_mem>>) src(%arg12 : memref<80x128xf32, #tpu.memory_space<vmem>>) dst(%dma_wait3A_198 : memref<10000x128xf32, #tpu.memory_space<vmem_shared>>)
          tpu.yield
        }) : () -> ()
      } else {
      }
      %scan3A_151 = arith.constant 0 : i32
      scf.yield %scan3A_151 : i32
    }
    %scan3A_13 = arith.constant 8 : i32
    %barrier3A = arith.constant 0 : index
    tpu.barrier barrier_id(%barrier3A)
    %mul3A = arith.constant 16 : i32
    %mul3A_14 = arith.muli %arg0, %mul3A : i32
    %add3A = arith.addi %mul3A_14, %arg1 : i32
    %mul3A_15 = arith.constant 10000 : i32
    %mul3A_16 = arith.muli %add3A, %mul3A_15 : i32
    %add3A_17 = arith.constant 0 : i32
    %add3A_18 = arith.addi %mul3A_16, %add3A_17 : i32
    %multiple_of3A = tpu.assume_multiple %add3A_18, 8 : i32
    %dma_start3A = tpu.memref_slice %arg3[%multiple_of3A] : memref<640000xi32, #tpu.memory_space<hbm>> -> memref<80xi32, #tpu.memory_space<hbm>>
    %dma_start3A_19 = tpu.memref_slice %arg3[%multiple_of3A] : memref<640000xi32, #tpu.memory_space<hbm>> -> memref<80xi32, #tpu.memory_space<hbm>>
    tpu.enqueue_dma source(%dma_start3A_19 : memref<80xi32, #tpu.memory_space<hbm>>) target(%arg5 : memref<80xi32, #tpu.memory_space<vmem>>) target_semaphore(%arg17 : memref<!tpu.dma_semaphore, #tpu.memory_space<semaphore_mem>>)
    %add3A_20 = arith.constant 320000 : i32
    %add3A_21 = arith.addi %add3A_20, %multiple_of3A : i32
    %dma_start3A_22 = tpu.memref_slice %arg3[%add3A_21] : memref<640000xi32, #tpu.memory_space<hbm>> -> memref<80xi32, #tpu.memory_space<hbm>>
    %dma_start3A_23 = tpu.memref_slice %arg3[%add3A_21] : memref<640000xi32, #tpu.memory_space<hbm>> -> memref<80xi32, #tpu.memory_space<hbm>>
    tpu.enqueue_dma source(%dma_start3A_23 : memref<80xi32, #tpu.memory_space<hbm>>) target(%arg8 : memref<80xi32, #tpu.memory_space<vmem>>) target_semaphore(%arg20 : memref<!tpu.dma_semaphore, #tpu.memory_space<semaphore_mem>>)
    %add3A_24 = arith.constant 80 : i32
    %add3A_25 = arith.addi %mul3A_16, %add3A_24 : i32
    %multiple_of3A_26 = tpu.assume_multiple %add3A_25, 8 : i32
    %dma_start3A_27 = tpu.memref_slice %arg3[%multiple_of3A_26] : memref<640000xi32, #tpu.memory_space<hbm>> -> memref<80xi32, #tpu.memory_space<hbm>>
    %dma_start3A_28 = tpu.memref_slice %arg3[%multiple_of3A_26] : memref<640000xi32, #tpu.memory_space<hbm>> -> memref<80xi32, #tpu.memory_space<hbm>>
    tpu.enqueue_dma source(%dma_start3A_28 : memref<80xi32, #tpu.memory_space<hbm>>) target(%arg6 : memref<80xi32, #tpu.memory_space<vmem>>) target_semaphore(%arg18 : memref<!tpu.dma_semaphore, #tpu.memory_space<semaphore_mem>>)
    %add3A_29 = arith.constant 320000 : i32
    %add3A_30 = arith.addi %add3A_29, %multiple_of3A_26 : i32
    %dma_start3A_31 = tpu.memref_slice %arg3[%add3A_30] : memref<640000xi32, #tpu.memory_space<hbm>> -> memref<80xi32, #tpu.memory_space<hbm>>
    %dma_start3A_32 = tpu.memref_slice %arg3[%add3A_30] : memref<640000xi32, #tpu.memory_space<hbm>> -> memref<80xi32, #tpu.memory_space<hbm>>
    tpu.enqueue_dma source(%dma_start3A_32 : memref<80xi32, #tpu.memory_space<hbm>>) target(%arg9 : memref<80xi32, #tpu.memory_space<vmem>>) target_semaphore(%arg21 : memref<!tpu.dma_semaphore, #tpu.memory_space<semaphore_mem>>)
    %add3A_33 = arith.constant 160 : i32
    %add3A_34 = arith.addi %mul3A_16, %add3A_33 : i32
    %multiple_of3A_35 = tpu.assume_multiple %add3A_34, 8 : i32
    %dma_start3A_36 = tpu.memref_slice %arg3[%multiple_of3A_35] : memref<640000xi32, #tpu.memory_space<hbm>> -> memref<80xi32, #tpu.memory_space<hbm>>
    %dma_start3A_37 = tpu.memref_slice %arg3[%multiple_of3A_35] : memref<640000xi32, #tpu.memory_space<hbm>> -> memref<80xi32, #tpu.memory_space<hbm>>
    tpu.enqueue_dma source(%dma_start3A_37 : memref<80xi32, #tpu.memory_space<hbm>>) target(%arg7 : memref<80xi32, #tpu.memory_space<vmem>>) target_semaphore(%arg19 : memref<!tpu.dma_semaphore, #tpu.memory_space<semaphore_mem>>)
    %add3A_38 = arith.constant 320000 : i32
    %add3A_39 = arith.addi %add3A_38, %multiple_of3A_35 : i32
    %dma_start3A_40 = tpu.memref_slice %arg3[%add3A_39] : memref<640000xi32, #tpu.memory_space<hbm>> -> memref<80xi32, #tpu.memory_space<hbm>>
    %dma_start3A_41 = tpu.memref_slice %arg3[%add3A_39] : memref<640000xi32, #tpu.memory_space<hbm>> -> memref<80xi32, #tpu.memory_space<hbm>>
    tpu.enqueue_dma source(%dma_start3A_41 : memref<80xi32, #tpu.memory_space<hbm>>) target(%arg10 : memref<80xi32, #tpu.memory_space<vmem>>) target_semaphore(%arg22 : memref<!tpu.dma_semaphore, #tpu.memory_space<semaphore_mem>>)
    %dma_wait3A = arith.constant 0 : i32
    %dma_wait3A_42 = tpu.memref_slice %arg3[%dma_wait3A] : memref<640000xi32, #tpu.memory_space<hbm>> -> memref<80xi32, #tpu.memory_space<hbm>>
    %dma_wait3A_43 = arith.constant 0 : i32
    %dma_wait3A_44 = tpu.memref_slice %arg3[%dma_wait3A_43] : memref<640000xi32, #tpu.memory_space<hbm>> -> memref<80xi32, #tpu.memory_space<hbm>>
    tpu.wait_dma2 semaphore(%arg17 : memref<!tpu.dma_semaphore, #tpu.memory_space<semaphore_mem>>) src(%dma_wait3A_44 : memref<80xi32, #tpu.memory_space<hbm>>) dst(%arg5 : memref<80xi32, #tpu.memory_space<vmem>>)
    %dma_start3A_45 = arith.constant 0 : i32
    %dma_start3A_46 = arith.constant 0 : i32
    %dma_start3A_47 = tpu.memref_slice %arg2[%dma_start3A_45, %dma_start3A_46] : memref<10000x128xf32, #tpu.memory_space<hbm>> -> memref<10000x128xf32, #tpu.memory_space<hbm>>
    tpu.enqueue_indirect_dma source(%dma_start3A_47 : memref<10000x128xf32, #tpu.memory_space<hbm>>) target(%arg12 : memref<80x128xf32, #tpu.memory_space<vmem>>) offsets(%arg5 : memref<80xi32, #tpu.memory_space<vmem>>) semaphore(%arg15 : memref<!tpu.dma_semaphore, #tpu.memory_space<semaphore_mem>>)
    %dma_wait3A_48 = arith.constant 0 : i32
    %dma_wait3A_49 = tpu.memref_slice %arg3[%dma_wait3A_48] : memref<640000xi32, #tpu.memory_space<hbm>> -> memref<80xi32, #tpu.memory_space<hbm>>
    %dma_wait3A_50 = arith.constant 0 : i32
    %dma_wait3A_51 = tpu.memref_slice %arg3[%dma_wait3A_50] : memref<640000xi32, #tpu.memory_space<hbm>> -> memref<80xi32, #tpu.memory_space<hbm>>
    tpu.wait_dma2 semaphore(%arg18 : memref<!tpu.dma_semaphore, #tpu.memory_space<semaphore_mem>>) src(%dma_wait3A_51 : memref<80xi32, #tpu.memory_space<hbm>>) dst(%arg6 : memref<80xi32, #tpu.memory_space<vmem>>)
    %dma_start3A_52 = arith.constant 0 : i32
    %dma_start3A_53 = arith.constant 0 : i32
    %dma_start3A_54 = tpu.memref_slice %arg2[%dma_start3A_52, %dma_start3A_53] : memref<10000x128xf32, #tpu.memory_space<hbm>> -> memref<10000x128xf32, #tpu.memory_space<hbm>>
    tpu.enqueue_indirect_dma source(%dma_start3A_54 : memref<10000x128xf32, #tpu.memory_space<hbm>>) target(%arg13 : memref<80x128xf32, #tpu.memory_space<vmem>>) offsets(%arg6 : memref<80xi32, #tpu.memory_space<vmem>>) semaphore(%arg16 : memref<!tpu.dma_semaphore, #tpu.memory_space<semaphore_mem>>)
    %scan3A_55 = arith.constant 0 : i32
    %scan3A_56 = arith.constant 0 : i32
    %scan3A_57 = arith.constant 20 : i32
    %scan3A_58 = arith.addi %scan3A_56, %scan3A_57 : i32
    %scan3A_59 = arith.constant 1 : i32
    %scan3A_60 = scf.for %scan3A_144 = %scan3A_56 to %scan3A_58 step %scan3A_59 iter_args(%scan3A_145 = %scan3A_55) -> (i32)  : i32 {
      %mul3A_146 = arith.constant 6 : i32
      %mul3A_147 = arith.muli %mul3A_146, %scan3A_144 : i32
      %dma_wait3A_148 = arith.constant 0 : i32
      %dma_wait3A_149 = tpu.memref_slice %arg3[%dma_wait3A_148] : memref<640000xi32, #tpu.memory_space<hbm>> -> memref<80xi32, #tpu.memory_space<hbm>>
      %dma_wait3A_150 = arith.constant 0 : i32
      %dma_wait3A_151 = tpu.memref_slice %arg3[%dma_wait3A_150] : memref<640000xi32, #tpu.memory_space<hbm>> -> memref<80xi32, #tpu.memory_space<hbm>>
      tpu.wait_dma2 semaphore(%arg20 : memref<!tpu.dma_semaphore, #tpu.memory_space<semaphore_mem>>) src(%dma_wait3A_151 : memref<80xi32, #tpu.memory_space<hbm>>) dst(%arg8 : memref<80xi32, #tpu.memory_space<vmem>>)
      %dma_wait3A_152 = arith.constant 0 : i32
      %dma_wait3A_153 = arith.constant 0 : i32
      %dma_wait3A_154 = tpu.memref_slice %arg2[%dma_wait3A_152, %dma_wait3A_153] : memref<10000x128xf32, #tpu.memory_space<hbm>> -> memref<10000x128xf32, #tpu.memory_space<hbm>>
      tpu.wait_indirect_dma semaphore(%arg15 : memref<!tpu.dma_semaphore, #tpu.memory_space<semaphore_mem>>) src(%dma_wait3A_154 : memref<10000x128xf32, #tpu.memory_space<hbm>>) dst(%arg12 : memref<80x128xf32, #tpu.memory_space<vmem>>)
      "tpu.region"() ({
        %run_scoped3A = tpu.sem_alloc : memref<!tpu.dma_semaphore, #tpu.memory_space<semaphore_mem>>
        %dma_start3A_317 = arith.constant 0 : i32
        %dma_start3A_318 = arith.constant 0 : i32
        %dma_start3A_319 = tpu.memref_slice %arg14[%dma_start3A_317, %dma_start3A_318] : memref<10000x128xf32, #tpu.memory_space<vmem_shared>> -> memref<10000x128xf32, #tpu.memory_space<vmem_shared>>
        tpu.enqueue_indirect_dma source(%arg12 : memref<80x128xf32, #tpu.memory_space<vmem>>) target(%dma_start3A_319 : memref<10000x128xf32, #tpu.memory_space<vmem_shared>>) offsets(%arg8 : memref<80xi32, #tpu.memory_space<vmem>>) semaphore(%run_scoped3A : memref<!tpu.dma_semaphore, #tpu.memory_space<semaphore_mem>>) {add = true}
        %dma_wait3A_320 = arith.constant 0 : i32
        %dma_wait3A_321 = arith.constant 0 : i32
        %dma_wait3A_322 = tpu.memref_slice %arg14[%dma_wait3A_320, %dma_wait3A_321] : memref<10000x128xf32, #tpu.memory_space<vmem_shared>> -> memref<10000x128xf32, #tpu.memory_space<vmem_shared>>
        tpu.wait_indirect_dma semaphore(%run_scoped3A : memref<!tpu.dma_semaphore, #tpu.memory_space<semaphore_mem>>) src(%arg12 : memref<80x128xf32, #tpu.memory_space<vmem>>) dst(%dma_wait3A_322 : memref<10000x128xf32, #tpu.memory_space<vmem_shared>>)
        tpu.yield
      }) : () -> ()
      %dma_wait3A_155 = arith.constant 0 : i32
      %dma_wait3A_156 = tpu.memref_slice %arg3[%dma_wait3A_155] : memref<640000xi32, #tpu.memory_space<hbm>> -> memref<80xi32, #tpu.memory_space<hbm>>
      %dma_wait3A_157 = arith.constant 0 : i32
      %dma_wait3A_158 = tpu.memref_slice %arg3[%dma_wait3A_157] : memref<640000xi32, #tpu.memory_space<hbm>> -> memref<80xi32, #tpu.memory_space<hbm>>
      tpu.wait_dma2 semaphore(%arg19 : memref<!tpu.dma_semaphore, #tpu.memory_space<semaphore_mem>>) src(%dma_wait3A_158 : memref<80xi32, #tpu.memory_space<hbm>>) dst(%arg7 : memref<80xi32, #tpu.memory_space<vmem>>)
      %dma_start3A_159 = arith.constant 0 : i32
      %dma_start3A_160 = arith.constant 0 : i32
      %dma_start3A_161 = tpu.memref_slice %arg2[%dma_start3A_159, %dma_start3A_160] : memref<10000x128xf32, #tpu.memory_space<hbm>> -> memref<10000x128xf32, #tpu.memory_space<hbm>>
      tpu.enqueue_indirect_dma source(%dma_start3A_161 : memref<10000x128xf32, #tpu.memory_space<hbm>>) target(%arg12 : memref<80x128xf32, #tpu.memory_space<vmem>>) offsets(%arg7 : memref<80xi32, #tpu.memory_space<vmem>>) semaphore(%arg15 : memref<!tpu.dma_semaphore, #tpu.memory_space<semaphore_mem>>)
      %add3A_162 = arith.constant 0 : i32
      %add3A_163 = arith.addi %mul3A_147, %add3A_162 : i32
      %add3A_164 = arith.constant 3 : i32
      %add3A_165 = arith.addi %add3A_163, %add3A_164 : i32
      %mul3A_166 = arith.constant 80 : i32
      %mul3A_167 = arith.muli %add3A_165, %mul3A_166 : i32
      %add3A_168 = arith.addi %mul3A_16, %mul3A_167 : i32
      %multiple_of3A_169 = tpu.assume_multiple %add3A_168, 8 : i32
      %dma_start3A_170 = tpu.memref_slice %arg3[%multiple_of3A_169] : memref<640000xi32, #tpu.memory_space<hbm>> -> memref<80xi32, #tpu.memory_space<hbm>>
      %dma_start3A_171 = tpu.memref_slice %arg3[%multiple_of3A_169] : memref<640000xi32, #tpu.memory_space<hbm>> -> memref<80xi32, #tpu.memory_space<hbm>>
      tpu.enqueue_dma source(%dma_start3A_171 : memref<80xi32, #tpu.memory_space<hbm>>) target(%arg5 : memref<80xi32, #tpu.memory_space<vmem>>) target_semaphore(%arg17 : memref<!tpu.dma_semaphore, #tpu.memory_space<semaphore_mem>>)
      %add3A_172 = arith.constant 320000 : i32
      %add3A_173 = arith.addi %add3A_172, %multiple_of3A_169 : i32
      %dma_start3A_174 = tpu.memref_slice %arg3[%add3A_173] : memref<640000xi32, #tpu.memory_space<hbm>> -> memref<80xi32, #tpu.memory_space<hbm>>
      %dma_start3A_175 = tpu.memref_slice %arg3[%add3A_173] : memref<640000xi32, #tpu.memory_space<hbm>> -> memref<80xi32, #tpu.memory_space<hbm>>
      tpu.enqueue_dma source(%dma_start3A_175 : memref<80xi32, #tpu.memory_space<hbm>>) target(%arg8 : memref<80xi32, #tpu.memory_space<vmem>>) target_semaphore(%arg20 : memref<!tpu.dma_semaphore, #tpu.memory_space<semaphore_mem>>)
      %dma_wait3A_176 = arith.constant 0 : i32
      %dma_wait3A_177 = tpu.memref_slice %arg3[%dma_wait3A_176] : memref<640000xi32, #tpu.memory_space<hbm>> -> memref<80xi32, #tpu.memory_space<hbm>>
      %dma_wait3A_178 = arith.constant 0 : i32
      %dma_wait3A_179 = tpu.memref_slice %arg3[%dma_wait3A_178] : memref<640000xi32, #tpu.memory_space<hbm>> -> memref<80xi32, #tpu.memory_space<hbm>>
      tpu.wait_dma2 semaphore(%arg21 : memref<!tpu.dma_semaphore, #tpu.memory_space<semaphore_mem>>) src(%dma_wait3A_179 : memref<80xi32, #tpu.memory_space<hbm>>) dst(%arg9 : memref<80xi32, #tpu.memory_space<vmem>>)
      %dma_wait3A_180 = arith.constant 0 : i32
      %dma_wait3A_181 = arith.constant 0 : i32
      %dma_wait3A_182 = tpu.memref_slice %arg2[%dma_wait3A_180, %dma_wait3A_181] : memref<10000x128xf32, #tpu.memory_space<hbm>> -> memref<10000x128xf32, #tpu.memory_space<hbm>>
      tpu.wait_indirect_dma semaphore(%arg16 : memref<!tpu.dma_semaphore, #tpu.memory_space<semaphore_mem>>) src(%dma_wait3A_182 : memref<10000x128xf32, #tpu.memory_space<hbm>>) dst(%arg13 : memref<80x128xf32, #tpu.memory_space<vmem>>)
      "tpu.region"() ({
        %run_scoped3A = tpu.sem_alloc : memref<!tpu.dma_semaphore, #tpu.memory_space<semaphore_mem>>
        %dma_start3A_317 = arith.constant 0 : i32
        %dma_start3A_318 = arith.constant 0 : i32
        %dma_start3A_319 = tpu.memref_slice %arg14[%dma_start3A_317, %dma_start3A_318] : memref<10000x128xf32, #tpu.memory_space<vmem_shared>> -> memref<10000x128xf32, #tpu.memory_space<vmem_shared>>
        tpu.enqueue_indirect_dma source(%arg13 : memref<80x128xf32, #tpu.memory_space<vmem>>) target(%dma_start3A_319 : memref<10000x128xf32, #tpu.memory_space<vmem_shared>>) offsets(%arg9 : memref<80xi32, #tpu.memory_space<vmem>>) semaphore(%run_scoped3A : memref<!tpu.dma_semaphore, #tpu.memory_space<semaphore_mem>>) {add = true}
        %dma_wait3A_320 = arith.constant 0 : i32
        %dma_wait3A_321 = arith.constant 0 : i32
        %dma_wait3A_322 = tpu.memref_slice %arg14[%dma_wait3A_320, %dma_wait3A_321] : memref<10000x128xf32, #tpu.memory_space<vmem_shared>> -> memref<10000x128xf32, #tpu.memory_space<vmem_shared>>
        tpu.wait_indirect_dma semaphore(%run_scoped3A : memref<!tpu.dma_semaphore, #tpu.memory_space<semaphore_mem>>) src(%arg13 : memref<80x128xf32, #tpu.memory_space<vmem>>) dst(%dma_wait3A_322 : memref<10000x128xf32, #tpu.memory_space<vmem_shared>>)
        tpu.yield
      }) : () -> ()
      %dma_wait3A_183 = arith.constant 0 : i32
      %dma_wait3A_184 = tpu.memref_slice %arg3[%dma_wait3A_183] : memref<640000xi32, #tpu.memory_space<hbm>> -> memref<80xi32, #tpu.memory_space<hbm>>
      %dma_wait3A_185 = arith.constant 0 : i32
      %dma_wait3A_186 = tpu.memref_slice %arg3[%dma_wait3A_185] : memref<640000xi32, #tpu.memory_space<hbm>> -> memref<80xi32, #tpu.memory_space<hbm>>
      tpu.wait_dma2 semaphore(%arg17 : memref<!tpu.dma_semaphore, #tpu.memory_space<semaphore_mem>>) src(%dma_wait3A_186 : memref<80xi32, #tpu.memory_space<hbm>>) dst(%arg5 : memref<80xi32, #tpu.memory_space<vmem>>)
      %dma_start3A_187 = arith.constant 0 : i32
      %dma_start3A_188 = arith.constant 0 : i32
      %dma_start3A_189 = tpu.memref_slice %arg2[%dma_start3A_187, %dma_start3A_188] : memref<10000x128xf32, #tpu.memory_space<hbm>> -> memref<10000x128xf32, #tpu.memory_space<hbm>>
      tpu.enqueue_indirect_dma source(%dma_start3A_189 : memref<10000x128xf32, #tpu.memory_space<hbm>>) target(%arg13 : memref<80x128xf32, #tpu.memory_space<vmem>>) offsets(%arg5 : memref<80xi32, #tpu.memory_space<vmem>>) semaphore(%arg16 : memref<!tpu.dma_semaphore, #tpu.memory_space<semaphore_mem>>)
      %add3A_190 = arith.constant 1 : i32
      %add3A_191 = arith.addi %mul3A_147, %add3A_190 : i32
      %add3A_192 = arith.constant 3 : i32
      %add3A_193 = arith.addi %add3A_191, %add3A_192 : i32
      %mul3A_194 = arith.constant 80 : i32
      %mul3A_195 = arith.muli %add3A_193, %mul3A_194 : i32
      %add3A_196 = arith.addi %mul3A_16, %mul3A_195 : i32
      %multiple_of3A_197 = tpu.assume_multiple %add3A_196, 8 : i32
      %dma_start3A_198 = tpu.memref_slice %arg3[%multiple_of3A_197] : memref<640000xi32, #tpu.memory_space<hbm>> -> memref<80xi32, #tpu.memory_space<hbm>>
      %dma_start3A_199 = tpu.memref_slice %arg3[%multiple_of3A_197] : memref<640000xi32, #tpu.memory_space<hbm>> -> memref<80xi32, #tpu.memory_space<hbm>>
      tpu.enqueue_dma source(%dma_start3A_199 : memref<80xi32, #tpu.memory_space<hbm>>) target(%arg6 : memref<80xi32, #tpu.memory_space<vmem>>) target_semaphore(%arg18 : memref<!tpu.dma_semaphore, #tpu.memory_space<semaphore_mem>>)
      %add3A_200 = arith.constant 320000 : i32
      %add3A_201 = arith.addi %add3A_200, %multiple_of3A_197 : i32
      %dma_start3A_202 = tpu.memref_slice %arg3[%add3A_201] : memref<640000xi32, #tpu.memory_space<hbm>> -> memref<80xi32, #tpu.memory_space<hbm>>
      %dma_start3A_203 = tpu.memref_slice %arg3[%add3A_201] : memref<640000xi32, #tpu.memory_space<hbm>> -> memref<80xi32, #tpu.memory_space<hbm>>
      tpu.enqueue_dma source(%dma_start3A_203 : memref<80xi32, #tpu.memory_space<hbm>>) target(%arg9 : memref<80xi32, #tpu.memory_space<vmem>>) target_semaphore(%arg21 : memref<!tpu.dma_semaphore, #tpu.memory_space<semaphore_mem>>)
      %dma_wait3A_204 = arith.constant 0 : i32
      %dma_wait3A_205 = tpu.memref_slice %arg3[%dma_wait3A_204] : memref<640000xi32, #tpu.memory_space<hbm>> -> memref<80xi32, #tpu.memory_space<hbm>>
      %dma_wait3A_206 = arith.constant 0 : i32
      %dma_wait3A_207 = tpu.memref_slice %arg3[%dma_wait3A_206] : memref<640000xi32, #tpu.memory_space<hbm>> -> memref<80xi32, #tpu.memory_space<hbm>>
      tpu.wait_dma2 semaphore(%arg22 : memref<!tpu.dma_semaphore, #tpu.memory_space<semaphore_mem>>) src(%dma_wait3A_207 : memref<80xi32, #tpu.memory_space<hbm>>) dst(%arg10 : memref<80xi32, #tpu.memory_space<vmem>>)
      %dma_wait3A_208 = arith.constant 0 : i32
      %dma_wait3A_209 = arith.constant 0 : i32
      %dma_wait3A_210 = tpu.memref_slice %arg2[%dma_wait3A_208, %dma_wait3A_209] : memref<10000x128xf32, #tpu.memory_space<hbm>> -> memref<10000x128xf32, #tpu.memory_space<hbm>>
      tpu.wait_indirect_dma semaphore(%arg15 : memref<!tpu.dma_semaphore, #tpu.memory_space<semaphore_mem>>) src(%dma_wait3A_210 : memref<10000x128xf32, #tpu.memory_space<hbm>>) dst(%arg12 : memref<80x128xf32, #tpu.memory_space<vmem>>)
      "tpu.region"() ({
        %run_scoped3A = tpu.sem_alloc : memref<!tpu.dma_semaphore, #tpu.memory_space<semaphore_mem>>
        %dma_start3A_317 = arith.constant 0 : i32
        %dma_start3A_318 = arith.constant 0 : i32
        %dma_start3A_319 = tpu.memref_slice %arg14[%dma_start3A_317, %dma_start3A_318] : memref<10000x128xf32, #tpu.memory_space<vmem_shared>> -> memref<10000x128xf32, #tpu.memory_space<vmem_shared>>
        tpu.enqueue_indirect_dma source(%arg12 : memref<80x128xf32, #tpu.memory_space<vmem>>) target(%dma_start3A_319 : memref<10000x128xf32, #tpu.memory_space<vmem_shared>>) offsets(%arg10 : memref<80xi32, #tpu.memory_space<vmem>>) semaphore(%run_scoped3A : memref<!tpu.dma_semaphore, #tpu.memory_space<semaphore_mem>>) {add = true}
        %dma_wait3A_320 = arith.constant 0 : i32
        %dma_wait3A_321 = arith.constant 0 : i32
        %dma_wait3A_322 = tpu.memref_slice %arg14[%dma_wait3A_320, %dma_wait3A_321] : memref<10000x128xf32, #tpu.memory_space<vmem_shared>> -> memref<10000x128xf32, #tpu.memory_space<vmem_shared>>
        tpu.wait_indirect_dma semaphore(%run_scoped3A : memref<!tpu.dma_semaphore, #tpu.memory_space<semaphore_mem>>) src(%arg12 : memref<80x128xf32, #tpu.memory_space<vmem>>) dst(%dma_wait3A_322 : memref<10000x128xf32, #tpu.memory_space<vmem_shared>>)
        tpu.yield
      }) : () -> ()
      %dma_wait3A_211 = arith.constant 0 : i32
      %dma_wait3A_212 = tpu.memref_slice %arg3[%dma_wait3A_211] : memref<640000xi32, #tpu.memory_space<hbm>> -> memref<80xi32, #tpu.memory_space<hbm>>
      %dma_wait3A_213 = arith.constant 0 : i32
      %dma_wait3A_214 = tpu.memref_slice %arg3[%dma_wait3A_213] : memref<640000xi32, #tpu.memory_space<hbm>> -> memref<80xi32, #tpu.memory_space<hbm>>
      tpu.wait_dma2 semaphore(%arg18 : memref<!tpu.dma_semaphore, #tpu.memory_space<semaphore_mem>>) src(%dma_wait3A_214 : memref<80xi32, #tpu.memory_space<hbm>>) dst(%arg6 : memref<80xi32, #tpu.memory_space<vmem>>)
      %dma_start3A_215 = arith.constant 0 : i32
      %dma_start3A_216 = arith.constant 0 : i32
      %dma_start3A_217 = tpu.memref_slice %arg2[%dma_start3A_215, %dma_start3A_216] : memref<10000x128xf32, #tpu.memory_space<hbm>> -> memref<10000x128xf32, #tpu.memory_space<hbm>>
      tpu.enqueue_indirect_dma source(%dma_start3A_217 : memref<10000x128xf32, #tpu.memory_space<hbm>>) target(%arg12 : memref<80x128xf32, #tpu.memory_space<vmem>>) offsets(%arg6 : memref<80xi32, #tpu.memory_space<vmem>>) semaphore(%arg15 : memref<!tpu.dma_semaphore, #tpu.memory_space<semaphore_mem>>)
      %add3A_218 = arith.constant 2 : i32
      %add3A_219 = arith.addi %mul3A_147, %add3A_218 : i32
      %add3A_220 = arith.constant 3 : i32
      %add3A_221 = arith.addi %add3A_219, %add3A_220 : i32
      %mul3A_222 = arith.constant 80 : i32
      %mul3A_223 = arith.muli %add3A_221, %mul3A_222 : i32
      %add3A_224 = arith.addi %mul3A_16, %mul3A_223 : i32
      %multiple_of3A_225 = tpu.assume_multiple %add3A_224, 8 : i32
      %dma_start3A_226 = tpu.memref_slice %arg3[%multiple_of3A_225] : memref<640000xi32, #tpu.memory_space<hbm>> -> memref<80xi32, #tpu.memory_space<hbm>>
      %dma_start3A_227 = tpu.memref_slice %arg3[%multiple_of3A_225] : memref<640000xi32, #tpu.memory_space<hbm>> -> memref<80xi32, #tpu.memory_space<hbm>>
      tpu.enqueue_dma source(%dma_start3A_227 : memref<80xi32, #tpu.memory_space<hbm>>) target(%arg7 : memref<80xi32, #tpu.memory_space<vmem>>) target_semaphore(%arg19 : memref<!tpu.dma_semaphore, #tpu.memory_space<semaphore_mem>>)
      %add3A_228 = arith.constant 320000 : i32
      %add3A_229 = arith.addi %add3A_228, %multiple_of3A_225 : i32
      %dma_start3A_230 = tpu.memref_slice %arg3[%add3A_229] : memref<640000xi32, #tpu.memory_space<hbm>> -> memref<80xi32, #tpu.memory_space<hbm>>
      %dma_start3A_231 = tpu.memref_slice %arg3[%add3A_229] : memref<640000xi32, #tpu.memory_space<hbm>> -> memref<80xi32, #tpu.memory_space<hbm>>
      tpu.enqueue_dma source(%dma_start3A_231 : memref<80xi32, #tpu.memory_space<hbm>>) target(%arg10 : memref<80xi32, #tpu.memory_space<vmem>>) target_semaphore(%arg22 : memref<!tpu.dma_semaphore, #tpu.memory_space<semaphore_mem>>)
      %dma_wait3A_232 = arith.constant 0 : i32
      %dma_wait3A_233 = tpu.memref_slice %arg3[%dma_wait3A_232] : memref<640000xi32, #tpu.memory_space<hbm>> -> memref<80xi32, #tpu.memory_space<hbm>>
      %dma_wait3A_234 = arith.constant 0 : i32
      %dma_wait3A_235 = tpu.memref_slice %arg3[%dma_wait3A_234] : memref<640000xi32, #tpu.memory_space<hbm>> -> memref<80xi32, #tpu.memory_space<hbm>>
      tpu.wait_dma2 semaphore(%arg20 : memref<!tpu.dma_semaphore, #tpu.memory_space<semaphore_mem>>) src(%dma_wait3A_235 : memref<80xi32, #tpu.memory_space<hbm>>) dst(%arg8 : memref<80xi32, #tpu.memory_space<vmem>>)
      %dma_wait3A_236 = arith.constant 0 : i32
      %dma_wait3A_237 = arith.constant 0 : i32
      %dma_wait3A_238 = tpu.memref_slice %arg2[%dma_wait3A_236, %dma_wait3A_237] : memref<10000x128xf32, #tpu.memory_space<hbm>> -> memref<10000x128xf32, #tpu.memory_space<hbm>>
      tpu.wait_indirect_dma semaphore(%arg16 : memref<!tpu.dma_semaphore, #tpu.memory_space<semaphore_mem>>) src(%dma_wait3A_238 : memref<10000x128xf32, #tpu.memory_space<hbm>>) dst(%arg13 : memref<80x128xf32, #tpu.memory_space<vmem>>)
      "tpu.region"() ({
        %run_scoped3A = tpu.sem_alloc : memref<!tpu.dma_semaphore, #tpu.memory_space<semaphore_mem>>
        %dma_start3A_317 = arith.constant 0 : i32
        %dma_start3A_318 = arith.constant 0 : i32
        %dma_start3A_319 = tpu.memref_slice %arg14[%dma_start3A_317, %dma_start3A_318] : memref<10000x128xf32, #tpu.memory_space<vmem_shared>> -> memref<10000x128xf32, #tpu.memory_space<vmem_shared>>
        tpu.enqueue_indirect_dma source(%arg13 : memref<80x128xf32, #tpu.memory_space<vmem>>) target(%dma_start3A_319 : memref<10000x128xf32, #tpu.memory_space<vmem_shared>>) offsets(%arg8 : memref<80xi32, #tpu.memory_space<vmem>>) semaphore(%run_scoped3A : memref<!tpu.dma_semaphore, #tpu.memory_space<semaphore_mem>>) {add = true}
        %dma_wait3A_320 = arith.constant 0 : i32
        %dma_wait3A_321 = arith.constant 0 : i32
        %dma_wait3A_322 = tpu.memref_slice %arg14[%dma_wait3A_320, %dma_wait3A_321] : memref<10000x128xf32, #tpu.memory_space<vmem_shared>> -> memref<10000x128xf32, #tpu.memory_space<vmem_shared>>
        tpu.wait_indirect_dma semaphore(%run_scoped3A : memref<!tpu.dma_semaphore, #tpu.memory_space<semaphore_mem>>) src(%arg13 : memref<80x128xf32, #tpu.memory_space<vmem>>) dst(%dma_wait3A_322 : memref<10000x128xf32, #tpu.memory_space<vmem_shared>>)
        tpu.yield
      }) : () -> ()
      %dma_wait3A_239 = arith.constant 0 : i32
      %dma_wait3A_240 = tpu.memref_slice %arg3[%dma_wait3A_239] : memref<640000xi32, #tpu.memory_space<hbm>> -> memref<80xi32, #tpu.memory_space<hbm>>
      %dma_wait3A_241 = arith.constant 0 : i32
      %dma_wait3A_242 = tpu.memref_slice %arg3[%dma_wait3A_241] : memref<640000xi32, #tpu.memory_space<hbm>> -> memref<80xi32, #tpu.memory_space<hbm>>
      tpu.wait_dma2 semaphore(%arg19 : memref<!tpu.dma_semaphore, #tpu.memory_space<semaphore_mem>>) src(%dma_wait3A_242 : memref<80xi32, #tpu.memory_space<hbm>>) dst(%arg7 : memref<80xi32, #tpu.memory_space<vmem>>)
      %dma_start3A_243 = arith.constant 0 : i32
      %dma_start3A_244 = arith.constant 0 : i32
      %dma_start3A_245 = tpu.memref_slice %arg2[%dma_start3A_243, %dma_start3A_244] : memref<10000x128xf32, #tpu.memory_space<hbm>> -> memref<10000x128xf32, #tpu.memory_space<hbm>>
      tpu.enqueue_indirect_dma source(%dma_start3A_245 : memref<10000x128xf32, #tpu.memory_space<hbm>>) target(%arg13 : memref<80x128xf32, #tpu.memory_space<vmem>>) offsets(%arg7 : memref<80xi32, #tpu.memory_space<vmem>>) semaphore(%arg16 : memref<!tpu.dma_semaphore, #tpu.memory_space<semaphore_mem>>)
      %add3A_246 = arith.constant 3 : i32
      %add3A_247 = arith.addi %mul3A_147, %add3A_246 : i32
      %add3A_248 = arith.constant 3 : i32
      %add3A_249 = arith.addi %add3A_247, %add3A_248 : i32
      %mul3A_250 = arith.constant 80 : i32
      %mul3A_251 = arith.muli %add3A_249, %mul3A_250 : i32
      %add3A_252 = arith.addi %mul3A_16, %mul3A_251 : i32
      %multiple_of3A_253 = tpu.assume_multiple %add3A_252, 8 : i32
      %dma_start3A_254 = tpu.memref_slice %arg3[%multiple_of3A_253] : memref<640000xi32, #tpu.memory_space<hbm>> -> memref<80xi32, #tpu.memory_space<hbm>>
      %dma_start3A_255 = tpu.memref_slice %arg3[%multiple_of3A_253] : memref<640000xi32, #tpu.memory_space<hbm>> -> memref<80xi32, #tpu.memory_space<hbm>>
      tpu.enqueue_dma source(%dma_start3A_255 : memref<80xi32, #tpu.memory_space<hbm>>) target(%arg5 : memref<80xi32, #tpu.memory_space<vmem>>) target_semaphore(%arg17 : memref<!tpu.dma_semaphore, #tpu.memory_space<semaphore_mem>>)
      %add3A_256 = arith.constant 320000 : i32
      %add3A_257 = arith.addi %add3A_256, %multiple_of3A_253 : i32
      %dma_start3A_258 = tpu.memref_slice %arg3[%add3A_257] : memref<640000xi32, #tpu.memory_space<hbm>> -> memref<80xi32, #tpu.memory_space<hbm>>
      %dma_start3A_259 = tpu.memref_slice %arg3[%add3A_257] : memref<640000xi32, #tpu.memory_space<hbm>> -> memref<80xi32, #tpu.memory_space<hbm>>
      tpu.enqueue_dma source(%dma_start3A_259 : memref<80xi32, #tpu.memory_space<hbm>>) target(%arg8 : memref<80xi32, #tpu.memory_space<vmem>>) target_semaphore(%arg20 : memref<!tpu.dma_semaphore, #tpu.memory_space<semaphore_mem>>)
      %dma_wait3A_260 = arith.constant 0 : i32
      %dma_wait3A_261 = tpu.memref_slice %arg3[%dma_wait3A_260] : memref<640000xi32, #tpu.memory_space<hbm>> -> memref<80xi32, #tpu.memory_space<hbm>>
      %dma_wait3A_262 = arith.constant 0 : i32
      %dma_wait3A_263 = tpu.memref_slice %arg3[%dma_wait3A_262] : memref<640000xi32, #tpu.memory_space<hbm>> -> memref<80xi32, #tpu.memory_space<hbm>>
      tpu.wait_dma2 semaphore(%arg21 : memref<!tpu.dma_semaphore, #tpu.memory_space<semaphore_mem>>) src(%dma_wait3A_263 : memref<80xi32, #tpu.memory_space<hbm>>) dst(%arg9 : memref<80xi32, #tpu.memory_space<vmem>>)
      %dma_wait3A_264 = arith.constant 0 : i32
      %dma_wait3A_265 = arith.constant 0 : i32
      %dma_wait3A_266 = tpu.memref_slice %arg2[%dma_wait3A_264, %dma_wait3A_265] : memref<10000x128xf32, #tpu.memory_space<hbm>> -> memref<10000x128xf32, #tpu.memory_space<hbm>>
      tpu.wait_indirect_dma semaphore(%arg15 : memref<!tpu.dma_semaphore, #tpu.memory_space<semaphore_mem>>) src(%dma_wait3A_266 : memref<10000x128xf32, #tpu.memory_space<hbm>>) dst(%arg12 : memref<80x128xf32, #tpu.memory_space<vmem>>)
      "tpu.region"() ({
        %run_scoped3A = tpu.sem_alloc : memref<!tpu.dma_semaphore, #tpu.memory_space<semaphore_mem>>
        %dma_start3A_317 = arith.constant 0 : i32
        %dma_start3A_318 = arith.constant 0 : i32
        %dma_start3A_319 = tpu.memref_slice %arg14[%dma_start3A_317, %dma_start3A_318] : memref<10000x128xf32, #tpu.memory_space<vmem_shared>> -> memref<10000x128xf32, #tpu.memory_space<vmem_shared>>
        tpu.enqueue_indirect_dma source(%arg12 : memref<80x128xf32, #tpu.memory_space<vmem>>) target(%dma_start3A_319 : memref<10000x128xf32, #tpu.memory_space<vmem_shared>>) offsets(%arg9 : memref<80xi32, #tpu.memory_space<vmem>>) semaphore(%run_scoped3A : memref<!tpu.dma_semaphore, #tpu.memory_space<semaphore_mem>>) {add = true}
        %dma_wait3A_320 = arith.constant 0 : i32
        %dma_wait3A_321 = arith.constant 0 : i32
        %dma_wait3A_322 = tpu.memref_slice %arg14[%dma_wait3A_320, %dma_wait3A_321] : memref<10000x128xf32, #tpu.memory_space<vmem_shared>> -> memref<10000x128xf32, #tpu.memory_space<vmem_shared>>
        tpu.wait_indirect_dma semaphore(%run_scoped3A : memref<!tpu.dma_semaphore, #tpu.memory_space<semaphore_mem>>) src(%arg12 : memref<80x128xf32, #tpu.memory_space<vmem>>) dst(%dma_wait3A_322 : memref<10000x128xf32, #tpu.memory_space<vmem_shared>>)
        tpu.yield
      }) : () -> ()
      %dma_wait3A_267 = arith.constant 0 : i32
      %dma_wait3A_268 = tpu.memref_slice %arg3[%dma_wait3A_267] : memref<640000xi32, #tpu.memory_space<hbm>> -> memref<80xi32, #tpu.memory_space<hbm>>
      %dma_wait3A_269 = arith.constant 0 : i32
      %dma_wait3A_270 = tpu.memref_slice %arg3[%dma_wait3A_269] : memref<640000xi32, #tpu.memory_space<hbm>> -> memref<80xi32, #tpu.memory_space<hbm>>
      tpu.wait_dma2 semaphore(%arg17 : memref<!tpu.dma_semaphore, #tpu.memory_space<semaphore_mem>>) src(%dma_wait3A_270 : memref<80xi32, #tpu.memory_space<hbm>>) dst(%arg5 : memref<80xi32, #tpu.memory_space<vmem>>)
      %dma_start3A_271 = arith.constant 0 : i32
      %dma_start3A_272 = arith.constant 0 : i32
      %dma_start3A_273 = tpu.memref_slice %arg2[%dma_start3A_271, %dma_start3A_272] : memref<10000x128xf32, #tpu.memory_space<hbm>> -> memref<10000x128xf32, #tpu.memory_space<hbm>>
      tpu.enqueue_indirect_dma source(%dma_start3A_273 : memref<10000x128xf32, #tpu.memory_space<hbm>>) target(%arg12 : memref<80x128xf32, #tpu.memory_space<vmem>>) offsets(%arg5 : memref<80xi32, #tpu.memory_space<vmem>>) semaphore(%arg15 : memref<!tpu.dma_semaphore, #tpu.memory_space<semaphore_mem>>)
      %add3A_274 = arith.constant 4 : i32
      %add3A_275 = arith.addi %mul3A_147, %add3A_274 : i32
      %add3A_276 = arith.constant 3 : i32
      %add3A_277 = arith.addi %add3A_275, %add3A_276 : i32
      %mul3A_278 = arith.constant 80 : i32
      %mul3A_279 = arith.muli %add3A_277, %mul3A_278 : i32
      %add3A_280 = arith.addi %mul3A_16, %mul3A_279 : i32
      %multiple_of3A_281 = tpu.assume_multiple %add3A_280, 8 : i32
      %dma_start3A_282 = tpu.memref_slice %arg3[%multiple_of3A_281] : memref<640000xi32, #tpu.memory_space<hbm>> -> memref<80xi32, #tpu.memory_space<hbm>>
      %dma_start3A_283 = tpu.memref_slice %arg3[%multiple_of3A_281] : memref<640000xi32, #tpu.memory_space<hbm>> -> memref<80xi32, #tpu.memory_space<hbm>>
      tpu.enqueue_dma source(%dma_start3A_283 : memref<80xi32, #tpu.memory_space<hbm>>) target(%arg6 : memref<80xi32, #tpu.memory_space<vmem>>) target_semaphore(%arg18 : memref<!tpu.dma_semaphore, #tpu.memory_space<semaphore_mem>>)
      %add3A_284 = arith.constant 320000 : i32
      %add3A_285 = arith.addi %add3A_284, %multiple_of3A_281 : i32
      %dma_start3A_286 = tpu.memref_slice %arg3[%add3A_285] : memref<640000xi32, #tpu.memory_space<hbm>> -> memref<80xi32, #tpu.memory_space<hbm>>
      %dma_start3A_287 = tpu.memref_slice %arg3[%add3A_285] : memref<640000xi32, #tpu.memory_space<hbm>> -> memref<80xi32, #tpu.memory_space<hbm>>
      tpu.enqueue_dma source(%dma_start3A_287 : memref<80xi32, #tpu.memory_space<hbm>>) target(%arg9 : memref<80xi32, #tpu.memory_space<vmem>>) target_semaphore(%arg21 : memref<!tpu.dma_semaphore, #tpu.memory_space<semaphore_mem>>)
      %dma_wait3A_288 = arith.constant 0 : i32
      %dma_wait3A_289 = tpu.memref_slice %arg3[%dma_wait3A_288] : memref<640000xi32, #tpu.memory_space<hbm>> -> memref<80xi32, #tpu.memory_space<hbm>>
      %dma_wait3A_290 = arith.constant 0 : i32
      %dma_wait3A_291 = tpu.memref_slice %arg3[%dma_wait3A_290] : memref<640000xi32, #tpu.memory_space<hbm>> -> memref<80xi32, #tpu.memory_space<hbm>>
      tpu.wait_dma2 semaphore(%arg22 : memref<!tpu.dma_semaphore, #tpu.memory_space<semaphore_mem>>) src(%dma_wait3A_291 : memref<80xi32, #tpu.memory_space<hbm>>) dst(%arg10 : memref<80xi32, #tpu.memory_space<vmem>>)
      %dma_wait3A_292 = arith.constant 0 : i32
      %dma_wait3A_293 = arith.constant 0 : i32
      %dma_wait3A_294 = tpu.memref_slice %arg2[%dma_wait3A_292, %dma_wait3A_293] : memref<10000x128xf32, #tpu.memory_space<hbm>> -> memref<10000x128xf32, #tpu.memory_space<hbm>>
      tpu.wait_indirect_dma semaphore(%arg16 : memref<!tpu.dma_semaphore, #tpu.memory_space<semaphore_mem>>) src(%dma_wait3A_294 : memref<10000x128xf32, #tpu.memory_space<hbm>>) dst(%arg13 : memref<80x128xf32, #tpu.memory_space<vmem>>)
      "tpu.region"() ({
        %run_scoped3A = tpu.sem_alloc : memref<!tpu.dma_semaphore, #tpu.memory_space<semaphore_mem>>
        %dma_start3A_317 = arith.constant 0 : i32
        %dma_start3A_318 = arith.constant 0 : i32
        %dma_start3A_319 = tpu.memref_slice %arg14[%dma_start3A_317, %dma_start3A_318] : memref<10000x128xf32, #tpu.memory_space<vmem_shared>> -> memref<10000x128xf32, #tpu.memory_space<vmem_shared>>
        tpu.enqueue_indirect_dma source(%arg13 : memref<80x128xf32, #tpu.memory_space<vmem>>) target(%dma_start3A_319 : memref<10000x128xf32, #tpu.memory_space<vmem_shared>>) offsets(%arg10 : memref<80xi32, #tpu.memory_space<vmem>>) semaphore(%run_scoped3A : memref<!tpu.dma_semaphore, #tpu.memory_space<semaphore_mem>>) {add = true}
        %dma_wait3A_320 = arith.constant 0 : i32
        %dma_wait3A_321 = arith.constant 0 : i32
        %dma_wait3A_322 = tpu.memref_slice %arg14[%dma_wait3A_320, %dma_wait3A_321] : memref<10000x128xf32, #tpu.memory_space<vmem_shared>> -> memref<10000x128xf32, #tpu.memory_space<vmem_shared>>
        tpu.wait_indirect_dma semaphore(%run_scoped3A : memref<!tpu.dma_semaphore, #tpu.memory_space<semaphore_mem>>) src(%arg13 : memref<80x128xf32, #tpu.memory_space<vmem>>) dst(%dma_wait3A_322 : memref<10000x128xf32, #tpu.memory_space<vmem_shared>>)
        tpu.yield
      }) : () -> ()
      %dma_wait3A_295 = arith.constant 0 : i32
      %dma_wait3A_296 = tpu.memref_slice %arg3[%dma_wait3A_295] : memref<640000xi32, #tpu.memory_space<hbm>> -> memref<80xi32, #tpu.memory_space<hbm>>
      %dma_wait3A_297 = arith.constant 0 : i32
      %dma_wait3A_298 = tpu.memref_slice %arg3[%dma_wait3A_297] : memref<640000xi32, #tpu.memory_space<hbm>> -> memref<80xi32, #tpu.memory_space<hbm>>
      tpu.wait_dma2 semaphore(%arg18 : memref<!tpu.dma_semaphore, #tpu.memory_space<semaphore_mem>>) src(%dma_wait3A_298 : memref<80xi32, #tpu.memory_space<hbm>>) dst(%arg6 : memref<80xi32, #tpu.memory_space<vmem>>)
      %dma_start3A_299 = arith.constant 0 : i32
      %dma_start3A_300 = arith.constant 0 : i32
      %dma_start3A_301 = tpu.memref_slice %arg2[%dma_start3A_299, %dma_start3A_300] : memref<10000x128xf32, #tpu.memory_space<hbm>> -> memref<10000x128xf32, #tpu.memory_space<hbm>>
      tpu.enqueue_indirect_dma source(%dma_start3A_301 : memref<10000x128xf32, #tpu.memory_space<hbm>>) target(%arg13 : memref<80x128xf32, #tpu.memory_space<vmem>>) offsets(%arg6 : memref<80xi32, #tpu.memory_space<vmem>>) semaphore(%arg16 : memref<!tpu.dma_semaphore, #tpu.memory_space<semaphore_mem>>)
      %add3A_302 = arith.constant 5 : i32
      %add3A_303 = arith.addi %mul3A_147, %add3A_302 : i32
      %add3A_304 = arith.constant 3 : i32
      %add3A_305 = arith.addi %add3A_303, %add3A_304 : i32
      %mul3A_306 = arith.constant 80 : i32
      %mul3A_307 = arith.muli %add3A_305, %mul3A_306 : i32
      %add3A_308 = arith.addi %mul3A_16, %mul3A_307 : i32
      %multiple_of3A_309 = tpu.assume_multiple %add3A_308, 8 : i32
      %dma_start3A_310 = tpu.memref_slice %arg3[%multiple_of3A_309] : memref<640000xi32, #tpu.memory_space<hbm>> -> memref<80xi32, #tpu.memory_space<hbm>>
      %dma_start3A_311 = tpu.memref_slice %arg3[%multiple_of3A_309] : memref<640000xi32, #tpu.memory_space<hbm>> -> memref<80xi32, #tpu.memory_space<hbm>>
      tpu.enqueue_dma source(%dma_start3A_311 : memref<80xi32, #tpu.memory_space<hbm>>) target(%arg7 : memref<80xi32, #tpu.memory_space<vmem>>) target_semaphore(%arg19 : memref<!tpu.dma_semaphore, #tpu.memory_space<semaphore_mem>>)
      %add3A_312 = arith.constant 320000 : i32
      %add3A_313 = arith.addi %add3A_312, %multiple_of3A_309 : i32
      %dma_start3A_314 = tpu.memref_slice %arg3[%add3A_313] : memref<640000xi32, #tpu.memory_space<hbm>> -> memref<80xi32, #tpu.memory_space<hbm>>
      %dma_start3A_315 = tpu.memref_slice %arg3[%add3A_313] : memref<640000xi32, #tpu.memory_space<hbm>> -> memref<80xi32, #tpu.memory_space<hbm>>
      tpu.enqueue_dma source(%dma_start3A_315 : memref<80xi32, #tpu.memory_space<hbm>>) target(%arg10 : memref<80xi32, #tpu.memory_space<vmem>>) target_semaphore(%arg22 : memref<!tpu.dma_semaphore, #tpu.memory_space<semaphore_mem>>)
      %scan3A_316 = arith.constant 0 : i32
      scf.yield %scan3A_316 : i32
    }
    %scan3A_61 = arith.constant 20 : i32
    %dma_wait3A_62 = arith.constant 0 : i32
    %dma_wait3A_63 = tpu.memref_slice %arg3[%dma_wait3A_62] : memref<640000xi32, #tpu.memory_space<hbm>> -> memref<80xi32, #tpu.memory_space<hbm>>
    %dma_wait3A_64 = arith.constant 0 : i32
    %dma_wait3A_65 = tpu.memref_slice %arg3[%dma_wait3A_64] : memref<640000xi32, #tpu.memory_space<hbm>> -> memref<80xi32, #tpu.memory_space<hbm>>
    tpu.wait_dma2 semaphore(%arg20 : memref<!tpu.dma_semaphore, #tpu.memory_space<semaphore_mem>>) src(%dma_wait3A_65 : memref<80xi32, #tpu.memory_space<hbm>>) dst(%arg8 : memref<80xi32, #tpu.memory_space<vmem>>)
    %dma_wait3A_66 = arith.constant 0 : i32
    %dma_wait3A_67 = arith.constant 0 : i32
    %dma_wait3A_68 = tpu.memref_slice %arg2[%dma_wait3A_66, %dma_wait3A_67] : memref<10000x128xf32, #tpu.memory_space<hbm>> -> memref<10000x128xf32, #tpu.memory_space<hbm>>
    tpu.wait_indirect_dma semaphore(%arg15 : memref<!tpu.dma_semaphore, #tpu.memory_space<semaphore_mem>>) src(%dma_wait3A_68 : memref<10000x128xf32, #tpu.memory_space<hbm>>) dst(%arg12 : memref<80x128xf32, #tpu.memory_space<vmem>>)
    "tpu.region"() ({
      %run_scoped3A = tpu.sem_alloc : memref<!tpu.dma_semaphore, #tpu.memory_space<semaphore_mem>>
      %dma_start3A_144 = arith.constant 0 : i32
      %dma_start3A_145 = arith.constant 0 : i32
      %dma_start3A_146 = tpu.memref_slice %arg14[%dma_start3A_144, %dma_start3A_145] : memref<10000x128xf32, #tpu.memory_space<vmem_shared>> -> memref<10000x128xf32, #tpu.memory_space<vmem_shared>>
      tpu.enqueue_indirect_dma source(%arg12 : memref<80x128xf32, #tpu.memory_space<vmem>>) target(%dma_start3A_146 : memref<10000x128xf32, #tpu.memory_space<vmem_shared>>) offsets(%arg8 : memref<80xi32, #tpu.memory_space<vmem>>) semaphore(%run_scoped3A : memref<!tpu.dma_semaphore, #tpu.memory_space<semaphore_mem>>) {add = true}
      %dma_wait3A_147 = arith.constant 0 : i32
      %dma_wait3A_148 = arith.constant 0 : i32
      %dma_wait3A_149 = tpu.memref_slice %arg14[%dma_wait3A_147, %dma_wait3A_148] : memref<10000x128xf32, #tpu.memory_space<vmem_shared>> -> memref<10000x128xf32, #tpu.memory_space<vmem_shared>>
      tpu.wait_indirect_dma semaphore(%run_scoped3A : memref<!tpu.dma_semaphore, #tpu.memory_space<semaphore_mem>>) src(%arg12 : memref<80x128xf32, #tpu.memory_space<vmem>>) dst(%dma_wait3A_149 : memref<10000x128xf32, #tpu.memory_space<vmem_shared>>)
      tpu.yield
    }) : () -> ()
    %dma_wait3A_69 = arith.constant 0 : i32
    %dma_wait3A_70 = tpu.memref_slice %arg3[%dma_wait3A_69] : memref<640000xi32, #tpu.memory_space<hbm>> -> memref<80xi32, #tpu.memory_space<hbm>>
    %dma_wait3A_71 = arith.constant 0 : i32
    %dma_wait3A_72 = tpu.memref_slice %arg3[%dma_wait3A_71] : memref<640000xi32, #tpu.memory_space<hbm>> -> memref<80xi32, #tpu.memory_space<hbm>>
    tpu.wait_dma2 semaphore(%arg19 : memref<!tpu.dma_semaphore, #tpu.memory_space<semaphore_mem>>) src(%dma_wait3A_72 : memref<80xi32, #tpu.memory_space<hbm>>) dst(%arg7 : memref<80xi32, #tpu.memory_space<vmem>>)
    %dma_start3A_73 = arith.constant 0 : i32
    %dma_start3A_74 = arith.constant 0 : i32
    %dma_start3A_75 = tpu.memref_slice %arg2[%dma_start3A_73, %dma_start3A_74] : memref<10000x128xf32, #tpu.memory_space<hbm>> -> memref<10000x128xf32, #tpu.memory_space<hbm>>
    tpu.enqueue_indirect_dma source(%dma_start3A_75 : memref<10000x128xf32, #tpu.memory_space<hbm>>) target(%arg12 : memref<80x128xf32, #tpu.memory_space<vmem>>) offsets(%arg7 : memref<80xi32, #tpu.memory_space<vmem>>) semaphore(%arg15 : memref<!tpu.dma_semaphore, #tpu.memory_space<semaphore_mem>>)
    %add3A_76 = arith.constant 9840 : i32
    %add3A_77 = arith.addi %mul3A_16, %add3A_76 : i32
    %multiple_of3A_78 = tpu.assume_multiple %add3A_77, 8 : i32
    %dma_start3A_79 = tpu.memref_slice %arg3[%multiple_of3A_78] : memref<640000xi32, #tpu.memory_space<hbm>> -> memref<80xi32, #tpu.memory_space<hbm>>
    %dma_start3A_80 = tpu.memref_slice %arg3[%multiple_of3A_78] : memref<640000xi32, #tpu.memory_space<hbm>> -> memref<80xi32, #tpu.memory_space<hbm>>
    tpu.enqueue_dma source(%dma_start3A_80 : memref<80xi32, #tpu.memory_space<hbm>>) target(%arg5 : memref<80xi32, #tpu.memory_space<vmem>>) target_semaphore(%arg17 : memref<!tpu.dma_semaphore, #tpu.memory_space<semaphore_mem>>)
    %add3A_81 = arith.constant 320000 : i32
    %add3A_82 = arith.addi %add3A_81, %multiple_of3A_78 : i32
    %dma_start3A_83 = tpu.memref_slice %arg3[%add3A_82] : memref<640000xi32, #tpu.memory_space<hbm>> -> memref<80xi32, #tpu.memory_space<hbm>>
    %dma_start3A_84 = tpu.memref_slice %arg3[%add3A_82] : memref<640000xi32, #tpu.memory_space<hbm>> -> memref<80xi32, #tpu.memory_space<hbm>>
    tpu.enqueue_dma source(%dma_start3A_84 : memref<80xi32, #tpu.memory_space<hbm>>) target(%arg8 : memref<80xi32, #tpu.memory_space<vmem>>) target_semaphore(%arg20 : memref<!tpu.dma_semaphore, #tpu.memory_space<semaphore_mem>>)
    %dma_wait3A_85 = arith.constant 0 : i32
    %dma_wait3A_86 = tpu.memref_slice %arg3[%dma_wait3A_85] : memref<640000xi32, #tpu.memory_space<hbm>> -> memref<80xi32, #tpu.memory_space<hbm>>
    %dma_wait3A_87 = arith.constant 0 : i32
    %dma_wait3A_88 = tpu.memref_slice %arg3[%dma_wait3A_87] : memref<640000xi32, #tpu.memory_space<hbm>> -> memref<80xi32, #tpu.memory_space<hbm>>
    tpu.wait_dma2 semaphore(%arg21 : memref<!tpu.dma_semaphore, #tpu.memory_space<semaphore_mem>>) src(%dma_wait3A_88 : memref<80xi32, #tpu.memory_space<hbm>>) dst(%arg9 : memref<80xi32, #tpu.memory_space<vmem>>)
    %dma_wait3A_89 = arith.constant 0 : i32
    %dma_wait3A_90 = arith.constant 0 : i32
    %dma_wait3A_91 = tpu.memref_slice %arg2[%dma_wait3A_89, %dma_wait3A_90] : memref<10000x128xf32, #tpu.memory_space<hbm>> -> memref<10000x128xf32, #tpu.memory_space<hbm>>
    tpu.wait_indirect_dma semaphore(%arg16 : memref<!tpu.dma_semaphore, #tpu.memory_space<semaphore_mem>>) src(%dma_wait3A_91 : memref<10000x128xf32, #tpu.memory_space<hbm>>) dst(%arg13 : memref<80x128xf32, #tpu.memory_space<vmem>>)
    "tpu.region"() ({
      %run_scoped3A = tpu.sem_alloc : memref<!tpu.dma_semaphore, #tpu.memory_space<semaphore_mem>>
      %dma_start3A_144 = arith.constant 0 : i32
      %dma_start3A_145 = arith.constant 0 : i32
      %dma_start3A_146 = tpu.memref_slice %arg14[%dma_start3A_144, %dma_start3A_145] : memref<10000x128xf32, #tpu.memory_space<vmem_shared>> -> memref<10000x128xf32, #tpu.memory_space<vmem_shared>>
      tpu.enqueue_indirect_dma source(%arg13 : memref<80x128xf32, #tpu.memory_space<vmem>>) target(%dma_start3A_146 : memref<10000x128xf32, #tpu.memory_space<vmem_shared>>) offsets(%arg9 : memref<80xi32, #tpu.memory_space<vmem>>) semaphore(%run_scoped3A : memref<!tpu.dma_semaphore, #tpu.memory_space<semaphore_mem>>) {add = true}
      %dma_wait3A_147 = arith.constant 0 : i32
      %dma_wait3A_148 = arith.constant 0 : i32
      %dma_wait3A_149 = tpu.memref_slice %arg14[%dma_wait3A_147, %dma_wait3A_148] : memref<10000x128xf32, #tpu.memory_space<vmem_shared>> -> memref<10000x128xf32, #tpu.memory_space<vmem_shared>>
      tpu.wait_indirect_dma semaphore(%run_scoped3A : memref<!tpu.dma_semaphore, #tpu.memory_space<semaphore_mem>>) src(%arg13 : memref<80x128xf32, #tpu.memory_space<vmem>>) dst(%dma_wait3A_149 : memref<10000x128xf32, #tpu.memory_space<vmem_shared>>)
      tpu.yield
    }) : () -> ()
    %dma_wait3A_92 = arith.constant 0 : i32
    %dma_wait3A_93 = tpu.memref_slice %arg3[%dma_wait3A_92] : memref<640000xi32, #tpu.memory_space<hbm>> -> memref<80xi32, #tpu.memory_space<hbm>>
    %dma_wait3A_94 = arith.constant 0 : i32
    %dma_wait3A_95 = tpu.memref_slice %arg3[%dma_wait3A_94] : memref<640000xi32, #tpu.memory_space<hbm>> -> memref<80xi32, #tpu.memory_space<hbm>>
    tpu.wait_dma2 semaphore(%arg17 : memref<!tpu.dma_semaphore, #tpu.memory_space<semaphore_mem>>) src(%dma_wait3A_95 : memref<80xi32, #tpu.memory_space<hbm>>) dst(%arg5 : memref<80xi32, #tpu.memory_space<vmem>>)
    %dma_start3A_96 = arith.constant 0 : i32
    %dma_start3A_97 = arith.constant 0 : i32
    %dma_start3A_98 = tpu.memref_slice %arg2[%dma_start3A_96, %dma_start3A_97] : memref<10000x128xf32, #tpu.memory_space<hbm>> -> memref<10000x128xf32, #tpu.memory_space<hbm>>
    tpu.enqueue_indirect_dma source(%dma_start3A_98 : memref<10000x128xf32, #tpu.memory_space<hbm>>) target(%arg13 : memref<80x128xf32, #tpu.memory_space<vmem>>) offsets(%arg5 : memref<80xi32, #tpu.memory_space<vmem>>) semaphore(%arg16 : memref<!tpu.dma_semaphore, #tpu.memory_space<semaphore_mem>>)
    %add3A_99 = arith.constant 9920 : i32
    %add3A_100 = arith.addi %mul3A_16, %add3A_99 : i32
    %multiple_of3A_101 = tpu.assume_multiple %add3A_100, 8 : i32
    %dma_start3A_102 = tpu.memref_slice %arg3[%multiple_of3A_101] : memref<640000xi32, #tpu.memory_space<hbm>> -> memref<80xi32, #tpu.memory_space<hbm>>
    %dma_start3A_103 = tpu.memref_slice %arg3[%multiple_of3A_101] : memref<640000xi32, #tpu.memory_space<hbm>> -> memref<80xi32, #tpu.memory_space<hbm>>
    tpu.enqueue_dma source(%dma_start3A_103 : memref<80xi32, #tpu.memory_space<hbm>>) target(%arg6 : memref<80xi32, #tpu.memory_space<vmem>>) target_semaphore(%arg18 : memref<!tpu.dma_semaphore, #tpu.memory_space<semaphore_mem>>)
    %add3A_104 = arith.constant 320000 : i32
    %add3A_105 = arith.addi %add3A_104, %multiple_of3A_101 : i32
    %dma_start3A_106 = tpu.memref_slice %arg3[%add3A_105] : memref<640000xi32, #tpu.memory_space<hbm>> -> memref<80xi32, #tpu.memory_space<hbm>>
    %dma_start3A_107 = tpu.memref_slice %arg3[%add3A_105] : memref<640000xi32, #tpu.memory_space<hbm>> -> memref<80xi32, #tpu.memory_space<hbm>>
    tpu.enqueue_dma source(%dma_start3A_107 : memref<80xi32, #tpu.memory_space<hbm>>) target(%arg9 : memref<80xi32, #tpu.memory_space<vmem>>) target_semaphore(%arg21 : memref<!tpu.dma_semaphore, #tpu.memory_space<semaphore_mem>>)
    %dma_wait3A_108 = arith.constant 0 : i32
    %dma_wait3A_109 = tpu.memref_slice %arg3[%dma_wait3A_108] : memref<640000xi32, #tpu.memory_space<hbm>> -> memref<80xi32, #tpu.memory_space<hbm>>
    %dma_wait3A_110 = arith.constant 0 : i32
    %dma_wait3A_111 = tpu.memref_slice %arg3[%dma_wait3A_110] : memref<640000xi32, #tpu.memory_space<hbm>> -> memref<80xi32, #tpu.memory_space<hbm>>
    tpu.wait_dma2 semaphore(%arg22 : memref<!tpu.dma_semaphore, #tpu.memory_space<semaphore_mem>>) src(%dma_wait3A_111 : memref<80xi32, #tpu.memory_space<hbm>>) dst(%arg10 : memref<80xi32, #tpu.memory_space<vmem>>)
    %dma_wait3A_112 = arith.constant 0 : i32
    %dma_wait3A_113 = arith.constant 0 : i32
    %dma_wait3A_114 = tpu.memref_slice %arg2[%dma_wait3A_112, %dma_wait3A_113] : memref<10000x128xf32, #tpu.memory_space<hbm>> -> memref<10000x128xf32, #tpu.memory_space<hbm>>
    tpu.wait_indirect_dma semaphore(%arg15 : memref<!tpu.dma_semaphore, #tpu.memory_space<semaphore_mem>>) src(%dma_wait3A_114 : memref<10000x128xf32, #tpu.memory_space<hbm>>) dst(%arg12 : memref<80x128xf32, #tpu.memory_space<vmem>>)
    "tpu.region"() ({
      %run_scoped3A = tpu.sem_alloc : memref<!tpu.dma_semaphore, #tpu.memory_space<semaphore_mem>>
      %dma_start3A_144 = arith.constant 0 : i32
      %dma_start3A_145 = arith.constant 0 : i32
      %dma_start3A_146 = tpu.memref_slice %arg14[%dma_start3A_144, %dma_start3A_145] : memref<10000x128xf32, #tpu.memory_space<vmem_shared>> -> memref<10000x128xf32, #tpu.memory_space<vmem_shared>>
      tpu.enqueue_indirect_dma source(%arg12 : memref<80x128xf32, #tpu.memory_space<vmem>>) target(%dma_start3A_146 : memref<10000x128xf32, #tpu.memory_space<vmem_shared>>) offsets(%arg10 : memref<80xi32, #tpu.memory_space<vmem>>) semaphore(%run_scoped3A : memref<!tpu.dma_semaphore, #tpu.memory_space<semaphore_mem>>) {add = true}
      %dma_wait3A_147 = arith.constant 0 : i32
      %dma_wait3A_148 = arith.constant 0 : i32
      %dma_wait3A_149 = tpu.memref_slice %arg14[%dma_wait3A_147, %dma_wait3A_148] : memref<10000x128xf32, #tpu.memory_space<vmem_shared>> -> memref<10000x128xf32, #tpu.memory_space<vmem_shared>>
      tpu.wait_indirect_dma semaphore(%run_scoped3A : memref<!tpu.dma_semaphore, #tpu.memory_space<semaphore_mem>>) src(%arg12 : memref<80x128xf32, #tpu.memory_space<vmem>>) dst(%dma_wait3A_149 : memref<10000x128xf32, #tpu.memory_space<vmem_shared>>)
      tpu.yield
    }) : () -> ()
    %dma_wait3A_115 = arith.constant 0 : i32
    %dma_wait3A_116 = tpu.memref_slice %arg3[%dma_wait3A_115] : memref<640000xi32, #tpu.memory_space<hbm>> -> memref<80xi32, #tpu.memory_space<hbm>>
    %dma_wait3A_117 = arith.constant 0 : i32
    %dma_wait3A_118 = tpu.memref_slice %arg3[%dma_wait3A_117] : memref<640000xi32, #tpu.memory_space<hbm>> -> memref<80xi32, #tpu.memory_space<hbm>>
    tpu.wait_dma2 semaphore(%arg18 : memref<!tpu.dma_semaphore, #tpu.memory_space<semaphore_mem>>) src(%dma_wait3A_118 : memref<80xi32, #tpu.memory_space<hbm>>) dst(%arg6 : memref<80xi32, #tpu.memory_space<vmem>>)
    %dma_start3A_119 = arith.constant 0 : i32
    %dma_start3A_120 = arith.constant 0 : i32
    %dma_start3A_121 = tpu.memref_slice %arg2[%dma_start3A_119, %dma_start3A_120] : memref<10000x128xf32, #tpu.memory_space<hbm>> -> memref<10000x128xf32, #tpu.memory_space<hbm>>
    tpu.enqueue_indirect_dma source(%dma_start3A_121 : memref<10000x128xf32, #tpu.memory_space<hbm>>) target(%arg12 : memref<80x128xf32, #tpu.memory_space<vmem>>) offsets(%arg6 : memref<80xi32, #tpu.memory_space<vmem>>) semaphore(%arg15 : memref<!tpu.dma_semaphore, #tpu.memory_space<semaphore_mem>>)
    %dma_wait3A_122 = arith.constant 0 : i32
    %dma_wait3A_123 = tpu.memref_slice %arg3[%dma_wait3A_122] : memref<640000xi32, #tpu.memory_space<hbm>> -> memref<80xi32, #tpu.memory_space<hbm>>
    %dma_wait3A_124 = arith.constant 0 : i32
    %dma_wait3A_125 = tpu.memref_slice %arg3[%dma_wait3A_124] : memref<640000xi32, #tpu.memory_space<hbm>> -> memref<80xi32, #tpu.memory_space<hbm>>
    tpu.wait_dma2 semaphore(%arg20 : memref<!tpu.dma_semaphore, #tpu.memory_space<semaphore_mem>>) src(%dma_wait3A_125 : memref<80xi32, #tpu.memory_space<hbm>>) dst(%arg8 : memref<80xi32, #tpu.memory_space<vmem>>)
    %dma_wait3A_126 = arith.constant 0 : i32
    %dma_wait3A_127 = arith.constant 0 : i32
    %dma_wait3A_128 = tpu.memref_slice %arg2[%dma_wait3A_126, %dma_wait3A_127] : memref<10000x128xf32, #tpu.memory_space<hbm>> -> memref<10000x128xf32, #tpu.memory_space<hbm>>
    tpu.wait_indirect_dma semaphore(%arg16 : memref<!tpu.dma_semaphore, #tpu.memory_space<semaphore_mem>>) src(%dma_wait3A_128 : memref<10000x128xf32, #tpu.memory_space<hbm>>) dst(%arg13 : memref<80x128xf32, #tpu.memory_space<vmem>>)
    "tpu.region"() ({
      %run_scoped3A = tpu.sem_alloc : memref<!tpu.dma_semaphore, #tpu.memory_space<semaphore_mem>>
      %dma_start3A_144 = arith.constant 0 : i32
      %dma_start3A_145 = arith.constant 0 : i32
      %dma_start3A_146 = tpu.memref_slice %arg14[%dma_start3A_144, %dma_start3A_145] : memref<10000x128xf32, #tpu.memory_space<vmem_shared>> -> memref<10000x128xf32, #tpu.memory_space<vmem_shared>>
      tpu.enqueue_indirect_dma source(%arg13 : memref<80x128xf32, #tpu.memory_space<vmem>>) target(%dma_start3A_146 : memref<10000x128xf32, #tpu.memory_space<vmem_shared>>) offsets(%arg8 : memref<80xi32, #tpu.memory_space<vmem>>) semaphore(%run_scoped3A : memref<!tpu.dma_semaphore, #tpu.memory_space<semaphore_mem>>) {add = true}
      %dma_wait3A_147 = arith.constant 0 : i32
      %dma_wait3A_148 = arith.constant 0 : i32
      %dma_wait3A_149 = tpu.memref_slice %arg14[%dma_wait3A_147, %dma_wait3A_148] : memref<10000x128xf32, #tpu.memory_space<vmem_shared>> -> memref<10000x128xf32, #tpu.memory_space<vmem_shared>>
      tpu.wait_indirect_dma semaphore(%run_scoped3A : memref<!tpu.dma_semaphore, #tpu.memory_space<semaphore_mem>>) src(%arg13 : memref<80x128xf32, #tpu.memory_space<vmem>>) dst(%dma_wait3A_149 : memref<10000x128xf32, #tpu.memory_space<vmem_shared>>)
      tpu.yield
    }) : () -> ()
    %dma_wait3A_129 = arith.constant 0 : i32
    %dma_wait3A_130 = tpu.memref_slice %arg3[%dma_wait3A_129] : memref<640000xi32, #tpu.memory_space<hbm>> -> memref<80xi32, #tpu.memory_space<hbm>>
    %dma_wait3A_131 = arith.constant 0 : i32
    %dma_wait3A_132 = tpu.memref_slice %arg3[%dma_wait3A_131] : memref<640000xi32, #tpu.memory_space<hbm>> -> memref<80xi32, #tpu.memory_space<hbm>>
    tpu.wait_dma2 semaphore(%arg21 : memref<!tpu.dma_semaphore, #tpu.memory_space<semaphore_mem>>) src(%dma_wait3A_132 : memref<80xi32, #tpu.memory_space<hbm>>) dst(%arg9 : memref<80xi32, #tpu.memory_space<vmem>>)
    %dma_wait3A_133 = arith.constant 0 : i32
    %dma_wait3A_134 = arith.constant 0 : i32
    %dma_wait3A_135 = tpu.memref_slice %arg2[%dma_wait3A_133, %dma_wait3A_134] : memref<10000x128xf32, #tpu.memory_space<hbm>> -> memref<10000x128xf32, #tpu.memory_space<hbm>>
    tpu.wait_indirect_dma semaphore(%arg15 : memref<!tpu.dma_semaphore, #tpu.memory_space<semaphore_mem>>) src(%dma_wait3A_135 : memref<10000x128xf32, #tpu.memory_space<hbm>>) dst(%arg12 : memref<80x128xf32, #tpu.memory_space<vmem>>)
    "tpu.region"() ({
      %run_scoped3A = tpu.sem_alloc : memref<!tpu.dma_semaphore, #tpu.memory_space<semaphore_mem>>
      %dma_start3A_144 = arith.constant 0 : i32
      %dma_start3A_145 = arith.constant 0 : i32
      %dma_start3A_146 = tpu.memref_slice %arg14[%dma_start3A_144, %dma_start3A_145] : memref<10000x128xf32, #tpu.memory_space<vmem_shared>> -> memref<10000x128xf32, #tpu.memory_space<vmem_shared>>
      tpu.enqueue_indirect_dma source(%arg12 : memref<80x128xf32, #tpu.memory_space<vmem>>) target(%dma_start3A_146 : memref<10000x128xf32, #tpu.memory_space<vmem_shared>>) offsets(%arg9 : memref<80xi32, #tpu.memory_space<vmem>>) semaphore(%run_scoped3A : memref<!tpu.dma_semaphore, #tpu.memory_space<semaphore_mem>>) {add = true}
      %dma_wait3A_147 = arith.constant 0 : i32
      %dma_wait3A_148 = arith.constant 0 : i32
      %dma_wait3A_149 = tpu.memref_slice %arg14[%dma_wait3A_147, %dma_wait3A_148] : memref<10000x128xf32, #tpu.memory_space<vmem_shared>> -> memref<10000x128xf32, #tpu.memory_space<vmem_shared>>
      tpu.wait_indirect_dma semaphore(%run_scoped3A : memref<!tpu.dma_semaphore, #tpu.memory_space<semaphore_mem>>) src(%arg12 : memref<80x128xf32, #tpu.memory_space<vmem>>) dst(%dma_wait3A_149 : memref<10000x128xf32, #tpu.memory_space<vmem_shared>>)
      tpu.yield
    }) : () -> ()
    %barrier3A_136 = arith.constant 0 : index
    tpu.barrier barrier_id(%barrier3A_136)
    %scan3A_137 = arith.constant 0 : i32
    %scan3A_138 = arith.constant 0 : i32
    %scan3A_139 = arith.constant 8 : i32
    %scan3A_140 = arith.addi %scan3A_138, %scan3A_139 : i32
    %scan3A_141 = arith.constant 1 : i32
    %scan3A_142 = scf.for %scan3A_144 = %scan3A_138 to %scan3A_140 step %scan3A_141 iter_args(%scan3A_145 = %scan3A_137) -> (i32)  : i32 {
      %mul3A_146 = arith.constant 16 : i32
      %mul3A_147 = arith.muli %scan3A_144, %mul3A_146 : i32
      %add3A_148 = arith.addi %arg1, %mul3A_147 : i32
      %lt3A = arith.constant 125 : i32
      %lt3A_149 = arith.cmpi slt, %add3A_148, %lt3A : i32
      %convert_element_type3A = arith.extui %lt3A_149 : i1 to i32
      %cond3A = arith.constant 0 : i32
      %cond3A_150 = arith.cmpi ne, %convert_element_type3A, %cond3A : i32
      scf.if %cond3A_150 {
        %mul3A_152 = arith.constant 80 : i32
        %mul3A_153 = arith.muli %add3A_148, %mul3A_152 : i32
        %add3A_154 = arith.constant 0 : i32
        %add3A_155 = arith.addi %mul3A_153, %add3A_154 : i32
        %add3A_156 = vector.broadcast %add3A_155 : i32 to vector<16xi32>
        %add3A_157 = arith.addi %add3A_156, %iota3A : vector<16xi32>
        %swap3A = arith.constant 0 : index
        %swap3A_158 = tpu.vector_load %arg11[%swap3A] {strides = array<i32>} : memref<80xi32, #tpu.memory_space<vmem>>, vector<16xi32>,
        %swap3A_159 = vector.shape_cast %swap3A_158 : vector<16xi32> to vector<16xi32>
        %swap3A_160 = vector.shape_cast %add3A_157 : vector<16xi32> to vector<16xi32>
        tpu.vector_store %arg11[%swap3A], %swap3A_160 {strides = array<i32>} : memref<80xi32, #tpu.memory_space<vmem>>, vector<16xi32>,
        %add3A_161 = arith.constant 16 : i32
        %add3A_162 = arith.addi %mul3A_153, %add3A_161 : i32
        %add3A_163 = vector.broadcast %add3A_162 : i32 to vector<16xi32>
        %add3A_164 = arith.addi %add3A_163, %iota3A : vector<16xi32>
        %swap3A_165 = arith.constant 16 : index
        %swap3A_166 = tpu.vector_load %arg11[%swap3A_165] {strides = array<i32>} : memref<80xi32, #tpu.memory_space<vmem>>, vector<16xi32>,
        %swap3A_167 = vector.shape_cast %swap3A_166 : vector<16xi32> to vector<16xi32>
        %swap3A_168 = vector.shape_cast %add3A_164 : vector<16xi32> to vector<16xi32>
        tpu.vector_store %arg11[%swap3A_165], %swap3A_168 {strides = array<i32>} : memref<80xi32, #tpu.memory_space<vmem>>, vector<16xi32>,
        %add3A_169 = arith.constant 32 : i32
        %add3A_170 = arith.addi %mul3A_153, %add3A_169 : i32
        %add3A_171 = vector.broadcast %add3A_170 : i32 to vector<16xi32>
        %add3A_172 = arith.addi %add3A_171, %iota3A : vector<16xi32>
        %swap3A_173 = arith.constant 32 : index
        %swap3A_174 = tpu.vector_load %arg11[%swap3A_173] {strides = array<i32>} : memref<80xi32, #tpu.memory_space<vmem>>, vector<16xi32>,
        %swap3A_175 = vector.shape_cast %swap3A_174 : vector<16xi32> to vector<16xi32>
        %swap3A_176 = vector.shape_cast %add3A_172 : vector<16xi32> to vector<16xi32>
        tpu.vector_store %arg11[%swap3A_173], %swap3A_176 {strides = array<i32>} : memref<80xi32, #tpu.memory_space<vmem>>, vector<16xi32>,
        %add3A_177 = arith.constant 48 : i32
        %add3A_178 = arith.addi %mul3A_153, %add3A_177 : i32
        %add3A_179 = vector.broadcast %add3A_178 : i32 to vector<16xi32>
        %add3A_180 = arith.addi %add3A_179, %iota3A : vector<16xi32>
        %swap3A_181 = arith.constant 48 : index
        %swap3A_182 = tpu.vector_load %arg11[%swap3A_181] {strides = array<i32>} : memref<80xi32, #tpu.memory_space<vmem>>, vector<16xi32>,
        %swap3A_183 = vector.shape_cast %swap3A_182 : vector<16xi32> to vector<16xi32>
        %swap3A_184 = vector.shape_cast %add3A_180 : vector<16xi32> to vector<16xi32>
        tpu.vector_store %arg11[%swap3A_181], %swap3A_184 {strides = array<i32>} : memref<80xi32, #tpu.memory_space<vmem>>, vector<16xi32>,
        %add3A_185 = arith.constant 64 : i32
        %add3A_186 = arith.addi %mul3A_153, %add3A_185 : i32
        %add3A_187 = vector.broadcast %add3A_186 : i32 to vector<16xi32>
        %add3A_188 = arith.addi %add3A_187, %iota3A : vector<16xi32>
        %swap3A_189 = arith.constant 64 : index
        %swap3A_190 = tpu.vector_load %arg11[%swap3A_189] {strides = array<i32>} : memref<80xi32, #tpu.memory_space<vmem>>, vector<16xi32>,
        %swap3A_191 = vector.shape_cast %swap3A_190 : vector<16xi32> to vector<16xi32>
        %swap3A_192 = vector.shape_cast %add3A_188 : vector<16xi32> to vector<16xi32>
        tpu.vector_store %arg11[%swap3A_189], %swap3A_192 {strides = array<i32>} : memref<80xi32, #tpu.memory_space<vmem>>, vector<16xi32>,
        %dma_start3A_193 = arith.constant 0 : i32
        %dma_start3A_194 = arith.constant 0 : i32
        %dma_start3A_195 = tpu.memref_slice %arg14[%dma_start3A_193, %dma_start3A_194] : memref<10000x128xf32, #tpu.memory_space<vmem_shared>> -> memref<10000x128xf32, #tpu.memory_space<vmem_shared>>
        tpu.enqueue_indirect_dma source(%dma_start3A_195 : memref<10000x128xf32, #tpu.memory_space<vmem_shared>>) target(%arg12 : memref<80x128xf32, #tpu.memory_space<vmem>>) offsets(%arg11 : memref<80xi32, #tpu.memory_space<vmem>>) semaphore(%arg15 : memref<!tpu.dma_semaphore, #tpu.memory_space<semaphore_mem>>)
        %dma_wait3A_196 = arith.constant 0 : i32
        %dma_wait3A_197 = arith.constant 0 : i32
        %dma_wait3A_198 = tpu.memref_slice %arg14[%dma_wait3A_196, %dma_wait3A_197] : memref<10000x128xf32, #tpu.memory_space<vmem_shared>> -> memref<10000x128xf32, #tpu.memory_space<vmem_shared>>
        tpu.wait_indirect_dma semaphore(%arg15 : memref<!tpu.dma_semaphore, #tpu.memory_space<semaphore_mem>>) src(%dma_wait3A_198 : memref<10000x128xf32, #tpu.memory_space<vmem_shared>>) dst(%arg12 : memref<80x128xf32, #tpu.memory_space<vmem>>)
        %mul3A_199 = arith.constant 80 : i32
        %mul3A_200 = arith.muli %add3A_148, %mul3A_199 : i32
        "tpu.region"() ({
          %run_scoped3A = tpu.sem_alloc : memref<!tpu.dma_semaphore, #tpu.memory_space<semaphore_mem>>
          %dma_start3A_201 = arith.constant 0 : i32
          %dma_start3A_202 = tpu.memref_slice %arg4[%arg0, %mul3A_200, %dma_start3A_201] : memref<2x10000x128xf32, #tpu.memory_space<hbm>> -> memref<1x80x128xf32, #tpu.memory_space<hbm>>
          %dma_start3A_203 = tpu.memref_squeeze %dma_start3A_202 : memref<1x80x128xf32, #tpu.memory_space<hbm>> -> memref<80x128xf32, #tpu.memory_space<hbm>>
          %dma_start3A_204 = arith.constant 0 : i32
          %dma_start3A_205 = tpu.memref_slice %arg4[%arg0, %mul3A_200, %dma_start3A_204] : memref<2x10000x128xf32, #tpu.memory_space<hbm>> -> memref<1x80x128xf32, #tpu.memory_space<hbm>>
          %dma_start3A_206 = tpu.memref_squeeze %dma_start3A_205 : memref<1x80x128xf32, #tpu.memory_space<hbm>> -> memref<80x128xf32, #tpu.memory_space<hbm>>
          tpu.enqueue_dma source(%arg12 : memref<80x128xf32, #tpu.memory_space<vmem>>) target(%dma_start3A_206 : memref<80x128xf32, #tpu.memory_space<hbm>>) target_semaphore(%run_scoped3A : memref<!tpu.dma_semaphore, #tpu.memory_space<semaphore_mem>>)
          %dma_wait3A_207 = arith.constant 0 : i32
          %dma_wait3A_208 = tpu.memref_slice %arg4[%arg0, %mul3A_200, %dma_wait3A_207] : memref<2x10000x128xf32, #tpu.memory_space<hbm>> -> memref<1x80x128xf32, #tpu.memory_space<hbm>>
          %dma_wait3A_209 = tpu.memref_squeeze %dma_wait3A_208 : memref<1x80x128xf32, #tpu.memory_space<hbm>> -> memref<80x128xf32, #tpu.memory_space<hbm>>
          %dma_wait3A_210 = arith.constant 0 : i32
          %dma_wait3A_211 = tpu.memref_slice %arg4[%arg0, %mul3A_200, %dma_wait3A_210] : memref<2x10000x128xf32, #tpu.memory_space<hbm>> -> memref<1x80x128xf32, #tpu.memory_space<hbm>>
          %dma_wait3A_212 = tpu.memref_squeeze %dma_wait3A_211 : memref<1x80x128xf32, #tpu.memory_space<hbm>> -> memref<80x128xf32, #tpu.memory_space<hbm>>
          tpu.wait_dma2 semaphore(%run_scoped3A : memref<!tpu.dma_semaphore, #tpu.memory_space<semaphore_mem>>) src(%arg12 : memref<80x128xf32, #tpu.memory_space<vmem>>) dst(%dma_wait3A_212 : memref<80x128xf32, #tpu.memory_space<hbm>>)
          tpu.yield
        }) : () -> ()
      } else {
      }
      %scan3A_151 = arith.constant 0 : i32
      scf.yield %scan3A_151 : i32
    }
    %scan3A_143 = arith.constant 8 : i32
    return
  }
}

#map = affine_map<(d0, d1) -> (0, 0)>
#map1 = affine_map<(d0, d1) -> (0)>
#map2 = affine_map<(d0, d1) -> (0, 0, 0)>
module attributes {stable_mosaic.version = 14 : i64} {
  func.func @_edge_body(%arg0: i32, %arg1: i32, %arg2: memref<10000x128xf32, #tpu.memory_space<hbm>>, %arg3: memref<640000xi32, #tpu.memory_space<hbm>>, %arg4: memref<2x10000x128xf32, #tpu.memory_space<hbm>>, %arg5: memref<80xi32, #tpu.memory_space<vmem>>, %arg6: memref<80xi32, #tpu.memory_space<vmem>>, %arg7: memref<80xi32, #tpu.memory_space<vmem>>, %arg8: memref<80xi32, #tpu.memory_space<vmem>>, %arg9: memref<80xi32, #tpu.memory_space<vmem>>, %arg10: memref<80xi32, #tpu.memory_space<vmem>>, %arg11: memref<80xi32, #tpu.memory_space<vmem>>, %arg12: memref<80x128xf32, #tpu.memory_space<vmem>>, %arg13: memref<80x128xf32, #tpu.memory_space<vmem>>, %arg14: memref<10000x128xf32, #tpu.memory_space<vmem_shared>>, %arg15: memref<!tpu.dma_semaphore, #tpu.memory_space<semaphore_mem>>, %arg16: memref<!tpu.dma_semaphore, #tpu.memory_space<semaphore_mem>>, %arg17: memref<!tpu.dma_semaphore, #tpu.memory_space<semaphore_mem>>, %arg18: memref<!tpu.dma_semaphore, #tpu.memory_space<semaphore_mem>>, %arg19: memref<!tpu.dma_semaphore, #tpu.memory_space<semaphore_mem>>, %arg20: memref<!tpu.dma_semaphore, #tpu.memory_space<semaphore_mem>>, %arg21: memref<!tpu.dma_semaphore, #tpu.memory_space<semaphore_mem>>, %arg22: memref<!tpu.dma_semaphore, #tpu.memory_space<semaphore_mem>>) attributes {dimension_semantics = [#tpu.dimension_semantics<core_parallel>, #tpu.dimension_semantics<subcore_parallel>], iteration_bounds = array<i64: 2, 16>, scalar_prefetch = 0 : i64, scratch_operands = 18 : i64, tpu.core_type = #tpu.core_type<sc_vector_subcore>, window_params = [{transform_indices = #map}, {transform_indices = #map1}, {transform_indices = #map2}]} {
    %iota3A = tpu.iota {dimensions = array<i32: 0>} : vector<16xi32>
    %broadcast_in_dim3A = arith.constant 0.000000e+00 : f32
    %broadcast_in_dim3A_0 = vector.broadcast %broadcast_in_dim3A : f32 to vector<16xf32>
    %scan3A = arith.constant 0 : i32
    %scan3A_1 = arith.constant 0 : i32
    %scan3A_2 = arith.constant 80 : i32
    %scan3A_3 = arith.addi %scan3A_1, %scan3A_2 : i32
    %scan3A_4 = arith.constant 1 : i32
    %scan3A_5 = scf.for %scan3A_144 = %scan3A_1 to %scan3A_3 step %scan3A_4 iter_args(%scan3A_145 = %scan3A) -> (i32)  : i32 {
      %scan3A_146 = arith.constant 0 : i32
      %scan3A_147 = arith.constant 0 : i32
      %scan3A_148 = arith.constant 8 : i32
      %scan3A_149 = arith.addi %scan3A_147, %scan3A_148 : i32
      %scan3A_150 = arith.constant 1 : i32
      %scan3A_151 = scf.for %scan3A_154 = %scan3A_147 to %scan3A_149 step %scan3A_150 iter_args(%scan3A_155 = %scan3A_146) -> (i32)  : i32 {
        %mul3A_156 = arith.constant 16 : i32
        %mul3A_157 = arith.muli %scan3A_154, %mul3A_156 : i32
        %swap3A = arith.index_cast %scan3A_144 : i32 to index
        %swap3A_158 = arith.index_cast %mul3A_157 : i32 to index
        %swap3A_159 = tpu.vector_load %arg12[%swap3A, %swap3A_158] {strides = array<i32>} : memref<80x128xf32, #tpu.memory_space<vmem>>, vector<1x16xf32>,
        %swap3A_160 = vector.shape_cast %swap3A_159 : vector<1x16xf32> to vector<16xf32>
        %swap3A_161 = vector.shape_cast %broadcast_in_dim3A_0 : vector<16xf32> to vector<1x16xf32>
        tpu.vector_store %arg12[%swap3A, %swap3A_158], %swap3A_161 {strides = array<i32>} : memref<80x128xf32, #tpu.memory_space<vmem>>, vector<1x16xf32>,
        %scan3A_162 = arith.constant 0 : i32
        scf.yield %scan3A_162 : i32
      }
      %scan3A_152 = arith.constant 8 : i32
      %scan3A_153 = arith.constant 0 : i32
      scf.yield %scan3A_153 : i32
    }
    %scan3A_6 = arith.constant 80 : i32
    %scan3A_7 = arith.constant 0 : i32
    %scan3A_8 = arith.constant 0 : i32
    %scan3A_9 = arith.constant 8 : i32
    %scan3A_10 = arith.addi %scan3A_8, %scan3A_9 : i32
    %scan3A_11 = arith.constant 1 : i32
    %scan3A_12 = scf.for %scan3A_144 = %scan3A_8 to %scan3A_10 step %scan3A_11 iter_args(%scan3A_145 = %scan3A_7) -> (i32)  : i32 {
      %mul3A_146 = arith.constant 16 : i32
      %mul3A_147 = arith.muli %scan3A_144, %mul3A_146 : i32
      %add3A_148 = arith.addi %arg1, %mul3A_147 : i32
      %lt3A = arith.constant 125 : i32
      %lt3A_149 = arith.cmpi slt, %add3A_148, %lt3A : i32
      %convert_element_type3A = arith.extui %lt3A_149 : i1 to i32
      %cond3A = arith.constant 0 : i32
      %cond3A_150 = arith.cmpi ne, %convert_element_type3A, %cond3A : i32
      scf.if %cond3A_150 {
        %mul3A_152 = arith.constant 80 : i32
        %mul3A_153 = arith.muli %add3A_148, %mul3A_152 : i32
        %add3A_154 = arith.constant 0 : i32
        %add3A_155 = arith.addi %mul3A_153, %add3A_154 : i32
        %add3A_156 = vector.broadcast %add3A_155 : i32 to vector<16xi32>
        %add3A_157 = arith.addi %add3A_156, %iota3A : vector<16xi32>
        %swap3A = arith.constant 0 : index
        %swap3A_158 = tpu.vector_load %arg11[%swap3A] {strides = array<i32>} : memref<80xi32, #tpu.memory_space<vmem>>, vector<16xi32>,
        %swap3A_159 = vector.shape_cast %swap3A_158 : vector<16xi32> to vector<16xi32>
        %swap3A_160 = vector.shape_cast %add3A_157 : vector<16xi32> to vector<16xi32>
        tpu.vector_store %arg11[%swap3A], %swap3A_160 {strides = array<i32>} : memref<80xi32, #tpu.memory_space<vmem>>, vector<16xi32>,
        %add3A_161 = arith.constant 16 : i32
        %add3A_162 = arith.addi %mul3A_153, %add3A_161 : i32
        %add3A_163 = vector.broadcast %add3A_162 : i32 to vector<16xi32>
        %add3A_164 = arith.addi %add3A_163, %iota3A : vector<16xi32>
        %swap3A_165 = arith.constant 16 : index
        %swap3A_166 = tpu.vector_load %arg11[%swap3A_165] {strides = array<i32>} : memref<80xi32, #tpu.memory_space<vmem>>, vector<16xi32>,
        %swap3A_167 = vector.shape_cast %swap3A_166 : vector<16xi32> to vector<16xi32>
        %swap3A_168 = vector.shape_cast %add3A_164 : vector<16xi32> to vector<16xi32>
        tpu.vector_store %arg11[%swap3A_165], %swap3A_168 {strides = array<i32>} : memref<80xi32, #tpu.memory_space<vmem>>, vector<16xi32>,
        %add3A_169 = arith.constant 32 : i32
        %add3A_170 = arith.addi %mul3A_153, %add3A_169 : i32
        %add3A_171 = vector.broadcast %add3A_170 : i32 to vector<16xi32>
        %add3A_172 = arith.addi %add3A_171, %iota3A : vector<16xi32>
        %swap3A_173 = arith.constant 32 : index
        %swap3A_174 = tpu.vector_load %arg11[%swap3A_173] {strides = array<i32>} : memref<80xi32, #tpu.memory_space<vmem>>, vector<16xi32>,
        %swap3A_175 = vector.shape_cast %swap3A_174 : vector<16xi32> to vector<16xi32>
        %swap3A_176 = vector.shape_cast %add3A_172 : vector<16xi32> to vector<16xi32>
        tpu.vector_store %arg11[%swap3A_173], %swap3A_176 {strides = array<i32>} : memref<80xi32, #tpu.memory_space<vmem>>, vector<16xi32>,
        %add3A_177 = arith.constant 48 : i32
        %add3A_178 = arith.addi %mul3A_153, %add3A_177 : i32
        %add3A_179 = vector.broadcast %add3A_178 : i32 to vector<16xi32>
        %add3A_180 = arith.addi %add3A_179, %iota3A : vector<16xi32>
        %swap3A_181 = arith.constant 48 : index
        %swap3A_182 = tpu.vector_load %arg11[%swap3A_181] {strides = array<i32>} : memref<80xi32, #tpu.memory_space<vmem>>, vector<16xi32>,
        %swap3A_183 = vector.shape_cast %swap3A_182 : vector<16xi32> to vector<16xi32>
        %swap3A_184 = vector.shape_cast %add3A_180 : vector<16xi32> to vector<16xi32>
        tpu.vector_store %arg11[%swap3A_181], %swap3A_184 {strides = array<i32>} : memref<80xi32, #tpu.memory_space<vmem>>, vector<16xi32>,
        %add3A_185 = arith.constant 64 : i32
        %add3A_186 = arith.addi %mul3A_153, %add3A_185 : i32
        %add3A_187 = vector.broadcast %add3A_186 : i32 to vector<16xi32>
        %add3A_188 = arith.addi %add3A_187, %iota3A : vector<16xi32>
        %swap3A_189 = arith.constant 64 : index
        %swap3A_190 = tpu.vector_load %arg11[%swap3A_189] {strides = array<i32>} : memref<80xi32, #tpu.memory_space<vmem>>, vector<16xi32>,
        %swap3A_191 = vector.shape_cast %swap3A_190 : vector<16xi32> to vector<16xi32>
        %swap3A_192 = vector.shape_cast %add3A_188 : vector<16xi32> to vector<16xi32>
        tpu.vector_store %arg11[%swap3A_189], %swap3A_192 {strides = array<i32>} : memref<80xi32, #tpu.memory_space<vmem>>, vector<16xi32>,
        "tpu.region"() ({
          %run_scoped3A = tpu.sem_alloc : memref<!tpu.dma_semaphore, #tpu.memory_space<semaphore_mem>>
          %dma_start3A_193 = arith.constant 0 : i32
          %dma_start3A_194 = arith.constant 0 : i32
          %dma_start3A_195 = tpu.memref_slice %arg14[%dma_start3A_193, %dma_start3A_194] : memref<10000x128xf32, #tpu.memory_space<vmem_shared>> -> memref<10000x128xf32, #tpu.memory_space<vmem_shared>>
          tpu.enqueue_indirect_dma source(%arg12 : memref<80x128xf32, #tpu.memory_space<vmem>>) target(%dma_start3A_195 : memref<10000x128xf32, #tpu.memory_space<vmem_shared>>) offsets(%arg11 : memref<80xi32, #tpu.memory_space<vmem>>) semaphore(%run_scoped3A : memref<!tpu.dma_semaphore, #tpu.memory_space<semaphore_mem>>)
          %dma_wait3A_196 = arith.constant 0 : i32
          %dma_wait3A_197 = arith.constant 0 : i32
          %dma_wait3A_198 = tpu.memref_slice %arg14[%dma_wait3A_196, %dma_wait3A_197] : memref<10000x128xf32, #tpu.memory_space<vmem_shared>> -> memref<10000x128xf32, #tpu.memory_space<vmem_shared>>
          tpu.wait_indirect_dma semaphore(%run_scoped3A : memref<!tpu.dma_semaphore, #tpu.memory_space<semaphore_mem>>) src(%arg12 : memref<80x128xf32, #tpu.memory_space<vmem>>) dst(%dma_wait3A_198 : memref<10000x128xf32, #tpu.memory_space<vmem_shared>>)
          tpu.yield
        }) : () -> ()
      } else {
      }
      %scan3A_151 = arith.constant 0 : i32
      scf.yield %scan3A_151 : i32
    }
    %scan3A_13 = arith.constant 8 : i32
    %barrier3A = arith.constant 0 : index
    tpu.barrier barrier_id(%barrier3A)
    %mul3A = arith.constant 16 : i32
    %mul3A_14 = arith.muli %arg0, %mul3A : i32
    %add3A = arith.addi %mul3A_14, %arg1 : i32
    %mul3A_15 = arith.constant 10000 : i32
    %mul3A_16 = arith.muli %add3A, %mul3A_15 : i32
    %add3A_17 = arith.constant 0 : i32
    %add3A_18 = arith.addi %mul3A_16, %add3A_17 : i32
    %multiple_of3A = tpu.assume_multiple %add3A_18, 8 : i32
    %dma_start3A = tpu.memref_slice %arg3[%multiple_of3A] : memref<640000xi32, #tpu.memory_space<hbm>> -> memref<80xi32, #tpu.memory_space<hbm>>
    %dma_start3A_19 = tpu.memref_slice %arg3[%multiple_of3A] : memref<640000xi32, #tpu.memory_space<hbm>> -> memref<80xi32, #tpu.memory_space<hbm>>
    tpu.enqueue_dma source(%dma_start3A_19 : memref<80xi32, #tpu.memory_space<hbm>>) target(%arg5 : memref<80xi32, #tpu.memory_space<vmem>>) target_semaphore(%arg17 : memref<!tpu.dma_semaphore, #tpu.memory_space<semaphore_mem>>)
    %add3A_20 = arith.constant 320000 : i32
    %add3A_21 = arith.addi %add3A_20, %multiple_of3A : i32
    %dma_start3A_22 = tpu.memref_slice %arg3[%add3A_21] : memref<640000xi32, #tpu.memory_space<hbm>> -> memref<80xi32, #tpu.memory_space<hbm>>
    %dma_start3A_23 = tpu.memref_slice %arg3[%add3A_21] : memref<640000xi32, #tpu.memory_space<hbm>> -> memref<80xi32, #tpu.memory_space<hbm>>
    tpu.enqueue_dma source(%dma_start3A_23 : memref<80xi32, #tpu.memory_space<hbm>>) target(%arg8 : memref<80xi32, #tpu.memory_space<vmem>>) target_semaphore(%arg20 : memref<!tpu.dma_semaphore, #tpu.memory_space<semaphore_mem>>)
    %add3A_24 = arith.constant 80 : i32
    %add3A_25 = arith.addi %mul3A_16, %add3A_24 : i32
    %multiple_of3A_26 = tpu.assume_multiple %add3A_25, 8 : i32
    %dma_start3A_27 = tpu.memref_slice %arg3[%multiple_of3A_26] : memref<640000xi32, #tpu.memory_space<hbm>> -> memref<80xi32, #tpu.memory_space<hbm>>
    %dma_start3A_28 = tpu.memref_slice %arg3[%multiple_of3A_26] : memref<640000xi32, #tpu.memory_space<hbm>> -> memref<80xi32, #tpu.memory_space<hbm>>
    tpu.enqueue_dma source(%dma_start3A_28 : memref<80xi32, #tpu.memory_space<hbm>>) target(%arg6 : memref<80xi32, #tpu.memory_space<vmem>>) target_semaphore(%arg18 : memref<!tpu.dma_semaphore, #tpu.memory_space<semaphore_mem>>)
    %add3A_29 = arith.constant 320000 : i32
    %add3A_30 = arith.addi %add3A_29, %multiple_of3A_26 : i32
    %dma_start3A_31 = tpu.memref_slice %arg3[%add3A_30] : memref<640000xi32, #tpu.memory_space<hbm>> -> memref<80xi32, #tpu.memory_space<hbm>>
    %dma_start3A_32 = tpu.memref_slice %arg3[%add3A_30] : memref<640000xi32, #tpu.memory_space<hbm>> -> memref<80xi32, #tpu.memory_space<hbm>>
    tpu.enqueue_dma source(%dma_start3A_32 : memref<80xi32, #tpu.memory_space<hbm>>) target(%arg9 : memref<80xi32, #tpu.memory_space<vmem>>) target_semaphore(%arg21 : memref<!tpu.dma_semaphore, #tpu.memory_space<semaphore_mem>>)
    %add3A_33 = arith.constant 160 : i32
    %add3A_34 = arith.addi %mul3A_16, %add3A_33 : i32
    %multiple_of3A_35 = tpu.assume_multiple %add3A_34, 8 : i32
    %dma_start3A_36 = tpu.memref_slice %arg3[%multiple_of3A_35] : memref<640000xi32, #tpu.memory_space<hbm>> -> memref<80xi32, #tpu.memory_space<hbm>>
    %dma_start3A_37 = tpu.memref_slice %arg3[%multiple_of3A_35] : memref<640000xi32, #tpu.memory_space<hbm>> -> memref<80xi32, #tpu.memory_space<hbm>>
    tpu.enqueue_dma source(%dma_start3A_37 : memref<80xi32, #tpu.memory_space<hbm>>) target(%arg7 : memref<80xi32, #tpu.memory_space<vmem>>) target_semaphore(%arg19 : memref<!tpu.dma_semaphore, #tpu.memory_space<semaphore_mem>>)
    %add3A_38 = arith.constant 320000 : i32
    %add3A_39 = arith.addi %add3A_38, %multiple_of3A_35 : i32
    %dma_start3A_40 = tpu.memref_slice %arg3[%add3A_39] : memref<640000xi32, #tpu.memory_space<hbm>> -> memref<80xi32, #tpu.memory_space<hbm>>
    %dma_start3A_41 = tpu.memref_slice %arg3[%add3A_39] : memref<640000xi32, #tpu.memory_space<hbm>> -> memref<80xi32, #tpu.memory_space<hbm>>
    tpu.enqueue_dma source(%dma_start3A_41 : memref<80xi32, #tpu.memory_space<hbm>>) target(%arg10 : memref<80xi32, #tpu.memory_space<vmem>>) target_semaphore(%arg22 : memref<!tpu.dma_semaphore, #tpu.memory_space<semaphore_mem>>)
    %dma_wait3A = arith.constant 0 : i32
    %dma_wait3A_42 = tpu.memref_slice %arg3[%dma_wait3A] : memref<640000xi32, #tpu.memory_space<hbm>> -> memref<80xi32, #tpu.memory_space<hbm>>
    %dma_wait3A_43 = arith.constant 0 : i32
    %dma_wait3A_44 = tpu.memref_slice %arg3[%dma_wait3A_43] : memref<640000xi32, #tpu.memory_space<hbm>> -> memref<80xi32, #tpu.memory_space<hbm>>
    tpu.wait_dma2 semaphore(%arg17 : memref<!tpu.dma_semaphore, #tpu.memory_space<semaphore_mem>>) src(%dma_wait3A_44 : memref<80xi32, #tpu.memory_space<hbm>>) dst(%arg5 : memref<80xi32, #tpu.memory_space<vmem>>)
    %dma_start3A_45 = arith.constant 0 : i32
    %dma_start3A_46 = arith.constant 0 : i32
    %dma_start3A_47 = tpu.memref_slice %arg2[%dma_start3A_45, %dma_start3A_46] : memref<10000x128xf32, #tpu.memory_space<hbm>> -> memref<10000x128xf32, #tpu.memory_space<hbm>>
    tpu.enqueue_indirect_dma source(%dma_start3A_47 : memref<10000x128xf32, #tpu.memory_space<hbm>>) target(%arg12 : memref<80x128xf32, #tpu.memory_space<vmem>>) offsets(%arg5 : memref<80xi32, #tpu.memory_space<vmem>>) semaphore(%arg15 : memref<!tpu.dma_semaphore, #tpu.memory_space<semaphore_mem>>)
    %dma_wait3A_48 = arith.constant 0 : i32
    %dma_wait3A_49 = tpu.memref_slice %arg3[%dma_wait3A_48] : memref<640000xi32, #tpu.memory_space<hbm>> -> memref<80xi32, #tpu.memory_space<hbm>>
    %dma_wait3A_50 = arith.constant 0 : i32
    %dma_wait3A_51 = tpu.memref_slice %arg3[%dma_wait3A_50] : memref<640000xi32, #tpu.memory_space<hbm>> -> memref<80xi32, #tpu.memory_space<hbm>>
    tpu.wait_dma2 semaphore(%arg18 : memref<!tpu.dma_semaphore, #tpu.memory_space<semaphore_mem>>) src(%dma_wait3A_51 : memref<80xi32, #tpu.memory_space<hbm>>) dst(%arg6 : memref<80xi32, #tpu.memory_space<vmem>>)
    %dma_start3A_52 = arith.constant 0 : i32
    %dma_start3A_53 = arith.constant 0 : i32
    %dma_start3A_54 = tpu.memref_slice %arg2[%dma_start3A_52, %dma_start3A_53] : memref<10000x128xf32, #tpu.memory_space<hbm>> -> memref<10000x128xf32, #tpu.memory_space<hbm>>
    tpu.enqueue_indirect_dma source(%dma_start3A_54 : memref<10000x128xf32, #tpu.memory_space<hbm>>) target(%arg13 : memref<80x128xf32, #tpu.memory_space<vmem>>) offsets(%arg6 : memref<80xi32, #tpu.memory_space<vmem>>) semaphore(%arg16 : memref<!tpu.dma_semaphore, #tpu.memory_space<semaphore_mem>>)
    %scan3A_55 = arith.constant 0 : i32
    %scan3A_56 = arith.constant 0 : i32
    %scan3A_57 = arith.constant 20 : i32
    %scan3A_58 = arith.addi %scan3A_56, %scan3A_57 : i32
    %scan3A_59 = arith.constant 1 : i32
    %scan3A_60 = scf.for %scan3A_144 = %scan3A_56 to %scan3A_58 step %scan3A_59 iter_args(%scan3A_145 = %scan3A_55) -> (i32)  : i32 {
      %mul3A_146 = arith.constant 6 : i32
      %mul3A_147 = arith.muli %mul3A_146, %scan3A_144 : i32
      %dma_wait3A_148 = arith.constant 0 : i32
      %dma_wait3A_149 = tpu.memref_slice %arg3[%dma_wait3A_148] : memref<640000xi32, #tpu.memory_space<hbm>> -> memref<80xi32, #tpu.memory_space<hbm>>
      %dma_wait3A_150 = arith.constant 0 : i32
      %dma_wait3A_151 = tpu.memref_slice %arg3[%dma_wait3A_150] : memref<640000xi32, #tpu.memory_space<hbm>> -> memref<80xi32, #tpu.memory_space<hbm>>
      tpu.wait_dma2 semaphore(%arg20 : memref<!tpu.dma_semaphore, #tpu.memory_space<semaphore_mem>>) src(%dma_wait3A_151 : memref<80xi32, #tpu.memory_space<hbm>>) dst(%arg8 : memref<80xi32, #tpu.memory_space<vmem>>)
      %dma_wait3A_152 = arith.constant 0 : i32
      %dma_wait3A_153 = arith.constant 0 : i32
      %dma_wait3A_154 = tpu.memref_slice %arg2[%dma_wait3A_152, %dma_wait3A_153] : memref<10000x128xf32, #tpu.memory_space<hbm>> -> memref<10000x128xf32, #tpu.memory_space<hbm>>
      tpu.wait_indirect_dma semaphore(%arg15 : memref<!tpu.dma_semaphore, #tpu.memory_space<semaphore_mem>>) src(%dma_wait3A_154 : memref<10000x128xf32, #tpu.memory_space<hbm>>) dst(%arg12 : memref<80x128xf32, #tpu.memory_space<vmem>>)
      "tpu.region"() ({
        %run_scoped3A = tpu.sem_alloc : memref<!tpu.dma_semaphore, #tpu.memory_space<semaphore_mem>>
        %dma_start3A_317 = arith.constant 0 : i32
        %dma_start3A_318 = arith.constant 0 : i32
        %dma_start3A_319 = tpu.memref_slice %arg14[%dma_start3A_317, %dma_start3A_318] : memref<10000x128xf32, #tpu.memory_space<vmem_shared>> -> memref<10000x128xf32, #tpu.memory_space<vmem_shared>>
        tpu.enqueue_indirect_dma source(%arg12 : memref<80x128xf32, #tpu.memory_space<vmem>>) target(%dma_start3A_319 : memref<10000x128xf32, #tpu.memory_space<vmem_shared>>) offsets(%arg8 : memref<80xi32, #tpu.memory_space<vmem>>) semaphore(%run_scoped3A : memref<!tpu.dma_semaphore, #tpu.memory_space<semaphore_mem>>) {add = true}
        %dma_wait3A_320 = arith.constant 0 : i32
        %dma_wait3A_321 = arith.constant 0 : i32
        %dma_wait3A_322 = tpu.memref_slice %arg14[%dma_wait3A_320, %dma_wait3A_321] : memref<10000x128xf32, #tpu.memory_space<vmem_shared>> -> memref<10000x128xf32, #tpu.memory_space<vmem_shared>>
        tpu.wait_indirect_dma semaphore(%run_scoped3A : memref<!tpu.dma_semaphore, #tpu.memory_space<semaphore_mem>>) src(%arg12 : memref<80x128xf32, #tpu.memory_space<vmem>>) dst(%dma_wait3A_322 : memref<10000x128xf32, #tpu.memory_space<vmem_shared>>)
        tpu.yield
      }) : () -> ()
      %dma_wait3A_155 = arith.constant 0 : i32
      %dma_wait3A_156 = tpu.memref_slice %arg3[%dma_wait3A_155] : memref<640000xi32, #tpu.memory_space<hbm>> -> memref<80xi32, #tpu.memory_space<hbm>>
      %dma_wait3A_157 = arith.constant 0 : i32
      %dma_wait3A_158 = tpu.memref_slice %arg3[%dma_wait3A_157] : memref<640000xi32, #tpu.memory_space<hbm>> -> memref<80xi32, #tpu.memory_space<hbm>>
      tpu.wait_dma2 semaphore(%arg19 : memref<!tpu.dma_semaphore, #tpu.memory_space<semaphore_mem>>) src(%dma_wait3A_158 : memref<80xi32, #tpu.memory_space<hbm>>) dst(%arg7 : memref<80xi32, #tpu.memory_space<vmem>>)
      %dma_start3A_159 = arith.constant 0 : i32
      %dma_start3A_160 = arith.constant 0 : i32
      %dma_start3A_161 = tpu.memref_slice %arg2[%dma_start3A_159, %dma_start3A_160] : memref<10000x128xf32, #tpu.memory_space<hbm>> -> memref<10000x128xf32, #tpu.memory_space<hbm>>
      tpu.enqueue_indirect_dma source(%dma_start3A_161 : memref<10000x128xf32, #tpu.memory_space<hbm>>) target(%arg12 : memref<80x128xf32, #tpu.memory_space<vmem>>) offsets(%arg7 : memref<80xi32, #tpu.memory_space<vmem>>) semaphore(%arg15 : memref<!tpu.dma_semaphore, #tpu.memory_space<semaphore_mem>>)
      %add3A_162 = arith.constant 0 : i32
      %add3A_163 = arith.addi %mul3A_147, %add3A_162 : i32
      %add3A_164 = arith.constant 3 : i32
      %add3A_165 = arith.addi %add3A_163, %add3A_164 : i32
      %mul3A_166 = arith.constant 80 : i32
      %mul3A_167 = arith.muli %add3A_165, %mul3A_166 : i32
      %add3A_168 = arith.addi %mul3A_16, %mul3A_167 : i32
      %multiple_of3A_169 = tpu.assume_multiple %add3A_168, 8 : i32
      %dma_start3A_170 = tpu.memref_slice %arg3[%multiple_of3A_169] : memref<640000xi32, #tpu.memory_space<hbm>> -> memref<80xi32, #tpu.memory_space<hbm>>
      %dma_start3A_171 = tpu.memref_slice %arg3[%multiple_of3A_169] : memref<640000xi32, #tpu.memory_space<hbm>> -> memref<80xi32, #tpu.memory_space<hbm>>
      tpu.enqueue_dma source(%dma_start3A_171 : memref<80xi32, #tpu.memory_space<hbm>>) target(%arg5 : memref<80xi32, #tpu.memory_space<vmem>>) target_semaphore(%arg17 : memref<!tpu.dma_semaphore, #tpu.memory_space<semaphore_mem>>)
      %add3A_172 = arith.constant 320000 : i32
      %add3A_173 = arith.addi %add3A_172, %multiple_of3A_169 : i32
      %dma_start3A_174 = tpu.memref_slice %arg3[%add3A_173] : memref<640000xi32, #tpu.memory_space<hbm>> -> memref<80xi32, #tpu.memory_space<hbm>>
      %dma_start3A_175 = tpu.memref_slice %arg3[%add3A_173] : memref<640000xi32, #tpu.memory_space<hbm>> -> memref<80xi32, #tpu.memory_space<hbm>>
      tpu.enqueue_dma source(%dma_start3A_175 : memref<80xi32, #tpu.memory_space<hbm>>) target(%arg8 : memref<80xi32, #tpu.memory_space<vmem>>) target_semaphore(%arg20 : memref<!tpu.dma_semaphore, #tpu.memory_space<semaphore_mem>>)
      %dma_wait3A_176 = arith.constant 0 : i32
      %dma_wait3A_177 = tpu.memref_slice %arg3[%dma_wait3A_176] : memref<640000xi32, #tpu.memory_space<hbm>> -> memref<80xi32, #tpu.memory_space<hbm>>
      %dma_wait3A_178 = arith.constant 0 : i32
      %dma_wait3A_179 = tpu.memref_slice %arg3[%dma_wait3A_178] : memref<640000xi32, #tpu.memory_space<hbm>> -> memref<80xi32, #tpu.memory_space<hbm>>
      tpu.wait_dma2 semaphore(%arg21 : memref<!tpu.dma_semaphore, #tpu.memory_space<semaphore_mem>>) src(%dma_wait3A_179 : memref<80xi32, #tpu.memory_space<hbm>>) dst(%arg9 : memref<80xi32, #tpu.memory_space<vmem>>)
      %dma_wait3A_180 = arith.constant 0 : i32
      %dma_wait3A_181 = arith.constant 0 : i32
      %dma_wait3A_182 = tpu.memref_slice %arg2[%dma_wait3A_180, %dma_wait3A_181] : memref<10000x128xf32, #tpu.memory_space<hbm>> -> memref<10000x128xf32, #tpu.memory_space<hbm>>
      tpu.wait_indirect_dma semaphore(%arg16 : memref<!tpu.dma_semaphore, #tpu.memory_space<semaphore_mem>>) src(%dma_wait3A_182 : memref<10000x128xf32, #tpu.memory_space<hbm>>) dst(%arg13 : memref<80x128xf32, #tpu.memory_space<vmem>>)
      "tpu.region"() ({
        %run_scoped3A = tpu.sem_alloc : memref<!tpu.dma_semaphore, #tpu.memory_space<semaphore_mem>>
        %dma_start3A_317 = arith.constant 0 : i32
        %dma_start3A_318 = arith.constant 0 : i32
        %dma_start3A_319 = tpu.memref_slice %arg14[%dma_start3A_317, %dma_start3A_318] : memref<10000x128xf32, #tpu.memory_space<vmem_shared>> -> memref<10000x128xf32, #tpu.memory_space<vmem_shared>>
        tpu.enqueue_indirect_dma source(%arg13 : memref<80x128xf32, #tpu.memory_space<vmem>>) target(%dma_start3A_319 : memref<10000x128xf32, #tpu.memory_space<vmem_shared>>) offsets(%arg9 : memref<80xi32, #tpu.memory_space<vmem>>) semaphore(%run_scoped3A : memref<!tpu.dma_semaphore, #tpu.memory_space<semaphore_mem>>) {add = true}
        %dma_wait3A_320 = arith.constant 0 : i32
        %dma_wait3A_321 = arith.constant 0 : i32
        %dma_wait3A_322 = tpu.memref_slice %arg14[%dma_wait3A_320, %dma_wait3A_321] : memref<10000x128xf32, #tpu.memory_space<vmem_shared>> -> memref<10000x128xf32, #tpu.memory_space<vmem_shared>>
        tpu.wait_indirect_dma semaphore(%run_scoped3A : memref<!tpu.dma_semaphore, #tpu.memory_space<semaphore_mem>>) src(%arg13 : memref<80x128xf32, #tpu.memory_space<vmem>>) dst(%dma_wait3A_322 : memref<10000x128xf32, #tpu.memory_space<vmem_shared>>)
        tpu.yield
      }) : () -> ()
      %dma_wait3A_183 = arith.constant 0 : i32
      %dma_wait3A_184 = tpu.memref_slice %arg3[%dma_wait3A_183] : memref<640000xi32, #tpu.memory_space<hbm>> -> memref<80xi32, #tpu.memory_space<hbm>>
      %dma_wait3A_185 = arith.constant 0 : i32
      %dma_wait3A_186 = tpu.memref_slice %arg3[%dma_wait3A_185] : memref<640000xi32, #tpu.memory_space<hbm>> -> memref<80xi32, #tpu.memory_space<hbm>>
      tpu.wait_dma2 semaphore(%arg17 : memref<!tpu.dma_semaphore, #tpu.memory_space<semaphore_mem>>) src(%dma_wait3A_186 : memref<80xi32, #tpu.memory_space<hbm>>) dst(%arg5 : memref<80xi32, #tpu.memory_space<vmem>>)
      %dma_start3A_187 = arith.constant 0 : i32
      %dma_start3A_188 = arith.constant 0 : i32
      %dma_start3A_189 = tpu.memref_slice %arg2[%dma_start3A_187, %dma_start3A_188] : memref<10000x128xf32, #tpu.memory_space<hbm>> -> memref<10000x128xf32, #tpu.memory_space<hbm>>
      tpu.enqueue_indirect_dma source(%dma_start3A_189 : memref<10000x128xf32, #tpu.memory_space<hbm>>) target(%arg13 : memref<80x128xf32, #tpu.memory_space<vmem>>) offsets(%arg5 : memref<80xi32, #tpu.memory_space<vmem>>) semaphore(%arg16 : memref<!tpu.dma_semaphore, #tpu.memory_space<semaphore_mem>>)
      %add3A_190 = arith.constant 1 : i32
      %add3A_191 = arith.addi %mul3A_147, %add3A_190 : i32
      %add3A_192 = arith.constant 3 : i32
      %add3A_193 = arith.addi %add3A_191, %add3A_192 : i32
      %mul3A_194 = arith.constant 80 : i32
      %mul3A_195 = arith.muli %add3A_193, %mul3A_194 : i32
      %add3A_196 = arith.addi %mul3A_16, %mul3A_195 : i32
      %multiple_of3A_197 = tpu.assume_multiple %add3A_196, 8 : i32
      %dma_start3A_198 = tpu.memref_slice %arg3[%multiple_of3A_197] : memref<640000xi32, #tpu.memory_space<hbm>> -> memref<80xi32, #tpu.memory_space<hbm>>
      %dma_start3A_199 = tpu.memref_slice %arg3[%multiple_of3A_197] : memref<640000xi32, #tpu.memory_space<hbm>> -> memref<80xi32, #tpu.memory_space<hbm>>
      tpu.enqueue_dma source(%dma_start3A_199 : memref<80xi32, #tpu.memory_space<hbm>>) target(%arg6 : memref<80xi32, #tpu.memory_space<vmem>>) target_semaphore(%arg18 : memref<!tpu.dma_semaphore, #tpu.memory_space<semaphore_mem>>)
      %add3A_200 = arith.constant 320000 : i32
      %add3A_201 = arith.addi %add3A_200, %multiple_of3A_197 : i32
      %dma_start3A_202 = tpu.memref_slice %arg3[%add3A_201] : memref<640000xi32, #tpu.memory_space<hbm>> -> memref<80xi32, #tpu.memory_space<hbm>>
      %dma_start3A_203 = tpu.memref_slice %arg3[%add3A_201] : memref<640000xi32, #tpu.memory_space<hbm>> -> memref<80xi32, #tpu.memory_space<hbm>>
      tpu.enqueue_dma source(%dma_start3A_203 : memref<80xi32, #tpu.memory_space<hbm>>) target(%arg9 : memref<80xi32, #tpu.memory_space<vmem>>) target_semaphore(%arg21 : memref<!tpu.dma_semaphore, #tpu.memory_space<semaphore_mem>>)
      %dma_wait3A_204 = arith.constant 0 : i32
      %dma_wait3A_205 = tpu.memref_slice %arg3[%dma_wait3A_204] : memref<640000xi32, #tpu.memory_space<hbm>> -> memref<80xi32, #tpu.memory_space<hbm>>
      %dma_wait3A_206 = arith.constant 0 : i32
      %dma_wait3A_207 = tpu.memref_slice %arg3[%dma_wait3A_206] : memref<640000xi32, #tpu.memory_space<hbm>> -> memref<80xi32, #tpu.memory_space<hbm>>
      tpu.wait_dma2 semaphore(%arg22 : memref<!tpu.dma_semaphore, #tpu.memory_space<semaphore_mem>>) src(%dma_wait3A_207 : memref<80xi32, #tpu.memory_space<hbm>>) dst(%arg10 : memref<80xi32, #tpu.memory_space<vmem>>)
      %dma_wait3A_208 = arith.constant 0 : i32
      %dma_wait3A_209 = arith.constant 0 : i32
      %dma_wait3A_210 = tpu.memref_slice %arg2[%dma_wait3A_208, %dma_wait3A_209] : memref<10000x128xf32, #tpu.memory_space<hbm>> -> memref<10000x128xf32, #tpu.memory_space<hbm>>
      tpu.wait_indirect_dma semaphore(%arg15 : memref<!tpu.dma_semaphore, #tpu.memory_space<semaphore_mem>>) src(%dma_wait3A_210 : memref<10000x128xf32, #tpu.memory_space<hbm>>) dst(%arg12 : memref<80x128xf32, #tpu.memory_space<vmem>>)
      "tpu.region"() ({
        %run_scoped3A = tpu.sem_alloc : memref<!tpu.dma_semaphore, #tpu.memory_space<semaphore_mem>>
        %dma_start3A_317 = arith.constant 0 : i32
        %dma_start3A_318 = arith.constant 0 : i32
        %dma_start3A_319 = tpu.memref_slice %arg14[%dma_start3A_317, %dma_start3A_318] : memref<10000x128xf32, #tpu.memory_space<vmem_shared>> -> memref<10000x128xf32, #tpu.memory_space<vmem_shared>>
        tpu.enqueue_indirect_dma source(%arg12 : memref<80x128xf32, #tpu.memory_space<vmem>>) target(%dma_start3A_319 : memref<10000x128xf32, #tpu.memory_space<vmem_shared>>) offsets(%arg10 : memref<80xi32, #tpu.memory_space<vmem>>) semaphore(%run_scoped3A : memref<!tpu.dma_semaphore, #tpu.memory_space<semaphore_mem>>) {add = true}
        %dma_wait3A_320 = arith.constant 0 : i32
        %dma_wait3A_321 = arith.constant 0 : i32
        %dma_wait3A_322 = tpu.memref_slice %arg14[%dma_wait3A_320, %dma_wait3A_321] : memref<10000x128xf32, #tpu.memory_space<vmem_shared>> -> memref<10000x128xf32, #tpu.memory_space<vmem_shared>>
        tpu.wait_indirect_dma semaphore(%run_scoped3A : memref<!tpu.dma_semaphore, #tpu.memory_space<semaphore_mem>>) src(%arg12 : memref<80x128xf32, #tpu.memory_space<vmem>>) dst(%dma_wait3A_322 : memref<10000x128xf32, #tpu.memory_space<vmem_shared>>)
        tpu.yield
      }) : () -> ()
      %dma_wait3A_211 = arith.constant 0 : i32
      %dma_wait3A_212 = tpu.memref_slice %arg3[%dma_wait3A_211] : memref<640000xi32, #tpu.memory_space<hbm>> -> memref<80xi32, #tpu.memory_space<hbm>>
      %dma_wait3A_213 = arith.constant 0 : i32
      %dma_wait3A_214 = tpu.memref_slice %arg3[%dma_wait3A_213] : memref<640000xi32, #tpu.memory_space<hbm>> -> memref<80xi32, #tpu.memory_space<hbm>>
      tpu.wait_dma2 semaphore(%arg18 : memref<!tpu.dma_semaphore, #tpu.memory_space<semaphore_mem>>) src(%dma_wait3A_214 : memref<80xi32, #tpu.memory_space<hbm>>) dst(%arg6 : memref<80xi32, #tpu.memory_space<vmem>>)
      %dma_start3A_215 = arith.constant 0 : i32
      %dma_start3A_216 = arith.constant 0 : i32
      %dma_start3A_217 = tpu.memref_slice %arg2[%dma_start3A_215, %dma_start3A_216] : memref<10000x128xf32, #tpu.memory_space<hbm>> -> memref<10000x128xf32, #tpu.memory_space<hbm>>
      tpu.enqueue_indirect_dma source(%dma_start3A_217 : memref<10000x128xf32, #tpu.memory_space<hbm>>) target(%arg12 : memref<80x128xf32, #tpu.memory_space<vmem>>) offsets(%arg6 : memref<80xi32, #tpu.memory_space<vmem>>) semaphore(%arg15 : memref<!tpu.dma_semaphore, #tpu.memory_space<semaphore_mem>>)
      %add3A_218 = arith.constant 2 : i32
      %add3A_219 = arith.addi %mul3A_147, %add3A_218 : i32
      %add3A_220 = arith.constant 3 : i32
      %add3A_221 = arith.addi %add3A_219, %add3A_220 : i32
      %mul3A_222 = arith.constant 80 : i32
      %mul3A_223 = arith.muli %add3A_221, %mul3A_222 : i32
      %add3A_224 = arith.addi %mul3A_16, %mul3A_223 : i32
      %multiple_of3A_225 = tpu.assume_multiple %add3A_224, 8 : i32
      %dma_start3A_226 = tpu.memref_slice %arg3[%multiple_of3A_225] : memref<640000xi32, #tpu.memory_space<hbm>> -> memref<80xi32, #tpu.memory_space<hbm>>
      %dma_start3A_227 = tpu.memref_slice %arg3[%multiple_of3A_225] : memref<640000xi32, #tpu.memory_space<hbm>> -> memref<80xi32, #tpu.memory_space<hbm>>
      tpu.enqueue_dma source(%dma_start3A_227 : memref<80xi32, #tpu.memory_space<hbm>>) target(%arg7 : memref<80xi32, #tpu.memory_space<vmem>>) target_semaphore(%arg19 : memref<!tpu.dma_semaphore, #tpu.memory_space<semaphore_mem>>)
      %add3A_228 = arith.constant 320000 : i32
      %add3A_229 = arith.addi %add3A_228, %multiple_of3A_225 : i32
      %dma_start3A_230 = tpu.memref_slice %arg3[%add3A_229] : memref<640000xi32, #tpu.memory_space<hbm>> -> memref<80xi32, #tpu.memory_space<hbm>>
      %dma_start3A_231 = tpu.memref_slice %arg3[%add3A_229] : memref<640000xi32, #tpu.memory_space<hbm>> -> memref<80xi32, #tpu.memory_space<hbm>>
      tpu.enqueue_dma source(%dma_start3A_231 : memref<80xi32, #tpu.memory_space<hbm>>) target(%arg10 : memref<80xi32, #tpu.memory_space<vmem>>) target_semaphore(%arg22 : memref<!tpu.dma_semaphore, #tpu.memory_space<semaphore_mem>>)
      %dma_wait3A_232 = arith.constant 0 : i32
      %dma_wait3A_233 = tpu.memref_slice %arg3[%dma_wait3A_232] : memref<640000xi32, #tpu.memory_space<hbm>> -> memref<80xi32, #tpu.memory_space<hbm>>
      %dma_wait3A_234 = arith.constant 0 : i32
      %dma_wait3A_235 = tpu.memref_slice %arg3[%dma_wait3A_234] : memref<640000xi32, #tpu.memory_space<hbm>> -> memref<80xi32, #tpu.memory_space<hbm>>
      tpu.wait_dma2 semaphore(%arg20 : memref<!tpu.dma_semaphore, #tpu.memory_space<semaphore_mem>>) src(%dma_wait3A_235 : memref<80xi32, #tpu.memory_space<hbm>>) dst(%arg8 : memref<80xi32, #tpu.memory_space<vmem>>)
      %dma_wait3A_236 = arith.constant 0 : i32
      %dma_wait3A_237 = arith.constant 0 : i32
      %dma_wait3A_238 = tpu.memref_slice %arg2[%dma_wait3A_236, %dma_wait3A_237] : memref<10000x128xf32, #tpu.memory_space<hbm>> -> memref<10000x128xf32, #tpu.memory_space<hbm>>
      tpu.wait_indirect_dma semaphore(%arg16 : memref<!tpu.dma_semaphore, #tpu.memory_space<semaphore_mem>>) src(%dma_wait3A_238 : memref<10000x128xf32, #tpu.memory_space<hbm>>) dst(%arg13 : memref<80x128xf32, #tpu.memory_space<vmem>>)
      "tpu.region"() ({
        %run_scoped3A = tpu.sem_alloc : memref<!tpu.dma_semaphore, #tpu.memory_space<semaphore_mem>>
        %dma_start3A_317 = arith.constant 0 : i32
        %dma_start3A_318 = arith.constant 0 : i32
        %dma_start3A_319 = tpu.memref_slice %arg14[%dma_start3A_317, %dma_start3A_318] : memref<10000x128xf32, #tpu.memory_space<vmem_shared>> -> memref<10000x128xf32, #tpu.memory_space<vmem_shared>>
        tpu.enqueue_indirect_dma source(%arg13 : memref<80x128xf32, #tpu.memory_space<vmem>>) target(%dma_start3A_319 : memref<10000x128xf32, #tpu.memory_space<vmem_shared>>) offsets(%arg8 : memref<80xi32, #tpu.memory_space<vmem>>) semaphore(%run_scoped3A : memref<!tpu.dma_semaphore, #tpu.memory_space<semaphore_mem>>) {add = true}
        %dma_wait3A_320 = arith.constant 0 : i32
        %dma_wait3A_321 = arith.constant 0 : i32
        %dma_wait3A_322 = tpu.memref_slice %arg14[%dma_wait3A_320, %dma_wait3A_321] : memref<10000x128xf32, #tpu.memory_space<vmem_shared>> -> memref<10000x128xf32, #tpu.memory_space<vmem_shared>>
        tpu.wait_indirect_dma semaphore(%run_scoped3A : memref<!tpu.dma_semaphore, #tpu.memory_space<semaphore_mem>>) src(%arg13 : memref<80x128xf32, #tpu.memory_space<vmem>>) dst(%dma_wait3A_322 : memref<10000x128xf32, #tpu.memory_space<vmem_shared>>)
        tpu.yield
      }) : () -> ()
      %dma_wait3A_239 = arith.constant 0 : i32
      %dma_wait3A_240 = tpu.memref_slice %arg3[%dma_wait3A_239] : memref<640000xi32, #tpu.memory_space<hbm>> -> memref<80xi32, #tpu.memory_space<hbm>>
      %dma_wait3A_241 = arith.constant 0 : i32
      %dma_wait3A_242 = tpu.memref_slice %arg3[%dma_wait3A_241] : memref<640000xi32, #tpu.memory_space<hbm>> -> memref<80xi32, #tpu.memory_space<hbm>>
      tpu.wait_dma2 semaphore(%arg19 : memref<!tpu.dma_semaphore, #tpu.memory_space<semaphore_mem>>) src(%dma_wait3A_242 : memref<80xi32, #tpu.memory_space<hbm>>) dst(%arg7 : memref<80xi32, #tpu.memory_space<vmem>>)
      %dma_start3A_243 = arith.constant 0 : i32
      %dma_start3A_244 = arith.constant 0 : i32
      %dma_start3A_245 = tpu.memref_slice %arg2[%dma_start3A_243, %dma_start3A_244] : memref<10000x128xf32, #tpu.memory_space<hbm>> -> memref<10000x128xf32, #tpu.memory_space<hbm>>
      tpu.enqueue_indirect_dma source(%dma_start3A_245 : memref<10000x128xf32, #tpu.memory_space<hbm>>) target(%arg13 : memref<80x128xf32, #tpu.memory_space<vmem>>) offsets(%arg7 : memref<80xi32, #tpu.memory_space<vmem>>) semaphore(%arg16 : memref<!tpu.dma_semaphore, #tpu.memory_space<semaphore_mem>>)
      %add3A_246 = arith.constant 3 : i32
      %add3A_247 = arith.addi %mul3A_147, %add3A_246 : i32
      %add3A_248 = arith.constant 3 : i32
      %add3A_249 = arith.addi %add3A_247, %add3A_248 : i32
      %mul3A_250 = arith.constant 80 : i32
      %mul3A_251 = arith.muli %add3A_249, %mul3A_250 : i32
      %add3A_252 = arith.addi %mul3A_16, %mul3A_251 : i32
      %multiple_of3A_253 = tpu.assume_multiple %add3A_252, 8 : i32
      %dma_start3A_254 = tpu.memref_slice %arg3[%multiple_of3A_253] : memref<640000xi32, #tpu.memory_space<hbm>> -> memref<80xi32, #tpu.memory_space<hbm>>
      %dma_start3A_255 = tpu.memref_slice %arg3[%multiple_of3A_253] : memref<640000xi32, #tpu.memory_space<hbm>> -> memref<80xi32, #tpu.memory_space<hbm>>
      tpu.enqueue_dma source(%dma_start3A_255 : memref<80xi32, #tpu.memory_space<hbm>>) target(%arg5 : memref<80xi32, #tpu.memory_space<vmem>>) target_semaphore(%arg17 : memref<!tpu.dma_semaphore, #tpu.memory_space<semaphore_mem>>)
      %add3A_256 = arith.constant 320000 : i32
      %add3A_257 = arith.addi %add3A_256, %multiple_of3A_253 : i32
      %dma_start3A_258 = tpu.memref_slice %arg3[%add3A_257] : memref<640000xi32, #tpu.memory_space<hbm>> -> memref<80xi32, #tpu.memory_space<hbm>>
      %dma_start3A_259 = tpu.memref_slice %arg3[%add3A_257] : memref<640000xi32, #tpu.memory_space<hbm>> -> memref<80xi32, #tpu.memory_space<hbm>>
      tpu.enqueue_dma source(%dma_start3A_259 : memref<80xi32, #tpu.memory_space<hbm>>) target(%arg8 : memref<80xi32, #tpu.memory_space<vmem>>) target_semaphore(%arg20 : memref<!tpu.dma_semaphore, #tpu.memory_space<semaphore_mem>>)
      %dma_wait3A_260 = arith.constant 0 : i32
      %dma_wait3A_261 = tpu.memref_slice %arg3[%dma_wait3A_260] : memref<640000xi32, #tpu.memory_space<hbm>> -> memref<80xi32, #tpu.memory_space<hbm>>
      %dma_wait3A_262 = arith.constant 0 : i32
      %dma_wait3A_263 = tpu.memref_slice %arg3[%dma_wait3A_262] : memref<640000xi32, #tpu.memory_space<hbm>> -> memref<80xi32, #tpu.memory_space<hbm>>
      tpu.wait_dma2 semaphore(%arg21 : memref<!tpu.dma_semaphore, #tpu.memory_space<semaphore_mem>>) src(%dma_wait3A_263 : memref<80xi32, #tpu.memory_space<hbm>>) dst(%arg9 : memref<80xi32, #tpu.memory_space<vmem>>)
      %dma_wait3A_264 = arith.constant 0 : i32
      %dma_wait3A_265 = arith.constant 0 : i32
      %dma_wait3A_266 = tpu.memref_slice %arg2[%dma_wait3A_264, %dma_wait3A_265] : memref<10000x128xf32, #tpu.memory_space<hbm>> -> memref<10000x128xf32, #tpu.memory_space<hbm>>
      tpu.wait_indirect_dma semaphore(%arg15 : memref<!tpu.dma_semaphore, #tpu.memory_space<semaphore_mem>>) src(%dma_wait3A_266 : memref<10000x128xf32, #tpu.memory_space<hbm>>) dst(%arg12 : memref<80x128xf32, #tpu.memory_space<vmem>>)
      "tpu.region"() ({
        %run_scoped3A = tpu.sem_alloc : memref<!tpu.dma_semaphore, #tpu.memory_space<semaphore_mem>>
        %dma_start3A_317 = arith.constant 0 : i32
        %dma_start3A_318 = arith.constant 0 : i32
        %dma_start3A_319 = tpu.memref_slice %arg14[%dma_start3A_317, %dma_start3A_318] : memref<10000x128xf32, #tpu.memory_space<vmem_shared>> -> memref<10000x128xf32, #tpu.memory_space<vmem_shared>>
        tpu.enqueue_indirect_dma source(%arg12 : memref<80x128xf32, #tpu.memory_space<vmem>>) target(%dma_start3A_319 : memref<10000x128xf32, #tpu.memory_space<vmem_shared>>) offsets(%arg9 : memref<80xi32, #tpu.memory_space<vmem>>) semaphore(%run_scoped3A : memref<!tpu.dma_semaphore, #tpu.memory_space<semaphore_mem>>) {add = true}
        %dma_wait3A_320 = arith.constant 0 : i32
        %dma_wait3A_321 = arith.constant 0 : i32
        %dma_wait3A_322 = tpu.memref_slice %arg14[%dma_wait3A_320, %dma_wait3A_321] : memref<10000x128xf32, #tpu.memory_space<vmem_shared>> -> memref<10000x128xf32, #tpu.memory_space<vmem_shared>>
        tpu.wait_indirect_dma semaphore(%run_scoped3A : memref<!tpu.dma_semaphore, #tpu.memory_space<semaphore_mem>>) src(%arg12 : memref<80x128xf32, #tpu.memory_space<vmem>>) dst(%dma_wait3A_322 : memref<10000x128xf32, #tpu.memory_space<vmem_shared>>)
        tpu.yield
      }) : () -> ()
      %dma_wait3A_267 = arith.constant 0 : i32
      %dma_wait3A_268 = tpu.memref_slice %arg3[%dma_wait3A_267] : memref<640000xi32, #tpu.memory_space<hbm>> -> memref<80xi32, #tpu.memory_space<hbm>>
      %dma_wait3A_269 = arith.constant 0 : i32
      %dma_wait3A_270 = tpu.memref_slice %arg3[%dma_wait3A_269] : memref<640000xi32, #tpu.memory_space<hbm>> -> memref<80xi32, #tpu.memory_space<hbm>>
      tpu.wait_dma2 semaphore(%arg17 : memref<!tpu.dma_semaphore, #tpu.memory_space<semaphore_mem>>) src(%dma_wait3A_270 : memref<80xi32, #tpu.memory_space<hbm>>) dst(%arg5 : memref<80xi32, #tpu.memory_space<vmem>>)
      %dma_start3A_271 = arith.constant 0 : i32
      %dma_start3A_272 = arith.constant 0 : i32
      %dma_start3A_273 = tpu.memref_slice %arg2[%dma_start3A_271, %dma_start3A_272] : memref<10000x128xf32, #tpu.memory_space<hbm>> -> memref<10000x128xf32, #tpu.memory_space<hbm>>
      tpu.enqueue_indirect_dma source(%dma_start3A_273 : memref<10000x128xf32, #tpu.memory_space<hbm>>) target(%arg12 : memref<80x128xf32, #tpu.memory_space<vmem>>) offsets(%arg5 : memref<80xi32, #tpu.memory_space<vmem>>) semaphore(%arg15 : memref<!tpu.dma_semaphore, #tpu.memory_space<semaphore_mem>>)
      %add3A_274 = arith.constant 4 : i32
      %add3A_275 = arith.addi %mul3A_147, %add3A_274 : i32
      %add3A_276 = arith.constant 3 : i32
      %add3A_277 = arith.addi %add3A_275, %add3A_276 : i32
      %mul3A_278 = arith.constant 80 : i32
      %mul3A_279 = arith.muli %add3A_277, %mul3A_278 : i32
      %add3A_280 = arith.addi %mul3A_16, %mul3A_279 : i32
      %multiple_of3A_281 = tpu.assume_multiple %add3A_280, 8 : i32
      %dma_start3A_282 = tpu.memref_slice %arg3[%multiple_of3A_281] : memref<640000xi32, #tpu.memory_space<hbm>> -> memref<80xi32, #tpu.memory_space<hbm>>
      %dma_start3A_283 = tpu.memref_slice %arg3[%multiple_of3A_281] : memref<640000xi32, #tpu.memory_space<hbm>> -> memref<80xi32, #tpu.memory_space<hbm>>
      tpu.enqueue_dma source(%dma_start3A_283 : memref<80xi32, #tpu.memory_space<hbm>>) target(%arg6 : memref<80xi32, #tpu.memory_space<vmem>>) target_semaphore(%arg18 : memref<!tpu.dma_semaphore, #tpu.memory_space<semaphore_mem>>)
      %add3A_284 = arith.constant 320000 : i32
      %add3A_285 = arith.addi %add3A_284, %multiple_of3A_281 : i32
      %dma_start3A_286 = tpu.memref_slice %arg3[%add3A_285] : memref<640000xi32, #tpu.memory_space<hbm>> -> memref<80xi32, #tpu.memory_space<hbm>>
      %dma_start3A_287 = tpu.memref_slice %arg3[%add3A_285] : memref<640000xi32, #tpu.memory_space<hbm>> -> memref<80xi32, #tpu.memory_space<hbm>>
      tpu.enqueue_dma source(%dma_start3A_287 : memref<80xi32, #tpu.memory_space<hbm>>) target(%arg9 : memref<80xi32, #tpu.memory_space<vmem>>) target_semaphore(%arg21 : memref<!tpu.dma_semaphore, #tpu.memory_space<semaphore_mem>>)
      %dma_wait3A_288 = arith.constant 0 : i32
      %dma_wait3A_289 = tpu.memref_slice %arg3[%dma_wait3A_288] : memref<640000xi32, #tpu.memory_space<hbm>> -> memref<80xi32, #tpu.memory_space<hbm>>
      %dma_wait3A_290 = arith.constant 0 : i32
      %dma_wait3A_291 = tpu.memref_slice %arg3[%dma_wait3A_290] : memref<640000xi32, #tpu.memory_space<hbm>> -> memref<80xi32, #tpu.memory_space<hbm>>
      tpu.wait_dma2 semaphore(%arg22 : memref<!tpu.dma_semaphore, #tpu.memory_space<semaphore_mem>>) src(%dma_wait3A_291 : memref<80xi32, #tpu.memory_space<hbm>>) dst(%arg10 : memref<80xi32, #tpu.memory_space<vmem>>)
      %dma_wait3A_292 = arith.constant 0 : i32
      %dma_wait3A_293 = arith.constant 0 : i32
      %dma_wait3A_294 = tpu.memref_slice %arg2[%dma_wait3A_292, %dma_wait3A_293] : memref<10000x128xf32, #tpu.memory_space<hbm>> -> memref<10000x128xf32, #tpu.memory_space<hbm>>
      tpu.wait_indirect_dma semaphore(%arg16 : memref<!tpu.dma_semaphore, #tpu.memory_space<semaphore_mem>>) src(%dma_wait3A_294 : memref<10000x128xf32, #tpu.memory_space<hbm>>) dst(%arg13 : memref<80x128xf32, #tpu.memory_space<vmem>>)
      "tpu.region"() ({
        %run_scoped3A = tpu.sem_alloc : memref<!tpu.dma_semaphore, #tpu.memory_space<semaphore_mem>>
        %dma_start3A_317 = arith.constant 0 : i32
        %dma_start3A_318 = arith.constant 0 : i32
        %dma_start3A_319 = tpu.memref_slice %arg14[%dma_start3A_317, %dma_start3A_318] : memref<10000x128xf32, #tpu.memory_space<vmem_shared>> -> memref<10000x128xf32, #tpu.memory_space<vmem_shared>>
        tpu.enqueue_indirect_dma source(%arg13 : memref<80x128xf32, #tpu.memory_space<vmem>>) target(%dma_start3A_319 : memref<10000x128xf32, #tpu.memory_space<vmem_shared>>) offsets(%arg10 : memref<80xi32, #tpu.memory_space<vmem>>) semaphore(%run_scoped3A : memref<!tpu.dma_semaphore, #tpu.memory_space<semaphore_mem>>) {add = true}
        %dma_wait3A_320 = arith.constant 0 : i32
        %dma_wait3A_321 = arith.constant 0 : i32
        %dma_wait3A_322 = tpu.memref_slice %arg14[%dma_wait3A_320, %dma_wait3A_321] : memref<10000x128xf32, #tpu.memory_space<vmem_shared>> -> memref<10000x128xf32, #tpu.memory_space<vmem_shared>>
        tpu.wait_indirect_dma semaphore(%run_scoped3A : memref<!tpu.dma_semaphore, #tpu.memory_space<semaphore_mem>>) src(%arg13 : memref<80x128xf32, #tpu.memory_space<vmem>>) dst(%dma_wait3A_322 : memref<10000x128xf32, #tpu.memory_space<vmem_shared>>)
        tpu.yield
      }) : () -> ()
      %dma_wait3A_295 = arith.constant 0 : i32
      %dma_wait3A_296 = tpu.memref_slice %arg3[%dma_wait3A_295] : memref<640000xi32, #tpu.memory_space<hbm>> -> memref<80xi32, #tpu.memory_space<hbm>>
      %dma_wait3A_297 = arith.constant 0 : i32
      %dma_wait3A_298 = tpu.memref_slice %arg3[%dma_wait3A_297] : memref<640000xi32, #tpu.memory_space<hbm>> -> memref<80xi32, #tpu.memory_space<hbm>>
      tpu.wait_dma2 semaphore(%arg18 : memref<!tpu.dma_semaphore, #tpu.memory_space<semaphore_mem>>) src(%dma_wait3A_298 : memref<80xi32, #tpu.memory_space<hbm>>) dst(%arg6 : memref<80xi32, #tpu.memory_space<vmem>>)
      %dma_start3A_299 = arith.constant 0 : i32
      %dma_start3A_300 = arith.constant 0 : i32
      %dma_start3A_301 = tpu.memref_slice %arg2[%dma_start3A_299, %dma_start3A_300] : memref<10000x128xf32, #tpu.memory_space<hbm>> -> memref<10000x128xf32, #tpu.memory_space<hbm>>
      tpu.enqueue_indirect_dma source(%dma_start3A_301 : memref<10000x128xf32, #tpu.memory_space<hbm>>) target(%arg13 : memref<80x128xf32, #tpu.memory_space<vmem>>) offsets(%arg6 : memref<80xi32, #tpu.memory_space<vmem>>) semaphore(%arg16 : memref<!tpu.dma_semaphore, #tpu.memory_space<semaphore_mem>>)
      %add3A_302 = arith.constant 5 : i32
      %add3A_303 = arith.addi %mul3A_147, %add3A_302 : i32
      %add3A_304 = arith.constant 3 : i32
      %add3A_305 = arith.addi %add3A_303, %add3A_304 : i32
      %mul3A_306 = arith.constant 80 : i32
      %mul3A_307 = arith.muli %add3A_305, %mul3A_306 : i32
      %add3A_308 = arith.addi %mul3A_16, %mul3A_307 : i32
      %multiple_of3A_309 = tpu.assume_multiple %add3A_308, 8 : i32
      %dma_start3A_310 = tpu.memref_slice %arg3[%multiple_of3A_309] : memref<640000xi32, #tpu.memory_space<hbm>> -> memref<80xi32, #tpu.memory_space<hbm>>
      %dma_start3A_311 = tpu.memref_slice %arg3[%multiple_of3A_309] : memref<640000xi32, #tpu.memory_space<hbm>> -> memref<80xi32, #tpu.memory_space<hbm>>
      tpu.enqueue_dma source(%dma_start3A_311 : memref<80xi32, #tpu.memory_space<hbm>>) target(%arg7 : memref<80xi32, #tpu.memory_space<vmem>>) target_semaphore(%arg19 : memref<!tpu.dma_semaphore, #tpu.memory_space<semaphore_mem>>)
      %add3A_312 = arith.constant 320000 : i32
      %add3A_313 = arith.addi %add3A_312, %multiple_of3A_309 : i32
      %dma_start3A_314 = tpu.memref_slice %arg3[%add3A_313] : memref<640000xi32, #tpu.memory_space<hbm>> -> memref<80xi32, #tpu.memory_space<hbm>>
      %dma_start3A_315 = tpu.memref_slice %arg3[%add3A_313] : memref<640000xi32, #tpu.memory_space<hbm>> -> memref<80xi32, #tpu.memory_space<hbm>>
      tpu.enqueue_dma source(%dma_start3A_315 : memref<80xi32, #tpu.memory_space<hbm>>) target(%arg10 : memref<80xi32, #tpu.memory_space<vmem>>) target_semaphore(%arg22 : memref<!tpu.dma_semaphore, #tpu.memory_space<semaphore_mem>>)
      %scan3A_316 = arith.constant 0 : i32
      scf.yield %scan3A_316 : i32
    }
    %scan3A_61 = arith.constant 20 : i32
    %dma_wait3A_62 = arith.constant 0 : i32
    %dma_wait3A_63 = tpu.memref_slice %arg3[%dma_wait3A_62] : memref<640000xi32, #tpu.memory_space<hbm>> -> memref<80xi32, #tpu.memory_space<hbm>>
    %dma_wait3A_64 = arith.constant 0 : i32
    %dma_wait3A_65 = tpu.memref_slice %arg3[%dma_wait3A_64] : memref<640000xi32, #tpu.memory_space<hbm>> -> memref<80xi32, #tpu.memory_space<hbm>>
    tpu.wait_dma2 semaphore(%arg20 : memref<!tpu.dma_semaphore, #tpu.memory_space<semaphore_mem>>) src(%dma_wait3A_65 : memref<80xi32, #tpu.memory_space<hbm>>) dst(%arg8 : memref<80xi32, #tpu.memory_space<vmem>>)
    %dma_wait3A_66 = arith.constant 0 : i32
    %dma_wait3A_67 = arith.constant 0 : i32
    %dma_wait3A_68 = tpu.memref_slice %arg2[%dma_wait3A_66, %dma_wait3A_67] : memref<10000x128xf32, #tpu.memory_space<hbm>> -> memref<10000x128xf32, #tpu.memory_space<hbm>>
    tpu.wait_indirect_dma semaphore(%arg15 : memref<!tpu.dma_semaphore, #tpu.memory_space<semaphore_mem>>) src(%dma_wait3A_68 : memref<10000x128xf32, #tpu.memory_space<hbm>>) dst(%arg12 : memref<80x128xf32, #tpu.memory_space<vmem>>)
    "tpu.region"() ({
      %run_scoped3A = tpu.sem_alloc : memref<!tpu.dma_semaphore, #tpu.memory_space<semaphore_mem>>
      %dma_start3A_144 = arith.constant 0 : i32
      %dma_start3A_145 = arith.constant 0 : i32
      %dma_start3A_146 = tpu.memref_slice %arg14[%dma_start3A_144, %dma_start3A_145] : memref<10000x128xf32, #tpu.memory_space<vmem_shared>> -> memref<10000x128xf32, #tpu.memory_space<vmem_shared>>
      tpu.enqueue_indirect_dma source(%arg12 : memref<80x128xf32, #tpu.memory_space<vmem>>) target(%dma_start3A_146 : memref<10000x128xf32, #tpu.memory_space<vmem_shared>>) offsets(%arg8 : memref<80xi32, #tpu.memory_space<vmem>>) semaphore(%run_scoped3A : memref<!tpu.dma_semaphore, #tpu.memory_space<semaphore_mem>>) {add = true}
      %dma_wait3A_147 = arith.constant 0 : i32
      %dma_wait3A_148 = arith.constant 0 : i32
      %dma_wait3A_149 = tpu.memref_slice %arg14[%dma_wait3A_147, %dma_wait3A_148] : memref<10000x128xf32, #tpu.memory_space<vmem_shared>> -> memref<10000x128xf32, #tpu.memory_space<vmem_shared>>
      tpu.wait_indirect_dma semaphore(%run_scoped3A : memref<!tpu.dma_semaphore, #tpu.memory_space<semaphore_mem>>) src(%arg12 : memref<80x128xf32, #tpu.memory_space<vmem>>) dst(%dma_wait3A_149 : memref<10000x128xf32, #tpu.memory_space<vmem_shared>>)
      tpu.yield
    }) : () -> ()
    %dma_wait3A_69 = arith.constant 0 : i32
    %dma_wait3A_70 = tpu.memref_slice %arg3[%dma_wait3A_69] : memref<640000xi32, #tpu.memory_space<hbm>> -> memref<80xi32, #tpu.memory_space<hbm>>
    %dma_wait3A_71 = arith.constant 0 : i32
    %dma_wait3A_72 = tpu.memref_slice %arg3[%dma_wait3A_71] : memref<640000xi32, #tpu.memory_space<hbm>> -> memref<80xi32, #tpu.memory_space<hbm>>
    tpu.wait_dma2 semaphore(%arg19 : memref<!tpu.dma_semaphore, #tpu.memory_space<semaphore_mem>>) src(%dma_wait3A_72 : memref<80xi32, #tpu.memory_space<hbm>>) dst(%arg7 : memref<80xi32, #tpu.memory_space<vmem>>)
    %dma_start3A_73 = arith.constant 0 : i32
    %dma_start3A_74 = arith.constant 0 : i32
    %dma_start3A_75 = tpu.memref_slice %arg2[%dma_start3A_73, %dma_start3A_74] : memref<10000x128xf32, #tpu.memory_space<hbm>> -> memref<10000x128xf32, #tpu.memory_space<hbm>>
    tpu.enqueue_indirect_dma source(%dma_start3A_75 : memref<10000x128xf32, #tpu.memory_space<hbm>>) target(%arg12 : memref<80x128xf32, #tpu.memory_space<vmem>>) offsets(%arg7 : memref<80xi32, #tpu.memory_space<vmem>>) semaphore(%arg15 : memref<!tpu.dma_semaphore, #tpu.memory_space<semaphore_mem>>)
    %add3A_76 = arith.constant 9840 : i32
    %add3A_77 = arith.addi %mul3A_16, %add3A_76 : i32
    %multiple_of3A_78 = tpu.assume_multiple %add3A_77, 8 : i32
    %dma_start3A_79 = tpu.memref_slice %arg3[%multiple_of3A_78] : memref<640000xi32, #tpu.memory_space<hbm>> -> memref<80xi32, #tpu.memory_space<hbm>>
    %dma_start3A_80 = tpu.memref_slice %arg3[%multiple_of3A_78] : memref<640000xi32, #tpu.memory_space<hbm>> -> memref<80xi32, #tpu.memory_space<hbm>>
    tpu.enqueue_dma source(%dma_start3A_80 : memref<80xi32, #tpu.memory_space<hbm>>) target(%arg5 : memref<80xi32, #tpu.memory_space<vmem>>) target_semaphore(%arg17 : memref<!tpu.dma_semaphore, #tpu.memory_space<semaphore_mem>>)
    %add3A_81 = arith.constant 320000 : i32
    %add3A_82 = arith.addi %add3A_81, %multiple_of3A_78 : i32
    %dma_start3A_83 = tpu.memref_slice %arg3[%add3A_82] : memref<640000xi32, #tpu.memory_space<hbm>> -> memref<80xi32, #tpu.memory_space<hbm>>
    %dma_start3A_84 = tpu.memref_slice %arg3[%add3A_82] : memref<640000xi32, #tpu.memory_space<hbm>> -> memref<80xi32, #tpu.memory_space<hbm>>
    tpu.enqueue_dma source(%dma_start3A_84 : memref<80xi32, #tpu.memory_space<hbm>>) target(%arg8 : memref<80xi32, #tpu.memory_space<vmem>>) target_semaphore(%arg20 : memref<!tpu.dma_semaphore, #tpu.memory_space<semaphore_mem>>)
    %dma_wait3A_85 = arith.constant 0 : i32
    %dma_wait3A_86 = tpu.memref_slice %arg3[%dma_wait3A_85] : memref<640000xi32, #tpu.memory_space<hbm>> -> memref<80xi32, #tpu.memory_space<hbm>>
    %dma_wait3A_87 = arith.constant 0 : i32
    %dma_wait3A_88 = tpu.memref_slice %arg3[%dma_wait3A_87] : memref<640000xi32, #tpu.memory_space<hbm>> -> memref<80xi32, #tpu.memory_space<hbm>>
    tpu.wait_dma2 semaphore(%arg21 : memref<!tpu.dma_semaphore, #tpu.memory_space<semaphore_mem>>) src(%dma_wait3A_88 : memref<80xi32, #tpu.memory_space<hbm>>) dst(%arg9 : memref<80xi32, #tpu.memory_space<vmem>>)
    %dma_wait3A_89 = arith.constant 0 : i32
    %dma_wait3A_90 = arith.constant 0 : i32
    %dma_wait3A_91 = tpu.memref_slice %arg2[%dma_wait3A_89, %dma_wait3A_90] : memref<10000x128xf32, #tpu.memory_space<hbm>> -> memref<10000x128xf32, #tpu.memory_space<hbm>>
    tpu.wait_indirect_dma semaphore(%arg16 : memref<!tpu.dma_semaphore, #tpu.memory_space<semaphore_mem>>) src(%dma_wait3A_91 : memref<10000x128xf32, #tpu.memory_space<hbm>>) dst(%arg13 : memref<80x128xf32, #tpu.memory_space<vmem>>)
    "tpu.region"() ({
      %run_scoped3A = tpu.sem_alloc : memref<!tpu.dma_semaphore, #tpu.memory_space<semaphore_mem>>
      %dma_start3A_144 = arith.constant 0 : i32
      %dma_start3A_145 = arith.constant 0 : i32
      %dma_start3A_146 = tpu.memref_slice %arg14[%dma_start3A_144, %dma_start3A_145] : memref<10000x128xf32, #tpu.memory_space<vmem_shared>> -> memref<10000x128xf32, #tpu.memory_space<vmem_shared>>
      tpu.enqueue_indirect_dma source(%arg13 : memref<80x128xf32, #tpu.memory_space<vmem>>) target(%dma_start3A_146 : memref<10000x128xf32, #tpu.memory_space<vmem_shared>>) offsets(%arg9 : memref<80xi32, #tpu.memory_space<vmem>>) semaphore(%run_scoped3A : memref<!tpu.dma_semaphore, #tpu.memory_space<semaphore_mem>>) {add = true}
      %dma_wait3A_147 = arith.constant 0 : i32
      %dma_wait3A_148 = arith.constant 0 : i32
      %dma_wait3A_149 = tpu.memref_slice %arg14[%dma_wait3A_147, %dma_wait3A_148] : memref<10000x128xf32, #tpu.memory_space<vmem_shared>> -> memref<10000x128xf32, #tpu.memory_space<vmem_shared>>
      tpu.wait_indirect_dma semaphore(%run_scoped3A : memref<!tpu.dma_semaphore, #tpu.memory_space<semaphore_mem>>) src(%arg13 : memref<80x128xf32, #tpu.memory_space<vmem>>) dst(%dma_wait3A_149 : memref<10000x128xf32, #tpu.memory_space<vmem_shared>>)
      tpu.yield
    }) : () -> ()
    %dma_wait3A_92 = arith.constant 0 : i32
    %dma_wait3A_93 = tpu.memref_slice %arg3[%dma_wait3A_92] : memref<640000xi32, #tpu.memory_space<hbm>> -> memref<80xi32, #tpu.memory_space<hbm>>
    %dma_wait3A_94 = arith.constant 0 : i32
    %dma_wait3A_95 = tpu.memref_slice %arg3[%dma_wait3A_94] : memref<640000xi32, #tpu.memory_space<hbm>> -> memref<80xi32, #tpu.memory_space<hbm>>
    tpu.wait_dma2 semaphore(%arg17 : memref<!tpu.dma_semaphore, #tpu.memory_space<semaphore_mem>>) src(%dma_wait3A_95 : memref<80xi32, #tpu.memory_space<hbm>>) dst(%arg5 : memref<80xi32, #tpu.memory_space<vmem>>)
    %dma_start3A_96 = arith.constant 0 : i32
    %dma_start3A_97 = arith.constant 0 : i32
    %dma_start3A_98 = tpu.memref_slice %arg2[%dma_start3A_96, %dma_start3A_97] : memref<10000x128xf32, #tpu.memory_space<hbm>> -> memref<10000x128xf32, #tpu.memory_space<hbm>>
    tpu.enqueue_indirect_dma source(%dma_start3A_98 : memref<10000x128xf32, #tpu.memory_space<hbm>>) target(%arg13 : memref<80x128xf32, #tpu.memory_space<vmem>>) offsets(%arg5 : memref<80xi32, #tpu.memory_space<vmem>>) semaphore(%arg16 : memref<!tpu.dma_semaphore, #tpu.memory_space<semaphore_mem>>)
    %add3A_99 = arith.constant 9920 : i32
    %add3A_100 = arith.addi %mul3A_16, %add3A_99 : i32
    %multiple_of3A_101 = tpu.assume_multiple %add3A_100, 8 : i32
    %dma_start3A_102 = tpu.memref_slice %arg3[%multiple_of3A_101] : memref<640000xi32, #tpu.memory_space<hbm>> -> memref<80xi32, #tpu.memory_space<hbm>>
    %dma_start3A_103 = tpu.memref_slice %arg3[%multiple_of3A_101] : memref<640000xi32, #tpu.memory_space<hbm>> -> memref<80xi32, #tpu.memory_space<hbm>>
    tpu.enqueue_dma source(%dma_start3A_103 : memref<80xi32, #tpu.memory_space<hbm>>) target(%arg6 : memref<80xi32, #tpu.memory_space<vmem>>) target_semaphore(%arg18 : memref<!tpu.dma_semaphore, #tpu.memory_space<semaphore_mem>>)
    %add3A_104 = arith.constant 320000 : i32
    %add3A_105 = arith.addi %add3A_104, %multiple_of3A_101 : i32
    %dma_start3A_106 = tpu.memref_slice %arg3[%add3A_105] : memref<640000xi32, #tpu.memory_space<hbm>> -> memref<80xi32, #tpu.memory_space<hbm>>
    %dma_start3A_107 = tpu.memref_slice %arg3[%add3A_105] : memref<640000xi32, #tpu.memory_space<hbm>> -> memref<80xi32, #tpu.memory_space<hbm>>
    tpu.enqueue_dma source(%dma_start3A_107 : memref<80xi32, #tpu.memory_space<hbm>>) target(%arg9 : memref<80xi32, #tpu.memory_space<vmem>>) target_semaphore(%arg21 : memref<!tpu.dma_semaphore, #tpu.memory_space<semaphore_mem>>)
    %dma_wait3A_108 = arith.constant 0 : i32
    %dma_wait3A_109 = tpu.memref_slice %arg3[%dma_wait3A_108] : memref<640000xi32, #tpu.memory_space<hbm>> -> memref<80xi32, #tpu.memory_space<hbm>>
    %dma_wait3A_110 = arith.constant 0 : i32
    %dma_wait3A_111 = tpu.memref_slice %arg3[%dma_wait3A_110] : memref<640000xi32, #tpu.memory_space<hbm>> -> memref<80xi32, #tpu.memory_space<hbm>>
    tpu.wait_dma2 semaphore(%arg22 : memref<!tpu.dma_semaphore, #tpu.memory_space<semaphore_mem>>) src(%dma_wait3A_111 : memref<80xi32, #tpu.memory_space<hbm>>) dst(%arg10 : memref<80xi32, #tpu.memory_space<vmem>>)
    %dma_wait3A_112 = arith.constant 0 : i32
    %dma_wait3A_113 = arith.constant 0 : i32
    %dma_wait3A_114 = tpu.memref_slice %arg2[%dma_wait3A_112, %dma_wait3A_113] : memref<10000x128xf32, #tpu.memory_space<hbm>> -> memref<10000x128xf32, #tpu.memory_space<hbm>>
    tpu.wait_indirect_dma semaphore(%arg15 : memref<!tpu.dma_semaphore, #tpu.memory_space<semaphore_mem>>) src(%dma_wait3A_114 : memref<10000x128xf32, #tpu.memory_space<hbm>>) dst(%arg12 : memref<80x128xf32, #tpu.memory_space<vmem>>)
    "tpu.region"() ({
      %run_scoped3A = tpu.sem_alloc : memref<!tpu.dma_semaphore, #tpu.memory_space<semaphore_mem>>
      %dma_start3A_144 = arith.constant 0 : i32
      %dma_start3A_145 = arith.constant 0 : i32
      %dma_start3A_146 = tpu.memref_slice %arg14[%dma_start3A_144, %dma_start3A_145] : memref<10000x128xf32, #tpu.memory_space<vmem_shared>> -> memref<10000x128xf32, #tpu.memory_space<vmem_shared>>
      tpu.enqueue_indirect_dma source(%arg12 : memref<80x128xf32, #tpu.memory_space<vmem>>) target(%dma_start3A_146 : memref<10000x128xf32, #tpu.memory_space<vmem_shared>>) offsets(%arg10 : memref<80xi32, #tpu.memory_space<vmem>>) semaphore(%run_scoped3A : memref<!tpu.dma_semaphore, #tpu.memory_space<semaphore_mem>>) {add = true}
      %dma_wait3A_147 = arith.constant 0 : i32
      %dma_wait3A_148 = arith.constant 0 : i32
      %dma_wait3A_149 = tpu.memref_slice %arg14[%dma_wait3A_147, %dma_wait3A_148] : memref<10000x128xf32, #tpu.memory_space<vmem_shared>> -> memref<10000x128xf32, #tpu.memory_space<vmem_shared>>
      tpu.wait_indirect_dma semaphore(%run_scoped3A : memref<!tpu.dma_semaphore, #tpu.memory_space<semaphore_mem>>) src(%arg12 : memref<80x128xf32, #tpu.memory_space<vmem>>) dst(%dma_wait3A_149 : memref<10000x128xf32, #tpu.memory_space<vmem_shared>>)
      tpu.yield
    }) : () -> ()
    %dma_wait3A_115 = arith.constant 0 : i32
    %dma_wait3A_116 = tpu.memref_slice %arg3[%dma_wait3A_115] : memref<640000xi32, #tpu.memory_space<hbm>> -> memref<80xi32, #tpu.memory_space<hbm>>
    %dma_wait3A_117 = arith.constant 0 : i32
    %dma_wait3A_118 = tpu.memref_slice %arg3[%dma_wait3A_117] : memref<640000xi32, #tpu.memory_space<hbm>> -> memref<80xi32, #tpu.memory_space<hbm>>
    tpu.wait_dma2 semaphore(%arg18 : memref<!tpu.dma_semaphore, #tpu.memory_space<semaphore_mem>>) src(%dma_wait3A_118 : memref<80xi32, #tpu.memory_space<hbm>>) dst(%arg6 : memref<80xi32, #tpu.memory_space<vmem>>)
    %dma_start3A_119 = arith.constant 0 : i32
    %dma_start3A_120 = arith.constant 0 : i32
    %dma_start3A_121 = tpu.memref_slice %arg2[%dma_start3A_119, %dma_start3A_120] : memref<10000x128xf32, #tpu.memory_space<hbm>> -> memref<10000x128xf32, #tpu.memory_space<hbm>>
    tpu.enqueue_indirect_dma source(%dma_start3A_121 : memref<10000x128xf32, #tpu.memory_space<hbm>>) target(%arg12 : memref<80x128xf32, #tpu.memory_space<vmem>>) offsets(%arg6 : memref<80xi32, #tpu.memory_space<vmem>>) semaphore(%arg15 : memref<!tpu.dma_semaphore, #tpu.memory_space<semaphore_mem>>)
    %dma_wait3A_122 = arith.constant 0 : i32
    %dma_wait3A_123 = tpu.memref_slice %arg3[%dma_wait3A_122] : memref<640000xi32, #tpu.memory_space<hbm>> -> memref<80xi32, #tpu.memory_space<hbm>>
    %dma_wait3A_124 = arith.constant 0 : i32
    %dma_wait3A_125 = tpu.memref_slice %arg3[%dma_wait3A_124] : memref<640000xi32, #tpu.memory_space<hbm>> -> memref<80xi32, #tpu.memory_space<hbm>>
    tpu.wait_dma2 semaphore(%arg20 : memref<!tpu.dma_semaphore, #tpu.memory_space<semaphore_mem>>) src(%dma_wait3A_125 : memref<80xi32, #tpu.memory_space<hbm>>) dst(%arg8 : memref<80xi32, #tpu.memory_space<vmem>>)
    %dma_wait3A_126 = arith.constant 0 : i32
    %dma_wait3A_127 = arith.constant 0 : i32
    %dma_wait3A_128 = tpu.memref_slice %arg2[%dma_wait3A_126, %dma_wait3A_127] : memref<10000x128xf32, #tpu.memory_space<hbm>> -> memref<10000x128xf32, #tpu.memory_space<hbm>>
    tpu.wait_indirect_dma semaphore(%arg16 : memref<!tpu.dma_semaphore, #tpu.memory_space<semaphore_mem>>) src(%dma_wait3A_128 : memref<10000x128xf32, #tpu.memory_space<hbm>>) dst(%arg13 : memref<80x128xf32, #tpu.memory_space<vmem>>)
    "tpu.region"() ({
      %run_scoped3A = tpu.sem_alloc : memref<!tpu.dma_semaphore, #tpu.memory_space<semaphore_mem>>
      %dma_start3A_144 = arith.constant 0 : i32
      %dma_start3A_145 = arith.constant 0 : i32
      %dma_start3A_146 = tpu.memref_slice %arg14[%dma_start3A_144, %dma_start3A_145] : memref<10000x128xf32, #tpu.memory_space<vmem_shared>> -> memref<10000x128xf32, #tpu.memory_space<vmem_shared>>
      tpu.enqueue_indirect_dma source(%arg13 : memref<80x128xf32, #tpu.memory_space<vmem>>) target(%dma_start3A_146 : memref<10000x128xf32, #tpu.memory_space<vmem_shared>>) offsets(%arg8 : memref<80xi32, #tpu.memory_space<vmem>>) semaphore(%run_scoped3A : memref<!tpu.dma_semaphore, #tpu.memory_space<semaphore_mem>>) {add = true}
      %dma_wait3A_147 = arith.constant 0 : i32
      %dma_wait3A_148 = arith.constant 0 : i32
      %dma_wait3A_149 = tpu.memref_slice %arg14[%dma_wait3A_147, %dma_wait3A_148] : memref<10000x128xf32, #tpu.memory_space<vmem_shared>> -> memref<10000x128xf32, #tpu.memory_space<vmem_shared>>
      tpu.wait_indirect_dma semaphore(%run_scoped3A : memref<!tpu.dma_semaphore, #tpu.memory_space<semaphore_mem>>) src(%arg13 : memref<80x128xf32, #tpu.memory_space<vmem>>) dst(%dma_wait3A_149 : memref<10000x128xf32, #tpu.memory_space<vmem_shared>>)
      tpu.yield
    }) : () -> ()
    %dma_wait3A_129 = arith.constant 0 : i32
    %dma_wait3A_130 = tpu.memref_slice %arg3[%dma_wait3A_129] : memref<640000xi32, #tpu.memory_space<hbm>> -> memref<80xi32, #tpu.memory_space<hbm>>
    %dma_wait3A_131 = arith.constant 0 : i32
    %dma_wait3A_132 = tpu.memref_slice %arg3[%dma_wait3A_131] : memref<640000xi32, #tpu.memory_space<hbm>> -> memref<80xi32, #tpu.memory_space<hbm>>
    tpu.wait_dma2 semaphore(%arg21 : memref<!tpu.dma_semaphore, #tpu.memory_space<semaphore_mem>>) src(%dma_wait3A_132 : memref<80xi32, #tpu.memory_space<hbm>>) dst(%arg9 : memref<80xi32, #tpu.memory_space<vmem>>)
    %dma_wait3A_133 = arith.constant 0 : i32
    %dma_wait3A_134 = arith.constant 0 : i32
    %dma_wait3A_135 = tpu.memref_slice %arg2[%dma_wait3A_133, %dma_wait3A_134] : memref<10000x128xf32, #tpu.memory_space<hbm>> -> memref<10000x128xf32, #tpu.memory_space<hbm>>
    tpu.wait_indirect_dma semaphore(%arg15 : memref<!tpu.dma_semaphore, #tpu.memory_space<semaphore_mem>>) src(%dma_wait3A_135 : memref<10000x128xf32, #tpu.memory_space<hbm>>) dst(%arg12 : memref<80x128xf32, #tpu.memory_space<vmem>>)
    "tpu.region"() ({
      %run_scoped3A = tpu.sem_alloc : memref<!tpu.dma_semaphore, #tpu.memory_space<semaphore_mem>>
      %dma_start3A_144 = arith.constant 0 : i32
      %dma_start3A_145 = arith.constant 0 : i32
      %dma_start3A_146 = tpu.memref_slice %arg14[%dma_start3A_144, %dma_start3A_145] : memref<10000x128xf32, #tpu.memory_space<vmem_shared>> -> memref<10000x128xf32, #tpu.memory_space<vmem_shared>>
      tpu.enqueue_indirect_dma source(%arg12 : memref<80x128xf32, #tpu.memory_space<vmem>>) target(%dma_start3A_146 : memref<10000x128xf32, #tpu.memory_space<vmem_shared>>) offsets(%arg9 : memref<80xi32, #tpu.memory_space<vmem>>) semaphore(%run_scoped3A : memref<!tpu.dma_semaphore, #tpu.memory_space<semaphore_mem>>) {add = true}
      %dma_wait3A_147 = arith.constant 0 : i32
      %dma_wait3A_148 = arith.constant 0 : i32
      %dma_wait3A_149 = tpu.memref_slice %arg14[%dma_wait3A_147, %dma_wait3A_148] : memref<10000x128xf32, #tpu.memory_space<vmem_shared>> -> memref<10000x128xf32, #tpu.memory_space<vmem_shared>>
      tpu.wait_indirect_dma semaphore(%run_scoped3A : memref<!tpu.dma_semaphore, #tpu.memory_space<semaphore_mem>>) src(%arg12 : memref<80x128xf32, #tpu.memory_space<vmem>>) dst(%dma_wait3A_149 : memref<10000x128xf32, #tpu.memory_space<vmem_shared>>)
      tpu.yield
    }) : () -> ()
    %barrier3A_136 = arith.constant 0 : index
    tpu.barrier barrier_id(%barrier3A_136)
    %scan3A_137 = arith.constant 0 : i32
    %scan3A_138 = arith.constant 0 : i32
    %scan3A_139 = arith.constant 8 : i32
    %scan3A_140 = arith.addi %scan3A_138, %scan3A_139 : i32
    %scan3A_141 = arith.constant 1 : i32
    %scan3A_142 = scf.for %scan3A_144 = %scan3A_138 to %scan3A_140 step %scan3A_141 iter_args(%scan3A_145 = %scan3A_137) -> (i32)  : i32 {
      %mul3A_146 = arith.constant 16 : i32
      %mul3A_147 = arith.muli %scan3A_144, %mul3A_146 : i32
      %add3A_148 = arith.addi %arg1, %mul3A_147 : i32
      %lt3A = arith.constant 125 : i32
      %lt3A_149 = arith.cmpi slt, %add3A_148, %lt3A : i32
      %convert_element_type3A = arith.extui %lt3A_149 : i1 to i32
      %cond3A = arith.constant 0 : i32
      %cond3A_150 = arith.cmpi ne, %convert_element_type3A, %cond3A : i32
      scf.if %cond3A_150 {
        %mul3A_152 = arith.constant 80 : i32
        %mul3A_153 = arith.muli %add3A_148, %mul3A_152 : i32
        %add3A_154 = arith.constant 0 : i32
        %add3A_155 = arith.addi %mul3A_153, %add3A_154 : i32
        %add3A_156 = vector.broadcast %add3A_155 : i32 to vector<16xi32>
        %add3A_157 = arith.addi %add3A_156, %iota3A : vector<16xi32>
        %swap3A = arith.constant 0 : index
        %swap3A_158 = tpu.vector_load %arg11[%swap3A] {strides = array<i32>} : memref<80xi32, #tpu.memory_space<vmem>>, vector<16xi32>,
        %swap3A_159 = vector.shape_cast %swap3A_158 : vector<16xi32> to vector<16xi32>
        %swap3A_160 = vector.shape_cast %add3A_157 : vector<16xi32> to vector<16xi32>
        tpu.vector_store %arg11[%swap3A], %swap3A_160 {strides = array<i32>} : memref<80xi32, #tpu.memory_space<vmem>>, vector<16xi32>,
        %add3A_161 = arith.constant 16 : i32
        %add3A_162 = arith.addi %mul3A_153, %add3A_161 : i32
        %add3A_163 = vector.broadcast %add3A_162 : i32 to vector<16xi32>
        %add3A_164 = arith.addi %add3A_163, %iota3A : vector<16xi32>
        %swap3A_165 = arith.constant 16 : index
        %swap3A_166 = tpu.vector_load %arg11[%swap3A_165] {strides = array<i32>} : memref<80xi32, #tpu.memory_space<vmem>>, vector<16xi32>,
        %swap3A_167 = vector.shape_cast %swap3A_166 : vector<16xi32> to vector<16xi32>
        %swap3A_168 = vector.shape_cast %add3A_164 : vector<16xi32> to vector<16xi32>
        tpu.vector_store %arg11[%swap3A_165], %swap3A_168 {strides = array<i32>} : memref<80xi32, #tpu.memory_space<vmem>>, vector<16xi32>,
        %add3A_169 = arith.constant 32 : i32
        %add3A_170 = arith.addi %mul3A_153, %add3A_169 : i32
        %add3A_171 = vector.broadcast %add3A_170 : i32 to vector<16xi32>
        %add3A_172 = arith.addi %add3A_171, %iota3A : vector<16xi32>
        %swap3A_173 = arith.constant 32 : index
        %swap3A_174 = tpu.vector_load %arg11[%swap3A_173] {strides = array<i32>} : memref<80xi32, #tpu.memory_space<vmem>>, vector<16xi32>,
        %swap3A_175 = vector.shape_cast %swap3A_174 : vector<16xi32> to vector<16xi32>
        %swap3A_176 = vector.shape_cast %add3A_172 : vector<16xi32> to vector<16xi32>
        tpu.vector_store %arg11[%swap3A_173], %swap3A_176 {strides = array<i32>} : memref<80xi32, #tpu.memory_space<vmem>>, vector<16xi32>,
        %add3A_177 = arith.constant 48 : i32
        %add3A_178 = arith.addi %mul3A_153, %add3A_177 : i32
        %add3A_179 = vector.broadcast %add3A_178 : i32 to vector<16xi32>
        %add3A_180 = arith.addi %add3A_179, %iota3A : vector<16xi32>
        %swap3A_181 = arith.constant 48 : index
        %swap3A_182 = tpu.vector_load %arg11[%swap3A_181] {strides = array<i32>} : memref<80xi32, #tpu.memory_space<vmem>>, vector<16xi32>,
        %swap3A_183 = vector.shape_cast %swap3A_182 : vector<16xi32> to vector<16xi32>
        %swap3A_184 = vector.shape_cast %add3A_180 : vector<16xi32> to vector<16xi32>
        tpu.vector_store %arg11[%swap3A_181], %swap3A_184 {strides = array<i32>} : memref<80xi32, #tpu.memory_space<vmem>>, vector<16xi32>,
        %add3A_185 = arith.constant 64 : i32
        %add3A_186 = arith.addi %mul3A_153, %add3A_185 : i32
        %add3A_187 = vector.broadcast %add3A_186 : i32 to vector<16xi32>
        %add3A_188 = arith.addi %add3A_187, %iota3A : vector<16xi32>
        %swap3A_189 = arith.constant 64 : index
        %swap3A_190 = tpu.vector_load %arg11[%swap3A_189] {strides = array<i32>} : memref<80xi32, #tpu.memory_space<vmem>>, vector<16xi32>,
        %swap3A_191 = vector.shape_cast %swap3A_190 : vector<16xi32> to vector<16xi32>
        %swap3A_192 = vector.shape_cast %add3A_188 : vector<16xi32> to vector<16xi32>
        tpu.vector_store %arg11[%swap3A_189], %swap3A_192 {strides = array<i32>} : memref<80xi32, #tpu.memory_space<vmem>>, vector<16xi32>,
        %dma_start3A_193 = arith.constant 0 : i32
        %dma_start3A_194 = arith.constant 0 : i32
        %dma_start3A_195 = tpu.memref_slice %arg14[%dma_start3A_193, %dma_start3A_194] : memref<10000x128xf32, #tpu.memory_space<vmem_shared>> -> memref<10000x128xf32, #tpu.memory_space<vmem_shared>>
        tpu.enqueue_indirect_dma source(%dma_start3A_195 : memref<10000x128xf32, #tpu.memory_space<vmem_shared>>) target(%arg12 : memref<80x128xf32, #tpu.memory_space<vmem>>) offsets(%arg11 : memref<80xi32, #tpu.memory_space<vmem>>) semaphore(%arg15 : memref<!tpu.dma_semaphore, #tpu.memory_space<semaphore_mem>>)
        %dma_wait3A_196 = arith.constant 0 : i32
        %dma_wait3A_197 = arith.constant 0 : i32
        %dma_wait3A_198 = tpu.memref_slice %arg14[%dma_wait3A_196, %dma_wait3A_197] : memref<10000x128xf32, #tpu.memory_space<vmem_shared>> -> memref<10000x128xf32, #tpu.memory_space<vmem_shared>>
        tpu.wait_indirect_dma semaphore(%arg15 : memref<!tpu.dma_semaphore, #tpu.memory_space<semaphore_mem>>) src(%dma_wait3A_198 : memref<10000x128xf32, #tpu.memory_space<vmem_shared>>) dst(%arg12 : memref<80x128xf32, #tpu.memory_space<vmem>>)
        %mul3A_199 = arith.constant 80 : i32
        %mul3A_200 = arith.muli %add3A_148, %mul3A_199 : i32
        "tpu.region"() ({
          %run_scoped3A = tpu.sem_alloc : memref<!tpu.dma_semaphore, #tpu.memory_space<semaphore_mem>>
          %dma_start3A_201 = arith.constant 0 : i32
          %dma_start3A_202 = tpu.memref_slice %arg4[%arg0, %mul3A_200, %dma_start3A_201] : memref<2x10000x128xf32, #tpu.memory_space<hbm>> -> memref<1x80x128xf32, #tpu.memory_space<hbm>>
          %dma_start3A_203 = tpu.memref_squeeze %dma_start3A_202 : memref<1x80x128xf32, #tpu.memory_space<hbm>> -> memref<80x128xf32, #tpu.memory_space<hbm>>
          %dma_start3A_204 = arith.constant 0 : i32
          %dma_start3A_205 = tpu.memref_slice %arg4[%arg0, %mul3A_200, %dma_start3A_204] : memref<2x10000x128xf32, #tpu.memory_space<hbm>> -> memref<1x80x128xf32, #tpu.memory_space<hbm>>
          %dma_start3A_206 = tpu.memref_squeeze %dma_start3A_205 : memref<1x80x128xf32, #tpu.memory_space<hbm>> -> memref<80x128xf32, #tpu.memory_space<hbm>>
          tpu.enqueue_dma source(%arg12 : memref<80x128xf32, #tpu.memory_space<vmem>>) target(%dma_start3A_206 : memref<80x128xf32, #tpu.memory_space<hbm>>) target_semaphore(%run_scoped3A : memref<!tpu.dma_semaphore, #tpu.memory_space<semaphore_mem>>)
          %dma_wait3A_207 = arith.constant 0 : i32
          %dma_wait3A_208 = tpu.memref_slice %arg4[%arg0, %mul3A_200, %dma_wait3A_207] : memref<2x10000x128xf32, #tpu.memory_space<hbm>> -> memref<1x80x128xf32, #tpu.memory_space<hbm>>
          %dma_wait3A_209 = tpu.memref_squeeze %dma_wait3A_208 : memref<1x80x128xf32, #tpu.memory_space<hbm>> -> memref<80x128xf32, #tpu.memory_space<hbm>>
          %dma_wait3A_210 = arith.constant 0 : i32
          %dma_wait3A_211 = tpu.memref_slice %arg4[%arg0, %mul3A_200, %dma_wait3A_210] : memref<2x10000x128xf32, #tpu.memory_space<hbm>> -> memref<1x80x128xf32, #tpu.memory_space<hbm>>
          %dma_wait3A_212 = tpu.memref_squeeze %dma_wait3A_211 : memref<1x80x128xf32, #tpu.memory_space<hbm>> -> memref<80x128xf32, #tpu.memory_space<hbm>>
          tpu.wait_dma2 semaphore(%run_scoped3A : memref<!tpu.dma_semaphore, #tpu.memory_space<semaphore_mem>>) src(%arg12 : memref<80x128xf32, #tpu.memory_space<vmem>>) dst(%dma_wait3A_212 : memref<80x128xf32, #tpu.memory_space<hbm>>)
          tpu.yield
        }) : () -> ()
      } else {
      }
      %scan3A_151 = arith.constant 0 : i32
      scf.yield %scan3A_151 : i32
    }
    %scan3A_143 = arith.constant 8 : i32
    return
  }
}

module attributes {stable_mosaic.version = 14 : i64} {
  func.func @_mm0_body(%arg0: i32, %arg1: memref<2x1000x128xf32, #tpu.memory_space<vmem>>, %arg2: memref<2x1000x128xf32, #tpu.memory_space<vmem>>, %arg3: memref<1000x128xf32, #tpu.memory_space<vmem>>, %arg4: memref<128x128xf32, #tpu.memory_space<vmem>>, %arg5: memref<128x128xf32, #tpu.memory_space<vmem>>, %arg6: memref<1x128xf32, #tpu.memory_space<vmem>>, %arg7: memref<1000x128xf32, #tpu.memory_space<vmem>>) attributes {dimension_semantics = [#tpu.dimension_semantics<arbitrary>], iteration_bounds = array<i64: 10>, scalar_prefetch = 0 : i64, scratch_operands = 0 : i64, tpu.core_type = #tpu.core_type<tc>, window_params = [{transform_indices = @transform_0, window_bounds = array<i64: 2, 1000, 128>}, {transform_indices = @transform_1, window_bounds = array<i64: 2, 1000, 128>}, {transform_indices = @transform_2, window_bounds = array<i64: 1000, 128>}, {pipeline_mode = #tpu.pipeline_mode<synchronous>, transform_indices = @transform_3, window_bounds = array<i64: 128, 128>}, {pipeline_mode = #tpu.pipeline_mode<synchronous>, transform_indices = @transform_4, window_bounds = array<i64: 128, 128>}, {pipeline_mode = #tpu.pipeline_mode<synchronous>, transform_indices = @transform_5, window_bounds = array<i64: 1, 128>}, {transform_indices = @transform_6, window_bounds = array<i64: 1000, 128>}]} {
    %get3A = arith.constant 0 : index
    %get3A_0 = arith.constant 0 : index
    %get3A_1 = arith.constant 0 : index
    %get3A_2 = vector.load %arg1[%get3A, %get3A_0, %get3A_1] : memref<2x1000x128xf32, #tpu.memory_space<vmem>>, vector<2x1000x128xf32>
    %get3A_3 = arith.constant 0 : index
    %get3A_4 = arith.constant 0 : index
    %get3A_5 = arith.constant 0 : index
    %get3A_6 = vector.load %arg2[%get3A_3, %get3A_4, %get3A_5] : memref<2x1000x128xf32, #tpu.memory_space<vmem>>, vector<2x1000x128xf32>
    %slice3A = vector.extract_strided_slice %get3A_6 {offsets = [0, 0, 0], sizes = [1, 1000, 1], strides = [1, 1, 1]} : vector<2x1000x128xf32> to vector<1x1000x1xf32>
    %squeeze3A = vector.shape_cast %slice3A : vector<1x1000x1xf32> to vector<1000x1xf32>
    %slice3A_7 = vector.extract_strided_slice %get3A_6 {offsets = [1, 0, 0], sizes = [1, 1000, 1], strides = [1, 1, 1]} : vector<2x1000x128xf32> to vector<1x1000x1xf32>
    %squeeze3A_8 = vector.shape_cast %slice3A_7 : vector<1x1000x1xf32> to vector<1000x1xf32>
    %add3A = arith.addf %squeeze3A, %squeeze3A_8 : vector<1000x1xf32>
    %slice3A_9 = vector.extract_strided_slice %get3A_2 {offsets = [0, 0, 0], sizes = [1, 1000, 128], strides = [1, 1, 1]} : vector<2x1000x128xf32> to vector<1x1000x128xf32>
    %squeeze3A_10 = vector.shape_cast %slice3A_9 : vector<1x1000x128xf32> to vector<1000x128xf32>
    %slice3A_11 = vector.extract_strided_slice %get3A_2 {offsets = [1, 0, 0], sizes = [1, 1000, 128], strides = [1, 1, 1]} : vector<2x1000x128xf32> to vector<1x1000x128xf32>
    %squeeze3A_12 = vector.shape_cast %slice3A_11 : vector<1x1000x128xf32> to vector<1000x128xf32>
    %add3A_13 = arith.addf %squeeze3A_10, %squeeze3A_12 : vector<1000x128xf32>
    %max3A = arith.constant 1.000000e+00 : f32
    %max3A_14 = vector.broadcast %max3A : f32 to vector<1000x1xf32>
    %max3A_15 = arith.maximumf %add3A, %max3A_14 : vector<1000x1xf32>
    %div3A = vector.broadcast %max3A_15 : vector<1000x1xf32> to vector<1000x128xf32>
    %div3A_16 = arith.divf %add3A_13, %div3A : vector<1000x128xf32>
    %get3A_17 = arith.constant 0 : index
    %get3A_18 = arith.constant 0 : index
    %get3A_19 = vector.load %arg4[%get3A_17, %get3A_18] : memref<128x128xf32, #tpu.memory_space<vmem>>, vector<128x128xf32>
    %dot_general3A = arith.constant dense<0.000000e+00> : vector<1000x128xf32>
    %dot_general3A_20 = tpu.matmul %div3A_16, %get3A_19, %dot_general3A {dimension_numbers = #tpu.dot_dimension_numbers<[1], [0], [0], [1], [0, 0, 1, 1], [], []>, transpose_lhs_hint = false} : vector<1000x128xf32>, vector<128x128xf32>, vector<1000x128xf32> -> vector<1000x128xf32>
    %get3A_21 = arith.constant 0 : index
    %get3A_22 = arith.constant 0 : index
    %get3A_23 = vector.load %arg3[%get3A_21, %get3A_22] : memref<1000x128xf32, #tpu.memory_space<vmem>>, vector<1000x128xf32>
    %get3A_24 = arith.constant 0 : index
    %get3A_25 = arith.constant 0 : index
    %get3A_26 = vector.load %arg5[%get3A_24, %get3A_25] : memref<128x128xf32, #tpu.memory_space<vmem>>, vector<128x128xf32>
    %dot_general3A_27 = arith.constant dense<0.000000e+00> : vector<1000x128xf32>
    %dot_general3A_28 = tpu.matmul %get3A_23, %get3A_26, %dot_general3A_27 {dimension_numbers = #tpu.dot_dimension_numbers<[1], [0], [0], [1], [0, 0, 1, 1], [], []>, transpose_lhs_hint = false} : vector<1000x128xf32>, vector<128x128xf32>, vector<1000x128xf32> -> vector<1000x128xf32>
    %add3A_29 = arith.addf %dot_general3A_20, %dot_general3A_28 : vector<1000x128xf32>
    %get3A_30 = arith.constant 0 : index
    %get3A_31 = arith.constant 0 : index
    %get3A_32 = vector.load %arg6[%get3A_30, %get3A_31] : memref<1x128xf32, #tpu.memory_space<vmem>>, vector<1x128xf32>
    %add3A_33 = vector.broadcast %get3A_32 : vector<1x128xf32> to vector<1000x128xf32>
    %add3A_34 = arith.addf %add3A_29, %add3A_33 : vector<1000x128xf32>
    %swap3A = arith.constant 0 : index
    %swap3A_35 = arith.constant 0 : index
    %swap3A_36 = vector.load %arg7[%swap3A, %swap3A_35] : memref<1000x128xf32, #tpu.memory_space<vmem>>, vector<1000x128xf32>
    tpu.vector_store %arg7[%swap3A, %swap3A_35], %add3A_34 {strides = array<i32>} : memref<1000x128xf32, #tpu.memory_space<vmem>>, vector<1000x128xf32>,
    return
  }
  func.func @transform_0(%arg0: i32) -> (i32, i32, i32) {
    %c0_i32 = arith.constant 0 : i32
    %c0_i32_0 = arith.constant 0 : i32
    %c0_i32_1 = arith.constant 0 : i32
    return %c0_i32, %arg0, %c0_i32_0 : i32, i32, i32
  }
  func.func @transform_1(%arg0: i32) -> (i32, i32, i32) {
    %c0_i32 = arith.constant 0 : i32
    %c0_i32_0 = arith.constant 0 : i32
    %c0_i32_1 = arith.constant 0 : i32
    return %c0_i32, %arg0, %c0_i32_0 : i32, i32, i32
  }
  func.func @transform_2(%arg0: i32) -> (i32, i32) {
    %c0_i32 = arith.constant 0 : i32
    %c0_i32_0 = arith.constant 0 : i32
    return %arg0, %c0_i32 : i32, i32
  }
  func.func @transform_3(%arg0: i32) -> (i32, i32) {
    %c0_i32 = arith.constant 0 : i32
    %c0_i32_0 = arith.constant 0 : i32
    %c0_i32_1 = arith.constant 0 : i32
    return %c0_i32, %c0_i32_0 : i32, i32
  }
  func.func @transform_4(%arg0: i32) -> (i32, i32) {
    %c0_i32 = arith.constant 0 : i32
    %c0_i32_0 = arith.constant 0 : i32
    %c0_i32_1 = arith.constant 0 : i32
    return %c0_i32, %c0_i32_0 : i32, i32
  }
  func.func @transform_5(%arg0: i32) -> (i32, i32) {
    %c0_i32 = arith.constant 0 : i32
    %c0_i32_0 = arith.constant 0 : i32
    %c0_i32_1 = arith.constant 0 : i32
    return %c0_i32, %c0_i32_0 : i32, i32
  }
  func.func @transform_6(%arg0: i32) -> (i32, i32) {
    %c0_i32 = arith.constant 0 : i32
    %c0_i32_0 = arith.constant 0 : i32
    return %arg0, %c0_i32 : i32, i32
  }
}

module attributes {stable_mosaic.version = 14 : i64} {
  func.func @_mm1_body(%arg0: i32, %arg1: memref<2x1000x128xf32, #tpu.memory_space<vmem>>, %arg2: memref<2x1000x128xf32, #tpu.memory_space<vmem>>, %arg3: memref<1000x128xf32, #tpu.memory_space<vmem>>, %arg4: memref<128x128xf32, #tpu.memory_space<vmem>>, %arg5: memref<128x128xf32, #tpu.memory_space<vmem>>, %arg6: memref<1x128xf32, #tpu.memory_space<vmem>>, %arg7: memref<128x128xf32, #tpu.memory_space<vmem>>, %arg8: memref<128x128xf32, #tpu.memory_space<vmem>>, %arg9: memref<1x128xf32, #tpu.memory_space<vmem>>, %arg10: memref<1000x128xf32, #tpu.memory_space<vmem>>) attributes {dimension_semantics = [#tpu.dimension_semantics<arbitrary>], iteration_bounds = array<i64: 10>, scalar_prefetch = 0 : i64, scratch_operands = 0 : i64, tpu.core_type = #tpu.core_type<tc>, window_params = [{transform_indices = @transform_0, window_bounds = array<i64: 2, 1000, 128>}, {transform_indices = @transform_1, window_bounds = array<i64: 2, 1000, 128>}, {transform_indices = @transform_2, window_bounds = array<i64: 1000, 128>}, {pipeline_mode = #tpu.pipeline_mode<synchronous>, transform_indices = @transform_3, window_bounds = array<i64: 128, 128>}, {pipeline_mode = #tpu.pipeline_mode<synchronous>, transform_indices = @transform_4, window_bounds = array<i64: 128, 128>}, {pipeline_mode = #tpu.pipeline_mode<synchronous>, transform_indices = @transform_5, window_bounds = array<i64: 1, 128>}, {pipeline_mode = #tpu.pipeline_mode<synchronous>, transform_indices = @transform_6, window_bounds = array<i64: 128, 128>}, {pipeline_mode = #tpu.pipeline_mode<synchronous>, transform_indices = @transform_7, window_bounds = array<i64: 128, 128>}, {pipeline_mode = #tpu.pipeline_mode<synchronous>, transform_indices = @transform_8, window_bounds = array<i64: 1, 128>}, {transform_indices = @transform_9, window_bounds = array<i64: 1000, 128>}]} {
    %get3A = arith.constant 0 : index
    %get3A_0 = arith.constant 0 : index
    %get3A_1 = arith.constant 0 : index
    %get3A_2 = vector.load %arg1[%get3A, %get3A_0, %get3A_1] : memref<2x1000x128xf32, #tpu.memory_space<vmem>>, vector<2x1000x128xf32>
    %get3A_3 = arith.constant 0 : index
    %get3A_4 = arith.constant 0 : index
    %get3A_5 = arith.constant 0 : index
    %get3A_6 = vector.load %arg2[%get3A_3, %get3A_4, %get3A_5] : memref<2x1000x128xf32, #tpu.memory_space<vmem>>, vector<2x1000x128xf32>
    %slice3A = vector.extract_strided_slice %get3A_6 {offsets = [0, 0, 0], sizes = [1, 1000, 1], strides = [1, 1, 1]} : vector<2x1000x128xf32> to vector<1x1000x1xf32>
    %squeeze3A = vector.shape_cast %slice3A : vector<1x1000x1xf32> to vector<1000x1xf32>
    %slice3A_7 = vector.extract_strided_slice %get3A_6 {offsets = [1, 0, 0], sizes = [1, 1000, 1], strides = [1, 1, 1]} : vector<2x1000x128xf32> to vector<1x1000x1xf32>
    %squeeze3A_8 = vector.shape_cast %slice3A_7 : vector<1x1000x1xf32> to vector<1000x1xf32>
    %add3A = arith.addf %squeeze3A, %squeeze3A_8 : vector<1000x1xf32>
    %slice3A_9 = vector.extract_strided_slice %get3A_2 {offsets = [0, 0, 0], sizes = [1, 1000, 128], strides = [1, 1, 1]} : vector<2x1000x128xf32> to vector<1x1000x128xf32>
    %squeeze3A_10 = vector.shape_cast %slice3A_9 : vector<1x1000x128xf32> to vector<1000x128xf32>
    %slice3A_11 = vector.extract_strided_slice %get3A_2 {offsets = [1, 0, 0], sizes = [1, 1000, 128], strides = [1, 1, 1]} : vector<2x1000x128xf32> to vector<1x1000x128xf32>
    %squeeze3A_12 = vector.shape_cast %slice3A_11 : vector<1x1000x128xf32> to vector<1000x128xf32>
    %add3A_13 = arith.addf %squeeze3A_10, %squeeze3A_12 : vector<1000x128xf32>
    %max3A = arith.constant 1.000000e+00 : f32
    %max3A_14 = vector.broadcast %max3A : f32 to vector<1000x1xf32>
    %max3A_15 = arith.maximumf %add3A, %max3A_14 : vector<1000x1xf32>
    %div3A = vector.broadcast %max3A_15 : vector<1000x1xf32> to vector<1000x128xf32>
    %div3A_16 = arith.divf %add3A_13, %div3A : vector<1000x128xf32>
    %get3A_17 = arith.constant 0 : index
    %get3A_18 = arith.constant 0 : index
    %get3A_19 = vector.load %arg3[%get3A_17, %get3A_18] : memref<1000x128xf32, #tpu.memory_space<vmem>>, vector<1000x128xf32>
    %get3A_20 = arith.constant 0 : index
    %get3A_21 = arith.constant 0 : index
    %get3A_22 = vector.load %arg4[%get3A_20, %get3A_21] : memref<128x128xf32, #tpu.memory_space<vmem>>, vector<128x128xf32>
    %dot_general3A = arith.constant dense<0.000000e+00> : vector<1000x128xf32>
    %dot_general3A_23 = tpu.matmul %div3A_16, %get3A_22, %dot_general3A {dimension_numbers = #tpu.dot_dimension_numbers<[1], [0], [0], [1], [0, 0, 1, 1], [], []>, transpose_lhs_hint = false} : vector<1000x128xf32>, vector<128x128xf32>, vector<1000x128xf32> -> vector<1000x128xf32>
    %get3A_24 = arith.constant 0 : index
    %get3A_25 = arith.constant 0 : index
    %get3A_26 = vector.load %arg5[%get3A_24, %get3A_25] : memref<128x128xf32, #tpu.memory_space<vmem>>, vector<128x128xf32>
    %dot_general3A_27 = arith.constant dense<0.000000e+00> : vector<1000x128xf32>
    %dot_general3A_28 = tpu.matmul %get3A_19, %get3A_26, %dot_general3A_27 {dimension_numbers = #tpu.dot_dimension_numbers<[1], [0], [0], [1], [0, 0, 1, 1], [], []>, transpose_lhs_hint = false} : vector<1000x128xf32>, vector<128x128xf32>, vector<1000x128xf32> -> vector<1000x128xf32>
    %add3A_29 = arith.addf %dot_general3A_23, %dot_general3A_28 : vector<1000x128xf32>
    %get3A_30 = arith.constant 0 : index
    %get3A_31 = arith.constant 0 : index
    %get3A_32 = vector.load %arg6[%get3A_30, %get3A_31] : memref<1x128xf32, #tpu.memory_space<vmem>>, vector<1x128xf32>
    %add3A_33 = vector.broadcast %get3A_32 : vector<1x128xf32> to vector<1000x128xf32>
    %add3A_34 = arith.addf %add3A_29, %add3A_33 : vector<1000x128xf32>
    %get3A_35 = arith.constant 0 : index
    %get3A_36 = arith.constant 0 : index
    %get3A_37 = vector.load %arg7[%get3A_35, %get3A_36] : memref<128x128xf32, #tpu.memory_space<vmem>>, vector<128x128xf32>
    %dot_general3A_38 = arith.constant dense<0.000000e+00> : vector<1000x128xf32>
    %dot_general3A_39 = tpu.matmul %get3A_19, %get3A_37, %dot_general3A_38 {dimension_numbers = #tpu.dot_dimension_numbers<[1], [0], [0], [1], [0, 0, 1, 1], [], []>, transpose_lhs_hint = false} : vector<1000x128xf32>, vector<128x128xf32>, vector<1000x128xf32> -> vector<1000x128xf32>
    %get3A_40 = arith.constant 0 : index
    %get3A_41 = arith.constant 0 : index
    %get3A_42 = vector.load %arg8[%get3A_40, %get3A_41] : memref<128x128xf32, #tpu.memory_space<vmem>>, vector<128x128xf32>
    %dot_general3A_43 = arith.constant dense<0.000000e+00> : vector<1000x128xf32>
    %dot_general3A_44 = tpu.matmul %add3A_34, %get3A_42, %dot_general3A_43 {dimension_numbers = #tpu.dot_dimension_numbers<[1], [0], [0], [1], [0, 0, 1, 1], [], []>, transpose_lhs_hint = false} : vector<1000x128xf32>, vector<128x128xf32>, vector<1000x128xf32> -> vector<1000x128xf32>
    %add3A_45 = arith.addf %dot_general3A_39, %dot_general3A_44 : vector<1000x128xf32>
    %get3A_46 = arith.constant 0 : index
    %get3A_47 = arith.constant 0 : index
    %get3A_48 = vector.load %arg9[%get3A_46, %get3A_47] : memref<1x128xf32, #tpu.memory_space<vmem>>, vector<1x128xf32>
    %add3A_49 = vector.broadcast %get3A_48 : vector<1x128xf32> to vector<1000x128xf32>
    %add3A_50 = arith.addf %add3A_45, %add3A_49 : vector<1000x128xf32>
    %swap3A = arith.constant 0 : index
    %swap3A_51 = arith.constant 0 : index
    %swap3A_52 = vector.load %arg10[%swap3A, %swap3A_51] : memref<1000x128xf32, #tpu.memory_space<vmem>>, vector<1000x128xf32>
    tpu.vector_store %arg10[%swap3A, %swap3A_51], %add3A_50 {strides = array<i32>} : memref<1000x128xf32, #tpu.memory_space<vmem>>, vector<1000x128xf32>,
    return
  }
  func.func @transform_0(%arg0: i32) -> (i32, i32, i32) {
    %c0_i32 = arith.constant 0 : i32
    %c0_i32_0 = arith.constant 0 : i32
    %c0_i32_1 = arith.constant 0 : i32
    return %c0_i32, %arg0, %c0_i32_0 : i32, i32, i32
  }
  func.func @transform_1(%arg0: i32) -> (i32, i32, i32) {
    %c0_i32 = arith.constant 0 : i32
    %c0_i32_0 = arith.constant 0 : i32
    %c0_i32_1 = arith.constant 0 : i32
    return %c0_i32, %arg0, %c0_i32_0 : i32, i32, i32
  }
  func.func @transform_2(%arg0: i32) -> (i32, i32) {
    %c0_i32 = arith.constant 0 : i32
    %c0_i32_0 = arith.constant 0 : i32
    return %arg0, %c0_i32 : i32, i32
  }
  func.func @transform_3(%arg0: i32) -> (i32, i32) {
    %c0_i32 = arith.constant 0 : i32
    %c0_i32_0 = arith.constant 0 : i32
    %c0_i32_1 = arith.constant 0 : i32
    return %c0_i32, %c0_i32_0 : i32, i32
  }
  func.func @transform_4(%arg0: i32) -> (i32, i32) {
    %c0_i32 = arith.constant 0 : i32
    %c0_i32_0 = arith.constant 0 : i32
    %c0_i32_1 = arith.constant 0 : i32
    return %c0_i32, %c0_i32_0 : i32, i32
  }
  func.func @transform_5(%arg0: i32) -> (i32, i32) {
    %c0_i32 = arith.constant 0 : i32
    %c0_i32_0 = arith.constant 0 : i32
    %c0_i32_1 = arith.constant 0 : i32
    return %c0_i32, %c0_i32_0 : i32, i32
  }
  func.func @transform_6(%arg0: i32) -> (i32, i32) {
    %c0_i32 = arith.constant 0 : i32
    %c0_i32_0 = arith.constant 0 : i32
    %c0_i32_1 = arith.constant 0 : i32
    return %c0_i32, %c0_i32_0 : i32, i32
  }
  func.func @transform_7(%arg0: i32) -> (i32, i32) {
    %c0_i32 = arith.constant 0 : i32
    %c0_i32_0 = arith.constant 0 : i32
    %c0_i32_1 = arith.constant 0 : i32
    return %c0_i32, %c0_i32_0 : i32, i32
  }
  func.func @transform_8(%arg0: i32) -> (i32, i32) {
    %c0_i32 = arith.constant 0 : i32
    %c0_i32_0 = arith.constant 0 : i32
    %c0_i32_1 = arith.constant 0 : i32
    return %c0_i32, %c0_i32_0 : i32, i32
  }
  func.func @transform_9(%arg0: i32) -> (i32, i32) {
    %c0_i32 = arith.constant 0 : i32
    %c0_i32_0 = arith.constant 0 : i32
    return %arg0, %c0_i32 : i32, i32
  }
}

</mosaic_0001>

<sc_bundles>
// kernel: kernel.10.cloned.1.call-start
scs
__scs_entry_jumppad:
0x0: {  	(pc) =	sbr.rel $0x88, $3  }
0x1: {  	(tag) =	ssettag $0x0;
	lr =	simm.s32 $0x1  }
0x2: {  	[smem:$0x3F97] =	sst lr;
	_ =	strace $0xD0000000  }
0x3: {  	_ = 	snop  }
0x4: {  	_ = 	snop  }
0x5: {  	_ = 	snop  }
0x6: {  	_ = 	snop  }
0x7: {  	_ = 	snop  }
__scs_overlays_trampoline_lowered:
0x8: {  	[smem:$0x3FA6] =	sst s0  }
0x9: {  	[smem:$0x3FA7] =	sst s1  }
0xa: {  	[smem:$0x3FA8] =	sst s2  }
0xb: {  	[smem:$0x3FA9] =	sst s3  }
0xc: {  	[smem:$0x3FAA] =	sst s4  }
0xd: {  	[smem:$0x3FAB] =	sst s5  }
0xe: {  	[smem:$0x3FAC] =	sst s6  }
0xf: {  	[smem:$0x3FAD] =	sst s7  }
0x10: {  	[smem:$0x3FAE] =	sst s8  }
0x11: {  	[smem:$0x3FAF] =	sst s9;
	s0 =	simm.s32 @!p0 $0x0  }
0x12: {  	s1 =	sld [smem:$0x3F95];
	s0 =	simm.s32 @p0 $0x1  }
0x13: {  	[smem:$0x3FB0] =	sst s0;
	s0 =	simm.s32 @!p1 $0x0  }
0x14: {  	s2 =	sld [smem:$0x3F94];
	s0 =	simm.s32 @p1 $0x1  }
0x15: {  	[smem:$0x3FB1] =	sst s0;
	s0 =	simm.s32 @!p2 $0x0  }
0x16: {  	s3 =	sld [smem:$0x3FDB];
	s0 =	simm.s32 @p2 $0x1  }
0x17: {  	s4 =	simm.s32 $0x1BF5;
	[smem:$0x3FB3] =	sst s0  }
0x18: {  	s0 =	sld [smem:$0x3F96];
	_ =	swait.ge [sflag:s4], $0x0  }
0x19: {  	s7 =	sld [smem:$0x3F97]  }
0x1a: {  	s8 =	sadd.s32 $0xFFFFE003, lr  }
0x1b: {  	s9 =	sadd.s32 $0xFFFFFEF7, lr;
	s5 =	simm.s32 $0xFFFFFFFF;
	p2 =	slt.u32 s8, $0xFFFFF086  }
0x1c: {  	p1 =	slt.u32 s9, $0xF7A;
	s5 =	simm.s32 @!p2 $0x0  }
0x1d: {  	s5 =	simm.s32 @p1 $0x1;
	p0 =	seq.s32 s7, s2  }
0x1e: {  	s7 =	smul.u32 @!p0 $0xF7A, s2;
	p2 =	seq.s32 @!p0 s5, $0x0  }
0x1f: {  	s9 =	smul.u32 $0xF7A, s1;
	s8 =	simm.s32 @!p0 $0x1BF5;
	p2 =	por !p2, p0  }
0x20: {  	[sflag:s8] =	ssyncset.s32 @!p0 $0xFFFFF086;
	s6 =	sadd.s32 @!p0 s3, s7;
	s7 =	simm.s32 @!p0 $0x108  }
0x21: {  	s3 =	sadd.s32 s3, s9;
	s6 =	sadd.s32 @!p0 $0x88, s6;
	s7 =	simm.s32 @p2 $0x1082  }
0x22: {  	[simem:s7], [sflag:s8] =	dma.local @!p0 [hbm:s6], $0xF7A  }
0x23: {  	s9 =	sor.u32 $0xD0000000, s2;
	s6 =	simm.s32 $0x108;
	_ =	swait.ge @!p0 [sflag:s8], $0x0  }
0x24: {  	s3 =	sadd.s32 $0x88, s3;
	s6 =	simm.s32 @!p1 $0x1082;
	[sflag:s4] =	ssyncset.s32 $0xFFFFF086  }
0x25: {  	[simem:s6], [sflag:s4] =	dma.local [hbm:s3], $0xF7A  }
0x26: {  	[smem:$0x3F97] =	sst s1;
	(tag) =	ssettag s2;
	_ =	strace s9  }
0x27: {  	s1 =	sld [smem:$0x3FA7]  }
0x28: {  	s2 =	sld [smem:$0x3FA8]  }
0x29: {  	s4 =	sld [smem:$0x3FAA]  }
0x2a: {  	p0 =	seq.s32 s5, $0x0;
	s5 =	sld [smem:$0x3FAB]  }
0x2b: {  	s6 =	sld [smem:$0x3FAC]  }
0x2c: {  	s7 =	sld [smem:$0x3FAD]  }
0x2d: {  	s3 =	simm.s32 $0x108;
	s8 =	sld [smem:$0x3FAE]  }
0x2e: {  	s3 =	simm.s32 @!p0 $0x1082;
	s9 =	sld [smem:$0x3FAF]  }
0x2f: {  	lr =	sadd.s32 s0, s3;
	s0 =	sld [smem:$0x3FA6]  }
0x30: {  	s3 =	sld [smem:$0x3FA9]  }
0x31: {  	[smem:$0x3FB2] =	sst s10  }
0x32: {  	s10 =	sld [smem:$0x3FB0];
	_ =	sdelay $0x3  }
0x33: {  	p0 =	seq.s32 s10, $0x1;
	s10 =	sld [smem:$0x3FB2];
	_ =	sdelay $0x3  }
0x34: {  	[smem:$0x3FB2] =	sst s10  }
0x35: {  	s10 =	sld [smem:$0x3FB1];
	_ =	sdelay $0x3  }
0x36: {  	p1 =	seq.s32 s10, $0x1;
	s10 =	sld [smem:$0x3FB2];
	_ =	sdelay $0x3  }
0x37: {  	[smem:$0x3FB2] =	sst s10  }
0x38: {  	s10 =	sld [smem:$0x3FB3]  }
0x39: {  	_ = 	snop;
	(pc) =	sbr.ind lr, $3  }
0x3a: {  	_ = 	snop  }
0x3b: {  	_ = 	snop  }
0x3c: {  	p2 =	seq.s32 s10, $0x1;
	s10 =	sld [smem:$0x3FB2]  }
0x3d: {  	_ =	shalt  }
0x3e: {  	_ =	shalt  }
0x3f: {  	_ =	shalt  }
0x40: {  	_ =	shalt  }
0x41: {  	_ =	shalt  }
0x42: {  	_ =	shalt  }
0x43: {  	_ =	shalt  }
0x44: {  	_ =	shalt  }
0x45: {  	_ =	shalt  }
0x46: {  	_ =	shalt  }
0x47: {  	_ =	shalt  }
0x48: {  	_ =	shalt  }
0x49: {  	_ =	shalt  }
0x4a: {  	_ =	shalt  }
0x4b: {  	_ =	shalt  }
0x4c: {  	_ =	shalt  }
0x4d: {  	_ =	shalt  }
0x4e: {  	_ =	shalt  }
0x4f: {  	_ =	shalt  }
0x50: {  	_ =	shalt  }
0x51: {  	_ =	shalt  }
0x52: {  	_ =	shalt  }
0x53: {  	_ =	shalt  }
0x54: {  	_ =	shalt  }
0x55: {  	_ =	shalt  }
0x56: {  	_ =	shalt  }
0x57: {  	_ =	shalt  }
0x58: {  	_ =	shalt  }
0x59: {  	_ =	shalt  }
0x5a: {  	_ =	shalt  }
0x5b: {  	_ =	shalt  }
0x5c: {  	_ =	shalt  }
0x5d: {  	_ =	shalt  }
0x5e: {  	_ =	shalt  }
0x5f: {  	_ =	shalt  }
0x60: {  	_ =	shalt  }
0x61: {  	_ =	shalt  }
0x62: {  	_ =	shalt  }
0x63: {  	_ =	shalt  }
0x64: {  	_ =	shalt  }
0x65: {  	_ =	shalt  }
0x66: {  	_ =	shalt  }
0x67: {  	_ =	shalt  }
0x68: {  	_ =	shalt  }
0x69: {  	_ =	shalt  }
0x6a: {  	_ =	shalt  }
0x6b: {  	_ =	shalt  }
0x6c: {  	_ =	shalt  }
0x6d: {  	_ =	shalt  }
0x6e: {  	_ =	shalt  }
0x6f: {  	_ =	shalt  }
0x70: {  	_ =	shalt  }
0x71: {  	_ =	shalt  }
0x72: {  	_ =	shalt  }
0x73: {  	_ =	shalt  }
0x74: {  	_ =	shalt  }
0x75: {  	_ =	shalt  }
0x76: {  	_ =	shalt  }
0x77: {  	_ =	shalt  }
0x78: {  	_ =	shalt  }
0x79: {  	_ =	shalt  }
0x7a: {  	_ =	shalt  }
0x7b: {  	_ =	shalt  }
0x7c: {  	_ =	shalt  }
0x7d: {  	_ =	shalt  }
0x7e: {  	_ =	shalt  }
0x7f: {  	_ =	shalt  }
0x80: {  	_ =	shalt  }
0x81: {  	_ =	shalt  }
0x82: {  	_ =	shalt  }
0x83: {  	_ =	shalt  }
0x84: {  	_ =	shalt  }
0x85: {  	_ =	shalt  }
0x86: {  	_ =	shalt  }
0x87: {  	_ =	shalt  }
.Lfunc_end0:
.L_simem_size_0:
called_computation.1_lowered:
.L_overlay_start_0:
0x88: {  	s2 =	sld [smem:$0x3FD9]  }
0x89: {  	s3 =	sld [smem:$0x3FFE];
	_ =	sdelay $0x1  }
0x8a: {  	s1 =	srdreg.scid  }
0x8b: {  	s0 =	sand.u32 $0x1, s1  }
0x8c: {  	s17 =	sshll.u32 s0, $0xA;
	s2 =	sadd.s32 s3, s2  }
0x8d: {  	s2 =	sadd.s32 s2, s17  }
0x8e: {  	[smem:$0x3FBE] =	sst s2  }
0x8f: {  	_ = 	snop  }
0x90: {  	s18 =	sld [smem:$0x3FC9];
	(tm) =	ssettm $0x1  }
0x91: {  	s19 =	sld [smem:$0x3FFB];
	_ =	sdelay $0x3  }
0x92: {  	_ =	strace s19  }
0x93: {  	s2 =	sld [smem:$0x3FFC];
	_ =	sdelay $0x3  }
0x94: {  	_ =	strace s2  }
0x95: {  	s2 =	sld [smem:$0x3FFD];
	_ =	sdelay $0x3  }
0x96: {  	_ =	strace s2  }
0x97: {  	_ =	strace $0x8FFFFFFF  }
0x98: {  	s20 =	sld [smem:$0x3FDB];
	_ =	sdelay $0x1  }
0x99: {  	s4 =	simm.s32 $_scs_section_size  }
0x9a: {  	s5 =	simm.s32 $_size__tile_overlayer_lowered;
	s6 =	simm.s32 $_tile_overlayer_lowered  }
0x9b: {  	s7 =	simm.s32 $0x1BFF;
	s21 =	sshll.u32 s6, $0x1;
	s4 =	sadd.s32 s4, s20  }
0x9c: {  	s22 =	simm.s32 $0x0;
	s5 =	sshll.u32 s5, $0x1;
	s6 =	sadd.s32 s21, s4  }
0x9d: {  	[timem:s22], [sflag:s7] =	dma.local [hbm:s6], s5  }
0x9e: {  	_ =	swait.ge [sflag:s7], s5  }
0x9f: {  	s5 =	ssub.s32 $0x0, s5;
	[sflag:s7] =	ssyncset.done $0x0  }
0xa0: {  	[sflag:s7] =	ssyncadd.s32 s5;
	_ =	sdelay $0x1  }
0xa1: {  	s23 =	simm.s32 $0x1B8B  }
0xa2: {  	_ =	swait.ge [sflag:s23], $0x1  }
0xa3: {  	[sflag:s23] =	ssyncset.done $0x0  }
0xa4: {  	[sflag:s23] =	ssyncadd.s32 $0xFFFFFFFF  }
0xa5: {  	s5 =	sld [smem:$0x0]  }
0xa6: {  	s6 =	sand.u32 $0xFFFFFFFE, s1  }
0xa7: {  	p0 =	sne.s32 s1, s6  }
0xa8: {  	s6 =	sshll.u32 @p0 s6, $0xE  }
0xa9: {  	s6 =	sadd.s32 @p0 $0x11B8D, s6;
	s7 =	sshll.u32 @p0 s5, $0x11  }
0xaa: {  	s6 =	sor.u32 @p0 s7, s6  }
0xab: {  	[sflag:s6] =	ssyncadd.remote.s32 @p0 $0x1;
	_ =	sdelay $0x1  }
0xac: {  	s6 =	simm.s32 @p0 $0x1B8D  }
0xad: {  	_ =	swait.eq @p0 [sflag:s6], $0x1  }
0xae: {  	[sflag:s6] =	ssyncadd.s32 @p0 $0xFFFFFFFF  }
0xaf: {  	s7 =	sshll.u32 @!p0 s1, $0xE  }
0xb0: {  	s7 =	sor.u32 @!p0 $0x4000, s7;
	s6 =	simm.s32 @!p0 $0x1B8D  }
0xb1: {  	s5 =	sshll.u32 @!p0 s5, $0x11;
	s7 =	sadd.s32 @!p0 $0x11B8D, s7;
	_ =	swait.eq @!p0 [sflag:s6], $0x1  }
0xb2: {  	s5 =	sor.u32 @!p0 s5, s7;
	[sflag:s6] =	ssyncadd.s32 @!p0 $0xFFFFFFFF  }
0xb3: {  	s25 =	simm.s32 $0x1B8E;
	s24 =	sld [smem:$0x3FFE];
	[sflag:s5] =	ssyncadd.remote.s32 @!p0 $0x1  }
0xb4: {  	s26 =	simm.s32 $execute0_lowered;
	[smem:$0x3FD2] =	sst s25  }
0xb5: {  	s6 =	sshll.u32 s26, $0x1;
	_ =	strace $0x80000049;
	[dreg:$0x1] =	wrdreg $0xFFFFFFFF  }
0xb6: {  	s28 =	simm.s32 $_size_execute0_lowered;
	s4 =	sadd.s32 s4, s6;
	[dreg:$0x0] =	wrdreg $0x0  }
0xb7: {  	s6 =	sshll.u32 s28, $0x1;
	[dreg:$0x2] =	wrdreg s4  }
0xb8: {  	[dreg:$0x3] =	wrdreg s6  }
0xb9: {  	[dreg:$0x4] =	wrdreg $0xC0  }
0xba: {  	_ =	task [dreg:s22], $0x5FFFF  }
0xbb: {  	[dreg:$0x1] =	wrdreg $0xFFFFFFFF  }
0xbc: {  	[dreg:$0x0] =	wrdreg $0x60  }
0xbd: {  	[dreg:$0x2] =	wrdreg s18  }
0xbe: {  	[dreg:$0x3] =	wrdreg s24  }
0xbf: {  	[dreg:$0x4] =	wrdreg $0x53800  }
0xc0: {  	[dreg:$0x5] =	wrdreg $0xA  }
0xc1: {  	_ =	task.clear_ibuf [dreg:s22], $0x6FFFF;
	_ =	strace $0x90000049  }
0xc2: {  	s29 =	simm.s32 $0xA;
	_ =	strace $0x8000004B  }
0xc3: {  	_ =	swait.ge [sflag:s29], $0x1  }
0xc4: {  	[sflag:s29] =	ssyncadd.s32 $0xFFFFFFFF  }
0xc5: {  	_ =	strace $0x9000004B  }
0xc6: {  	_ =	sfence  }
0xc7: {  	s30 =	sld [smem:$0x0];
	_ =	sdelay $0x2  }
0xc8: {  	s31 =	sshll.u32 s1, $0xD;
	s1 =	sshrl.u32 s1, $0x2  }
0xc9: {  	s4 =	sand.u32 $0x4000, s31;
	s1 =	sadd.s32 s1, s30  }
0xca: {  	s0 =	sor.u32 s4, s0;
	s1 =	sshll.u32 s1, $0x11  }
0xcb: {  	s0 =	sor.u32 s1, s0  }
0xcc: {  	s0 =	sadd.s32 $0x8F2B, s0  }
0xcd: {  	[sflag:s0] =	ssyncadd.remote.s32 $0x1  }
0xce: {  	_ =	sfence.sel $0xFFFF  }
0xcf: {  	[dreg:$0x0] =	wrdreg $0xFFFFFFFF;
	(pc) =	sbr.abs _section_cstart, $3  }
0xd0: {  	[dreg:$0x1] =	wrdreg $0xFFFFFFFF  }
0xd1: {  	_ =	task.clear_ibuf [dreg:s22], $0x2FFFF;
	_ =	strace $0x9FFFFFFF  }
0xd2: {  	(tm) =	ssettm $0x7FFFFFFF  }
0xd3: {  	_ =	shalt  }
tec
execute0_lowered:
.L_overlay_start_1:
0x0: {  	(tag) =	ssettag $0x1  }
0x1: {  	s1 =	rddreg [dreg:$0x0]  }
0x2: {  	s0 =	srdreg.scid;
	s2 =	rddreg [dreg:$0x1]  }
0x3: {  	s12 =	stileid.u32;
	s3 =	rddreg [dreg:$0x2];
	s4 =	simm.s32 $0x0  }
0x4: {  	s28 =	simm.s32 $0x380;
	s29 =	simm.s32 $0x4;
	s6 =	smul.u32 $0x2800, s12  }
0x5: {  	s30 =	simm.s32 $0x2B80;
	s0 =	sand.u32 $0x1, s0;
	s25 =	smul.u32 $0x2710, s12  }
0x6: {  	[smem:$0x7FF] =	sst s4;
	s5 =	smul.u32 $0x138800, s0;
	s7 =	sshll.u32 s0, $0x4  }
0x7: {  	s24 =	ssub.s32 $0x2, s0;
	s0 =	smul.u32 $0x27100, s0;
	s7 =	sor.u32 s12, s7  }
0x8: {  	_ =	strace $0x8000004A;
	s8 =	sshrl.u32 s24, $0x1;
	s7 =	smul.u32 $0x2710, s7  }
0x9: {  	s6 =	sadd.s32 s6, s5;
	s5 =	sadd.s32 $0x2E00, s2;
	s0 =	sadd.s32 s25, s0  }
0xa: {  	s6 =	sshrl.u32 s6, $0x3;
	s19 =	sadd.s32 $0x4E480, s0;
	s7 =	sshrl.u32 s7, $0x3  }
0xb: {  	s2 =	sadd.s32 s6, s2;
	s6 =	ssub.s32 s24, s8;
	s9 =	sadd.s32 s5, s7  }
0xc: {  	s21 =	sshrl.u32 s19, $0x3;
	s6 =	smax.u32 s6, $0x1;
	[dreg:$0xf] =	wrdreg s9  }
0xd: {  	s31 =	simm.s32 $0x6;
	s22 =	sadd.s32 s21, s5;
	[dreg:$0x19] =	wrdreg s6  }
0xe: {  	s17 =	sadd.s32 $0x280, s0;
	s7 =	sadd.s32 $0x9C40, s9;
	[dreg:$0x5] =	wrdreg s22  }
0xf: {  	s23 =	sadd.s32 $0x230, s0;
	s26 =	sadd.s32 $0xA, s9;
	[dreg:$0x10] =	wrdreg s7  }
0x10: {  	s25 =	sadd.s32 $0x4E430, s0;
	s10 =	sadd.s32 $0x9C4A, s9;
	[dreg:$0x11] =	wrdreg s26  }
0x11: {  	s24 =	sshrl.u32 s23, $0x3;
	s11 =	sadd.s32 $0x14, s9;
	[dreg:$0x12] =	wrdreg s10  }
0x12: {  	s19 =	sadd.s32 $0x4E340, s0;
	s13 =	sadd.s32 $0x9C54, s9;
	[dreg:$0x13] =	wrdreg s11  }
0x13: {  	s8 =	simm.s32 $0x5;
	s14 =	sadd.s32 $0x4CE, s9;
	[dreg:$0x14] =	wrdreg s13  }
0x14: {  	s21 =	sadd.s32 $0xF0, s0;
	s15 =	sadd.s32 $0xA10E, s9;
	[dreg:$0x15] =	wrdreg s14  }
0x15: {  	s16 =	sadd.s32 $0x4D8, s9;
	s18 =	sadd.s32 $0xA118, s9;
	[dreg:$0x16] =	wrdreg s15  }
0x16: {  	s6 =	sadd.s32 s24, s5;
	s22 =	sadd.s32 $0x4E2F0, s0;
	[dreg:$0x17] =	wrdreg s16  }
0x17: {  	[dreg:$0x18] =	wrdreg s18;
	s7 =	sshrl.u32 s17, $0x3;
	s26 =	sadd.s32 $0x4E3E0, s0  }
0x18: {  	[dreg:$0x6] =	wrdreg s6;
	s11 =	sadd.s32 $0x190, s0;
	s14 =	sadd.s32 $0x4E390, s0  }
0x19: {  	s15 =	sadd.s32 $0x140, s0;
	s24 =	sshrl.u32 s22, $0x3;
	s0 =	sadd.s32 $0x1E0, s0  }
0x1a: {  	s22 =	simm.s32 $0x200;
	s20 =	sadd.s32 s7, s5;
	s7 =	sshrl.u32 s25, $0x3  }
0x1b: {  	s9 =	sshrl.u32 s26, $0x3;
	s13 =	sshrl.u32 s11, $0x3;
	s17 =	sshrl.u32 s15, $0x3  }
0x1c: {  	s25 =	sadd.s32 s24, s5;
	[dreg:$0x1a] =	wrdreg s0;
	s26 =	sadd.s32 $0x64A00, s2  }
0x1d: {  	s24 =	simm.s32 $0x280;
	s2 =	simm.s32 $0x1;
	[dreg:$0x4] =	wrdreg s20  }
0x1e: {  	s11 =	simm.s32 $0x8;
	s7 =	sadd.s32 s7, s5;
	[dreg:$0xe] =	wrdreg s25  }
0x1f: {  	s10 =	sadd.s32 s9, s5;
	s6 =	sadd.s32 s13, s5;
	[dreg:$0x1b] =	wrdreg s26  }
0x20: {  	s18 =	sadd.s32 s17, s5;
	s20 =	sshrl.u32 s19, $0x3;
	[dreg:$0x7] =	wrdreg s7  }
0x21: {  	s17 =	smul.u32 $0x50, s12;
	s25 =	simm.s32 $0x3;
	[dreg:$0x8] =	wrdreg s10  }
0x22: {  	s26 =	simm.s32 $0x50;
	s9 =	simm.s32 $0x7;
	[dreg:$0x9] =	wrdreg s6  }
0x23: {  	s7 =	sshrl.u32 s14, $0x3;
	[dreg:$0xb] =	wrdreg s18;
	s6 =	sadd.s32 s20, s5  }
0x24: {  	s20 =	simm.s32 $0x180;
	s10 =	simm.s32 $0x2;
	s16 =	sadd.s32 s7, s5  }
0x25: {  	s7 =	sshrl.u32 s21, $0x3;
	[dreg:$0xc] =	wrdreg s6;
	s21 =	simm.s32 $0x80  }
0x26: {  	s6 =	simm.s32 $0x0;
	[dreg:$0xa] =	wrdreg s16;
	s23 =	sadd.s32 s7, s5  }
0x27: {  	v0 =	vimm.f32 $0.0e+00;
	s7 =	simm.s32 $0x9;
	[dreg:$0xd] =	wrdreg s23;
	s23 =	simm.s32 $0x100  }
.LBB2_1:
0x28: {  	[dreg:$0x1c] =	wrdreg s6;
	s0 =	simm.s32 $0x70;
	s13 =	simm.s32 $0x3C0  }
.LBB2_2:
0x29: {  	p0 =	sne.s32 s13, $0x9FC0;
	[tilespmem:s0+$0x380] =	vst v0  }
0x2a: {  	[tilespmem:s0+$0x310] =	vst v0  }
0x2b: {  	[tilespmem:s0+$0x320] =	vst v0  }
.Ltmp0:
0x2c: {  	[tilespmem:s0+$0x330] =	vst v0;
	(pc) =	sbr.rel @p0 .LBB2_2-.Ltmp0, $4  }
0x2d: {  	[tilespmem:s0+$0x340] =	vst v0  }
0x2e: {  	[tilespmem:s0+$0x350] =	vst v0  }
0x2f: {  	[tilespmem:s0+$0x360] =	vst v0  }
0x30: {  	[tilespmem:s0+$0x370] =	vst v0;
	s0 =	sshra.s32 s13, $0x2;
	s13 =	sadd.s32 $0x200, s13  }
0x31: {  	[tilespmem:s0+$0x380] =	vst v0  }
0x32: {  	[tilespmem:s0+$0x310] =	vst v0  }
0x33: {  	[tilespmem:s0+$0x320] =	vst v0  }
0x34: {  	[tilespmem:s0+$0x330] =	vst v0  }
0x35: {  	[tilespmem:s0+$0x340] =	vst v0  }
0x36: {  	[tilespmem:s0+$0x350] =	vst v0;
	p0 =	sgt.u32 s12, $0x7C  }
0x37: {  	[tilespmem:s0+$0x360] =	vst v0;
	s6 =	sadd.s32 @!p0 $0x0, s17;
	v1 =	vlaneseq.u32 @!p0  }
0x38: {  	[tilespmem:s0+$0x370] =	vst v0;
	p1 =	por p0, p0;
	v2 =	vor.u32 @!p0 s6, v1;
	s0 =	sadd.s32 @!p0 $0x40, s6  }
0x39: {  	s13 =	sadd.s32 @!p1 $0x30, s6;
	[tilespmem:$0x300] =	vst @!p1 v2;
	v2 =	vor.u32 @!p1 s0, v1  }
0x3a: {  	s0 =	sadd.s32 @!p1 $0x20, s6;
	v3 =	vor.u32 @!p1 s13, v1;
	[tilespmem:$0x340] =	vst @!p1 v2  }
0x3b: {  	s6 =	sadd.s32 @!p1 $0x10, s6;
	v2 =	vor.u32 @!p1 s0, v1;
	[tilespmem:$0x330] =	vst @!p1 v3  }
0x3c: {  	v1 =	vor.u32 @!p1 s6, v1;
	[tilespmem:$0x320] =	vst @!p1 v2  }
0x3d: {  	s13 =	simm.s32 @!p1 $0x380;
	s0 =	simm.s32 @!p1 $0x50;
	s6 =	simm.s32 @!p1 $0x300;
	[tilespmem:$0x310] =	vst @!p1 v1  }
0x3e: {  	[spmem:s3] =	stream.indirect.scatter @!p1 [tilespmem:s13], [sflag:$0x9], $0x80, s6, s0, $0xb8;
	[tilespmem:$0x18C00] =	vst v63  }
0x3f: {  	s14 =	sadd.s32 $0x10, s12;
	s13 =	simm.s32 $0x500;
	s0 =	simm.s32 @!p1 $0x9  }
.LBB2_4:
0x40: {  	p2 =	sgt.u32 s14, $0x7C;
	_ =	swait.ge @!p1 [sflag:s0], $0x2800  }
0x41: {  	s6 =	sadd.s32 @!p2 s13, s17;
	v1 =	vlaneseq.u32 @!p2;
	[sflag:s0] =	ssyncset.done @!p1 $0x0;
	s13 =	sadd.s32 $0x500, s13  }
0x42: {  	v2 =	vor.u32 @!p2 s6, v1;
	s15 =	sadd.s32 @!p2 $0x40, s6;
	[sflag:s0] =	ssyncadd.s32 @!p1 $0xFFFFD800;
	p1 =	por p2, p2  }
0x43: {  	p2 =	sne.s32 s13, $0x2800;
	[tilespmem:$0x300] =	vst @!p1 v2;
	s0 =	sadd.s32 @!p1 $0x30, s6;
	v2 =	vor.u32 @!p1 s15, v1  }
.Ltmp1:
0x44: {  	s14 =	sadd.s32 $0x10, s14;
	s15 =	sadd.s32 @!p1 $0x20, s6;
	v3 =	vor.u32 @!p1 s0, v1;
	[tilespmem:$0x340] =	vst @!p1 v2;
	(pc) =	sbr.rel @p2 .LBB2_4-.Ltmp1, $4  }
0x45: {  	s6 =	sadd.s32 @!p1 $0x10, s6;
	v2 =	vor.u32 @!p1 s15, v1;
	s0 =	simm.s32 @!p1 $0x9;
	[tilespmem:$0x330] =	vst @!p1 v3  }
0x46: {  	s16 =	simm.s32 @!p1 $0x380;
	v1 =	vor.u32 @!p1 s6, v1;
	s6 =	simm.s32 @!p1 $0x50;
	s15 =	simm.s32 @!p1 $0x300;
	[tilespmem:$0x320] =	vst @!p1 v2  }
0x47: {  	[tilespmem:$0x310] =	vst @!p1 v1  }
0x48: {  	[spmem:s3] =	stream.indirect.scatter @!p1 [tilespmem:s16], [sflag:$0x9], $0x80, s15, s6, $0xb8;
	[tilespmem:$0x18C00] =	vst v63  }
0x49: {  	_ =	swait.ge @!p1 [sflag:s0], $0x2800  }
0x4a: {  	[sflag:s0] =	ssyncset.done @!p1 $0x0  }
0x4b: {  	[sflag:s0] =	ssyncadd.s32 @!p1 $0xFFFFD800  }
0x4c: {  	[bflag:$0x0] =	sbarrier.arrive $0xFFFF  }
0x4d: {  	s14 =	simm.s32 $0x0;
	s6 =	rddreg [dreg:$0xf]  }
0x4e: {  	[tilespmem:s14], [sflag:$0x3] =	stream.linear.gather [hbm4b:s6+s14], $0x50, $0x38;
	[tilespmem:$0x18C00] =	vst v63  }
0x4f: {  	s15 =	rddreg [dreg:$0x10]  }
0x50: {  	[tilespmem:s20], [sflag:$0x6] =	stream.linear.gather [hbm4b:s15+s14], $0x50, $0x38;
	[tilespmem:$0x18C00] =	vst v63  }
0x51: {  	s16 =	rddreg [dreg:$0x11]  }
0x52: {  	[tilespmem:s21], [sflag:$0x4] =	stream.linear.gather [hbm4b:s16+s14], $0x50, $0x38;
	[tilespmem:$0x18C00] =	vst v63  }
0x53: {  	s18 =	rddreg [dreg:$0x12]  }
0x54: {  	[tilespmem:s22], [sflag:$0x7] =	stream.linear.gather [hbm4b:s18+s14], $0x50, $0x38;
	[tilespmem:$0x18C00] =	vst v63  }
0x55: {  	s19 =	rddreg [dreg:$0x13]  }
0x56: {  	[tilespmem:s23], [sflag:$0x5] =	stream.linear.gather [hbm4b:s19+s14], $0x50, $0x38;
	[tilespmem:$0x18C00] =	vst v63  }
0x57: {  	s13 =	rddreg [dreg:$0x14]  }
0x58: {  	[tilespmem:s24], [sflag:$0x8] =	stream.linear.gather [hbm4b:s13+s14], $0x50, $0x38;
	[tilespmem:$0x18C00] =	vst v63  }
0x59: {  	_ =	swait.ge [sflag:s25], $0x50  }
0x5a: {  	[sflag:s25] =	ssyncset.done $0x0  }
0x5b: {  	[sflag:s25] =	ssyncadd.s32 $0xFFFFFFB0  }
0x5c: {  	[tilespmem:s28], [sflag:$0x1] =	stream.indirect.gather [hbm4b:s1+s26], $0x80, s14, s26, $0xb8;
	[tilespmem:$0x18C00] =	vst v63  }
0x5d: {  	_ =	swait.ge [sflag:s29], $0x50  }
0x5e: {  	[sflag:s29] =	ssyncset.done $0x0  }
0x5f: {  	[sflag:s29] =	ssyncadd.s32 $0xFFFFFFB0  }
0x60: {  	[tilespmem:s30], [sflag:$0x2] =	stream.indirect.gather [hbm4b:s1+s26], $0x80, s21, s26, $0xb8;
	[tilespmem:$0x18C00] =	vst v63  }
0x61: {  	_ =	swait.ge [sflag:s31], $0x50  }
0x62: {  	[sflag:s31] =	ssyncset.done $0x0  }
0x63: {  	[sflag:s31] =	ssyncadd.s32 $0xFFFFFFB0  }
0x64: {  	_ =	swait.ge [sflag:s2], $0x2800  }
0x65: {  	[sflag:s2] =	ssyncset.done $0x0  }
0x66: {  	[sflag:s2] =	ssyncadd.s32 $0xFFFFD800  }
0x67: {  	[spmem:s3] =	stream.indirect.scatter.add.f32 [tilespmem:s28], [sflag:$0x9], $0x80, s20, s26, $0xb8;
	[tilespmem:$0x18C00] =	vst v63  }
0x68: {  	_ =	swait.ge [sflag:s7], $0x2800  }
0x69: {  	[sflag:s7] =	ssyncset.done $0x0  }
0x6a: {  	[sflag:s7] =	ssyncadd.s32 $0xFFFFD800  }
0x6b: {  	_ =	swait.ge [sflag:s8], $0x50  }
0x6c: {  	[sflag:s8] =	ssyncset.done $0x0  }
0x6d: {  	s14 =	rddreg [dreg:$0xd];
	[sflag:s8] =	ssyncadd.s32 $0xFFFFFFB0  }
0x6e: {  	[tilespmem:s28], [sflag:$0x1] =	stream.indirect.gather [hbm4b:s1+s26], $0x80, s23, s26, $0xb8;
	[tilespmem:$0x18C00] =	vst v63  }
0x6f: {  	s15 =	rddreg [dreg:$0xe];
	s0 =	sadd.s32 $0x0, s14  }
0x70: {  	[tilespmem:s4], [sflag:$0x3] =	stream.linear.gather [hbm4b:s0+s4], $0x50, $0x38;
	[tilespmem:$0x18C00] =	vst v63  }
0x71: {  	s16 =	sadd.s32 $0x0, s15  }
0x72: {  	[tilespmem:s20], [sflag:$0x6] =	stream.linear.gather [hbm4b:s16+s4], $0x50, $0x38;
	[tilespmem:$0x18C00] =	vst v63  }
0x73: {  	_ =	swait.ge [sflag:s9], $0x50  }
0x74: {  	[sflag:s9] =	ssyncset.done $0x0  }
0x75: {  	[sflag:s9] =	ssyncadd.s32 $0xFFFFFFB0  }
0x76: {  	_ =	swait.ge [sflag:s10], $0x2800  }
0x77: {  	[sflag:s10] =	ssyncset.done $0x0  }
0x78: {  	[sflag:s10] =	ssyncadd.s32 $0xFFFFD800  }
0x79: {  	[spmem:s3] =	stream.indirect.scatter.add.f32 [tilespmem:s30], [sflag:$0x9], $0x80, s22, s26, $0xb8;
	[tilespmem:$0x18C00] =	vst v63  }
0x7a: {  	_ =	swait.ge [sflag:s7], $0x2800  }
0x7b: {  	[sflag:s7] =	ssyncset.done $0x0  }
0x7c: {  	[sflag:s7] =	ssyncadd.s32 $0xFFFFD800  }
0x7d: {  	_ =	swait.ge [sflag:s25], $0x50  }
0x7e: {  	[sflag:s25] =	ssyncset.done $0x0  }
0x7f: {  	s18 =	rddreg [dreg:$0xb];
	[sflag:s25] =	ssyncadd.s32 $0xFFFFFFB0  }
0x80: {  	[tilespmem:s30], [sflag:$0x2] =	stream.indirect.gather [hbm4b:s1+s26], $0x80, s4, s26, $0xb8;
	[tilespmem:$0x18C00] =	vst v63  }
0x81: {  	s19 =	rddreg [dreg:$0xc];
	s0 =	sadd.s32 $0x0, s18  }
0x82: {  	[tilespmem:s21], [sflag:$0x4] =	stream.linear.gather [hbm4b:s0+s4], $0x50, $0x38;
	[tilespmem:$0x18C00] =	vst v63  }
0x83: {  	s13 =	sadd.s32 $0x0, s19  }
0x84: {  	[tilespmem:s22], [sflag:$0x7] =	stream.linear.gather [hbm4b:s13+s4], $0x50, $0x38;
	[tilespmem:$0x18C00] =	vst v63  }
0x85: {  	_ =	swait.ge [sflag:s11], $0x50  }
0x86: {  	[sflag:s11] =	ssyncset.done $0x0  }
0x87: {  	[sflag:s11] =	ssyncadd.s32 $0xFFFFFFB0  }
0x88: {  	_ =	swait.ge [sflag:s2], $0x2800  }
0x89: {  	[sflag:s2] =	ssyncset.done $0x0  }
0x8a: {  	[sflag:s2] =	ssyncadd.s32 $0xFFFFD800  }
0x8b: {  	[spmem:s3] =	stream.indirect.scatter.add.f32 [tilespmem:s28], [sflag:$0x9], $0x80, s24, s26, $0xb8;
	[tilespmem:$0x18C00] =	vst v63  }
0x8c: {  	_ =	swait.ge [sflag:s7], $0x2800  }
0x8d: {  	[sflag:s7] =	ssyncset.done $0x0  }
0x8e: {  	[sflag:s7] =	ssyncadd.s32 $0xFFFFD800  }
0x8f: {  	_ =	swait.ge [sflag:s29], $0x50  }
0x90: {  	[sflag:s29] =	ssyncset.done $0x0  }
0x91: {  	s14 =	rddreg [dreg:$0x9];
	[sflag:s29] =	ssyncadd.s32 $0xFFFFFFB0  }
0x92: {  	[tilespmem:s28], [sflag:$0x1] =	stream.indirect.gather [hbm4b:s1+s26], $0x80, s21, s26, $0xb8;
	[tilespmem:$0x18C00] =	vst v63  }
0x93: {  	s15 =	rddreg [dreg:$0xa];
	s0 =	sadd.s32 $0x0, s14  }
0x94: {  	[tilespmem:s23], [sflag:$0x5] =	stream.linear.gather [hbm4b:s0+s4], $0x50, $0x38;
	[tilespmem:$0x18C00] =	vst v63  }
0x95: {  	s16 =	sadd.s32 $0x0, s15  }
0x96: {  	[tilespmem:s24], [sflag:$0x8] =	stream.linear.gather [hbm4b:s16+s4], $0x50, $0x38;
	[tilespmem:$0x18C00] =	vst v63  }
0x97: {  	_ =	swait.ge [sflag:s31], $0x50  }
0x98: {  	[sflag:s31] =	ssyncset.done $0x0  }
0x99: {  	[sflag:s31] =	ssyncadd.s32 $0xFFFFFFB0  }
0x9a: {  	_ =	swait.ge [sflag:s10], $0x2800  }
0x9b: {  	[sflag:s10] =	ssyncset.done $0x0  }
0x9c: {  	[sflag:s10] =	ssyncadd.s32 $0xFFFFD800  }
0x9d: {  	[spmem:s3] =	stream.indirect.scatter.add.f32 [tilespmem:s30], [sflag:$0x9], $0x80, s20, s26, $0xb8;
	[tilespmem:$0x18C00] =	vst v63  }
0x9e: {  	_ =	swait.ge [sflag:s7], $0x2800  }
0x9f: {  	[sflag:s7] =	ssyncset.done $0x0  }
0xa0: {  	[sflag:s7] =	ssyncadd.s32 $0xFFFFD800  }
0xa1: {  	_ =	swait.ge [sflag:s8], $0x50  }
0xa2: {  	[sflag:s8] =	ssyncset.done $0x0;
	s14 =	rddreg [dreg:$0x1a]  }
0xa3: {  	[sflag:s8] =	ssyncadd.s32 $0xFFFFFFB0;
	s18 =	sshrl.u32 s14, $0x3  }
0xa4: {  	[tilespmem:s30], [sflag:$0x2] =	stream.indirect.gather [hbm4b:s1+s26], $0x80, s23, s26, $0xb8;
	[tilespmem:$0x18C00] =	vst v63  }
0xa5: {  	s19 =	rddreg [dreg:$0x8];
	s0 =	sadd.s32 s5, s18  }
0xa6: {  	[tilespmem:s4], [sflag:$0x3] =	stream.linear.gather [hbm4b:s0+s4], $0x50, $0x38;
	[tilespmem:$0x18C00] =	vst v63  }
0xa7: {  	s6 =	sadd.s32 $0x0, s19  }
0xa8: {  	[tilespmem:s20], [sflag:$0x6] =	stream.linear.gather [hbm4b:s6+s4], $0x50, $0x38;
	[tilespmem:$0x18C00] =	vst v63  }
0xa9: {  	_ =	swait.ge [sflag:s9], $0x50  }
0xaa: {  	[sflag:s9] =	ssyncset.done $0x0  }
0xab: {  	[sflag:s9] =	ssyncadd.s32 $0xFFFFFFB0  }
0xac: {  	_ =	swait.ge [sflag:s2], $0x2800  }
0xad: {  	[sflag:s2] =	ssyncset.done $0x0  }
0xae: {  	[sflag:s2] =	ssyncadd.s32 $0xFFFFD800  }
0xaf: {  	[spmem:s3] =	stream.indirect.scatter.add.f32 [tilespmem:s28], [sflag:$0x9], $0x80, s22, s26, $0xb8;
	[tilespmem:$0x18C00] =	vst v63  }
0xb0: {  	_ =	swait.ge [sflag:s7], $0x2800  }
0xb1: {  	[sflag:s7] =	ssyncset.done $0x0  }
0xb2: {  	[sflag:s7] =	ssyncadd.s32 $0xFFFFD800  }
0xb3: {  	_ =	swait.ge [sflag:s25], $0x50  }
0xb4: {  	[sflag:s25] =	ssyncset.done $0x0  }
0xb5: {  	s13 =	rddreg [dreg:$0x6];
	[sflag:s25] =	ssyncadd.s32 $0xFFFFFFB0  }
0xb6: {  	[tilespmem:s28], [sflag:$0x1] =	stream.indirect.gather [hbm4b:s1+s26], $0x80, s4, s26, $0xb8;
	[tilespmem:$0x18C00] =	vst v63  }
0xb7: {  	s15 =	rddreg [dreg:$0x7];
	s0 =	sadd.s32 $0x0, s13  }
0xb8: {  	[tilespmem:s21], [sflag:$0x4] =	stream.linear.gather [hbm4b:s0+s4], $0x50, $0x38;
	[tilespmem:$0x18C00] =	vst v63  }
0xb9: {  	s16 =	sadd.s32 $0x0, s15  }
0xba: {  	[tilespmem:s22], [sflag:$0x7] =	stream.linear.gather [hbm4b:s16+s4], $0x50, $0x38;
	[tilespmem:$0x18C00] =	vst v63  }
0xbb: {  	_ =	swait.ge [sflag:s11], $0x50  }
0xbc: {  	[sflag:s11] =	ssyncset.done $0x0  }
0xbd: {  	[sflag:s11] =	ssyncadd.s32 $0xFFFFFFB0  }
0xbe: {  	_ =	swait.ge [sflag:s10], $0x2800  }
0xbf: {  	[sflag:s10] =	ssyncset.done $0x0  }
0xc0: {  	[sflag:s10] =	ssyncadd.s32 $0xFFFFD800  }
0xc1: {  	[spmem:s3] =	stream.indirect.scatter.add.f32 [tilespmem:s30], [sflag:$0x9], $0x80, s24, s26, $0xb8;
	[tilespmem:$0x18C00] =	vst v63  }
0xc2: {  	_ =	swait.ge [sflag:s7], $0x2800  }
0xc3: {  	[sflag:s7] =	ssyncset.done $0x0  }
0xc4: {  	[sflag:s7] =	ssyncadd.s32 $0xFFFFD800  }
0xc5: {  	_ =	swait.ge [sflag:s29], $0x50  }
0xc6: {  	[sflag:s29] =	ssyncset.done $0x0  }
0xc7: {  	s18 =	rddreg [dreg:$0x4];
	[sflag:s29] =	ssyncadd.s32 $0xFFFFFFB0  }
0xc8: {  	[tilespmem:s30], [sflag:$0x2] =	stream.indirect.gather [hbm4b:s1+s26], $0x80, s21, s26, $0xb8;
	[tilespmem:$0x18C00] =	vst v63  }
0xc9: {  	s19 =	rddreg [dreg:$0x5];
	s0 =	sadd.s32 $0x0, s18  }
0xca: {  	[tilespmem:s23], [sflag:$0x5] =	stream.linear.gather [hbm4b:s0+s4], $0x50, $0x38;
	[tilespmem:$0x18C00] =	vst v63  }
0xcb: {  	s14 =	sadd.s32 $0x1E0, s14;
	s13 =	simm.s32 $0x3C;
	s0 =	sadd.s32 $0x0, s19  }
.LBB2_6:
0xcc: {  	[tilespmem:s24], [sflag:$0x8] =	stream.linear.gather [hbm4b:s0+s4], $0x50, $0x38;
	[tilespmem:$0x18C00] =	vst v63  }
0xcd: {  	_ =	swait.ge [sflag:s31], $0x50  }
0xce: {  	[sflag:s31] =	ssyncset.done $0x0  }
0xcf: {  	[sflag:s31] =	ssyncadd.s32 $0xFFFFFFB0  }
0xd0: {  	_ =	swait.ge [sflag:s2], $0x2800  }
0xd1: {  	[sflag:s2] =	ssyncset.done $0x0  }
0xd2: {  	[sflag:s2] =	ssyncadd.s32 $0xFFFFD800  }
0xd3: {  	[spmem:s3] =	stream.indirect.scatter.add.f32 [tilespmem:s28], [sflag:$0x9], $0x80, s20, s26, $0xb8;
	[tilespmem:$0x18C00] =	vst v63  }
0xd4: {  	_ =	swait.ge [sflag:s7], $0x2800  }
0xd5: {  	[sflag:s7] =	ssyncset.done $0x0  }
0xd6: {  	[sflag:s7] =	ssyncadd.s32 $0xFFFFD800  }
0xd7: {  	_ =	swait.ge [sflag:s8], $0x50  }
0xd8: {  	[sflag:s8] =	ssyncset.done $0x0  }
0xd9: {  	s15 =	smov.u32 s13;
	s19 =	rddreg [dreg:$0xd];
	[sflag:s8] =	ssyncadd.s32 $0xFFFFFFB0  }
0xda: {  	[tilespmem:s28], [sflag:$0x1] =	stream.indirect.gather [hbm4b:s1+s26], $0x80, s23, s26, $0xb8;
	[tilespmem:$0x18C00] =	vst v63  }
0xdb: {  	s6 =	rddreg [dreg:$0xe];
	s0 =	sadd.s32 s15, s19  }
0xdc: {  	[tilespmem:s4], [sflag:$0x3] =	stream.linear.gather [hbm4b:s0+s4], $0x50, $0x38;
	[tilespmem:$0x18C00] =	vst v63  }
0xdd: {  	s16 =	sadd.s32 s15, s6  }
0xde: {  	[tilespmem:s20], [sflag:$0x6] =	stream.linear.gather [hbm4b:s16+s4], $0x50, $0x38;
	[tilespmem:$0x18C00] =	vst v63  }
0xdf: {  	_ =	swait.ge [sflag:s9], $0x50  }
0xe0: {  	[sflag:s9] =	ssyncset.done $0x0  }
0xe1: {  	[sflag:s9] =	ssyncadd.s32 $0xFFFFFFB0  }
0xe2: {  	_ =	swait.ge [sflag:s10], $0x2800  }
0xe3: {  	[sflag:s10] =	ssyncset.done $0x0  }
0xe4: {  	[sflag:s10] =	ssyncadd.s32 $0xFFFFD800  }
0xe5: {  	[spmem:s3] =	stream.indirect.scatter.add.f32 [tilespmem:s30], [sflag:$0x9], $0x80, s22, s26, $0xb8;
	[tilespmem:$0x18C00] =	vst v63  }
0xe6: {  	_ =	swait.ge [sflag:s7], $0x2800  }
0xe7: {  	[sflag:s7] =	ssyncset.done $0x0  }
0xe8: {  	[sflag:s7] =	ssyncadd.s32 $0xFFFFD800  }
0xe9: {  	_ =	swait.ge [sflag:s25], $0x50  }
0xea: {  	[sflag:s25] =	ssyncset.done $0x0  }
0xeb: {  	s18 =	rddreg [dreg:$0xb];
	[sflag:s25] =	ssyncadd.s32 $0xFFFFFFB0  }
0xec: {  	[tilespmem:s30], [sflag:$0x2] =	stream.indirect.gather [hbm4b:s1+s26], $0x80, s4, s26, $0xb8;
	[tilespmem:$0x18C00] =	vst v63  }
0xed: {  	s19 =	rddreg [dreg:$0xc];
	s0 =	sadd.s32 s15, s18  }
0xee: {  	[tilespmem:s21], [sflag:$0x4] =	stream.linear.gather [hbm4b:s0+s4], $0x50, $0x38;
	[tilespmem:$0x18C00] =	vst v63  }
0xef: {  	s16 =	sadd.s32 s15, s19  }
0xf0: {  	[tilespmem:s22], [sflag:$0x7] =	stream.linear.gather [hbm4b:s16+s4], $0x50, $0x38;
	[tilespmem:$0x18C00] =	vst v63  }
0xf1: {  	_ =	swait.ge [sflag:s11], $0x50  }
0xf2: {  	[sflag:s11] =	ssyncset.done $0x0  }
0xf3: {  	[sflag:s11] =	ssyncadd.s32 $0xFFFFFFB0  }
0xf4: {  	_ =	swait.ge [sflag:s2], $0x2800  }
0xf5: {  	[sflag:s2] =	ssyncset.done $0x0  }
0xf6: {  	[sflag:s2] =	ssyncadd.s32 $0xFFFFD800  }
0xf7: {  	[spmem:s3] =	stream.indirect.scatter.add.f32 [tilespmem:s28], [sflag:$0x9], $0x80, s24, s26, $0xb8;
	[tilespmem:$0x18C00] =	vst v63  }
0xf8: {  	_ =	swait.ge [sflag:s7], $0x2800  }
0xf9: {  	[sflag:s7] =	ssyncset.done $0x0  }
0xfa: {  	[sflag:s7] =	ssyncadd.s32 $0xFFFFD800  }
0xfb: {  	_ =	swait.ge [sflag:s29], $0x50  }
0xfc: {  	[sflag:s29] =	ssyncset.done $0x0  }
0xfd: {  	s18 =	rddreg [dreg:$0x9];
	[sflag:s29] =	ssyncadd.s32 $0xFFFFFFB0  }
0xfe: {  	[tilespmem:s28], [sflag:$0x1] =	stream.indirect.gather [hbm4b:s1+s26], $0x80, s21, s26, $0xb8;
	[tilespmem:$0x18C00] =	vst v63  }
0xff: {  	s19 =	rddreg [dreg:$0xa];
	s0 =	sadd.s32 s15, s18  }
0x100: {  	[tilespmem:s23], [sflag:$0x5] =	stream.linear.gather [hbm4b:s0+s4], $0x50, $0x38;
	[tilespmem:$0x18C00] =	vst v63  }
0x101: {  	s16 =	sadd.s32 s15, s19  }
0x102: {  	[tilespmem:s24], [sflag:$0x8] =	stream.linear.gather [hbm4b:s16+s4], $0x50, $0x38;
	[tilespmem:$0x18C00] =	vst v63  }
0x103: {  	_ =	swait.ge [sflag:s31], $0x50  }
0x104: {  	[sflag:s31] =	ssyncset.done $0x0  }
0x105: {  	[sflag:s31] =	ssyncadd.s32 $0xFFFFFFB0  }
0x106: {  	_ =	swait.ge [sflag:s10], $0x2800  }
0x107: {  	[sflag:s10] =	ssyncset.done $0x0  }
0x108: {  	[sflag:s10] =	ssyncadd.s32 $0xFFFFD800  }
0x109: {  	[spmem:s3] =	stream.indirect.scatter.add.f32 [tilespmem:s30], [sflag:$0x9], $0x80, s20, s26, $0xb8;
	[tilespmem:$0x18C00] =	vst v63  }
0x10a: {  	_ =	swait.ge [sflag:s7], $0x2800  }
0x10b: {  	[sflag:s7] =	ssyncset.done $0x0  }
0x10c: {  	[sflag:s7] =	ssyncadd.s32 $0xFFFFD800  }
0x10d: {  	_ =	swait.ge [sflag:s8], $0x50  }
0x10e: {  	[sflag:s8] =	ssyncset.done $0x0  }
0x10f: {  	s18 =	sshrl.u32 s14, $0x3;
	[sflag:s8] =	ssyncadd.s32 $0xFFFFFFB0  }
0x110: {  	[tilespmem:s30], [sflag:$0x2] =	stream.indirect.gather [hbm4b:s1+s26], $0x80, s23, s26, $0xb8;
	[tilespmem:$0x18C00] =	vst v63  }
0x111: {  	s0 =	sadd.s32 s5, s18;
	s19 =	rddreg [dreg:$0x8]  }
0x112: {  	[tilespmem:s4], [sflag:$0x3] =	stream.linear.gather [hbm4b:s0+s4], $0x50, $0x38;
	[tilespmem:$0x18C00] =	vst v63  }
0x113: {  	s16 =	sadd.s32 s15, s19  }
0x114: {  	[tilespmem:s20], [sflag:$0x6] =	stream.linear.gather [hbm4b:s16+s4], $0x50, $0x38;
	[tilespmem:$0x18C00] =	vst v63  }
0x115: {  	_ =	swait.ge [sflag:s9], $0x50  }
0x116: {  	[sflag:s9] =	ssyncset.done $0x0  }
0x117: {  	[sflag:s9] =	ssyncadd.s32 $0xFFFFFFB0  }
0x118: {  	_ =	swait.ge [sflag:s2], $0x2800  }
0x119: {  	[sflag:s2] =	ssyncset.done $0x0  }
0x11a: {  	[sflag:s2] =	ssyncadd.s32 $0xFFFFD800  }
0x11b: {  	[spmem:s3] =	stream.indirect.scatter.add.f32 [tilespmem:s28], [sflag:$0x9], $0x80, s22, s26, $0xb8;
	[tilespmem:$0x18C00] =	vst v63  }
0x11c: {  	_ =	swait.ge [sflag:s7], $0x2800  }
0x11d: {  	[sflag:s7] =	ssyncset.done $0x0  }
0x11e: {  	[sflag:s7] =	ssyncadd.s32 $0xFFFFD800  }
0x11f: {  	_ =	swait.ge [sflag:s25], $0x50  }
0x120: {  	[sflag:s25] =	ssyncset.done $0x0  }
0x121: {  	s18 =	rddreg [dreg:$0x6];
	[sflag:s25] =	ssyncadd.s32 $0xFFFFFFB0  }
0x122: {  	[tilespmem:s28], [sflag:$0x1] =	stream.indirect.gather [hbm4b:s1+s26], $0x80, s4, s26, $0xb8;
	[tilespmem:$0x18C00] =	vst v63  }
0x123: {  	s19 =	rddreg [dreg:$0x7];
	s0 =	sadd.s32 s15, s18  }
0x124: {  	[tilespmem:s21], [sflag:$0x4] =	stream.linear.gather [hbm4b:s0+s4], $0x50, $0x38;
	[tilespmem:$0x18C00] =	vst v63  }
0x125: {  	s16 =	sadd.s32 s15, s19  }
0x126: {  	[tilespmem:s22], [sflag:$0x7] =	stream.linear.gather [hbm4b:s16+s4], $0x50, $0x38;
	[tilespmem:$0x18C00] =	vst v63  }
0x127: {  	_ =	swait.ge [sflag:s11], $0x50  }
0x128: {  	[sflag:s11] =	ssyncset.done $0x0  }
0x129: {  	[sflag:s11] =	ssyncadd.s32 $0xFFFFFFB0  }
0x12a: {  	_ =	swait.ge [sflag:s10], $0x2800  }
0x12b: {  	[sflag:s10] =	ssyncset.done $0x0  }
0x12c: {  	[sflag:s10] =	ssyncadd.s32 $0xFFFFD800  }
0x12d: {  	[spmem:s3] =	stream.indirect.scatter.add.f32 [tilespmem:s30], [sflag:$0x9], $0x80, s24, s26, $0xb8;
	[tilespmem:$0x18C00] =	vst v63  }
0x12e: {  	_ =	swait.ge [sflag:s7], $0x2800  }
0x12f: {  	[sflag:s7] =	ssyncset.done $0x0  }
0x130: {  	[sflag:s7] =	ssyncadd.s32 $0xFFFFD800  }
0x131: {  	_ =	swait.ge [sflag:s29], $0x50  }
0x132: {  	p1 =	sne.s32 s13, $0x474;
	[sflag:s29] =	ssyncset.done $0x0  }
.Ltmp2:
0x133: {  	s18 =	rddreg [dreg:$0x4];
	[sflag:s29] =	ssyncadd.s32 $0xFFFFFFB0;
	(pc) =	sbr.rel @p1 .LBB2_6-.Ltmp2, $4  }
0x134: {  	[tilespmem:s30], [sflag:$0x2] =	stream.indirect.gather [hbm4b:s1+s26], $0x80, s21, s26, $0xb8;
	[tilespmem:$0x18C00] =	vst v63  }
0x135: {  	s19 =	rddreg [dreg:$0x5];
	s0 =	sadd.s32 s15, s18  }
0x136: {  	[tilespmem:s23], [sflag:$0x5] =	stream.linear.gather [hbm4b:s0+s4], $0x50, $0x38;
	[tilespmem:$0x18C00] =	vst v63  }
0x137: {  	s13 =	sadd.s32 $0x3C, s13;
	s14 =	sadd.s32 $0x1E0, s14;
	s0 =	sadd.s32 s15, s19  }
0x138: {  	[tilespmem:s24], [sflag:$0x8] =	stream.linear.gather [hbm4b:s0+s4], $0x50, $0x38;
	[tilespmem:$0x18C00] =	vst v63  }
0x139: {  	_ =	swait.ge [sflag:s31], $0x50  }
0x13a: {  	[sflag:s31] =	ssyncset.done $0x0  }
0x13b: {  	[sflag:s31] =	ssyncadd.s32 $0xFFFFFFB0  }
0x13c: {  	_ =	swait.ge [sflag:s2], $0x2800  }
0x13d: {  	[sflag:s2] =	ssyncset.done $0x0  }
0x13e: {  	[sflag:s2] =	ssyncadd.s32 $0xFFFFD800  }
0x13f: {  	[spmem:s3] =	stream.indirect.scatter.add.f32 [tilespmem:s28], [sflag:$0x9], $0x80, s20, s26, $0xb8;
	[tilespmem:$0x18C00] =	vst v63  }
0x140: {  	_ =	swait.ge [sflag:s7], $0x2800  }
0x141: {  	[sflag:s7] =	ssyncset.done $0x0  }
0x142: {  	[sflag:s7] =	ssyncadd.s32 $0xFFFFD800  }
0x143: {  	_ =	swait.ge [sflag:s8], $0x50  }
0x144: {  	[sflag:s8] =	ssyncset.done $0x0  }
0x145: {  	[sflag:s8] =	ssyncadd.s32 $0xFFFFFFB0  }
0x146: {  	[tilespmem:s28], [sflag:$0x1] =	stream.indirect.gather [hbm4b:s1+s26], $0x80, s23, s26, $0xb8;
	[tilespmem:$0x18C00] =	vst v63  }
0x147: {  	s15 =	simm.s32 $0x0;
	s6 =	rddreg [dreg:$0x15]  }
0x148: {  	[tilespmem:s15], [sflag:$0x3] =	stream.linear.gather [hbm4b:s6+s15], $0x50, $0x38;
	[tilespmem:$0x18C00] =	vst v63  }
0x149: {  	s16 =	rddreg [dreg:$0x16]  }
0x14a: {  	[tilespmem:s20], [sflag:$0x6] =	stream.linear.gather [hbm4b:s16+s15], $0x50, $0x38;
	[tilespmem:$0x18C00] =	vst v63  }
0x14b: {  	_ =	swait.ge [sflag:s9], $0x50  }
0x14c: {  	[sflag:s9] =	ssyncset.done $0x0  }
0x14d: {  	[sflag:s9] =	ssyncadd.s32 $0xFFFFFFB0  }
0x14e: {  	_ =	swait.ge [sflag:s10], $0x2800  }
0x14f: {  	[sflag:s10] =	ssyncset.done $0x0  }
0x150: {  	[sflag:s10] =	ssyncadd.s32 $0xFFFFD800  }
0x151: {  	[spmem:s3] =	stream.indirect.scatter.add.f32 [tilespmem:s30], [sflag:$0x9], $0x80, s22, s26, $0xb8;
	[tilespmem:$0x18C00] =	vst v63  }
0x152: {  	_ =	swait.ge [sflag:s7], $0x2800  }
0x153: {  	[sflag:s7] =	ssyncset.done $0x0  }
0x154: {  	[sflag:s7] =	ssyncadd.s32 $0xFFFFD800  }
0x155: {  	_ =	swait.ge [sflag:s25], $0x50  }
0x156: {  	[sflag:s25] =	ssyncset.done $0x0  }
0x157: {  	[sflag:s25] =	ssyncadd.s32 $0xFFFFFFB0  }
0x158: {  	[tilespmem:s30], [sflag:$0x2] =	stream.indirect.gather [hbm4b:s1+s26], $0x80, s15, s26, $0xb8;
	[tilespmem:$0x18C00] =	vst v63  }
0x159: {  	s18 =	rddreg [dreg:$0x17]  }
0x15a: {  	[tilespmem:s21], [sflag:$0x4] =	stream.linear.gather [hbm4b:s18+s15], $0x50, $0x38;
	[tilespmem:$0x18C00] =	vst v63  }
0x15b: {  	s19 =	rddreg [dreg:$0x18]  }
0x15c: {  	[tilespmem:s22], [sflag:$0x7] =	stream.linear.gather [hbm4b:s19+s15], $0x50, $0x38;
	[tilespmem:$0x18C00] =	vst v63  }
0x15d: {  	_ =	swait.ge [sflag:s11], $0x50  }
0x15e: {  	[sflag:s11] =	ssyncset.done $0x0  }
0x15f: {  	[sflag:s11] =	ssyncadd.s32 $0xFFFFFFB0  }
0x160: {  	_ =	swait.ge [sflag:s2], $0x2800  }
0x161: {  	[sflag:s2] =	ssyncset.done $0x0  }
0x162: {  	[sflag:s2] =	ssyncadd.s32 $0xFFFFD800  }
0x163: {  	[spmem:s3] =	stream.indirect.scatter.add.f32 [tilespmem:s28], [sflag:$0x9], $0x80, s24, s26, $0xb8;
	[tilespmem:$0x18C00] =	vst v63  }
0x164: {  	_ =	swait.ge [sflag:s7], $0x2800  }
0x165: {  	[sflag:s7] =	ssyncset.done $0x0  }
0x166: {  	[sflag:s7] =	ssyncadd.s32 $0xFFFFD800  }
0x167: {  	_ =	swait.ge [sflag:s29], $0x50  }
0x168: {  	[sflag:s29] =	ssyncset.done $0x0  }
0x169: {  	[sflag:s29] =	ssyncadd.s32 $0xFFFFFFB0  }
0x16a: {  	[tilespmem:s28], [sflag:$0x1] =	stream.indirect.gather [hbm4b:s1+s26], $0x80, s21, s26, $0xb8;
	[tilespmem:$0x18C00] =	vst v63  }
0x16b: {  	_ =	swait.ge [sflag:s31], $0x50  }
0x16c: {  	[sflag:s31] =	ssyncset.done $0x0  }
0x16d: {  	[sflag:s31] =	ssyncadd.s32 $0xFFFFFFB0  }
0x16e: {  	_ =	swait.ge [sflag:s10], $0x2800  }
0x16f: {  	[sflag:s10] =	ssyncset.done $0x0  }
0x170: {  	[sflag:s10] =	ssyncadd.s32 $0xFFFFD800  }
0x171: {  	[spmem:s3] =	stream.indirect.scatter.add.f32 [tilespmem:s30], [sflag:$0x9], $0x80, s20, s26, $0xb8;
	[tilespmem:$0x18C00] =	vst v63  }
0x172: {  	_ =	swait.ge [sflag:s7], $0x2800  }
0x173: {  	[sflag:s7] =	ssyncset.done $0x0  }
0x174: {  	[sflag:s7] =	ssyncadd.s32 $0xFFFFD800  }
0x175: {  	_ =	swait.ge [sflag:s9], $0x50  }
0x176: {  	[sflag:s9] =	ssyncset.done $0x0  }
0x177: {  	[sflag:s9] =	ssyncadd.s32 $0xFFFFFFB0  }
0x178: {  	_ =	swait.ge [sflag:s2], $0x2800  }
0x179: {  	[sflag:s2] =	ssyncset.done $0x0  }
0x17a: {  	[sflag:s2] =	ssyncadd.s32 $0xFFFFD800  }
0x17b: {  	[spmem:s3] =	stream.indirect.scatter.add.f32 [tilespmem:s28], [sflag:$0x9], $0x80, s22, s26, $0xb8;
	[tilespmem:$0x18C00] =	vst v63  }
0x17c: {  	_ =	swait.ge [sflag:s7], $0x2800  }
0x17d: {  	s0 =	sadd.s32 @!p0 $0x0, s17;
	[sflag:s7] =	ssyncset.done $0x0  }
0x17e: {  	v1 =	vlaneseq.u32 @!p0;
	s6 =	sadd.s32 @!p0 $0x10, s0;
	[sflag:s7] =	ssyncadd.s32 $0xFFFFD800  }
0x17f: {  	s13 =	sadd.s32 @!p0 $0x20, s0;
	v2 =	vor.u32 @!p0 s6, v1;
	[bflag:$0x0] =	sbarrier.arrive $0xFFFF  }
0x180: {  	p1 =	por p0, p0;
	v3 =	vor.u32 @!p0 s13, v1;
	s6 =	sadd.s32 @!p0 $0x30, s0;
	[tilespmem:$0x310] =	vst @!p0 v2  }
0x181: {  	v2 =	vor.u32 @!p0 s6, v1;
	s6 =	sadd.s32 @!p0 $0x40, s0;
	[tilespmem:$0x320] =	vst @!p1 v3  }
0x182: {  	[tilespmem:$0x330] =	vst @!p0 v2;
	v2 =	vor.u32 @!p0 s6, v1  }
0x183: {  	s14 =	simm.s32 @!p1 $0x300;
	v1 =	vor.u32 @!p0 s0, v1;
	[tilespmem:$0x340] =	vst @!p1 v2  }
0x184: {  	s18 =	simm.s32 @!p1 $0x1;
	s6 =	simm.s32 @!p1 $0x50;
	s0 =	simm.s32 @!p1 $0x380;
	[tilespmem:$0x300] =	vst @!p1 v1  }
0x185: {  	[tilespmem:s0], [sflag:$0x1] =	stream.indirect.gather @!p1 [spmem:s3], $0x80, s14, s6, $0xb8;
	[tilespmem:$0x18C00] =	vst v63  }
0x186: {  	s13 =	simm.s32 @!p0 $0x9;
	_ =	swait.ge @!p1 [sflag:s18], $0x2800  }
0x187: {  	s16 =	sadd.s32 $0x10, s12;
	s14 =	simm.s32 $0x500;
	s19 =	rddreg [dreg:$0x1b]  }
0x188: {  	s6 =	simm.s32 @!p1 $0x0;
	[sflag:s18] =	ssyncset.done @!p1 $0x0;
	s15 =	sadd.s32 $0x5000, s19  }
.LBB2_8:
0x189: {  	p0 =	sgt.u32 s16, $0x7C  }
0x18a: {  	[sflag:s18] =	ssyncadd.s32 @!p1 $0xFFFFD800;
	s18 =	smov.u32 s14;
	s14 =	sadd.s32 $0x500, s14  }
0x18b: {  	[hbm4b:s19+s6] =	stream.linear.scatter @!p1 [tilespmem:s0], [sflag:$0x9], $0x2800, $0x38;
	[tilespmem:$0x18C00] =	vst v63  }
0x18c: {  	s0 =	sadd.s32 @!p0 s18, s17;
	s6 =	simm.s32 @!p0 $0x9;
	_ =	swait.ge @!p1 [sflag:s13], $0x2800  }
0x18d: {  	v1 =	vlaneseq.u32 @!p0;
	s18 =	sadd.s32 @!p0 $0x10, s0;
	s19 =	sadd.s32 @!p0 $0x20, s0;
	[sflag:s13] =	ssyncset.done @!p1 $0x0  }
0x18e: {  	v2 =	vor.u32 @!p0 s18, v1;
	v3 =	vor.u32 @!p0 s19, v1;
	s18 =	sadd.s32 @!p0 $0x30, s0;
	s19 =	sadd.s32 @!p0 $0x40, s0;
	[sflag:s13] =	ssyncadd.s32 @!p1 $0xFFFFD800  }
0x18f: {  	p2 =	sne.s32 s14, $0x2800;
	v4 =	vor.u32 @!p0 s0, v1;
	s13 =	smov.u32 s6;
	[tilespmem:$0x310] =	vst @!p0 v2;
	v2 =	vor.u32 @!p0 s18, v1;
	v1 =	vor.u32 @!p0 s19, v1;
	s19 =	smov.u32 s15  }
0x190: {  	p1 =	por p0, p0;
	[tilespmem:$0x330] =	vst @!p0 v2  }
0x191: {  	s6 =	simm.s32 @!p1 $0x50;
	[tilespmem:$0x320] =	vst @!p1 v3  }
.Ltmp3:
0x192: {  	s12 =	simm.s32 @!p1 $0x300;
	s0 =	simm.s32 @!p1 $0x380;
	[tilespmem:$0x340] =	vst @!p1 v1;
	(pc) =	sbr.rel @p2 .LBB2_8-.Ltmp3, $4  }
0x193: {  	s18 =	simm.s32 @!p1 $0x1;
	[tilespmem:$0x300] =	vst @!p1 v4  }
0x194: {  	[tilespmem:s0], [sflag:$0x1] =	stream.indirect.gather @!p1 [spmem:s3], $0x80, s12, s6, $0xb8;
	[tilespmem:$0x18C00] =	vst v63  }
0x195: {  	s15 =	sadd.s32 $0x5000, s15;
	_ =	swait.ge @!p1 [sflag:s18], $0x2800  }
0x196: {  	s16 =	sadd.s32 $0x10, s16;
	s6 =	simm.s32 @!p1 $0x0;
	[sflag:s18] =	ssyncset.done @!p1 $0x0  }
0x197: {  	[sflag:s18] =	ssyncadd.s32 @!p1 $0xFFFFD800  }
0x198: {  	[hbm4b:s19+s6] =	stream.linear.scatter @!p1 [tilespmem:s0], [sflag:$0x9], $0x2800, $0x38;
	[tilespmem:$0x18C00] =	vst v63  }
0x199: {  	_ =	swait.ge @!p1 [sflag:s13], $0x2800  }
0x19a: {  	s18 =	rddreg [dreg:$0x1c]  }
0x19b: {  	s19 =	rddreg [dreg:$0x19];
	s6 =	sadd.s32 $0x1, s18  }
0x19c: {  	p0 =	sne.s32 s6, s19  }
.Ltmp4:
0x19d: {  	_ = 	snop;
	(pc) =	sbr.rel @p0 .LBB2_1-.Ltmp4, $3  }
0x19e: {  	_ =	sdelay $0x1  }
0x19f: {  	[sflag:s13] =	ssyncset.done @!p1 $0x0  }
0x1a0: {  	s12 =	stileid.u32;
	[sflag:s13] =	ssyncadd.s32 @!p1 $0xFFFFD800  }
0x1a1: {  	_ =	sfence.sel $0x180000  }
0x1a2: {  	[bflag:$0x0] =	sbarrier.arrive $0xFFFF  }
0x1a3: {  	_ =	strace $0x9000004A  }
0x1a4: {  	[bflag:$0x2] =	sbarrier.arrive $0xFFFF  }
0x1a5: {  	p0 =	sne.s32 s12, $0x0;
	s0 =	rddreg [dreg:$0x3]  }
0x1a6: {  	s0 =	sadd.s32 @!p0 $0x100000, s0  }
0x1a7: {  	[sflag:s0] =	ssyncadd.tile.s32 @!p0 $0x1;
	_ =	shalt  }
.Lfunc_end2:
_tile_overlayer_lowered:
.L_overlay_start_2:
0x1a8: {  	(tag) =	ssettag $0x2  }
0x1a9: {  	s0 =	rddreg [dreg:$0x0];
	s2 =	stileid.u32  }
0x1aa: {  	s1 =	rddreg [dreg:$0x1];
	p0 =	sne.s32 s2, $0x0  }
0x1ab: {  	s3 =	rddreg [dreg:$0x2];
	[bflag:$0x3] =	sbarrier.arrive $0xFFFF;
	s2 =	simm.s32 @!p0 $0x1C09  }
0x1ac: {  	[timem:s3], [sflag:s2] =	dma.local @!p0 [hbm:s0], s1  }
0x1ad: {  	s0 =	simm.s32 @!p0 $0x9  }
0x1ae: {  	_ =	swait.ge @!p0 [sflag:s0], s1  }
0x1af: {  	s1 =	ssub.s32 @!p0 $0x0, s1;
	[sflag:s0] =	ssyncset.done @!p0 $0x0  }
0x1b0: {  	[sflag:s0] =	ssyncadd.s32 @!p0 s1  }
0x1b1: {  	[bflag:$0x3] =	sbarrier.arrive $0xFFFF  }
0x1b2: {  	_ =	shalt  }

// kernel: kernel.13.cloned.1.call-start
scs
__scs_entry_jumppad:
0x0: {  	(pc) =	sbr.rel $0x88, $3  }
0x1: {  	(tag) =	ssettag $0x0;
	lr =	simm.s32 $0x1  }
0x2: {  	[smem:$0x3F97] =	sst lr;
	_ =	strace $0xD0000000  }
0x3: {  	_ = 	snop  }
0x4: {  	_ = 	snop  }
0x5: {  	_ = 	snop  }
0x6: {  	_ = 	snop  }
0x7: {  	_ = 	snop  }
__scs_overlays_trampoline_lowered:
0x8: {  	[smem:$0x3FA6] =	sst s0  }
0x9: {  	[smem:$0x3FA7] =	sst s1  }
0xa: {  	[smem:$0x3FA8] =	sst s2  }
0xb: {  	[smem:$0x3FA9] =	sst s3  }
0xc: {  	[smem:$0x3FAA] =	sst s4  }
0xd: {  	[smem:$0x3FAB] =	sst s5  }
0xe: {  	[smem:$0x3FAC] =	sst s6  }
0xf: {  	[smem:$0x3FAD] =	sst s7  }
0x10: {  	[smem:$0x3FAE] =	sst s8  }
0x11: {  	[smem:$0x3FAF] =	sst s9;
	s0 =	simm.s32 @!p0 $0x0  }
0x12: {  	s1 =	sld [smem:$0x3F95];
	s0 =	simm.s32 @p0 $0x1  }
0x13: {  	[smem:$0x3FB0] =	sst s0;
	s0 =	simm.s32 @!p1 $0x0  }
0x14: {  	s2 =	sld [smem:$0x3F94];
	s0 =	simm.s32 @p1 $0x1  }
0x15: {  	[smem:$0x3FB1] =	sst s0;
	s0 =	simm.s32 @!p2 $0x0  }
0x16: {  	s3 =	sld [smem:$0x3FDB];
	s0 =	simm.s32 @p2 $0x1  }
0x17: {  	s4 =	simm.s32 $0x1BF5;
	[smem:$0x3FB3] =	sst s0  }
0x18: {  	s0 =	sld [smem:$0x3F96];
	_ =	swait.ge [sflag:s4], $0x0  }
0x19: {  	s7 =	sld [smem:$0x3F97]  }
0x1a: {  	s8 =	sadd.s32 $0xFFFFE003, lr  }
0x1b: {  	s9 =	sadd.s32 $0xFFFFFEF7, lr;
	s5 =	simm.s32 $0xFFFFFFFF;
	p2 =	slt.u32 s8, $0xFFFFF086  }
0x1c: {  	p1 =	slt.u32 s9, $0xF7A;
	s5 =	simm.s32 @!p2 $0x0  }
0x1d: {  	s5 =	simm.s32 @p1 $0x1;
	p0 =	seq.s32 s7, s2  }
0x1e: {  	s7 =	smul.u32 @!p0 $0xF7A, s2;
	p2 =	seq.s32 @!p0 s5, $0x0  }
0x1f: {  	s9 =	smul.u32 $0xF7A, s1;
	s8 =	simm.s32 @!p0 $0x1BF5;
	p2 =	por !p2, p0  }
0x20: {  	[sflag:s8] =	ssyncset.s32 @!p0 $0xFFFFF086;
	s6 =	sadd.s32 @!p0 s3, s7;
	s7 =	simm.s32 @!p0 $0x108  }
0x21: {  	s3 =	sadd.s32 s3, s9;
	s6 =	sadd.s32 @!p0 $0x88, s6;
	s7 =	simm.s32 @p2 $0x1082  }
0x22: {  	[simem:s7], [sflag:s8] =	dma.local @!p0 [hbm:s6], $0xF7A  }
0x23: {  	s9 =	sor.u32 $0xD0000000, s2;
	s6 =	simm.s32 $0x108;
	_ =	swait.ge @!p0 [sflag:s8], $0x0  }
0x24: {  	s3 =	sadd.s32 $0x88, s3;
	s6 =	simm.s32 @!p1 $0x1082;
	[sflag:s4] =	ssyncset.s32 $0xFFFFF086  }
0x25: {  	[simem:s6], [sflag:s4] =	dma.local [hbm:s3], $0xF7A  }
0x26: {  	[smem:$0x3F97] =	sst s1;
	(tag) =	ssettag s2;
	_ =	strace s9  }
0x27: {  	s1 =	sld [smem:$0x3FA7]  }
0x28: {  	s2 =	sld [smem:$0x3FA8]  }
0x29: {  	s4 =	sld [smem:$0x3FAA]  }
0x2a: {  	p0 =	seq.s32 s5, $0x0;
	s5 =	sld [smem:$0x3FAB]  }
0x2b: {  	s6 =	sld [smem:$0x3FAC]  }
0x2c: {  	s7 =	sld [smem:$0x3FAD]  }
0x2d: {  	s3 =	simm.s32 $0x108;
	s8 =	sld [smem:$0x3FAE]  }
0x2e: {  	s3 =	simm.s32 @!p0 $0x1082;
	s9 =	sld [smem:$0x3FAF]  }
0x2f: {  	lr =	sadd.s32 s0, s3;
	s0 =	sld [smem:$0x3FA6]  }
0x30: {  	s3 =	sld [smem:$0x3FA9]  }
0x31: {  	[smem:$0x3FB2] =	sst s10  }
0x32: {  	s10 =	sld [smem:$0x3FB0];
	_ =	sdelay $0x3  }
0x33: {  	p0 =	seq.s32 s10, $0x1;
	s10 =	sld [smem:$0x3FB2];
	_ =	sdelay $0x3  }
0x34: {  	[smem:$0x3FB2] =	sst s10  }
0x35: {  	s10 =	sld [smem:$0x3FB1];
	_ =	sdelay $0x3  }
0x36: {  	p1 =	seq.s32 s10, $0x1;
	s10 =	sld [smem:$0x3FB2];
	_ =	sdelay $0x3  }
0x37: {  	[smem:$0x3FB2] =	sst s10  }
0x38: {  	s10 =	sld [smem:$0x3FB3]  }
0x39: {  	_ = 	snop;
	(pc) =	sbr.ind lr, $3  }
0x3a: {  	_ = 	snop  }
0x3b: {  	_ = 	snop  }
0x3c: {  	p2 =	seq.s32 s10, $0x1;
	s10 =	sld [smem:$0x3FB2]  }
0x3d: {  	_ =	shalt  }
0x3e: {  	_ =	shalt  }
0x3f: {  	_ =	shalt  }
0x40: {  	_ =	shalt  }
0x41: {  	_ =	shalt  }
0x42: {  	_ =	shalt  }
0x43: {  	_ =	shalt  }
0x44: {  	_ =	shalt  }
0x45: {  	_ =	shalt  }
0x46: {  	_ =	shalt  }
0x47: {  	_ =	shalt  }
0x48: {  	_ =	shalt  }
0x49: {  	_ =	shalt  }
0x4a: {  	_ =	shalt  }
0x4b: {  	_ =	shalt  }
0x4c: {  	_ =	shalt  }
0x4d: {  	_ =	shalt  }
0x4e: {  	_ =	shalt  }
0x4f: {  	_ =	shalt  }
0x50: {  	_ =	shalt  }
0x51: {  	_ =	shalt  }
0x52: {  	_ =	shalt  }
0x53: {  	_ =	shalt  }
0x54: {  	_ =	shalt  }
0x55: {  	_ =	shalt  }
0x56: {  	_ =	shalt  }
0x57: {  	_ =	shalt  }
0x58: {  	_ =	shalt  }
0x59: {  	_ =	shalt  }
0x5a: {  	_ =	shalt  }
0x5b: {  	_ =	shalt  }
0x5c: {  	_ =	shalt  }
0x5d: {  	_ =	shalt  }
0x5e: {  	_ =	shalt  }
0x5f: {  	_ =	shalt  }
0x60: {  	_ =	shalt  }
0x61: {  	_ =	shalt  }
0x62: {  	_ =	shalt  }
0x63: {  	_ =	shalt  }
0x64: {  	_ =	shalt  }
0x65: {  	_ =	shalt  }
0x66: {  	_ =	shalt  }
0x67: {  	_ =	shalt  }
0x68: {  	_ =	shalt  }
0x69: {  	_ =	shalt  }
0x6a: {  	_ =	shalt  }
0x6b: {  	_ =	shalt  }
0x6c: {  	_ =	shalt  }
0x6d: {  	_ =	shalt  }
0x6e: {  	_ =	shalt  }
0x6f: {  	_ =	shalt  }
0x70: {  	_ =	shalt  }
0x71: {  	_ =	shalt  }
0x72: {  	_ =	shalt  }
0x73: {  	_ =	shalt  }
0x74: {  	_ =	shalt  }
0x75: {  	_ =	shalt  }
0x76: {  	_ =	shalt  }
0x77: {  	_ =	shalt  }
0x78: {  	_ =	shalt  }
0x79: {  	_ =	shalt  }
0x7a: {  	_ =	shalt  }
0x7b: {  	_ =	shalt  }
0x7c: {  	_ =	shalt  }
0x7d: {  	_ =	shalt  }
0x7e: {  	_ =	shalt  }
0x7f: {  	_ =	shalt  }
0x80: {  	_ =	shalt  }
0x81: {  	_ =	shalt  }
0x82: {  	_ =	shalt  }
0x83: {  	_ =	shalt  }
0x84: {  	_ =	shalt  }
0x85: {  	_ =	shalt  }
0x86: {  	_ =	shalt  }
0x87: {  	_ =	shalt  }
.Lfunc_end0:
.L_simem_size_0:
called_computation.2_lowered:
.L_overlay_start_0:
0x88: {  	s2 =	sld [smem:$0x3FD9]  }
0x89: {  	s3 =	sld [smem:$0x3FFE];
	_ =	sdelay $0x1  }
0x8a: {  	s1 =	srdreg.scid  }
0x8b: {  	s0 =	sand.u32 $0x1, s1  }
0x8c: {  	s17 =	sshll.u32 s0, $0xA;
	s2 =	sadd.s32 s3, s2  }
0x8d: {  	s2 =	sadd.s32 s2, s17  }
0x8e: {  	[smem:$0x3FBE] =	sst s2  }
0x8f: {  	_ = 	snop  }
0x90: {  	s2 =	sld [smem:$0x3FD0];
	(tm) =	ssettm $0x1  }
0x91: {  	s18 =	sld [smem:$0x3FFB];
	_ =	sdelay $0x3  }
0x92: {  	_ =	strace s18  }
0x93: {  	s3 =	sld [smem:$0x3FFC];
	_ =	sdelay $0x3  }
0x94: {  	_ =	strace s3  }
0x95: {  	s3 =	sld [smem:$0x3FFD];
	_ =	sdelay $0x3  }
0x96: {  	_ =	strace s3  }
0x97: {  	_ =	strace $0x8FFFFFFF  }
0x98: {  	s19 =	sld [smem:$0x3FDB];
	_ =	sdelay $0x1  }
0x99: {  	s4 =	simm.s32 $_scs_section_size  }
0x9a: {  	s5 =	simm.s32 $_size__tile_overlayer_lowered;
	s6 =	simm.s32 $_tile_overlayer_lowered  }
0x9b: {  	s22 =	simm.s32 $0x1BFF;
	s21 =	sshll.u32 s6, $0x1;
	s3 =	sadd.s32 s4, s19  }
0x9c: {  	s7 =	simm.s32 $0x0;
	s20 =	sshll.u32 s5, $0x1;
	s5 =	sadd.s32 s21, s3  }
0x9d: {  	[timem:s7], [sflag:s22] =	dma.local [hbm:s5], s20  }
0x9e: {  	_ =	swait.ge [sflag:s22], s20  }
0x9f: {  	s4 =	ssub.s32 $0x0, s20;
	[sflag:s22] =	ssyncset.done $0x0  }
0xa0: {  	[sflag:s22] =	ssyncadd.s32 s4;
	_ =	sdelay $0x1  }
0xa1: {  	s23 =	simm.s32 $0x1B8B  }
0xa2: {  	_ =	swait.ge [sflag:s23], $0x1  }
0xa3: {  	[sflag:s23] =	ssyncset.done $0x0  }
0xa4: {  	s25 =	simm.s32 $0x1B8E;
	s24 =	sld [smem:$0x3FFE];
	[sflag:s23] =	ssyncadd.s32 $0xFFFFFFFF  }
0xa5: {  	s26 =	simm.s32 $execute0_lowered;
	[smem:$0x3FD2] =	sst s25  }
0xa6: {  	s5 =	sshll.u32 s26, $0x1;
	_ =	strace $0x8000004C;
	[dreg:$0x1] =	wrdreg $0xFFFFFFFF  }
0xa7: {  	s28 =	simm.s32 $_size_execute0_lowered;
	s3 =	sadd.s32 s3, s5;
	[dreg:$0x0] =	wrdreg $0x0  }
0xa8: {  	s5 =	sshll.u32 s28, $0x1;
	[dreg:$0x2] =	wrdreg s3  }
0xa9: {  	[dreg:$0x3] =	wrdreg s5  }
0xaa: {  	[dreg:$0x4] =	wrdreg $0xC0  }
0xab: {  	_ =	task [dreg:s7], $0x5FFFF  }
0xac: {  	[dreg:$0x1] =	wrdreg $0xFFFFFFFF  }
0xad: {  	[dreg:$0x0] =	wrdreg $0x60  }
0xae: {  	[dreg:$0x2] =	wrdreg s2  }
0xaf: {  	[dreg:$0x3] =	wrdreg s24  }
0xb0: {  	[dreg:$0x4] =	wrdreg $0x53800  }
0xb1: {  	[dreg:$0x5] =	wrdreg $0x9  }
0xb2: {  	_ =	task.clear_ibuf [dreg:s7], $0x6FFFF;
	_ =	strace $0x9000004C  }
0xb3: {  	s29 =	simm.s32 $0x9;
	_ =	strace $0x8000004E  }
0xb4: {  	_ =	swait.ge [sflag:s29], $0x1  }
0xb5: {  	[sflag:s29] =	ssyncadd.s32 $0xFFFFFFFF  }
0xb6: {  	_ =	strace $0x9000004E  }
0xb7: {  	_ =	sfence  }
0xb8: {  	s30 =	sld [smem:$0x0];
	_ =	sdelay $0x2  }
0xb9: {  	s31 =	sshll.u32 s1, $0xD;
	s1 =	sshrl.u32 s1, $0x2  }
0xba: {  	s3 =	sand.u32 $0x4000, s31;
	s1 =	sadd.s32 s1, s30  }
0xbb: {  	s0 =	sor.u32 s3, s0;
	s1 =	sshll.u32 s1, $0x11  }
0xbc: {  	s0 =	sor.u32 s1, s0  }
0xbd: {  	s0 =	sadd.s32 $0x8F2B, s0  }
0xbe: {  	[sflag:s0] =	ssyncadd.remote.s32 $0x1  }
0xbf: {  	_ =	sfence.sel $0xFFFF  }
0xc0: {  	[dreg:$0x0] =	wrdreg $0xFFFFFFFF;
	(pc) =	sbr.abs _section_cstart, $3  }
0xc1: {  	[dreg:$0x1] =	wrdreg $0xFFFFFFFF  }
0xc2: {  	_ =	task.clear_ibuf [dreg:s7], $0x2FFFF;
	_ =	strace $0x9FFFFFFF  }
0xc3: {  	(tm) =	ssettm $0x7FFFFFFF  }
tec
execute0_lowered:
.L_overlay_start_1:
0x0: {  	(tag) =	ssettag $0x1  }
0x1: {  	s1 =	rddreg [dreg:$0x0]  }
0x2: {  	s0 =	srdreg.scid;
	s2 =	rddreg [dreg:$0x1]  }
0x3: {  	s12 =	stileid.u32;
	s3 =	rddreg [dreg:$0x2];
	s4 =	simm.s32 $0x0  }
0x4: {  	s28 =	simm.s32 $0x380;
	s29 =	simm.s32 $0x4;
	s6 =	smul.u32 $0x2800, s12  }
0x5: {  	s30 =	simm.s32 $0x2B80;
	s0 =	sand.u32 $0x1, s0;
	s25 =	smul.u32 $0x2710, s12  }
0x6: {  	[smem:$0x7FF] =	sst s4;
	s5 =	smul.u32 $0x138800, s0;
	s7 =	sshll.u32 s0, $0x4  }
0x7: {  	s24 =	ssub.s32 $0x2, s0;
	s0 =	smul.u32 $0x27100, s0;
	s7 =	sor.u32 s12, s7  }
0x8: {  	_ =	strace $0x8000004D;
	s8 =	sshrl.u32 s24, $0x1;
	s7 =	smul.u32 $0x2710, s7  }
0x9: {  	s6 =	sadd.s32 s6, s5;
	s5 =	sadd.s32 $0x2E00, s2;
	s0 =	sadd.s32 s25, s0  }
0xa: {  	s6 =	sshrl.u32 s6, $0x3;
	s19 =	sadd.s32 $0x4E480, s0;
	s7 =	sshrl.u32 s7, $0x3  }
0xb: {  	s2 =	sadd.s32 s6, s2;
	s6 =	ssub.s32 s24, s8;
	s9 =	sadd.s32 s5, s7  }
0xc: {  	s21 =	sshrl.u32 s19, $0x3;
	s6 =	smax.u32 s6, $0x1;
	[dreg:$0xf] =	wrdreg s9  }
0xd: {  	s31 =	simm.s32 $0x6;
	s22 =	sadd.s32 s21, s5;
	[dreg:$0x19] =	wrdreg s6  }
0xe: {  	s17 =	sadd.s32 $0x280, s0;
	s7 =	sadd.s32 $0x9C40, s9;
	[dreg:$0x5] =	wrdreg s22  }
0xf: {  	s23 =	sadd.s32 $0x230, s0;
	s26 =	sadd.s32 $0xA, s9;
	[dreg:$0x10] =	wrdreg s7  }
0x10: {  	s25 =	sadd.s32 $0x4E430, s0;
	s10 =	sadd.s32 $0x9C4A, s9;
	[dreg:$0x11] =	wrdreg s26  }
0x11: {  	s24 =	sshrl.u32 s23, $0x3;
	s11 =	sadd.s32 $0x14, s9;
	[dreg:$0x12] =	wrdreg s10  }
0x12: {  	s19 =	sadd.s32 $0x4E340, s0;
	s13 =	sadd.s32 $0x9C54, s9;
	[dreg:$0x13] =	wrdreg s11  }
0x13: {  	s8 =	simm.s32 $0x5;
	s14 =	sadd.s32 $0x4CE, s9;
	[dreg:$0x14] =	wrdreg s13  }
0x14: {  	s21 =	sadd.s32 $0xF0, s0;
	s15 =	sadd.s32 $0xA10E, s9;
	[dreg:$0x15] =	wrdreg s14  }
0x15: {  	s16 =	sadd.s32 $0x4D8, s9;
	s18 =	sadd.s32 $0xA118, s9;
	[dreg:$0x16] =	wrdreg s15  }
0x16: {  	s6 =	sadd.s32 s24, s5;
	s22 =	sadd.s32 $0x4E2F0, s0;
	[dreg:$0x17] =	wrdreg s16  }
0x17: {  	[dreg:$0x18] =	wrdreg s18;
	s7 =	sshrl.u32 s17, $0x3;
	s26 =	sadd.s32 $0x4E3E0, s0  }
0x18: {  	[dreg:$0x6] =	wrdreg s6;
	s11 =	sadd.s32 $0x190, s0;
	s14 =	sadd.s32 $0x4E390, s0  }
0x19: {  	s15 =	sadd.s32 $0x140, s0;
	s24 =	sshrl.u32 s22, $0x3;
	s0 =	sadd.s32 $0x1E0, s0  }
0x1a: {  	s22 =	simm.s32 $0x200;
	s20 =	sadd.s32 s7, s5;
	s7 =	sshrl.u32 s25, $0x3  }
0x1b: {  	s9 =	sshrl.u32 s26, $0x3;
	s13 =	sshrl.u32 s11, $0x3;
	s17 =	sshrl.u32 s15, $0x3  }
0x1c: {  	s25 =	sadd.s32 s24, s5;
	[dreg:$0x1a] =	wrdreg s0;
	s26 =	sadd.s32 $0x64A00, s2  }
0x1d: {  	s24 =	simm.s32 $0x280;
	s2 =	simm.s32 $0x1;
	[dreg:$0x4] =	wrdreg s20  }
0x1e: {  	s11 =	simm.s32 $0x8;
	s7 =	sadd.s32 s7, s5;
	[dreg:$0xe] =	wrdreg s25  }
0x1f: {  	s10 =	sadd.s32 s9, s5;
	s6 =	sadd.s32 s13, s5;
	[dreg:$0x1b] =	wrdreg s26  }
0x20: {  	s18 =	sadd.s32 s17, s5;
	s20 =	sshrl.u32 s19, $0x3;
	[dreg:$0x7] =	wrdreg s7  }
0x21: {  	s17 =	smul.u32 $0x50, s12;
	s25 =	simm.s32 $0x3;
	[dreg:$0x8] =	wrdreg s10  }
0x22: {  	s26 =	simm.s32 $0x50;
	s9 =	simm.s32 $0x7;
	[dreg:$0x9] =	wrdreg s6  }
0x23: {  	s7 =	sshrl.u32 s14, $0x3;
	[dreg:$0xb] =	wrdreg s18;
	s6 =	sadd.s32 s20, s5  }
0x24: {  	s20 =	simm.s32 $0x180;
	s10 =	simm.s32 $0x2;
	s16 =	sadd.s32 s7, s5  }
0x25: {  	s7 =	sshrl.u32 s21, $0x3;
	[dreg:$0xc] =	wrdreg s6;
	s21 =	simm.s32 $0x80  }
0x26: {  	s6 =	simm.s32 $0x0;
	[dreg:$0xa] =	wrdreg s16;
	s23 =	sadd.s32 s7, s5  }
0x27: {  	v0 =	vimm.f32 $0.0e+00;
	s7 =	simm.s32 $0x9;
	[dreg:$0xd] =	wrdreg s23;
	s23 =	simm.s32 $0x100  }
.LBB2_1:
0x28: {  	[dreg:$0x1c] =	wrdreg s6;
	s0 =	simm.s32 $0x70;
	s13 =	simm.s32 $0x3C0  }
.LBB2_2:
0x29: {  	p0 =	sne.s32 s13, $0x9FC0;
	[tilespmem:s0+$0x380] =	vst v0  }
0x2a: {  	[tilespmem:s0+$0x310] =	vst v0  }
0x2b: {  	[tilespmem:s0+$0x320] =	vst v0  }
.Ltmp0:
0x2c: {  	[tilespmem:s0+$0x330] =	vst v0;
	(pc) =	sbr.rel @p0 .LBB2_2-.Ltmp0, $4  }
0x2d: {  	[tilespmem:s0+$0x340] =	vst v0  }
0x2e: {  	[tilespmem:s0+$0x350] =	vst v0  }
0x2f: {  	[tilespmem:s0+$0x360] =	vst v0  }
0x30: {  	[tilespmem:s0+$0x370] =	vst v0;
	s0 =	sshra.s32 s13, $0x2;
	s13 =	sadd.s32 $0x200, s13  }
0x31: {  	[tilespmem:s0+$0x380] =	vst v0  }
0x32: {  	[tilespmem:s0+$0x310] =	vst v0  }
0x33: {  	[tilespmem:s0+$0x320] =	vst v0  }
0x34: {  	[tilespmem:s0+$0x330] =	vst v0  }
0x35: {  	[tilespmem:s0+$0x340] =	vst v0  }
0x36: {  	[tilespmem:s0+$0x350] =	vst v0;
	p0 =	sgt.u32 s12, $0x7C  }
0x37: {  	[tilespmem:s0+$0x360] =	vst v0;
	s6 =	sadd.s32 @!p0 $0x0, s17;
	v1 =	vlaneseq.u32 @!p0  }
0x38: {  	[tilespmem:s0+$0x370] =	vst v0;
	p1 =	por p0, p0;
	v2 =	vor.u32 @!p0 s6, v1;
	s0 =	sadd.s32 @!p0 $0x40, s6  }
0x39: {  	s13 =	sadd.s32 @!p1 $0x30, s6;
	[tilespmem:$0x300] =	vst @!p1 v2;
	v2 =	vor.u32 @!p1 s0, v1  }
0x3a: {  	s0 =	sadd.s32 @!p1 $0x20, s6;
	v3 =	vor.u32 @!p1 s13, v1;
	[tilespmem:$0x340] =	vst @!p1 v2  }
0x3b: {  	s6 =	sadd.s32 @!p1 $0x10, s6;
	v2 =	vor.u32 @!p1 s0, v1;
	[tilespmem:$0x330] =	vst @!p1 v3  }
0x3c: {  	v1 =	vor.u32 @!p1 s6, v1;
	[tilespmem:$0x320] =	vst @!p1 v2  }
0x3d: {  	s13 =	simm.s32 @!p1 $0x380;
	s0 =	simm.s32 @!p1 $0x50;
	s6 =	simm.s32 @!p1 $0x300;
	[tilespmem:$0x310] =	vst @!p1 v1  }
0x3e: {  	[spmem:s3] =	stream.indirect.scatter @!p1 [tilespmem:s13], [sflag:$0x9], $0x80, s6, s0, $0xb8;
	[tilespmem:$0x18C00] =	vst v63  }
0x3f: {  	s14 =	sadd.s32 $0x10, s12;
	s13 =	simm.s32 $0x500;
	s0 =	simm.s32 @!p1 $0x9  }
.LBB2_4:
0x40: {  	p2 =	sgt.u32 s14, $0x7C;
	_ =	swait.ge @!p1 [sflag:s0], $0x2800  }
0x41: {  	s6 =	sadd.s32 @!p2 s13, s17;
	v1 =	vlaneseq.u32 @!p2;
	[sflag:s0] =	ssyncset.done @!p1 $0x0;
	s13 =	sadd.s32 $0x500, s13  }
0x42: {  	v2 =	vor.u32 @!p2 s6, v1;
	s15 =	sadd.s32 @!p2 $0x40, s6;
	[sflag:s0] =	ssyncadd.s32 @!p1 $0xFFFFD800;
	p1 =	por p2, p2  }
0x43: {  	p2 =	sne.s32 s13, $0x2800;
	[tilespmem:$0x300] =	vst @!p1 v2;
	s0 =	sadd.s32 @!p1 $0x30, s6;
	v2 =	vor.u32 @!p1 s15, v1  }
.Ltmp1:
0x44: {  	s14 =	sadd.s32 $0x10, s14;
	s15 =	sadd.s32 @!p1 $0x20, s6;
	v3 =	vor.u32 @!p1 s0, v1;
	[tilespmem:$0x340] =	vst @!p1 v2;
	(pc) =	sbr.rel @p2 .LBB2_4-.Ltmp1, $4  }
0x45: {  	s6 =	sadd.s32 @!p1 $0x10, s6;
	v2 =	vor.u32 @!p1 s15, v1;
	s0 =	simm.s32 @!p1 $0x9;
	[tilespmem:$0x330] =	vst @!p1 v3  }
0x46: {  	s16 =	simm.s32 @!p1 $0x380;
	v1 =	vor.u32 @!p1 s6, v1;
	s6 =	simm.s32 @!p1 $0x50;
	s15 =	simm.s32 @!p1 $0x300;
	[tilespmem:$0x320] =	vst @!p1 v2  }
0x47: {  	[tilespmem:$0x310] =	vst @!p1 v1  }
0x48: {  	[spmem:s3] =	stream.indirect.scatter @!p1 [tilespmem:s16], [sflag:$0x9], $0x80, s15, s6, $0xb8;
	[tilespmem:$0x18C00] =	vst v63  }
0x49: {  	_ =	swait.ge @!p1 [sflag:s0], $0x2800  }
0x4a: {  	[sflag:s0] =	ssyncset.done @!p1 $0x0  }
0x4b: {  	[sflag:s0] =	ssyncadd.s32 @!p1 $0xFFFFD800  }
0x4c: {  	[bflag:$0x0] =	sbarrier.arrive $0xFFFF  }
0x4d: {  	s14 =	simm.s32 $0x0;
	s6 =	rddreg [dreg:$0xf]  }
0x4e: {  	[tilespmem:s14], [sflag:$0x3] =	stream.linear.gather [hbm4b:s6+s14], $0x50, $0x38;
	[tilespmem:$0x18C00] =	vst v63  }
0x4f: {  	s15 =	rddreg [dreg:$0x10]  }
0x50: {  	[tilespmem:s20], [sflag:$0x6] =	stream.linear.gather [hbm4b:s15+s14], $0x50, $0x38;
	[tilespmem:$0x18C00] =	vst v63  }
0x51: {  	s16 =	rddreg [dreg:$0x11]  }
0x52: {  	[tilespmem:s21], [sflag:$0x4] =	stream.linear.gather [hbm4b:s16+s14], $0x50, $0x38;
	[tilespmem:$0x18C00] =	vst v63  }
0x53: {  	s18 =	rddreg [dreg:$0x12]  }
0x54: {  	[tilespmem:s22], [sflag:$0x7] =	stream.linear.gather [hbm4b:s18+s14], $0x50, $0x38;
	[tilespmem:$0x18C00] =	vst v63  }
0x55: {  	s19 =	rddreg [dreg:$0x13]  }
0x56: {  	[tilespmem:s23], [sflag:$0x5] =	stream.linear.gather [hbm4b:s19+s14], $0x50, $0x38;
	[tilespmem:$0x18C00] =	vst v63  }
0x57: {  	s13 =	rddreg [dreg:$0x14]  }
0x58: {  	[tilespmem:s24], [sflag:$0x8] =	stream.linear.gather [hbm4b:s13+s14], $0x50, $0x38;
	[tilespmem:$0x18C00] =	vst v63  }
0x59: {  	_ =	swait.ge [sflag:s25], $0x50  }
0x5a: {  	[sflag:s25] =	ssyncset.done $0x0  }
0x5b: {  	[sflag:s25] =	ssyncadd.s32 $0xFFFFFFB0  }
0x5c: {  	[tilespmem:s28], [sflag:$0x1] =	stream.indirect.gather [hbm4b:s1+s26], $0x80, s14, s26, $0xb8;
	[tilespmem:$0x18C00] =	vst v63  }
0x5d: {  	_ =	swait.ge [sflag:s29], $0x50  }
0x5e: {  	[sflag:s29] =	ssyncset.done $0x0  }
0x5f: {  	[sflag:s29] =	ssyncadd.s32 $0xFFFFFFB0  }
0x60: {  	[tilespmem:s30], [sflag:$0x2] =	stream.indirect.gather [hbm4b:s1+s26], $0x80, s21, s26, $0xb8;
	[tilespmem:$0x18C00] =	vst v63  }
0x61: {  	_ =	swait.ge [sflag:s31], $0x50  }
0x62: {  	[sflag:s31] =	ssyncset.done $0x0  }
0x63: {  	[sflag:s31] =	ssyncadd.s32 $0xFFFFFFB0  }
0x64: {  	_ =	swait.ge [sflag:s2], $0x2800  }
0x65: {  	[sflag:s2] =	ssyncset.done $0x0  }
0x66: {  	[sflag:s2] =	ssyncadd.s32 $0xFFFFD800  }
0x67: {  	[spmem:s3] =	stream.indirect.scatter.add.f32 [tilespmem:s28], [sflag:$0x9], $0x80, s20, s26, $0xb8;
	[tilespmem:$0x18C00] =	vst v63  }
0x68: {  	_ =	swait.ge [sflag:s7], $0x2800  }
0x69: {  	[sflag:s7] =	ssyncset.done $0x0  }
0x6a: {  	[sflag:s7] =	ssyncadd.s32 $0xFFFFD800  }
0x6b: {  	_ =	swait.ge [sflag:s8], $0x50  }
0x6c: {  	[sflag:s8] =	ssyncset.done $0x0  }
0x6d: {  	s14 =	rddreg [dreg:$0xd];
	[sflag:s8] =	ssyncadd.s32 $0xFFFFFFB0  }
0x6e: {  	[tilespmem:s28], [sflag:$0x1] =	stream.indirect.gather [hbm4b:s1+s26], $0x80, s23, s26, $0xb8;
	[tilespmem:$0x18C00] =	vst v63  }
0x6f: {  	s15 =	rddreg [dreg:$0xe];
	s0 =	sadd.s32 $0x0, s14  }
0x70: {  	[tilespmem:s4], [sflag:$0x3] =	stream.linear.gather [hbm4b:s0+s4], $0x50, $0x38;
	[tilespmem:$0x18C00] =	vst v63  }
0x71: {  	s16 =	sadd.s32 $0x0, s15  }
0x72: {  	[tilespmem:s20], [sflag:$0x6] =	stream.linear.gather [hbm4b:s16+s4], $0x50, $0x38;
	[tilespmem:$0x18C00] =	vst v63  }
0x73: {  	_ =	swait.ge [sflag:s9], $0x50  }
0x74: {  	[sflag:s9] =	ssyncset.done $0x0  }
0x75: {  	[sflag:s9] =	ssyncadd.s32 $0xFFFFFFB0  }
0x76: {  	_ =	swait.ge [sflag:s10], $0x2800  }
0x77: {  	[sflag:s10] =	ssyncset.done $0x0  }
0x78: {  	[sflag:s10] =	ssyncadd.s32 $0xFFFFD800  }
0x79: {  	[spmem:s3] =	stream.indirect.scatter.add.f32 [tilespmem:s30], [sflag:$0x9], $0x80, s22, s26, $0xb8;
	[tilespmem:$0x18C00] =	vst v63  }
0x7a: {  	_ =	swait.ge [sflag:s7], $0x2800  }
0x7b: {  	[sflag:s7] =	ssyncset.done $0x0  }
0x7c: {  	[sflag:s7] =	ssyncadd.s32 $0xFFFFD800  }
0x7d: {  	_ =	swait.ge [sflag:s25], $0x50  }
0x7e: {  	[sflag:s25] =	ssyncset.done $0x0  }
0x7f: {  	s18 =	rddreg [dreg:$0xb];
	[sflag:s25] =	ssyncadd.s32 $0xFFFFFFB0  }
0x80: {  	[tilespmem:s30], [sflag:$0x2] =	stream.indirect.gather [hbm4b:s1+s26], $0x80, s4, s26, $0xb8;
	[tilespmem:$0x18C00] =	vst v63  }
0x81: {  	s19 =	rddreg [dreg:$0xc];
	s0 =	sadd.s32 $0x0, s18  }
0x82: {  	[tilespmem:s21], [sflag:$0x4] =	stream.linear.gather [hbm4b:s0+s4], $0x50, $0x38;
	[tilespmem:$0x18C00] =	vst v63  }
0x83: {  	s13 =	sadd.s32 $0x0, s19  }
0x84: {  	[tilespmem:s22], [sflag:$0x7] =	stream.linear.gather [hbm4b:s13+s4], $0x50, $0x38;
	[tilespmem:$0x18C00] =	vst v63  }
0x85: {  	_ =	swait.ge [sflag:s11], $0x50  }
0x86: {  	[sflag:s11] =	ssyncset.done $0x0  }
0x87: {  	[sflag:s11] =	ssyncadd.s32 $0xFFFFFFB0  }
0x88: {  	_ =	swait.ge [sflag:s2], $0x2800  }
0x89: {  	[sflag:s2] =	ssyncset.done $0x0  }
0x8a: {  	[sflag:s2] =	ssyncadd.s32 $0xFFFFD800  }
0x8b: {  	[spmem:s3] =	stream.indirect.scatter.add.f32 [tilespmem:s28], [sflag:$0x9], $0x80, s24, s26, $0xb8;
	[tilespmem:$0x18C00] =	vst v63  }
0x8c: {  	_ =	swait.ge [sflag:s7], $0x2800  }
0x8d: {  	[sflag:s7] =	ssyncset.done $0x0  }
0x8e: {  	[sflag:s7] =	ssyncadd.s32 $0xFFFFD800  }
0x8f: {  	_ =	swait.ge [sflag:s29], $0x50  }
0x90: {  	[sflag:s29] =	ssyncset.done $0x0  }
0x91: {  	s14 =	rddreg [dreg:$0x9];
	[sflag:s29] =	ssyncadd.s32 $0xFFFFFFB0  }
0x92: {  	[tilespmem:s28], [sflag:$0x1] =	stream.indirect.gather [hbm4b:s1+s26], $0x80, s21, s26, $0xb8;
	[tilespmem:$0x18C00] =	vst v63  }
0x93: {  	s15 =	rddreg [dreg:$0xa];
	s0 =	sadd.s32 $0x0, s14  }
0x94: {  	[tilespmem:s23], [sflag:$0x5] =	stream.linear.gather [hbm4b:s0+s4], $0x50, $0x38;
	[tilespmem:$0x18C00] =	vst v63  }
0x95: {  	s16 =	sadd.s32 $0x0, s15  }
0x96: {  	[tilespmem:s24], [sflag:$0x8] =	stream.linear.gather [hbm4b:s16+s4], $0x50, $0x38;
	[tilespmem:$0x18C00] =	vst v63  }
0x97: {  	_ =	swait.ge [sflag:s31], $0x50  }
0x98: {  	[sflag:s31] =	ssyncset.done $0x0  }
0x99: {  	[sflag:s31] =	ssyncadd.s32 $0xFFFFFFB0  }
0x9a: {  	_ =	swait.ge [sflag:s10], $0x2800  }
0x9b: {  	[sflag:s10] =	ssyncset.done $0x0  }
0x9c: {  	[sflag:s10] =	ssyncadd.s32 $0xFFFFD800  }
0x9d: {  	[spmem:s3] =	stream.indirect.scatter.add.f32 [tilespmem:s30], [sflag:$0x9], $0x80, s20, s26, $0xb8;
	[tilespmem:$0x18C00] =	vst v63  }
0x9e: {  	_ =	swait.ge [sflag:s7], $0x2800  }
0x9f: {  	[sflag:s7] =	ssyncset.done $0x0  }
0xa0: {  	[sflag:s7] =	ssyncadd.s32 $0xFFFFD800  }
0xa1: {  	_ =	swait.ge [sflag:s8], $0x50  }
0xa2: {  	[sflag:s8] =	ssyncset.done $0x0;
	s14 =	rddreg [dreg:$0x1a]  }
0xa3: {  	[sflag:s8] =	ssyncadd.s32 $0xFFFFFFB0;
	s18 =	sshrl.u32 s14, $0x3  }
0xa4: {  	[tilespmem:s30], [sflag:$0x2] =	stream.indirect.gather [hbm4b:s1+s26], $0x80, s23, s26, $0xb8;
	[tilespmem:$0x18C00] =	vst v63  }
0xa5: {  	s19 =	rddreg [dreg:$0x8];
	s0 =	sadd.s32 s5, s18  }
0xa6: {  	[tilespmem:s4], [sflag:$0x3] =	stream.linear.gather [hbm4b:s0+s4], $0x50, $0x38;
	[tilespmem:$0x18C00] =	vst v63  }
0xa7: {  	s6 =	sadd.s32 $0x0, s19  }
0xa8: {  	[tilespmem:s20], [sflag:$0x6] =	stream.linear.gather [hbm4b:s6+s4], $0x50, $0x38;
	[tilespmem:$0x18C00] =	vst v63  }
0xa9: {  	_ =	swait.ge [sflag:s9], $0x50  }
0xaa: {  	[sflag:s9] =	ssyncset.done $0x0  }
0xab: {  	[sflag:s9] =	ssyncadd.s32 $0xFFFFFFB0  }
0xac: {  	_ =	swait.ge [sflag:s2], $0x2800  }
0xad: {  	[sflag:s2] =	ssyncset.done $0x0  }
0xae: {  	[sflag:s2] =	ssyncadd.s32 $0xFFFFD800  }
0xaf: {  	[spmem:s3] =	stream.indirect.scatter.add.f32 [tilespmem:s28], [sflag:$0x9], $0x80, s22, s26, $0xb8;
	[tilespmem:$0x18C00] =	vst v63  }
0xb0: {  	_ =	swait.ge [sflag:s7], $0x2800  }
0xb1: {  	[sflag:s7] =	ssyncset.done $0x0  }
0xb2: {  	[sflag:s7] =	ssyncadd.s32 $0xFFFFD800  }
0xb3: {  	_ =	swait.ge [sflag:s25], $0x50  }
0xb4: {  	[sflag:s25] =	ssyncset.done $0x0  }
0xb5: {  	s13 =	rddreg [dreg:$0x6];
	[sflag:s25] =	ssyncadd.s32 $0xFFFFFFB0  }
0xb6: {  	[tilespmem:s28], [sflag:$0x1] =	stream.indirect.gather [hbm4b:s1+s26], $0x80, s4, s26, $0xb8;
	[tilespmem:$0x18C00] =	vst v63  }
0xb7: {  	s15 =	rddreg [dreg:$0x7];
	s0 =	sadd.s32 $0x0, s13  }
0xb8: {  	[tilespmem:s21], [sflag:$0x4] =	stream.linear.gather [hbm4b:s0+s4], $0x50, $0x38;
	[tilespmem:$0x18C00] =	vst v63  }
0xb9: {  	s16 =	sadd.s32 $0x0, s15  }
0xba: {  	[tilespmem:s22], [sflag:$0x7] =	stream.linear.gather [hbm4b:s16+s4], $0x50, $0x38;
	[tilespmem:$0x18C00] =	vst v63  }
0xbb: {  	_ =	swait.ge [sflag:s11], $0x50  }
0xbc: {  	[sflag:s11] =	ssyncset.done $0x0  }
0xbd: {  	[sflag:s11] =	ssyncadd.s32 $0xFFFFFFB0  }
0xbe: {  	_ =	swait.ge [sflag:s10], $0x2800  }
0xbf: {  	[sflag:s10] =	ssyncset.done $0x0  }
0xc0: {  	[sflag:s10] =	ssyncadd.s32 $0xFFFFD800  }
0xc1: {  	[spmem:s3] =	stream.indirect.scatter.add.f32 [tilespmem:s30], [sflag:$0x9], $0x80, s24, s26, $0xb8;
	[tilespmem:$0x18C00] =	vst v63  }
0xc2: {  	_ =	swait.ge [sflag:s7], $0x2800  }
0xc3: {  	[sflag:s7] =	ssyncset.done $0x0  }
0xc4: {  	[sflag:s7] =	ssyncadd.s32 $0xFFFFD800  }
0xc5: {  	_ =	swait.ge [sflag:s29], $0x50  }
0xc6: {  	[sflag:s29] =	ssyncset.done $0x0  }
0xc7: {  	s18 =	rddreg [dreg:$0x4];
	[sflag:s29] =	ssyncadd.s32 $0xFFFFFFB0  }
0xc8: {  	[tilespmem:s30], [sflag:$0x2] =	stream.indirect.gather [hbm4b:s1+s26], $0x80, s21, s26, $0xb8;
	[tilespmem:$0x18C00] =	vst v63  }
0xc9: {  	s19 =	rddreg [dreg:$0x5];
	s0 =	sadd.s32 $0x0, s18  }
0xca: {  	[tilespmem:s23], [sflag:$0x5] =	stream.linear.gather [hbm4b:s0+s4], $0x50, $0x38;
	[tilespmem:$0x18C00] =	vst v63  }
0xcb: {  	s14 =	sadd.s32 $0x1E0, s14;
	s13 =	simm.s32 $0x3C;
	s0 =	sadd.s32 $0x0, s19  }
.LBB2_6:
0xcc: {  	[tilespmem:s24], [sflag:$0x8] =	stream.linear.gather [hbm4b:s0+s4], $0x50, $0x38;
	[tilespmem:$0x18C00] =	vst v63  }
0xcd: {  	_ =	swait.ge [sflag:s31], $0x50  }
0xce: {  	[sflag:s31] =	ssyncset.done $0x0  }
0xcf: {  	[sflag:s31] =	ssyncadd.s32 $0xFFFFFFB0  }
0xd0: {  	_ =	swait.ge [sflag:s2], $0x2800  }
0xd1: {  	[sflag:s2] =	ssyncset.done $0x0  }
0xd2: {  	[sflag:s2] =	ssyncadd.s32 $0xFFFFD800  }
0xd3: {  	[spmem:s3] =	stream.indirect.scatter.add.f32 [tilespmem:s28], [sflag:$0x9], $0x80, s20, s26, $0xb8;
	[tilespmem:$0x18C00] =	vst v63  }
0xd4: {  	_ =	swait.ge [sflag:s7], $0x2800  }
0xd5: {  	[sflag:s7] =	ssyncset.done $0x0  }
0xd6: {  	[sflag:s7] =	ssyncadd.s32 $0xFFFFD800  }
0xd7: {  	_ =	swait.ge [sflag:s8], $0x50  }
0xd8: {  	[sflag:s8] =	ssyncset.done $0x0  }
0xd9: {  	s15 =	smov.u32 s13;
	s19 =	rddreg [dreg:$0xd];
	[sflag:s8] =	ssyncadd.s32 $0xFFFFFFB0  }
0xda: {  	[tilespmem:s28], [sflag:$0x1] =	stream.indirect.gather [hbm4b:s1+s26], $0x80, s23, s26, $0xb8;
	[tilespmem:$0x18C00] =	vst v63  }
0xdb: {  	s6 =	rddreg [dreg:$0xe];
	s0 =	sadd.s32 s15, s19  }
0xdc: {  	[tilespmem:s4], [sflag:$0x3] =	stream.linear.gather [hbm4b:s0+s4], $0x50, $0x38;
	[tilespmem:$0x18C00] =	vst v63  }
0xdd: {  	s16 =	sadd.s32 s15, s6  }
0xde: {  	[tilespmem:s20], [sflag:$0x6] =	stream.linear.gather [hbm4b:s16+s4], $0x50, $0x38;
	[tilespmem:$0x18C00] =	vst v63  }
0xdf: {  	_ =	swait.ge [sflag:s9], $0x50  }
0xe0: {  	[sflag:s9] =	ssyncset.done $0x0  }
0xe1: {  	[sflag:s9] =	ssyncadd.s32 $0xFFFFFFB0  }
0xe2: {  	_ =	swait.ge [sflag:s10], $0x2800  }
0xe3: {  	[sflag:s10] =	ssyncset.done $0x0  }
0xe4: {  	[sflag:s10] =	ssyncadd.s32 $0xFFFFD800  }
0xe5: {  	[spmem:s3] =	stream.indirect.scatter.add.f32 [tilespmem:s30], [sflag:$0x9], $0x80, s22, s26, $0xb8;
	[tilespmem:$0x18C00] =	vst v63  }
0xe6: {  	_ =	swait.ge [sflag:s7], $0x2800  }
0xe7: {  	[sflag:s7] =	ssyncset.done $0x0  }
0xe8: {  	[sflag:s7] =	ssyncadd.s32 $0xFFFFD800  }
0xe9: {  	_ =	swait.ge [sflag:s25], $0x50  }
0xea: {  	[sflag:s25] =	ssyncset.done $0x0  }
0xeb: {  	s18 =	rddreg [dreg:$0xb];
	[sflag:s25] =	ssyncadd.s32 $0xFFFFFFB0  }
0xec: {  	[tilespmem:s30], [sflag:$0x2] =	stream.indirect.gather [hbm4b:s1+s26], $0x80, s4, s26, $0xb8;
	[tilespmem:$0x18C00] =	vst v63  }
0xed: {  	s19 =	rddreg [dreg:$0xc];
	s0 =	sadd.s32 s15, s18  }
0xee: {  	[tilespmem:s21], [sflag:$0x4] =	stream.linear.gather [hbm4b:s0+s4], $0x50, $0x38;
	[tilespmem:$0x18C00] =	vst v63  }
0xef: {  	s16 =	sadd.s32 s15, s19  }
0xf0: {  	[tilespmem:s22], [sflag:$0x7] =	stream.linear.gather [hbm4b:s16+s4], $0x50, $0x38;
	[tilespmem:$0x18C00] =	vst v63  }
0xf1: {  	_ =	swait.ge [sflag:s11], $0x50  }
0xf2: {  	[sflag:s11] =	ssyncset.done $0x0  }
0xf3: {  	[sflag:s11] =	ssyncadd.s32 $0xFFFFFFB0  }
0xf4: {  	_ =	swait.ge [sflag:s2], $0x2800  }
0xf5: {  	[sflag:s2] =	ssyncset.done $0x0  }
0xf6: {  	[sflag:s2] =	ssyncadd.s32 $0xFFFFD800  }
0xf7: {  	[spmem:s3] =	stream.indirect.scatter.add.f32 [tilespmem:s28], [sflag:$0x9], $0x80, s24, s26, $0xb8;
	[tilespmem:$0x18C00] =	vst v63  }
0xf8: {  	_ =	swait.ge [sflag:s7], $0x2800  }
0xf9: {  	[sflag:s7] =	ssyncset.done $0x0  }
0xfa: {  	[sflag:s7] =	ssyncadd.s32 $0xFFFFD800  }
0xfb: {  	_ =	swait.ge [sflag:s29], $0x50  }
0xfc: {  	[sflag:s29] =	ssyncset.done $0x0  }
0xfd: {  	s18 =	rddreg [dreg:$0x9];
	[sflag:s29] =	ssyncadd.s32 $0xFFFFFFB0  }
0xfe: {  	[tilespmem:s28], [sflag:$0x1] =	stream.indirect.gather [hbm4b:s1+s26], $0x80, s21, s26, $0xb8;
	[tilespmem:$0x18C00] =	vst v63  }
0xff: {  	s19 =	rddreg [dreg:$0xa];
	s0 =	sadd.s32 s15, s18  }
0x100: {  	[tilespmem:s23], [sflag:$0x5] =	stream.linear.gather [hbm4b:s0+s4], $0x50, $0x38;
	[tilespmem:$0x18C00] =	vst v63  }
0x101: {  	s16 =	sadd.s32 s15, s19  }
0x102: {  	[tilespmem:s24], [sflag:$0x8] =	stream.linear.gather [hbm4b:s16+s4], $0x50, $0x38;
	[tilespmem:$0x18C00] =	vst v63  }
0x103: {  	_ =	swait.ge [sflag:s31], $0x50  }
0x104: {  	[sflag:s31] =	ssyncset.done $0x0  }
0x105: {  	[sflag:s31] =	ssyncadd.s32 $0xFFFFFFB0  }
0x106: {  	_ =	swait.ge [sflag:s10], $0x2800  }
0x107: {  	[sflag:s10] =	ssyncset.done $0x0  }
0x108: {  	[sflag:s10] =	ssyncadd.s32 $0xFFFFD800  }
0x109: {  	[spmem:s3] =	stream.indirect.scatter.add.f32 [tilespmem:s30], [sflag:$0x9], $0x80, s20, s26, $0xb8;
	[tilespmem:$0x18C00] =	vst v63  }
0x10a: {  	_ =	swait.ge [sflag:s7], $0x2800  }
0x10b: {  	[sflag:s7] =	ssyncset.done $0x0  }
0x10c: {  	[sflag:s7] =	ssyncadd.s32 $0xFFFFD800  }
0x10d: {  	_ =	swait.ge [sflag:s8], $0x50  }
0x10e: {  	[sflag:s8] =	ssyncset.done $0x0  }
0x10f: {  	s18 =	sshrl.u32 s14, $0x3;
	[sflag:s8] =	ssyncadd.s32 $0xFFFFFFB0  }
0x110: {  	[tilespmem:s30], [sflag:$0x2] =	stream.indirect.gather [hbm4b:s1+s26], $0x80, s23, s26, $0xb8;
	[tilespmem:$0x18C00] =	vst v63  }
0x111: {  	s0 =	sadd.s32 s5, s18;
	s19 =	rddreg [dreg:$0x8]  }
0x112: {  	[tilespmem:s4], [sflag:$0x3] =	stream.linear.gather [hbm4b:s0+s4], $0x50, $0x38;
	[tilespmem:$0x18C00] =	vst v63  }
0x113: {  	s16 =	sadd.s32 s15, s19  }
0x114: {  	[tilespmem:s20], [sflag:$0x6] =	stream.linear.gather [hbm4b:s16+s4], $0x50, $0x38;
	[tilespmem:$0x18C00] =	vst v63  }
0x115: {  	_ =	swait.ge [sflag:s9], $0x50  }
0x116: {  	[sflag:s9] =	ssyncset.done $0x0  }
0x117: {  	[sflag:s9] =	ssyncadd.s32 $0xFFFFFFB0  }
0x118: {  	_ =	swait.ge [sflag:s2], $0x2800  }
0x119: {  	[sflag:s2] =	ssyncset.done $0x0  }
0x11a: {  	[sflag:s2] =	ssyncadd.s32 $0xFFFFD800  }
0x11b: {  	[spmem:s3] =	stream.indirect.scatter.add.f32 [tilespmem:s28], [sflag:$0x9], $0x80, s22, s26, $0xb8;
	[tilespmem:$0x18C00] =	vst v63  }
0x11c: {  	_ =	swait.ge [sflag:s7], $0x2800  }
0x11d: {  	[sflag:s7] =	ssyncset.done $0x0  }
0x11e: {  	[sflag:s7] =	ssyncadd.s32 $0xFFFFD800  }
0x11f: {  	_ =	swait.ge [sflag:s25], $0x50  }
0x120: {  	[sflag:s25] =	ssyncset.done $0x0  }
0x121: {  	s18 =	rddreg [dreg:$0x6];
	[sflag:s25] =	ssyncadd.s32 $0xFFFFFFB0  }
0x122: {  	[tilespmem:s28], [sflag:$0x1] =	stream.indirect.gather [hbm4b:s1+s26], $0x80, s4, s26, $0xb8;
	[tilespmem:$0x18C00] =	vst v63  }
0x123: {  	s19 =	rddreg [dreg:$0x7];
	s0 =	sadd.s32 s15, s18  }
0x124: {  	[tilespmem:s21], [sflag:$0x4] =	stream.linear.gather [hbm4b:s0+s4], $0x50, $0x38;
	[tilespmem:$0x18C00] =	vst v63  }
0x125: {  	s16 =	sadd.s32 s15, s19  }
0x126: {  	[tilespmem:s22], [sflag:$0x7] =	stream.linear.gather [hbm4b:s16+s4], $0x50, $0x38;
	[tilespmem:$0x18C00] =	vst v63  }
0x127: {  	_ =	swait.ge [sflag:s11], $0x50  }
0x128: {  	[sflag:s11] =	ssyncset.done $0x0  }
0x129: {  	[sflag:s11] =	ssyncadd.s32 $0xFFFFFFB0  }
0x12a: {  	_ =	swait.ge [sflag:s10], $0x2800  }
0x12b: {  	[sflag:s10] =	ssyncset.done $0x0  }
0x12c: {  	[sflag:s10] =	ssyncadd.s32 $0xFFFFD800  }
0x12d: {  	[spmem:s3] =	stream.indirect.scatter.add.f32 [tilespmem:s30], [sflag:$0x9], $0x80, s24, s26, $0xb8;
	[tilespmem:$0x18C00] =	vst v63  }
0x12e: {  	_ =	swait.ge [sflag:s7], $0x2800  }
0x12f: {  	[sflag:s7] =	ssyncset.done $0x0  }
0x130: {  	[sflag:s7] =	ssyncadd.s32 $0xFFFFD800  }
0x131: {  	_ =	swait.ge [sflag:s29], $0x50  }
0x132: {  	p1 =	sne.s32 s13, $0x474;
	[sflag:s29] =	ssyncset.done $0x0  }
.Ltmp2:
0x133: {  	s18 =	rddreg [dreg:$0x4];
	[sflag:s29] =	ssyncadd.s32 $0xFFFFFFB0;
	(pc) =	sbr.rel @p1 .LBB2_6-.Ltmp2, $4  }
0x134: {  	[tilespmem:s30], [sflag:$0x2] =	stream.indirect.gather [hbm4b:s1+s26], $0x80, s21, s26, $0xb8;
	[tilespmem:$0x18C00] =	vst v63  }
0x135: {  	s19 =	rddreg [dreg:$0x5];
	s0 =	sadd.s32 s15, s18  }
0x136: {  	[tilespmem:s23], [sflag:$0x5] =	stream.linear.gather [hbm4b:s0+s4], $0x50, $0x38;
	[tilespmem:$0x18C00] =	vst v63  }
0x137: {  	s13 =	sadd.s32 $0x3C, s13;
	s14 =	sadd.s32 $0x1E0, s14;
	s0 =	sadd.s32 s15, s19  }
0x138: {  	[tilespmem:s24], [sflag:$0x8] =	stream.linear.gather [hbm4b:s0+s4], $0x50, $0x38;
	[tilespmem:$0x18C00] =	vst v63  }
0x139: {  	_ =	swait.ge [sflag:s31], $0x50  }
0x13a: {  	[sflag:s31] =	ssyncset.done $0x0  }
0x13b: {  	[sflag:s31] =	ssyncadd.s32 $0xFFFFFFB0  }
0x13c: {  	_ =	swait.ge [sflag:s2], $0x2800  }
0x13d: {  	[sflag:s2] =	ssyncset.done $0x0  }
0x13e: {  	[sflag:s2] =	ssyncadd.s32 $0xFFFFD800  }
0x13f: {  	[spmem:s3] =	stream.indirect.scatter.add.f32 [tilespmem:s28], [sflag:$0x9], $0x80, s20, s26, $0xb8;
	[tilespmem:$0x18C00] =	vst v63  }
0x140: {  	_ =	swait.ge [sflag:s7], $0x2800  }
0x141: {  	[sflag:s7] =	ssyncset.done $0x0  }
0x142: {  	[sflag:s7] =	ssyncadd.s32 $0xFFFFD800  }
0x143: {  	_ =	swait.ge [sflag:s8], $0x50  }
0x144: {  	[sflag:s8] =	ssyncset.done $0x0  }
0x145: {  	[sflag:s8] =	ssyncadd.s32 $0xFFFFFFB0  }
0x146: {  	[tilespmem:s28], [sflag:$0x1] =	stream.indirect.gather [hbm4b:s1+s26], $0x80, s23, s26, $0xb8;
	[tilespmem:$0x18C00] =	vst v63  }
0x147: {  	s15 =	simm.s32 $0x0;
	s6 =	rddreg [dreg:$0x15]  }
0x148: {  	[tilespmem:s15], [sflag:$0x3] =	stream.linear.gather [hbm4b:s6+s15], $0x50, $0x38;
	[tilespmem:$0x18C00] =	vst v63  }
0x149: {  	s16 =	rddreg [dreg:$0x16]  }
0x14a: {  	[tilespmem:s20], [sflag:$0x6] =	stream.linear.gather [hbm4b:s16+s15], $0x50, $0x38;
	[tilespmem:$0x18C00] =	vst v63  }
0x14b: {  	_ =	swait.ge [sflag:s9], $0x50  }
0x14c: {  	[sflag:s9] =	ssyncset.done $0x0  }
0x14d: {  	[sflag:s9] =	ssyncadd.s32 $0xFFFFFFB0  }
0x14e: {  	_ =	swait.ge [sflag:s10], $0x2800  }
0x14f: {  	[sflag:s10] =	ssyncset.done $0x0  }
0x150: {  	[sflag:s10] =	ssyncadd.s32 $0xFFFFD800  }
0x151: {  	[spmem:s3] =	stream.indirect.scatter.add.f32 [tilespmem:s30], [sflag:$0x9], $0x80, s22, s26, $0xb8;
	[tilespmem:$0x18C00] =	vst v63  }
0x152: {  	_ =	swait.ge [sflag:s7], $0x2800  }
0x153: {  	[sflag:s7] =	ssyncset.done $0x0  }
0x154: {  	[sflag:s7] =	ssyncadd.s32 $0xFFFFD800  }
0x155: {  	_ =	swait.ge [sflag:s25], $0x50  }
0x156: {  	[sflag:s25] =	ssyncset.done $0x0  }
0x157: {  	[sflag:s25] =	ssyncadd.s32 $0xFFFFFFB0  }
0x158: {  	[tilespmem:s30], [sflag:$0x2] =	stream.indirect.gather [hbm4b:s1+s26], $0x80, s15, s26, $0xb8;
	[tilespmem:$0x18C00] =	vst v63  }
0x159: {  	s18 =	rddreg [dreg:$0x17]  }
0x15a: {  	[tilespmem:s21], [sflag:$0x4] =	stream.linear.gather [hbm4b:s18+s15], $0x50, $0x38;
	[tilespmem:$0x18C00] =	vst v63  }
0x15b: {  	s19 =	rddreg [dreg:$0x18]  }
0x15c: {  	[tilespmem:s22], [sflag:$0x7] =	stream.linear.gather [hbm4b:s19+s15], $0x50, $0x38;
	[tilespmem:$0x18C00] =	vst v63  }
0x15d: {  	_ =	swait.ge [sflag:s11], $0x50  }
0x15e: {  	[sflag:s11] =	ssyncset.done $0x0  }
0x15f: {  	[sflag:s11] =	ssyncadd.s32 $0xFFFFFFB0  }
0x160: {  	_ =	swait.ge [sflag:s2], $0x2800  }
0x161: {  	[sflag:s2] =	ssyncset.done $0x0  }
0x162: {  	[sflag:s2] =	ssyncadd.s32 $0xFFFFD800  }
0x163: {  	[spmem:s3] =	stream.indirect.scatter.add.f32 [tilespmem:s28], [sflag:$0x9], $0x80, s24, s26, $0xb8;
	[tilespmem:$0x18C00] =	vst v63  }
0x164: {  	_ =	swait.ge [sflag:s7], $0x2800  }
0x165: {  	[sflag:s7] =	ssyncset.done $0x0  }
0x166: {  	[sflag:s7] =	ssyncadd.s32 $0xFFFFD800  }
0x167: {  	_ =	swait.ge [sflag:s29], $0x50  }
0x168: {  	[sflag:s29] =	ssyncset.done $0x0  }
0x169: {  	[sflag:s29] =	ssyncadd.s32 $0xFFFFFFB0  }
0x16a: {  	[tilespmem:s28], [sflag:$0x1] =	stream.indirect.gather [hbm4b:s1+s26], $0x80, s21, s26, $0xb8;
	[tilespmem:$0x18C00] =	vst v63  }
0x16b: {  	_ =	swait.ge [sflag:s31], $0x50  }
0x16c: {  	[sflag:s31] =	ssyncset.done $0x0  }
0x16d: {  	[sflag:s31] =	ssyncadd.s32 $0xFFFFFFB0  }
0x16e: {  	_ =	swait.ge [sflag:s10], $0x2800  }
0x16f: {  	[sflag:s10] =	ssyncset.done $0x0  }
0x170: {  	[sflag:s10] =	ssyncadd.s32 $0xFFFFD800  }
0x171: {  	[spmem:s3] =	stream.indirect.scatter.add.f32 [tilespmem:s30], [sflag:$0x9], $0x80, s20, s26, $0xb8;
	[tilespmem:$0x18C00] =	vst v63  }
0x172: {  	_ =	swait.ge [sflag:s7], $0x2800  }
0x173: {  	[sflag:s7] =	ssyncset.done $0x0  }
0x174: {  	[sflag:s7] =	ssyncadd.s32 $0xFFFFD800  }
0x175: {  	_ =	swait.ge [sflag:s9], $0x50  }
0x176: {  	[sflag:s9] =	ssyncset.done $0x0  }
0x177: {  	[sflag:s9] =	ssyncadd.s32 $0xFFFFFFB0  }
0x178: {  	_ =	swait.ge [sflag:s2], $0x2800  }
0x179: {  	[sflag:s2] =	ssyncset.done $0x0  }
0x17a: {  	[sflag:s2] =	ssyncadd.s32 $0xFFFFD800  }
0x17b: {  	[spmem:s3] =	stream.indirect.scatter.add.f32 [tilespmem:s28], [sflag:$0x9], $0x80, s22, s26, $0xb8;
	[tilespmem:$0x18C00] =	vst v63  }
0x17c: {  	_ =	swait.ge [sflag:s7], $0x2800  }
0x17d: {  	s0 =	sadd.s32 @!p0 $0x0, s17;
	[sflag:s7] =	ssyncset.done $0x0  }
0x17e: {  	v1 =	vlaneseq.u32 @!p0;
	s6 =	sadd.s32 @!p0 $0x10, s0;
	[sflag:s7] =	ssyncadd.s32 $0xFFFFD800  }
0x17f: {  	s13 =	sadd.s32 @!p0 $0x20, s0;
	v2 =	vor.u32 @!p0 s6, v1;
	[bflag:$0x0] =	sbarrier.arrive $0xFFFF  }
0x180: {  	p1 =	por p0, p0;
	v3 =	vor.u32 @!p0 s13, v1;
	s6 =	sadd.s32 @!p0 $0x30, s0;
	[tilespmem:$0x310] =	vst @!p0 v2  }
0x181: {  	v2 =	vor.u32 @!p0 s6, v1;
	s6 =	sadd.s32 @!p0 $0x40, s0;
	[tilespmem:$0x320] =	vst @!p1 v3  }
0x182: {  	[tilespmem:$0x330] =	vst @!p0 v2;
	v2 =	vor.u32 @!p0 s6, v1  }
0x183: {  	s14 =	simm.s32 @!p1 $0x300;
	v1 =	vor.u32 @!p0 s0, v1;
	[tilespmem:$0x340] =	vst @!p1 v2  }
0x184: {  	s18 =	simm.s32 @!p1 $0x1;
	s6 =	simm.s32 @!p1 $0x50;
	s0 =	simm.s32 @!p1 $0x380;
	[tilespmem:$0x300] =	vst @!p1 v1  }
0x185: {  	[tilespmem:s0], [sflag:$0x1] =	stream.indirect.gather @!p1 [spmem:s3], $0x80, s14, s6, $0xb8;
	[tilespmem:$0x18C00] =	vst v63  }
0x186: {  	s13 =	simm.s32 @!p0 $0x9;
	_ =	swait.ge @!p1 [sflag:s18], $0x2800  }
0x187: {  	s16 =	sadd.s32 $0x10, s12;
	s14 =	simm.s32 $0x500;
	s19 =	rddreg [dreg:$0x1b]  }
0x188: {  	s6 =	simm.s32 @!p1 $0x0;
	[sflag:s18] =	ssyncset.done @!p1 $0x0;
	s15 =	sadd.s32 $0x5000, s19  }
.LBB2_8:
0x189: {  	p0 =	sgt.u32 s16, $0x7C  }
0x18a: {  	[sflag:s18] =	ssyncadd.s32 @!p1 $0xFFFFD800;
	s18 =	smov.u32 s14;
	s14 =	sadd.s32 $0x500, s14  }
0x18b: {  	[hbm4b:s19+s6] =	stream.linear.scatter @!p1 [tilespmem:s0], [sflag:$0x9], $0x2800, $0x38;
	[tilespmem:$0x18C00] =	vst v63  }
0x18c: {  	s0 =	sadd.s32 @!p0 s18, s17;
	s6 =	simm.s32 @!p0 $0x9;
	_ =	swait.ge @!p1 [sflag:s13], $0x2800  }
0x18d: {  	v1 =	vlaneseq.u32 @!p0;
	s18 =	sadd.s32 @!p0 $0x10, s0;
	s19 =	sadd.s32 @!p0 $0x20, s0;
	[sflag:s13] =	ssyncset.done @!p1 $0x0  }
0x18e: {  	v2 =	vor.u32 @!p0 s18, v1;
	v3 =	vor.u32 @!p0 s19, v1;
	s18 =	sadd.s32 @!p0 $0x30, s0;
	s19 =	sadd.s32 @!p0 $0x40, s0;
	[sflag:s13] =	ssyncadd.s32 @!p1 $0xFFFFD800  }
0x18f: {  	p2 =	sne.s32 s14, $0x2800;
	v4 =	vor.u32 @!p0 s0, v1;
	s13 =	smov.u32 s6;
	[tilespmem:$0x310] =	vst @!p0 v2;
	v2 =	vor.u32 @!p0 s18, v1;
	v1 =	vor.u32 @!p0 s19, v1;
	s19 =	smov.u32 s15  }
0x190: {  	p1 =	por p0, p0;
	[tilespmem:$0x330] =	vst @!p0 v2  }
0x191: {  	s6 =	simm.s32 @!p1 $0x50;
	[tilespmem:$0x320] =	vst @!p1 v3  }
.Ltmp3:
0x192: {  	s12 =	simm.s32 @!p1 $0x300;
	s0 =	simm.s32 @!p1 $0x380;
	[tilespmem:$0x340] =	vst @!p1 v1;
	(pc) =	sbr.rel @p2 .LBB2_8-.Ltmp3, $4  }
0x193: {  	s18 =	simm.s32 @!p1 $0x1;
	[tilespmem:$0x300] =	vst @!p1 v4  }
0x194: {  	[tilespmem:s0], [sflag:$0x1] =	stream.indirect.gather @!p1 [spmem:s3], $0x80, s12, s6, $0xb8;
	[tilespmem:$0x18C00] =	vst v63  }
0x195: {  	s15 =	sadd.s32 $0x5000, s15;
	_ =	swait.ge @!p1 [sflag:s18], $0x2800  }
0x196: {  	s16 =	sadd.s32 $0x10, s16;
	s6 =	simm.s32 @!p1 $0x0;
	[sflag:s18] =	ssyncset.done @!p1 $0x0  }
0x197: {  	[sflag:s18] =	ssyncadd.s32 @!p1 $0xFFFFD800  }
0x198: {  	[hbm4b:s19+s6] =	stream.linear.scatter @!p1 [tilespmem:s0], [sflag:$0x9], $0x2800, $0x38;
	[tilespmem:$0x18C00] =	vst v63  }
0x199: {  	_ =	swait.ge @!p1 [sflag:s13], $0x2800  }
0x19a: {  	s18 =	rddreg [dreg:$0x1c]  }
0x19b: {  	s19 =	rddreg [dreg:$0x19];
	s6 =	sadd.s32 $0x1, s18  }
0x19c: {  	p0 =	sne.s32 s6, s19  }
.Ltmp4:
0x19d: {  	_ = 	snop;
	(pc) =	sbr.rel @p0 .LBB2_1-.Ltmp4, $3  }
0x19e: {  	_ =	sdelay $0x1  }
0x19f: {  	[sflag:s13] =	ssyncset.done @!p1 $0x0  }
0x1a0: {  	s12 =	stileid.u32;
	[sflag:s13] =	ssyncadd.s32 @!p1 $0xFFFFD800  }
0x1a1: {  	_ =	sfence.sel $0x180000  }
0x1a2: {  	[bflag:$0x0] =	sbarrier.arrive $0xFFFF  }
0x1a3: {  	_ =	strace $0x9000004D  }
0x1a4: {  	[bflag:$0x2] =	sbarrier.arrive $0xFFFF  }
0x1a5: {  	p0 =	sne.s32 s12, $0x0;
	s0 =	rddreg [dreg:$0x3]  }
0x1a6: {  	s0 =	sadd.s32 @!p0 $0x100000, s0  }
0x1a7: {  	[sflag:s0] =	ssyncadd.tile.s32 @!p0 $0x1;
	_ =	shalt  }
.Lfunc_end2:
_tile_overlayer_lowered:
.L_overlay_start_2:
0x1a8: {  	(tag) =	ssettag $0x2  }
0x1a9: {  	s0 =	rddreg [dreg:$0x0];
	s2 =	stileid.u32  }
0x1aa: {  	s1 =	rddreg [dreg:$0x1];
	p0 =	sne.s32 s2, $0x0  }
0x1ab: {  	s3 =	rddreg [dreg:$0x2];
	[bflag:$0x3] =	sbarrier.arrive $0xFFFF;
	s2 =	simm.s32 @!p0 $0x1C09  }
0x1ac: {  	[timem:s3], [sflag:s2] =	dma.local @!p0 [hbm:s0], s1  }
0x1ad: {  	s0 =	simm.s32 @!p0 $0x9  }
0x1ae: {  	_ =	swait.ge @!p0 [sflag:s0], s1  }
0x1af: {  	s1 =	ssub.s32 @!p0 $0x0, s1;
	[sflag:s0] =	ssyncset.done @!p0 $0x0  }
0x1b0: {  	[sflag:s0] =	ssyncadd.s32 @!p0 s1  }
0x1b1: {  	[bflag:$0x3] =	sbarrier.arrive $0xFFFF  }
0x1b2: {  	_ =	shalt  }

// kernel: kernel.7.cloned.1.call-start
scs
__scs_entry_jumppad:
0x0: {  	(pc) =	sbr.rel $0x88, $3  }
0x1: {  	(tag) =	ssettag $0x0;
	lr =	simm.s32 $0x1  }
0x2: {  	[smem:$0x3F97] =	sst lr;
	_ =	strace $0xD0000000  }
0x3: {  	_ = 	snop  }
0x4: {  	_ = 	snop  }
0x5: {  	_ = 	snop  }
0x6: {  	_ = 	snop  }
0x7: {  	_ = 	snop  }
__scs_overlays_trampoline_lowered:
0x8: {  	[smem:$0x3FA6] =	sst s0  }
0x9: {  	[smem:$0x3FA7] =	sst s1  }
0xa: {  	[smem:$0x3FA8] =	sst s2  }
0xb: {  	[smem:$0x3FA9] =	sst s3  }
0xc: {  	[smem:$0x3FAA] =	sst s4  }
0xd: {  	[smem:$0x3FAB] =	sst s5  }
0xe: {  	[smem:$0x3FAC] =	sst s6  }
0xf: {  	[smem:$0x3FAD] =	sst s7  }
0x10: {  	[smem:$0x3FAE] =	sst s8  }
0x11: {  	[smem:$0x3FAF] =	sst s9;
	s0 =	simm.s32 @!p0 $0x0  }
0x12: {  	s1 =	sld [smem:$0x3F95];
	s0 =	simm.s32 @p0 $0x1  }
0x13: {  	[smem:$0x3FB0] =	sst s0;
	s0 =	simm.s32 @!p1 $0x0  }
0x14: {  	s2 =	sld [smem:$0x3F94];
	s0 =	simm.s32 @p1 $0x1  }
0x15: {  	[smem:$0x3FB1] =	sst s0;
	s0 =	simm.s32 @!p2 $0x0  }
0x16: {  	s3 =	sld [smem:$0x3FDB];
	s0 =	simm.s32 @p2 $0x1  }
0x17: {  	s4 =	simm.s32 $0x1BF5;
	[smem:$0x3FB3] =	sst s0  }
0x18: {  	s0 =	sld [smem:$0x3F96];
	_ =	swait.ge [sflag:s4], $0x0  }
0x19: {  	s7 =	sld [smem:$0x3F97]  }
0x1a: {  	s8 =	sadd.s32 $0xFFFFE003, lr  }
0x1b: {  	s9 =	sadd.s32 $0xFFFFFEF7, lr;
	s5 =	simm.s32 $0xFFFFFFFF;
	p2 =	slt.u32 s8, $0xFFFFF086  }
0x1c: {  	p1 =	slt.u32 s9, $0xF7A;
	s5 =	simm.s32 @!p2 $0x0  }
0x1d: {  	s5 =	simm.s32 @p1 $0x1;
	p0 =	seq.s32 s7, s2  }
0x1e: {  	s7 =	smul.u32 @!p0 $0xF7A, s2;
	p2 =	seq.s32 @!p0 s5, $0x0  }
0x1f: {  	s9 =	smul.u32 $0xF7A, s1;
	s8 =	simm.s32 @!p0 $0x1BF5;
	p2 =	por !p2, p0  }
0x20: {  	[sflag:s8] =	ssyncset.s32 @!p0 $0xFFFFF086;
	s6 =	sadd.s32 @!p0 s3, s7;
	s7 =	simm.s32 @!p0 $0x108  }
0x21: {  	s3 =	sadd.s32 s3, s9;
	s6 =	sadd.s32 @!p0 $0x88, s6;
	s7 =	simm.s32 @p2 $0x1082  }
0x22: {  	[simem:s7], [sflag:s8] =	dma.local @!p0 [hbm:s6], $0xF7A  }
0x23: {  	s9 =	sor.u32 $0xD0000000, s2;
	s6 =	simm.s32 $0x108;
	_ =	swait.ge @!p0 [sflag:s8], $0x0  }
0x24: {  	s3 =	sadd.s32 $0x88, s3;
	s6 =	simm.s32 @!p1 $0x1082;
	[sflag:s4] =	ssyncset.s32 $0xFFFFF086  }
0x25: {  	[simem:s6], [sflag:s4] =	dma.local [hbm:s3], $0xF7A  }
0x26: {  	[smem:$0x3F97] =	sst s1;
	(tag) =	ssettag s2;
	_ =	strace s9  }
0x27: {  	s1 =	sld [smem:$0x3FA7]  }
0x28: {  	s2 =	sld [smem:$0x3FA8]  }
0x29: {  	s4 =	sld [smem:$0x3FAA]  }
0x2a: {  	p0 =	seq.s32 s5, $0x0;
	s5 =	sld [smem:$0x3FAB]  }
0x2b: {  	s6 =	sld [smem:$0x3FAC]  }
0x2c: {  	s7 =	sld [smem:$0x3FAD]  }
0x2d: {  	s3 =	simm.s32 $0x108;
	s8 =	sld [smem:$0x3FAE]  }
0x2e: {  	s3 =	simm.s32 @!p0 $0x1082;
	s9 =	sld [smem:$0x3FAF]  }
0x2f: {  	lr =	sadd.s32 s0, s3;
	s0 =	sld [smem:$0x3FA6]  }
0x30: {  	s3 =	sld [smem:$0x3FA9]  }
0x31: {  	[smem:$0x3FB2] =	sst s10  }
0x32: {  	s10 =	sld [smem:$0x3FB0];
	_ =	sdelay $0x3  }
0x33: {  	p0 =	seq.s32 s10, $0x1;
	s10 =	sld [smem:$0x3FB2];
	_ =	sdelay $0x3  }
0x34: {  	[smem:$0x3FB2] =	sst s10  }
0x35: {  	s10 =	sld [smem:$0x3FB1];
	_ =	sdelay $0x3  }
0x36: {  	p1 =	seq.s32 s10, $0x1;
	s10 =	sld [smem:$0x3FB2];
	_ =	sdelay $0x3  }
0x37: {  	[smem:$0x3FB2] =	sst s10  }
0x38: {  	s10 =	sld [smem:$0x3FB3]  }
0x39: {  	_ = 	snop;
	(pc) =	sbr.ind lr, $3  }
0x3a: {  	_ = 	snop  }
0x3b: {  	_ = 	snop  }
0x3c: {  	p2 =	seq.s32 s10, $0x1;
	s10 =	sld [smem:$0x3FB2]  }
0x3d: {  	_ =	shalt  }
0x3e: {  	_ =	shalt  }
0x3f: {  	_ =	shalt  }
0x40: {  	_ =	shalt  }
0x41: {  	_ =	shalt  }
0x42: {  	_ =	shalt  }
0x43: {  	_ =	shalt  }
0x44: {  	_ =	shalt  }
0x45: {  	_ =	shalt  }
0x46: {  	_ =	shalt  }
0x47: {  	_ =	shalt  }
0x48: {  	_ =	shalt  }
0x49: {  	_ =	shalt  }
0x4a: {  	_ =	shalt  }
0x4b: {  	_ =	shalt  }
0x4c: {  	_ =	shalt  }
0x4d: {  	_ =	shalt  }
0x4e: {  	_ =	shalt  }
0x4f: {  	_ =	shalt  }
0x50: {  	_ =	shalt  }
0x51: {  	_ =	shalt  }
0x52: {  	_ =	shalt  }
0x53: {  	_ =	shalt  }
0x54: {  	_ =	shalt  }
0x55: {  	_ =	shalt  }
0x56: {  	_ =	shalt  }
0x57: {  	_ =	shalt  }
0x58: {  	_ =	shalt  }
0x59: {  	_ =	shalt  }
0x5a: {  	_ =	shalt  }
0x5b: {  	_ =	shalt  }
0x5c: {  	_ =	shalt  }
0x5d: {  	_ =	shalt  }
0x5e: {  	_ =	shalt  }
0x5f: {  	_ =	shalt  }
0x60: {  	_ =	shalt  }
0x61: {  	_ =	shalt  }
0x62: {  	_ =	shalt  }
0x63: {  	_ =	shalt  }
0x64: {  	_ =	shalt  }
0x65: {  	_ =	shalt  }
0x66: {  	_ =	shalt  }
0x67: {  	_ =	shalt  }
0x68: {  	_ =	shalt  }
0x69: {  	_ =	shalt  }
0x6a: {  	_ =	shalt  }
0x6b: {  	_ =	shalt  }
0x6c: {  	_ =	shalt  }
0x6d: {  	_ =	shalt  }
0x6e: {  	_ =	shalt  }
0x6f: {  	_ =	shalt  }
0x70: {  	_ =	shalt  }
0x71: {  	_ =	shalt  }
0x72: {  	_ =	shalt  }
0x73: {  	_ =	shalt  }
0x74: {  	_ =	shalt  }
0x75: {  	_ =	shalt  }
0x76: {  	_ =	shalt  }
0x77: {  	_ =	shalt  }
0x78: {  	_ =	shalt  }
0x79: {  	_ =	shalt  }
0x7a: {  	_ =	shalt  }
0x7b: {  	_ =	shalt  }
0x7c: {  	_ =	shalt  }
0x7d: {  	_ =	shalt  }
0x7e: {  	_ =	shalt  }
0x7f: {  	_ =	shalt  }
0x80: {  	_ =	shalt  }
0x81: {  	_ =	shalt  }
0x82: {  	_ =	shalt  }
0x83: {  	_ =	shalt  }
0x84: {  	_ =	shalt  }
0x85: {  	_ =	shalt  }
0x86: {  	_ =	shalt  }
0x87: {  	_ =	shalt  }
.Lfunc_end0:
.L_simem_size_0:
called_computation_lowered:
.L_overlay_start_0:
0x88: {  	s2 =	sld [smem:$0x3FD9]  }
0x89: {  	s3 =	sld [smem:$0x3FFE];
	_ =	sdelay $0x1  }
0x8a: {  	s1 =	srdreg.scid  }
0x8b: {  	s0 =	sand.u32 $0x1, s1  }
0x8c: {  	s16 =	sshll.u32 s0, $0xA;
	s2 =	sadd.s32 s3, s2  }
0x8d: {  	s2 =	sadd.s32 s2, s16  }
0x8e: {  	[smem:$0x3FBE] =	sst s2  }
0x8f: {  	_ = 	snop  }
0x90: {  	(tm) =	ssettm $0x1  }
0x91: {  	s17 =	sld [smem:$0x3FFB];
	_ =	sdelay $0x3  }
0x92: {  	_ =	strace s17  }
0x93: {  	s2 =	sld [smem:$0x3FFC];
	_ =	sdelay $0x3  }
0x94: {  	_ =	strace s2  }
0x95: {  	s2 =	sld [smem:$0x3FFD];
	_ =	sdelay $0x3  }
0x96: {  	_ =	strace s2  }
0x97: {  	_ =	strace $0x8FFFFFFF  }
0x98: {  	s18 =	sld [smem:$0x3FDB];
	_ =	sdelay $0x1  }
0x99: {  	s19 =	simm.s32 $_scs_section_size  }
0x9a: {  	s4 =	simm.s32 $_size__tile_overlayer_lowered;
	s5 =	simm.s32 $_tile_overlayer_lowered  }
0x9b: {  	s22 =	simm.s32 $0x1BFF;
	s21 =	sshll.u32 s5, $0x1;
	s2 =	sadd.s32 s19, s18  }
0x9c: {  	s6 =	simm.s32 $0x0;
	s20 =	sshll.u32 s4, $0x1;
	s4 =	sadd.s32 s21, s2  }
0x9d: {  	[timem:s6], [sflag:s22] =	dma.local [hbm:s4], s20  }
0x9e: {  	_ =	swait.ge [sflag:s22], s20  }
0x9f: {  	s3 =	ssub.s32 $0x0, s20;
	[sflag:s22] =	ssyncset.done $0x0  }
0xa0: {  	[sflag:s22] =	ssyncadd.s32 s3;
	_ =	sdelay $0x1  }
0xa1: {  	s23 =	simm.s32 $0x1B8B  }
0xa2: {  	_ =	swait.ge [sflag:s23], $0x1  }
0xa3: {  	[sflag:s23] =	ssyncset.done $0x0  }
0xa4: {  	s25 =	simm.s32 $0x1B8E;
	s24 =	sld [smem:$0x3FFE];
	[sflag:s23] =	ssyncadd.s32 $0xFFFFFFFF  }
0xa5: {  	s26 =	simm.s32 $execute0_lowered;
	[smem:$0x3FD2] =	sst s25  }
0xa6: {  	s4 =	sshll.u32 s26, $0x1;
	_ =	strace $0x80000046;
	[dreg:$0x1] =	wrdreg $0xFFFFFFFF  }
0xa7: {  	s28 =	simm.s32 $_size_execute0_lowered;
	s2 =	sadd.s32 s2, s4;
	[dreg:$0x0] =	wrdreg $0x0  }
0xa8: {  	s4 =	sshll.u32 s28, $0x1;
	[dreg:$0x2] =	wrdreg s2  }
0xa9: {  	[dreg:$0x3] =	wrdreg s4  }
0xaa: {  	[dreg:$0x4] =	wrdreg $0xC0  }
0xab: {  	_ =	task [dreg:s6], $0x5FFFF  }
0xac: {  	[dreg:$0x1] =	wrdreg $0xFFFFFFFF  }
0xad: {  	[dreg:$0x0] =	wrdreg $0x60  }
0xae: {  	[dreg:$0x2] =	wrdreg s24  }
0xaf: {  	[dreg:$0x3] =	wrdreg $0x29800  }
0xb0: {  	[dreg:$0x4] =	wrdreg $0x9  }
0xb1: {  	_ =	task.clear_ibuf [dreg:s6], $0x5FFFF;
	_ =	strace $0x90000046  }
0xb2: {  	s29 =	simm.s32 $0x9;
	_ =	strace $0x80000048  }
0xb3: {  	_ =	swait.ge [sflag:s29], $0x1  }
0xb4: {  	[sflag:s29] =	ssyncadd.s32 $0xFFFFFFFF  }
0xb5: {  	_ =	strace $0x90000048  }
0xb6: {  	_ =	sfence  }
0xb7: {  	s30 =	sld [smem:$0x0];
	_ =	sdelay $0x2  }
0xb8: {  	s31 =	sshll.u32 s1, $0xD;
	s1 =	sshrl.u32 s1, $0x2  }
0xb9: {  	s3 =	sand.u32 $0x4000, s31;
	s1 =	sadd.s32 s1, s30  }
0xba: {  	s0 =	sor.u32 s3, s0;
	s1 =	sshll.u32 s1, $0x11  }
0xbb: {  	s0 =	sor.u32 s1, s0  }
0xbc: {  	s0 =	sadd.s32 $0x8F2B, s0  }
0xbd: {  	[sflag:s0] =	ssyncadd.remote.s32 $0x1  }
0xbe: {  	_ =	sfence.sel $0xFFFF  }
0xbf: {  	[dreg:$0x0] =	wrdreg $0xFFFFFFFF;
	(pc) =	sbr.abs _section_cstart, $3  }
0xc0: {  	[dreg:$0x1] =	wrdreg $0xFFFFFFFF  }
0xc1: {  	_ =	task.clear_ibuf [dreg:s6], $0x2FFFF;
	_ =	strace $0x9FFFFFFF  }
0xc2: {  	(tm) =	ssettm $0x7FFFFFFF  }
0xc3: {  	_ =	shalt  }
tec
execute0_lowered:
.L_overlay_start_1:
0x0: {  	(tag) =	ssettag $0x1  }
0x1: {  	s4 =	rddreg [dreg:$0x0]  }
0x2: {  	s2 =	rddreg [dreg:$0x1];
	s1 =	srdreg.scid  }
0x3: {  	s0 =	rddreg [dreg:$0x2];
	s3 =	simm.s32 $0x0;
	s13 =	simm.s32 $0x1  }
0x4: {  	s14 =	simm.s32 $0x50;
	s15 =	simm.s32 $0x180;
	s5 =	sand.u32 $0x1, s1  }
0x5: {  	s16 =	simm.s32 $0x3;
	s1 =	stileid.u32;
	s6 =	smul.u32 $0x138800, s5  }
0x6: {  	s17 =	simm.s32 $0x2;
	s18 =	simm.s32 $0x0;
	s7 =	smul.u32 $0x2800, s1  }
0x7: {  	[smem:$0x7FF] =	sst s3;
	s10 =	sadd.s32 $0x2E00, s4;
	s29 =	smul.u32 $0x27100, s5  }
0x8: {  	s8 =	sshll.u32 s5, $0x4;
	s5 =	ssub.s32 $0x2, s5;
	s9 =	smul.u32 $0x2710, s1  }
0x9: {  	_ =	strace $0x80000047;
	s8 =	sor.u32 s1, s8;
	s30 =	sshrl.u32 s5, $0x1  }
0xa: {  	s6 =	sadd.s32 s7, s6;
	s28 =	smul.u32 $0x2710, s8;
	s8 =	sadd.s32 s9, s29  }
0xb: {  	s31 =	ssub.s32 s5, s30;
	s6 =	sshrl.u32 s6, $0x3;
	s9 =	sadd.s32 $0x4E2F0, s8  }
0xc: {  	s12 =	sadd.s32 $0x4E2A0, s8;
	s8 =	smul.u32 $0x50, s1;
	s7 =	sshrl.u32 s28, $0x3  }
0xd: {  	s11 =	sadd.s32 s6, s4;
	s6 =	smax.u32 s31, $0x1;
	s9 =	sshrl.u32 s9, $0x3  }
0xe: {  	s12 =	sshrl.u32 s12, $0x3;
	s7 =	sadd.s32 s10, s7;
	s9 =	sadd.s32 s9, s10  }
0xf: {  	s10 =	sadd.s32 s12, s10;
	s11 =	sadd.s32 $0x16800, s11;
	s12 =	simm.s32 $0x80  }
0x10: {  	v0 =	vimm.f32 $0.0e+00;
	v1 =	vimm.f32 $1.000000000e+00;
	s4 =	sadd.s32 $0x9C40, s7;
	s5 =	sadd.s32 $0x9C4A, s7;
	s7 =	sadd.s32 $0xA118, s7  }
.LBB2_1:
0x11: {  	s19 =	simm.s32 $0x70;
	s20 =	simm.s32 $0x3C0  }
.LBB2_2:
0x12: {  	p0 =	sne.s32 s20, $0x9FC0;
	[tilespmem:s19+$0x180] =	vst v0  }
0x13: {  	[tilespmem:s19+$0x110] =	vst v0  }
0x14: {  	[tilespmem:s19+$0x120] =	vst v0  }
.Ltmp0:
0x15: {  	[tilespmem:s19+$0x130] =	vst v0;
	(pc) =	sbr.rel @p0 .LBB2_2-.Ltmp0, $4  }
0x16: {  	[tilespmem:s19+$0x140] =	vst v0  }
0x17: {  	[tilespmem:s19+$0x150] =	vst v0  }
0x18: {  	[tilespmem:s19+$0x160] =	vst v0  }
0x19: {  	[tilespmem:s19+$0x170] =	vst v0;
	s19 =	sshra.s32 s20, $0x2;
	s20 =	sadd.s32 $0x200, s20  }
0x1a: {  	[tilespmem:s19+$0x180] =	vst v0  }
0x1b: {  	[tilespmem:s19+$0x110] =	vst v0  }
0x1c: {  	[tilespmem:s19+$0x120] =	vst v0  }
0x1d: {  	[tilespmem:s19+$0x130] =	vst v0  }
0x1e: {  	[tilespmem:s19+$0x140] =	vst v0  }
0x1f: {  	[tilespmem:s19+$0x150] =	vst v0;
	p0 =	sgt.u32 s1, $0x7C  }
0x20: {  	[tilespmem:s19+$0x160] =	vst v0;
	s20 =	sadd.s32 @!p0 $0x0, s8;
	v2 =	vlaneseq.u32 @!p0  }
0x21: {  	[tilespmem:s19+$0x170] =	vst v0;
	p1 =	por p0, p0;
	v3 =	vor.u32 @!p0 s20, v2;
	s19 =	sadd.s32 @!p0 $0x40, s20  }
0x22: {  	s21 =	sadd.s32 @!p1 $0x30, s20;
	[tilespmem:$0x100] =	vst @!p1 v3;
	v3 =	vor.u32 @!p1 s19, v2  }
0x23: {  	s19 =	sadd.s32 @!p1 $0x20, s20;
	v4 =	vor.u32 @!p1 s21, v2;
	[tilespmem:$0x140] =	vst @!p1 v3  }
0x24: {  	s20 =	sadd.s32 @!p1 $0x10, s20;
	v3 =	vor.u32 @!p1 s19, v2;
	[tilespmem:$0x130] =	vst @!p1 v4  }
0x25: {  	v2 =	vor.u32 @!p1 s20, v2;
	[tilespmem:$0x120] =	vst @!p1 v3  }
0x26: {  	s21 =	simm.s32 @!p1 $0x180;
	s19 =	simm.s32 @!p1 $0x50;
	s20 =	simm.s32 @!p1 $0x100;
	[tilespmem:$0x110] =	vst @!p1 v2  }
0x27: {  	[spmem:s2] =	stream.indirect.scatter @!p1 [tilespmem:s21], [sflag:$0x3], $0x80, s20, s19, $0xb8;
	[tilespmem:$0x16200] =	vst v63  }
0x28: {  	s19 =	simm.s32 $0x500;
	s20 =	sadd.s32 $0x10, s1;
	s21 =	simm.s32 @!p1 $0x3  }
.LBB2_4:
0x29: {  	p2 =	sgt.u32 s20, $0x7C;
	_ =	swait.ge @!p1 [sflag:s21], $0x2800  }
0x2a: {  	s22 =	sadd.s32 @!p2 s19, s8;
	v2 =	vlaneseq.u32 @!p2;
	[sflag:s21] =	ssyncset.done @!p1 $0x0;
	s19 =	sadd.s32 $0x500, s19  }
0x2b: {  	v3 =	vor.u32 @!p2 s22, v2;
	s23 =	sadd.s32 @!p2 $0x40, s22;
	[sflag:s21] =	ssyncadd.s32 @!p1 $0xFFFFD800;
	p1 =	por p2, p2  }
0x2c: {  	p2 =	sne.s32 s19, $0x2800;
	[tilespmem:$0x100] =	vst @!p1 v3;
	s21 =	sadd.s32 @!p1 $0x30, s22;
	v3 =	vor.u32 @!p1 s23, v2  }
.Ltmp1:
0x2d: {  	s20 =	sadd.s32 $0x10, s20;
	s23 =	sadd.s32 @!p1 $0x20, s22;
	v4 =	vor.u32 @!p1 s21, v2;
	[tilespmem:$0x140] =	vst @!p1 v3;
	(pc) =	sbr.rel @p2 .LBB2_4-.Ltmp1, $4  }
0x2e: {  	s22 =	sadd.s32 @!p1 $0x10, s22;
	v3 =	vor.u32 @!p1 s23, v2;
	s21 =	simm.s32 @!p1 $0x3;
	[tilespmem:$0x130] =	vst @!p1 v4  }
0x2f: {  	s24 =	simm.s32 @!p1 $0x180;
	v2 =	vor.u32 @!p1 s22, v2;
	s22 =	simm.s32 @!p1 $0x50;
	s23 =	simm.s32 @!p1 $0x100;
	[tilespmem:$0x120] =	vst @!p1 v3  }
0x30: {  	[tilespmem:$0x110] =	vst @!p1 v2  }
0x31: {  	[spmem:s2] =	stream.indirect.scatter @!p1 [tilespmem:s24], [sflag:$0x3], $0x80, s23, s22, $0xb8;
	[tilespmem:$0x16200] =	vst v63  }
0x32: {  	_ =	swait.ge @!p1 [sflag:s21], $0x2800  }
0x33: {  	[sflag:s21] =	ssyncset.done @!p1 $0x0  }
0x34: {  	[sflag:s21] =	ssyncadd.s32 @!p1 $0xFFFFD800  }
0x35: {  	s19 =	simm.s32 $0x70;
	s20 =	simm.s32 $0x3C0;
	[bflag:$0x0] =	sbarrier.arrive $0xFFFF  }
.LBB2_6:
0x36: {  	p1 =	sne.s32 s20, $0x9FC0;
	[tilespmem:s19+$0x180] =	vst v1  }
0x37: {  	[tilespmem:s19+$0x110] =	vst v1  }
0x38: {  	[tilespmem:s19+$0x120] =	vst v1  }
.Ltmp2:
0x39: {  	[tilespmem:s19+$0x130] =	vst v1;
	(pc) =	sbr.rel @p1 .LBB2_6-.Ltmp2, $4  }
0x3a: {  	[tilespmem:s19+$0x140] =	vst v1  }
0x3b: {  	[tilespmem:s19+$0x150] =	vst v1  }
0x3c: {  	[tilespmem:s19+$0x160] =	vst v1  }
0x3d: {  	[tilespmem:s19+$0x170] =	vst v1;
	s19 =	sshra.s32 s20, $0x2;
	s20 =	sadd.s32 $0x200, s20  }
0x3e: {  	[tilespmem:s19+$0x180] =	vst v1  }
0x3f: {  	[tilespmem:s19+$0x110] =	vst v1  }
0x40: {  	[tilespmem:s19+$0x120] =	vst v1  }
0x41: {  	[tilespmem:s19+$0x130] =	vst v1  }
0x42: {  	[tilespmem:s19+$0x140] =	vst v1  }
0x43: {  	[tilespmem:s19+$0x150] =	vst v1  }
0x44: {  	[tilespmem:s19+$0x160] =	vst v1  }
0x45: {  	[tilespmem:s19+$0x170] =	vst v1;
	s30 =	simm.s32 $0x0  }
0x46: {  	[tilespmem:s30], [sflag:$0x1] =	stream.linear.gather [hbm4b:s4+s30], $0x50, $0x38;
	[tilespmem:$0x16200] =	vst v63  }
0x47: {  	_ = 	snop  }
0x48: {  	[tilespmem:s12], [sflag:$0x2] =	stream.linear.gather [hbm4b:s5+s30], $0x50, $0x38;
	[tilespmem:$0x16200] =	vst v63  }
0x49: {  	_ =	swait.ge [sflag:s13], $0x50  }
0x4a: {  	[sflag:s13] =	ssyncset.done $0x0  }
0x4b: {  	[sflag:s13] =	ssyncadd.s32 $0xFFFFFFB0  }
0x4c: {  	[spmem:s2] =	stream.indirect.scatter.add.f32 [tilespmem:s15], [sflag:$0x3], $0x80, s3, s14, $0xb8;
	[tilespmem:$0x16200] =	vst v63  }
0x4d: {  	_ =	swait.ge [sflag:s16], $0x2800  }
0x4e: {  	[sflag:s16] =	ssyncset.done $0x0  }
0x4f: {  	s31 =	sadd.s32 $0x0, s10;
	[sflag:s16] =	ssyncadd.s32 $0xFFFFD800  }
0x50: {  	[tilespmem:s3], [sflag:$0x1] =	stream.linear.gather [hbm4b:s31+s3], $0x50, $0x38;
	[tilespmem:$0x16200] =	vst v63  }
0x51: {  	_ =	swait.ge [sflag:s17], $0x50  }
0x52: {  	[sflag:s17] =	ssyncset.done $0x0  }
0x53: {  	[sflag:s17] =	ssyncadd.s32 $0xFFFFFFB0  }
0x54: {  	[spmem:s2] =	stream.indirect.scatter.add.f32 [tilespmem:s15], [sflag:$0x3], $0x80, s12, s14, $0xb8;
	[tilespmem:$0x16200] =	vst v63  }
0x55: {  	_ =	swait.ge [sflag:s16], $0x2800  }
0x56: {  	[sflag:s16] =	ssyncset.done $0x0  }
0x57: {  	s19 =	simm.s32 $0x14;
	s20 =	sadd.s32 $0x0, s9;
	[sflag:s16] =	ssyncadd.s32 $0xFFFFD800  }
.LBB2_8:
0x58: {  	[tilespmem:s12], [sflag:$0x2] =	stream.linear.gather [hbm4b:s20+s3], $0x50, $0x38;
	[tilespmem:$0x16200] =	vst v63  }
0x59: {  	s20 =	smov.u32 s19  }
0x5a: {  	p1 =	sne.s32 s19, $0x4B0;
	s19 =	sadd.s32 $0x14, s19;
	_ =	swait.ge [sflag:s13], $0x50  }
0x5b: {  	[sflag:s13] =	ssyncset.done $0x0  }
0x5c: {  	[sflag:s13] =	ssyncadd.s32 $0xFFFFFFB0  }
0x5d: {  	[spmem:s2] =	stream.indirect.scatter.add.f32 [tilespmem:s15], [sflag:$0x3], $0x80, s3, s14, $0xb8;
	[tilespmem:$0x16200] =	vst v63  }
0x5e: {  	_ =	swait.ge [sflag:s16], $0x2800  }
0x5f: {  	[sflag:s16] =	ssyncset.done $0x0  }
0x60: {  	s21 =	sadd.s32 s20, s10;
	[sflag:s16] =	ssyncadd.s32 $0xFFFFD800  }
0x61: {  	[tilespmem:s3], [sflag:$0x1] =	stream.linear.gather [hbm4b:s21+s3], $0x50, $0x38;
	[tilespmem:$0x16200] =	vst v63  }
0x62: {  	_ =	swait.ge [sflag:s17], $0x50  }
0x63: {  	[sflag:s17] =	ssyncset.done $0x0  }
.Ltmp3:
0x64: {  	[sflag:s17] =	ssyncadd.s32 $0xFFFFFFB0;
	(pc) =	sbr.rel @p1 .LBB2_8-.Ltmp3, $4  }
0x65: {  	[spmem:s2] =	stream.indirect.scatter.add.f32 [tilespmem:s15], [sflag:$0x3], $0x80, s12, s14, $0xb8;
	[tilespmem:$0x16200] =	vst v63  }
0x66: {  	_ =	swait.ge [sflag:s16], $0x2800  }
0x67: {  	[sflag:s16] =	ssyncset.done $0x0  }
0x68: {  	s20 =	sadd.s32 s20, s9;
	[sflag:s16] =	ssyncadd.s32 $0xFFFFD800  }
0x69: {  	[tilespmem:s12], [sflag:$0x2] =	stream.linear.gather [hbm4b:s20+s3], $0x50, $0x38;
	[tilespmem:$0x16200] =	vst v63  }
0x6a: {  	_ =	swait.ge [sflag:s13], $0x50  }
0x6b: {  	[sflag:s13] =	ssyncset.done $0x0  }
0x6c: {  	s19 =	simm.s32 $0x0;
	[sflag:s13] =	ssyncadd.s32 $0xFFFFFFB0  }
0x6d: {  	[spmem:s2] =	stream.indirect.scatter.add.f32 [tilespmem:s15], [sflag:$0x3], $0x80, s19, s14, $0xb8;
	[tilespmem:$0x16200] =	vst v63  }
0x6e: {  	_ =	swait.ge [sflag:s16], $0x2800  }
0x6f: {  	[sflag:s16] =	ssyncset.done $0x0  }
0x70: {  	[sflag:s16] =	ssyncadd.s32 $0xFFFFD800  }
0x71: {  	[tilespmem:s19], [sflag:$0x1] =	stream.linear.gather [hbm4b:s7+s19], $0x50, $0x38;
	[tilespmem:$0x16200] =	vst v63  }
0x72: {  	_ =	swait.ge [sflag:s17], $0x50  }
0x73: {  	[sflag:s17] =	ssyncset.done $0x0  }
0x74: {  	[sflag:s17] =	ssyncadd.s32 $0xFFFFFFB0  }
0x75: {  	[spmem:s2] =	stream.indirect.scatter.add.f32 [tilespmem:s15], [sflag:$0x3], $0x80, s12, s14, $0xb8;
	[tilespmem:$0x16200] =	vst v63  }
0x76: {  	_ =	swait.ge [sflag:s16], $0x2800  }
0x77: {  	[sflag:s16] =	ssyncset.done $0x0  }
0x78: {  	[sflag:s16] =	ssyncadd.s32 $0xFFFFD800  }
0x79: {  	_ =	swait.ge [sflag:s13], $0x50  }
0x7a: {  	[sflag:s13] =	ssyncset.done $0x0  }
0x7b: {  	[sflag:s13] =	ssyncadd.s32 $0xFFFFFFB0  }
0x7c: {  	[spmem:s2] =	stream.indirect.scatter.add.f32 [tilespmem:s15], [sflag:$0x3], $0x80, s19, s14, $0xb8;
	[tilespmem:$0x16200] =	vst v63  }
0x7d: {  	_ =	swait.ge [sflag:s16], $0x2800  }
0x7e: {  	s20 =	sadd.s32 @!p0 $0x0, s8;
	[sflag:s16] =	ssyncset.done $0x0  }
0x7f: {  	v2 =	vlaneseq.u32 @!p0;
	s19 =	sadd.s32 @!p0 $0x10, s20;
	[sflag:s16] =	ssyncadd.s32 $0xFFFFD800  }
0x80: {  	s21 =	sadd.s32 @!p0 $0x20, s20;
	v3 =	vor.u32 @!p0 s19, v2;
	[bflag:$0x0] =	sbarrier.arrive $0xFFFF  }
0x81: {  	p1 =	por p0, p0;
	v4 =	vor.u32 @!p0 s21, v2;
	s19 =	sadd.s32 @!p0 $0x30, s20;
	[tilespmem:$0x110] =	vst @!p0 v3  }
0x82: {  	v3 =	vor.u32 @!p0 s19, v2;
	s19 =	sadd.s32 @!p0 $0x40, s20;
	[tilespmem:$0x120] =	vst @!p1 v4  }
0x83: {  	[tilespmem:$0x130] =	vst @!p0 v3;
	v3 =	vor.u32 @!p0 s19, v2  }
0x84: {  	s22 =	sadd.s32 $0x10, s1;
	s23 =	smov.u32 s11;
	s24 =	simm.s32 @!p1 $0x180;
	v2 =	vor.u32 @!p0 s20, v2;
	[tilespmem:$0x140] =	vst @!p1 v3  }
0x85: {  	s25 =	simm.s32 @!p1 $0x1;
	s21 =	simm.s32 @!p1 $0x100;
	s20 =	simm.s32 @!p1 $0x50;
	[tilespmem:$0x100] =	vst @!p1 v2  }
0x86: {  	[tilespmem:s24], [sflag:$0x1] =	stream.indirect.gather @!p1 [spmem:s2], $0x80, s21, s20, $0xb8;
	[tilespmem:$0x16200] =	vst v63  }
0x87: {  	s26 =	simm.s32 @!p1 $0x0;
	s19 =	simm.s32 @!p0 $0x3;
	_ =	swait.ge @!p1 [sflag:s25], $0x2800  }
0x88: {  	s20 =	simm.s32 $0x500;
	s21 =	sadd.s32 $0x5000, s11;
	[sflag:s25] =	ssyncset.done @!p1 $0x0  }
.LBB2_10:
0x89: {  	p0 =	sgt.u32 s22, $0x7C  }
0x8a: {  	[sflag:s25] =	ssyncadd.s32 @!p1 $0xFFFFD800;
	s25 =	smov.u32 s20;
	s20 =	sadd.s32 $0x500, s20  }
0x8b: {  	[hbm4b:s23+s26] =	stream.linear.scatter @!p1 [tilespmem:s24], [sflag:$0x3], $0x2800, $0x38;
	[tilespmem:$0x16200] =	vst v63  }
0x8c: {  	s23 =	sadd.s32 @!p0 s25, s8;
	s24 =	simm.s32 @!p0 $0x3;
	_ =	swait.ge @!p1 [sflag:s19], $0x2800  }
0x8d: {  	v2 =	vlaneseq.u32 @!p0;
	s25 =	sadd.s32 @!p0 $0x10, s23;
	s26 =	sadd.s32 @!p0 $0x20, s23;
	[sflag:s19] =	ssyncset.done @!p1 $0x0  }
0x8e: {  	v3 =	vor.u32 @!p0 s25, v2;
	v4 =	vor.u32 @!p0 s26, v2;
	s25 =	sadd.s32 @!p0 $0x30, s23;
	s26 =	sadd.s32 @!p0 $0x40, s23;
	[sflag:s19] =	ssyncadd.s32 @!p1 $0xFFFFD800  }
0x8f: {  	p2 =	sne.s32 s20, $0x2800;
	v5 =	vor.u32 @!p0 s23, v2;
	s23 =	smov.u32 s21;
	s19 =	smov.u32 s24;
	[tilespmem:$0x110] =	vst @!p0 v3;
	v3 =	vor.u32 @!p0 s25, v2;
	v2 =	vor.u32 @!p0 s26, v2  }
0x90: {  	p1 =	por p0, p0;
	[tilespmem:$0x130] =	vst @!p0 v3  }
0x91: {  	s26 =	simm.s32 @!p1 $0x50;
	[tilespmem:$0x120] =	vst @!p1 v4  }
.Ltmp4:
0x92: {  	s28 =	simm.s32 @!p1 $0x100;
	s24 =	simm.s32 @!p1 $0x180;
	[tilespmem:$0x140] =	vst @!p1 v2;
	(pc) =	sbr.rel @p2 .LBB2_10-.Ltmp4, $4  }
0x93: {  	s25 =	simm.s32 @!p1 $0x1;
	[tilespmem:$0x100] =	vst @!p1 v5  }
0x94: {  	[tilespmem:s24], [sflag:$0x1] =	stream.indirect.gather @!p1 [spmem:s2], $0x80, s28, s26, $0xb8;
	[tilespmem:$0x16200] =	vst v63  }
0x95: {  	s21 =	sadd.s32 $0x5000, s21;
	_ =	swait.ge @!p1 [sflag:s25], $0x2800  }
0x96: {  	s22 =	sadd.s32 $0x10, s22;
	s26 =	simm.s32 @!p1 $0x0;
	[sflag:s25] =	ssyncset.done @!p1 $0x0  }
0x97: {  	s18 =	sadd.s32 $0x1, s18  }
0x98: {  	p0 =	sne.s32 s18, s6  }
.Ltmp5:
0x99: {  	[sflag:s25] =	ssyncadd.s32 @!p1 $0xFFFFD800;
	(pc) =	sbr.rel @p0 .LBB2_1-.Ltmp5, $4  }
0x9a: {  	[hbm4b:s23+s26] =	stream.linear.scatter @!p1 [tilespmem:s24], [sflag:$0x3], $0x2800, $0x38;
	[tilespmem:$0x16200] =	vst v63  }
0x9b: {  	_ =	swait.ge @!p1 [sflag:s19], $0x2800  }
0x9c: {  	[sflag:s19] =	ssyncset.done @!p1 $0x0  }
0x9d: {  	[sflag:s19] =	ssyncadd.s32 @!p1 $0xFFFFD800  }
0x9e: {  	_ =	sfence.sel $0x180000  }
0x9f: {  	[bflag:$0x0] =	sbarrier.arrive $0xFFFF  }
0xa0: {  	p0 =	sne.s32 s1, $0x0;
	_ =	strace $0x90000047  }
0xa1: {  	s0 =	sadd.s32 @!p0 $0x100000, s0;
	[bflag:$0x2] =	sbarrier.arrive $0xFFFF  }
0xa2: {  	[sflag:s0] =	ssyncadd.tile.s32 @!p0 $0x1;
	_ =	shalt  }
.Lfunc_end2:
_tile_overlayer_lowered:
.L_overlay_start_2:
0xa3: {  	(tag) =	ssettag $0x2  }
0xa4: {  	s0 =	rddreg [dreg:$0x0];
	s2 =	stileid.u32  }
0xa5: {  	s1 =	rddreg [dreg:$0x1];
	p0 =	sne.s32 s2, $0x0  }
0xa6: {  	s3 =	rddreg [dreg:$0x2];
	[bflag:$0x3] =	sbarrier.arrive $0xFFFF;
	s2 =	simm.s32 @!p0 $0x1C03  }
0xa7: {  	[timem:s3], [sflag:s2] =	dma.local @!p0 [hbm:s0], s1  }
0xa8: {  	s0 =	simm.s32 @!p0 $0x3  }
0xa9: {  	_ =	swait.ge @!p0 [sflag:s0], s1  }
0xaa: {  	s1 =	ssub.s32 @!p0 $0x0, s1;
	[sflag:s0] =	ssyncset.done @!p0 $0x0  }
0xab: {  	[sflag:s0] =	ssyncadd.s32 @!p0 s1  }
0xac: {  	[bflag:$0x3] =	sbarrier.arrive $0xFFFF  }
0xad: {  	_ =	shalt  }

</sc_bundles>
